<compile_context>
chip_gen: v7x
topology: tpu7x:2x2x1
jax: 0.10.2.dev20260603
libtpu: 0.0.44.dev20260713+nightly
codegen_flags: <defaults>
</compile_context>

<pallas_src>
import functools

import jax
import jax.numpy as jnp
from jax import lax
from jax.experimental import pallas as pl
from jax.experimental.pallas import tpu as pltpu
from jax.experimental.pallas import tpu_sc as plsc

N = 10000
E = 160000
NUM_ELEM = 100
EMBED = 256
EMB32 = EMBED // 2
HID = 512
NG = 50
NGP = 64
NH = 8
NM = 1
RBF_R = 12.0

NC = 2
NS = 16
NW = NC * NS
L = 16
NSLICE = 1
ES = E // NSLICE
EPW = ES // NW
PAD = 8
CH = 200
NCHUNK = EPW // CH

NWP = 25
RPW = N // NWP
RCH = 40
NRCH = RPW // RCH

TE = 3200
GRIDS = ES // TE

_STEP = RBF_R / (NG - 1)
_COEFF = -0.5 / _STEP ** 2

_MESH = plsc.VectorSubcoreMesh(core_axis_name="c", subcore_axis_name="s")


def _sc_pack_body(table_hbm, out_hbm, in_v, out_v):
    wid = lax.axis_index("s") * NC + lax.axis_index("c")

    @pl.when(wid < NWP)
    def _():
        for c in range(NRCH):
            rbase = wid * RPW + c * RCH
            pltpu.sync_copy(table_hbm.at[pl.ds(rbase, RCH)], in_v)

            def row_step(r, carry):
                rv = jnp.zeros((L,), jnp.int32) + r
                for j in range(EMBED // 32):
                    ii = j * 32 + 2 * lax.iota(jnp.int32, 16)
                    even = plsc.load_gather(in_v, [rv, ii])
                    odd = plsc.load_gather(in_v, [rv, ii + 1])
                    packed = plsc.pack(even, odd,
                                       format=plsc.PackFormat.INTERLEAVED)
                    out_v[r, pl.ds(j * L, L)] = plsc.bitcast(packed, jnp.int32)
                return carry

            lax.fori_loop(0, RCH, row_step, 0)
            pltpu.sync_copy(out_v, out_hbm.at[pl.ds(rbase, RCH)])


_sc_pack = functools.partial(
    pl.kernel,
    out_type=jax.ShapeDtypeStruct((N, EMB32), jnp.int32),
    mesh=_MESH,
    compiler_params=pltpu.CompilerParams(needs_layout_passes=False),
    scratch_types=[
        pltpu.VMEM((RCH, EMBED), jnp.float32),
        pltpu.VMEM((RCH, EMB32), jnp.int32),
    ],
)(_sc_pack_body)


def _make_sc_gather(slice_idx):
    off = slice_idx * ES

    def body(anum_hbm, e0_hbm, e1_hbm, src_hbm, table_hbm, out_hbm,
             anum_v, idx_v, s0_v, s1_v, rows0_v, rows1_v,
             gsem0, gsem1, osem0, osem1):
        wid = lax.axis_index("s") * NC + lax.axis_index("c")
        base = off + wid * EPW
        pltpu.sync_copy(anum_hbm, anum_v)
        idx_v[pl.ds(EPW + PAD - L, L)] = jnp.zeros((L,), jnp.int32)
        pltpu.sync_copy(src_hbm.at[pl.ds(base, EPW)], idx_v.at[pl.ds(0, EPW)])
        c0 = pltpu.async_copy(e0_hbm.at[idx_v], s0_v, gsem0)
        c1 = pltpu.async_copy(e1_hbm.at[idx_v], s1_v, gsem1)
        c0.wait()
        c1.wait()

        def pair_step(i, carry):
            sl = pl.ds(i * L, L)
            s0 = jnp.clip(s0_v[sl], 0, N - 1)
            s1 = jnp.clip(s1_v[sl], 0, N - 1)
            a0 = plsc.load_gather(anum_v, [s0])
            a1 = plsc.load_gather(anum_v, [s1])
            idx_v[sl] = a0 + NUM_ELEM * a1
            return carry

        lax.fori_loop(0, (EPW + PAD) // L, pair_step, 0)

        bufs = (rows0_v, rows1_v)
        gsems = (gsem0, gsem1)
        osems = (osem0, osem1)
        wbase = wid * EPW

        def fire(c):
            return pltpu.async_copy(
                table_hbm.at[idx_v.at[pl.ds(c * CH, CH)]], bufs[c & 1],
                gsems[c & 1])

        g = [None] * NCHUNK
        o = [None] * NCHUNK
        g[0] = fire(0)
        for c in range(NCHUNK):
            p = c & 1
            if c + 1 < NCHUNK:
                if c >= 1:
                    o[c - 1].wait()
                g[c + 1] = fire(c + 1)
            g[c].wait()
            o[c] = pltpu.async_copy(
                bufs[p], out_hbm.at[pl.ds(wbase + c * CH, CH)], osems[p])
        o[NCHUNK - 2].wait()
        o[NCHUNK - 1].wait()

    return functools.partial(
        pl.kernel,
        out_type=jax.ShapeDtypeStruct((ES, EMB32), jnp.int32),
        mesh=_MESH,
        compiler_params=pltpu.CompilerParams(needs_layout_passes=False),
        scratch_types=[
            pltpu.VMEM((N,), jnp.int32),
            pltpu.VMEM((EPW + PAD,), jnp.int32),
            pltpu.VMEM((EPW + PAD,), jnp.int32),
            pltpu.VMEM((EPW + PAD,), jnp.int32),
            pltpu.VMEM((CH, EMB32), jnp.int32),
            pltpu.VMEM((CH, EMB32), jnp.int32),
            pltpu.SemaphoreType.DMA,
            pltpu.SemaphoreType.DMA,
            pltpu.SemaphoreType.DMA,
            pltpu.SemaphoreType.DMA,
        ],
    )(body)


_sc_gathers = [_make_sc_gather(k) for k in range(NSLICE)]


def _tc_body(dist_ref, emb_ref, wie_ref, wrg_ref, bi_ref, wo_ref,
             bo_ref, out_ref):
    d = dist_ref[...]
    col = lax.broadcasted_iota(jnp.int32, (TE, NGP), 1).astype(jnp.float32)
    diff = d - col * _STEP
    rbf = jnp.exp(_COEFF * diff * diff)
    rbf_b = rbf.astype(jnp.bfloat16)
    x = emb_ref[...]
    even_b = lax.bitcast_convert_type(
        lax.shift_left(x, 16), jnp.float32).astype(jnp.bfloat16)
    odd_b = lax.bitcast_convert_type(
        lax.bitwise_and(x, jnp.int32(-65536)), jnp.float32).astype(jnp.bfloat16)
    eo = jnp.concatenate([even_b, odd_b], axis=1)
    dn = (((1,), (1,)), ((), ()))
    acc = lax.dot_general(eo, wie_ref[...], dn,
                          preferred_element_type=jnp.float32)
    rg = lax.dot_general(rbf_b, wrg_ref[...], dn,
                         preferred_element_type=jnp.float32)
    acc = acc + rg[:, :HID] + bi_ref[...]
    h = acc * lax.logistic(acc) * rg[:, HID:]
    o = lax.dot_general(wo_ref[...], h.astype(jnp.bfloat16), dn,
                        preferred_element_type=jnp.float32)
    out_ref[...] = o + bo_ref[...]


def _make_tc_mlp(slice_idx):
    roff = slice_idx * GRIDS
    return pl.pallas_call(
        _tc_body,
        grid=(GRIDS,),
        in_specs=[
            pl.BlockSpec((TE, 1), lambda i: (roff + i, 0)),
            pl.BlockSpec((TE, EMB32), lambda i: (i, 0)),
            pl.BlockSpec((HID, EMBED), lambda i: (0, 0)),
            pl.BlockSpec((2 * HID, NGP), lambda i: (0, 0)),
            pl.BlockSpec((1, HID), lambda i: (0, 0)),
            pl.BlockSpec((NH, HID), lambda i: (0, 0)),
            pl.BlockSpec((NH, 1), lambda i: (0, 0)),
        ],
        out_specs=pl.BlockSpec((NH, TE), lambda i: (0, i)),
        out_shape=jax.ShapeDtypeStruct((NH, ES), jnp.float32),
    )


_tc_mlps = [_make_tc_mlp(k) for k in range(NSLICE)]


def kernel(anum, edge_index, edge_to_src, dist, table, Wg, Wi, bi, Wo, bo):
    anum = anum.astype(jnp.int32)
    e0 = edge_index[0].astype(jnp.int32)
    e1 = edge_index[1].astype(jnp.int32)
    src = edge_to_src.astype(jnp.int32)
    table_p = _sc_pack(table)
    wie_cat = jnp.concatenate(
        [Wi[:, 0:EMBED:2], Wi[:, 1:EMBED:2]], axis=1).astype(jnp.bfloat16)
    wrg_cat = jnp.concatenate(
        [jnp.pad(Wi[:, EMBED:], ((0, 0), (0, NGP - NG))),
         jnp.pad(Wg, ((0, 0), (0, NGP - NG)))], axis=0).astype(jnp.bfloat16)
    dist2 = dist.reshape(E, 1)
    bi2 = bi.reshape(1, HID)
    bo2 = bo.reshape(NH, 1)
    wo_b = Wo.astype(jnp.bfloat16)
    outs = []
    for k in range(NSLICE):
        emb_k = _sc_gathers[k](anum, e0, e1, src, table_p)
        outs.append(_tc_mlps[k](dist2, emb_k, wie_cat, wrg_cat,
                                bi2, wo_b, bo2))
    return jnp.concatenate(outs, axis=1).reshape(NM, NH, E)

# --- scband reference (transcript-rebuilt; emitter-appended) ---
"""Pipeline reference for scband-pair-embed-76708115906774 (READ-ONLY COPY).

The authoritative reference and input builder live on the scoring server;
editing this copy changes nothing except your own understanding.
"""

import jax, jax.numpy as jnp
import numpy as np

N = 10000
E = 160000
NUM_ELEM = 100
EMBED = 256
HID = 512
NG = 50
NH = 8
NM = 1
RBF_R = 12.0


def setup_inputs(seed: int = 0) -> dict:
    key = jax.random.key(seed)
    ks = jax.random.split(key, 10)
    anum = jax.random.randint(ks[0], (N,), 0, NUM_ELEM)
    edge_index = jax.random.randint(ks[1], (2, E), 0, N)
    edge_to_src = jax.random.randint(ks[2], (E,), 0, E)
    dist = jax.random.uniform(ks[3], (E,), minval=0.0, maxval=RBF_R, dtype=jnp.float32)
    # learned params
    table = jax.random.normal(ks[4], (NUM_ELEM ** 2, EMBED), dtype=jnp.float32)
    b_g = float(np.sqrt(3.0 / 2.50663))
    Wg = jax.random.uniform(ks[5], (HID, NG), minval=-b_g, maxval=b_g, dtype=jnp.float32)
    b_e = float(np.sqrt(3.0 / EMBED))
    Wi_emb = jax.random.uniform(ks[6], (HID, EMBED), minval=-b_e, maxval=b_e, dtype=jnp.float32)
    Wi_rbf = jax.random.uniform(ks[7], (HID, NG), minval=-b_g, maxval=b_g, dtype=jnp.float32)
    Wi = jnp.concatenate([Wi_emb, Wi_rbf], axis=1)
    bi = jnp.zeros((HID,), dtype=jnp.float32)
    Wo = jax.random.normal(ks[8], (NH * NM, HID), dtype=jnp.float32) * float(1.0 / np.sqrt(HID))
    bo = jnp.zeros((NH * NM,), dtype=jnp.float32)
    return {"anum": anum, "edge_index": edge_index, "edge_to_src": edge_to_src,
            "dist": dist, "table": table, "Wg": Wg, "Wi": Wi, "bi": bi,
            "Wo": Wo, "bo": bo}


def _gaussian_smearing(dist):
    offsets = jnp.linspace(0.0, RBF_R, NG)
    coeff = -0.5 / (offsets[1] - offsets[0]) ** 2
    diff = dist[:, None] - offsets[None, :]
    return jnp.exp(coeff * diff * diff)


def reference(anum, edge_index, edge_to_src, dist, table, Wg, Wi, bi, Wo, bo):
    rbf = _gaussian_smearing(dist)                      # [E, NG]
    pair_idx = anum[edge_index[0]] + NUM_ELEM * anum[edge_index[1]]
    emb = jnp.take(table, pair_idx, axis=0)             # [E, EMBED] gather
    x = jnp.concatenate([jnp.take(emb, edge_to_src, axis=0), rbf], axis=-1)
    gate = rbf @ Wg.T                                   # gate_linear (no bias)
    h = jax.nn.silu(x @ Wi.T + bi) * gate               # ResMLP input + gate
    out = h @ Wo.T + bo                                 # ResMLP output
    att = out.reshape(E, NH, NM)
    return jnp.transpose(att, (2, 1, 0))                # [NM, NH, E]

if __name__ == "__main__":
    import jax
    _d = setup_inputs()
    print(jax.jit(kernel)(*tuple(_d.values())))

</pallas_src>

<mosaic_0001>
#map = affine_map<(d0, d1) -> (0, 0)>
module attributes {stable_mosaic.version = 14 : i64} {
  func.func @_sc_pack_body(%arg0: i32, %arg1: i32, %arg2: memref<10000x256xf32, #tpu.memory_space<hbm>>, %arg3: memref<10000x128xi32, #tpu.memory_space<hbm>>, %arg4: memref<40x256xf32, #tpu.memory_space<vmem>>, %arg5: memref<40x128xi32, #tpu.memory_space<vmem>>) attributes {dimension_semantics = [#tpu.dimension_semantics<core_parallel>, #tpu.dimension_semantics<subcore_parallel>], iteration_bounds = array<i64: 2, 16>, scalar_prefetch = 0 : i64, scratch_operands = 2 : i64, tpu.core_type = #tpu.core_type<sc_vector_subcore>, window_params = [{transform_indices = #map}, {transform_indices = #map}]} {
    %mul3A = arith.constant 2 : i32
    %mul3A_0 = arith.muli %arg1, %mul3A : i32
    %add3A = arith.addi %mul3A_0, %arg0 : i32
    %lt3A = arith.constant 25 : i32
    %lt3A_1 = arith.cmpi slt, %add3A, %lt3A : i32
    %convert_element_type3A = arith.extui %lt3A_1 : i1 to i32
    %cond3A = arith.constant 0 : i32
    %cond3A_2 = arith.cmpi ne, %convert_element_type3A, %cond3A : i32
    scf.if %cond3A_2 {
      %mul3A_3 = arith.constant 400 : i32
      %mul3A_4 = arith.muli %add3A, %mul3A_3 : i32
      %add3A_5 = arith.constant 0 : i32
      %add3A_6 = arith.addi %mul3A_4, %add3A_5 : i32
      "tpu.region"() ({
        %run_scoped3A = tpu.sem_alloc : memref<!tpu.dma_semaphore, #tpu.memory_space<semaphore_mem>>
        %dma_start3A = arith.constant 0 : i32
        %dma_start3A_102 = tpu.memref_slice %arg2[%add3A_6, %dma_start3A] : memref<10000x256xf32, #tpu.memory_space<hbm>> -> memref<40x256xf32, #tpu.memory_space<hbm>>
        %dma_start3A_103 = arith.constant 0 : i32
        %dma_start3A_104 = tpu.memref_slice %arg2[%add3A_6, %dma_start3A_103] : memref<10000x256xf32, #tpu.memory_space<hbm>> -> memref<40x256xf32, #tpu.memory_space<hbm>>
        tpu.enqueue_dma source(%dma_start3A_104 : memref<40x256xf32, #tpu.memory_space<hbm>>) target(%arg4 : memref<40x256xf32, #tpu.memory_space<vmem>>) target_semaphore(%run_scoped3A : memref<!tpu.dma_semaphore, #tpu.memory_space<semaphore_mem>>)
        %dma_wait3A = arith.constant 0 : i32
        %dma_wait3A_105 = tpu.memref_slice %arg2[%add3A_6, %dma_wait3A] : memref<10000x256xf32, #tpu.memory_space<hbm>> -> memref<40x256xf32, #tpu.memory_space<hbm>>
        %dma_wait3A_106 = arith.constant 0 : i32
        %dma_wait3A_107 = tpu.memref_slice %arg2[%add3A_6, %dma_wait3A_106] : memref<10000x256xf32, #tpu.memory_space<hbm>> -> memref<40x256xf32, #tpu.memory_space<hbm>>
        tpu.wait_dma2 semaphore(%run_scoped3A : memref<!tpu.dma_semaphore, #tpu.memory_space<semaphore_mem>>) src(%dma_wait3A_107 : memref<40x256xf32, #tpu.memory_space<hbm>>) dst(%arg4 : memref<40x256xf32, #tpu.memory_space<vmem>>)
        tpu.yield
      }) : () -> ()
      %scan3A = arith.constant 0 : i32
      %scan3A_7 = arith.constant 0 : i32
      %scan3A_8 = arith.constant 40 : i32
      %scan3A_9 = arith.addi %scan3A_7, %scan3A_8 : i32
      %scan3A_10 = arith.constant 1 : i32
      scf.for %scan3A_102 = %scan3A_7 to %scan3A_9 step %scan3A_10  : i32 {
        %broadcast_in_dim3A = arith.constant 0 : i32
        %broadcast_in_dim3A_103 = vector.broadcast %broadcast_in_dim3A : i32 to vector<16xi32>
        %add3A_104 = vector.broadcast %scan3A_102 : i32 to vector<16xi32>
        %add3A_105 = arith.addi %broadcast_in_dim3A_103, %add3A_104 : vector<16xi32>
        %iota3A = tpu.iota {dimensions = array<i32: 0>} : vector<16xi32>
        %mul3A_106 = arith.constant 2 : i32
        %mul3A_107 = vector.broadcast %mul3A_106 : i32 to vector<16xi32>
        %mul3A_108 = arith.muli %mul3A_107, %iota3A : vector<16xi32>
        %add3A_109 = arith.constant 0 : i32
        %add3A_110 = vector.broadcast %add3A_109 : i32 to vector<16xi32>
        %add3A_111 = arith.addi %add3A_110, %mul3A_108 : vector<16xi32>
        %gather3A = tpu.vector_load_idx %arg4[%add3A_105, %add3A_111] : memref<40x256xf32, #tpu.memory_space<vmem>>[vector<16xi32>, vector<16xi32>], vector<16xf32>,
        %add3A_112 = arith.constant 1 : i32
        %add3A_113 = vector.broadcast %add3A_112 : i32 to vector<16xi32>
        %add3A_114 = arith.addi %add3A_111, %add3A_113 : vector<16xi32>
        %gather3A_115 = tpu.vector_load_idx %arg4[%add3A_105, %add3A_114] : memref<40x256xf32, #tpu.memory_space<vmem>>[vector<16xi32>, vector<16xi32>], vector<16xf32>,
        %pack3A = tpu.pack_subelements %gather3A, %gather3A_115 {pack_format = #tpu.pack_format<interleaved>, positions = array<i32: 0, 1>} : vector<16xf32>, vector<16xf32> -> vector<32xbf16>
        %bitcast3A = vector.bitcast %pack3A : vector<32xbf16> to vector<16xi32>
        %swap3A = arith.index_cast %scan3A_102 : i32 to index
        %swap3A_116 = arith.constant 0 : index
        %swap3A_117 = tpu.vector_load %arg5[%swap3A, %swap3A_116] {strides = array<i32>} : memref<40x128xi32, #tpu.memory_space<vmem>>, vector<16xi32>,
        tpu.vector_store %arg5[%swap3A, %swap3A_116], %bitcast3A {strides = array<i32>} : memref<40x128xi32, #tpu.memory_space<vmem>>, vector<16xi32>,
        %iota3A_118 = tpu.iota {dimensions = array<i32: 0>} : vector<16xi32>
        %mul3A_119 = arith.constant 2 : i32
        %mul3A_120 = vector.broadcast %mul3A_119 : i32 to vector<16xi32>
        %mul3A_121 = arith.muli %mul3A_120, %iota3A_118 : vector<16xi32>
        %add3A_122 = arith.constant 32 : i32
        %add3A_123 = vector.broadcast %add3A_122 : i32 to vector<16xi32>
        %add3A_124 = arith.addi %add3A_123, %mul3A_121 : vector<16xi32>
        %gather3A_125 = tpu.vector_load_idx %arg4[%add3A_105, %add3A_124] : memref<40x256xf32, #tpu.memory_space<vmem>>[vector<16xi32>, vector<16xi32>], vector<16xf32>,
        %add3A_126 = arith.constant 1 : i32
        %add3A_127 = vector.broadcast %add3A_126 : i32 to vector<16xi32>
        %add3A_128 = arith.addi %add3A_124, %add3A_127 : vector<16xi32>
        %gather3A_129 = tpu.vector_load_idx %arg4[%add3A_105, %add3A_128] : memref<40x256xf32, #tpu.memory_space<vmem>>[vector<16xi32>, vector<16xi32>], vector<16xf32>,
        %pack3A_130 = tpu.pack_subelements %gather3A_125, %gather3A_129 {pack_format = #tpu.pack_format<interleaved>, positions = array<i32: 0, 1>} : vector<16xf32>, vector<16xf32> -> vector<32xbf16>
        %bitcast3A_131 = vector.bitcast %pack3A_130 : vector<32xbf16> to vector<16xi32>
        %swap3A_132 = arith.index_cast %scan3A_102 : i32 to index
        %swap3A_133 = arith.constant 16 : index
        %swap3A_134 = tpu.vector_load %arg5[%swap3A_132, %swap3A_133] {strides = array<i32>} : memref<40x128xi32, #tpu.memory_space<vmem>>, vector<16xi32>,
        tpu.vector_store %arg5[%swap3A_132, %swap3A_133], %bitcast3A_131 {strides = array<i32>} : memref<40x128xi32, #tpu.memory_space<vmem>>, vector<16xi32>,
        %iota3A_135 = tpu.iota {dimensions = array<i32: 0>} : vector<16xi32>
        %mul3A_136 = arith.constant 2 : i32
        %mul3A_137 = vector.broadcast %mul3A_136 : i32 to vector<16xi32>
        %mul3A_138 = arith.muli %mul3A_137, %iota3A_135 : vector<16xi32>
        %add3A_139 = arith.constant 64 : i32
        %add3A_140 = vector.broadcast %add3A_139 : i32 to vector<16xi32>
        %add3A_141 = arith.addi %add3A_140, %mul3A_138 : vector<16xi32>
        %gather3A_142 = tpu.vector_load_idx %arg4[%add3A_105, %add3A_141] : memref<40x256xf32, #tpu.memory_space<vmem>>[vector<16xi32>, vector<16xi32>], vector<16xf32>,
        %add3A_143 = arith.constant 1 : i32
        %add3A_144 = vector.broadcast %add3A_143 : i32 to vector<16xi32>
        %add3A_145 = arith.addi %add3A_141, %add3A_144 : vector<16xi32>
        %gather3A_146 = tpu.vector_load_idx %arg4[%add3A_105, %add3A_145] : memref<40x256xf32, #tpu.memory_space<vmem>>[vector<16xi32>, vector<16xi32>], vector<16xf32>,
        %pack3A_147 = tpu.pack_subelements %gather3A_142, %gather3A_146 {pack_format = #tpu.pack_format<interleaved>, positions = array<i32: 0, 1>} : vector<16xf32>, vector<16xf32> -> vector<32xbf16>
        %bitcast3A_148 = vector.bitcast %pack3A_147 : vector<32xbf16> to vector<16xi32>
        %swap3A_149 = arith.index_cast %scan3A_102 : i32 to index
        %swap3A_150 = arith.constant 32 : index
        %swap3A_151 = tpu.vector_load %arg5[%swap3A_149, %swap3A_150] {strides = array<i32>} : memref<40x128xi32, #tpu.memory_space<vmem>>, vector<16xi32>,
        tpu.vector_store %arg5[%swap3A_149, %swap3A_150], %bitcast3A_148 {strides = array<i32>} : memref<40x128xi32, #tpu.memory_space<vmem>>, vector<16xi32>,
        %iota3A_152 = tpu.iota {dimensions = array<i32: 0>} : vector<16xi32>
        %mul3A_153 = arith.constant 2 : i32
        %mul3A_154 = vector.broadcast %mul3A_153 : i32 to vector<16xi32>
        %mul3A_155 = arith.muli %mul3A_154, %iota3A_152 : vector<16xi32>
        %add3A_156 = arith.constant 96 : i32
        %add3A_157 = vector.broadcast %add3A_156 : i32 to vector<16xi32>
        %add3A_158 = arith.addi %add3A_157, %mul3A_155 : vector<16xi32>
        %gather3A_159 = tpu.vector_load_idx %arg4[%add3A_105, %add3A_158] : memref<40x256xf32, #tpu.memory_space<vmem>>[vector<16xi32>, vector<16xi32>], vector<16xf32>,
        %add3A_160 = arith.constant 1 : i32
        %add3A_161 = vector.broadcast %add3A_160 : i32 to vector<16xi32>
        %add3A_162 = arith.addi %add3A_158, %add3A_161 : vector<16xi32>
        %gather3A_163 = tpu.vector_load_idx %arg4[%add3A_105, %add3A_162] : memref<40x256xf32, #tpu.memory_space<vmem>>[vector<16xi32>, vector<16xi32>], vector<16xf32>,
        %pack3A_164 = tpu.pack_subelements %gather3A_159, %gather3A_163 {pack_format = #tpu.pack_format<interleaved>, positions = array<i32: 0, 1>} : vector<16xf32>, vector<16xf32> -> vector<32xbf16>
        %bitcast3A_165 = vector.bitcast %pack3A_164 : vector<32xbf16> to vector<16xi32>
        %swap3A_166 = arith.index_cast %scan3A_102 : i32 to index
        %swap3A_167 = arith.constant 48 : index
        %swap3A_168 = tpu.vector_load %arg5[%swap3A_166, %swap3A_167] {strides = array<i32>} : memref<40x128xi32, #tpu.memory_space<vmem>>, vector<16xi32>,
        tpu.vector_store %arg5[%swap3A_166, %swap3A_167], %bitcast3A_165 {strides = array<i32>} : memref<40x128xi32, #tpu.memory_space<vmem>>, vector<16xi32>,
        %iota3A_169 = tpu.iota {dimensions = array<i32: 0>} : vector<16xi32>
        %mul3A_170 = arith.constant 2 : i32
        %mul3A_171 = vector.broadcast %mul3A_170 : i32 to vector<16xi32>
        %mul3A_172 = arith.muli %mul3A_171, %iota3A_169 : vector<16xi32>
        %add3A_173 = arith.constant 128 : i32
        %add3A_174 = vector.broadcast %add3A_173 : i32 to vector<16xi32>
        %add3A_175 = arith.addi %add3A_174, %mul3A_172 : vector<16xi32>
        %gather3A_176 = tpu.vector_load_idx %arg4[%add3A_105, %add3A_175] : memref<40x256xf32, #tpu.memory_space<vmem>>[vector<16xi32>, vector<16xi32>], vector<16xf32>,
        %add3A_177 = arith.constant 1 : i32
        %add3A_178 = vector.broadcast %add3A_177 : i32 to vector<16xi32>
        %add3A_179 = arith.addi %add3A_175, %add3A_178 : vector<16xi32>
        %gather3A_180 = tpu.vector_load_idx %arg4[%add3A_105, %add3A_179] : memref<40x256xf32, #tpu.memory_space<vmem>>[vector<16xi32>, vector<16xi32>], vector<16xf32>,
        %pack3A_181 = tpu.pack_subelements %gather3A_176, %gather3A_180 {pack_format = #tpu.pack_format<interleaved>, positions = array<i32: 0, 1>} : vector<16xf32>, vector<16xf32> -> vector<32xbf16>
        %bitcast3A_182 = vector.bitcast %pack3A_181 : vector<32xbf16> to vector<16xi32>
        %swap3A_183 = arith.index_cast %scan3A_102 : i32 to index
        %swap3A_184 = arith.constant 64 : index
        %swap3A_185 = tpu.vector_load %arg5[%swap3A_183, %swap3A_184] {strides = array<i32>} : memref<40x128xi32, #tpu.memory_space<vmem>>, vector<16xi32>,
        tpu.vector_store %arg5[%swap3A_183, %swap3A_184], %bitcast3A_182 {strides = array<i32>} : memref<40x128xi32, #tpu.memory_space<vmem>>, vector<16xi32>,
        %iota3A_186 = tpu.iota {dimensions = array<i32: 0>} : vector<16xi32>
        %mul3A_187 = arith.constant 2 : i32
        %mul3A_188 = vector.broadcast %mul3A_187 : i32 to vector<16xi32>
        %mul3A_189 = arith.muli %mul3A_188, %iota3A_186 : vector<16xi32>
        %add3A_190 = arith.constant 160 : i32
        %add3A_191 = vector.broadcast %add3A_190 : i32 to vector<16xi32>
        %add3A_192 = arith.addi %add3A_191, %mul3A_189 : vector<16xi32>
        %gather3A_193 = tpu.vector_load_idx %arg4[%add3A_105, %add3A_192] : memref<40x256xf32, #tpu.memory_space<vmem>>[vector<16xi32>, vector<16xi32>], vector<16xf32>,
        %add3A_194 = arith.constant 1 : i32
        %add3A_195 = vector.broadcast %add3A_194 : i32 to vector<16xi32>
        %add3A_196 = arith.addi %add3A_192, %add3A_195 : vector<16xi32>
        %gather3A_197 = tpu.vector_load_idx %arg4[%add3A_105, %add3A_196] : memref<40x256xf32, #tpu.memory_space<vmem>>[vector<16xi32>, vector<16xi32>], vector<16xf32>,
        %pack3A_198 = tpu.pack_subelements %gather3A_193, %gather3A_197 {pack_format = #tpu.pack_format<interleaved>, positions = array<i32: 0, 1>} : vector<16xf32>, vector<16xf32> -> vector<32xbf16>
        %bitcast3A_199 = vector.bitcast %pack3A_198 : vector<32xbf16> to vector<16xi32>
        %swap3A_200 = arith.index_cast %scan3A_102 : i32 to index
        %swap3A_201 = arith.constant 80 : index
        %swap3A_202 = tpu.vector_load %arg5[%swap3A_200, %swap3A_201] {strides = array<i32>} : memref<40x128xi32, #tpu.memory_space<vmem>>, vector<16xi32>,
        tpu.vector_store %arg5[%swap3A_200, %swap3A_201], %bitcast3A_199 {strides = array<i32>} : memref<40x128xi32, #tpu.memory_space<vmem>>, vector<16xi32>,
        %iota3A_203 = tpu.iota {dimensions = array<i32: 0>} : vector<16xi32>
        %mul3A_204 = arith.constant 2 : i32
        %mul3A_205 = vector.broadcast %mul3A_204 : i32 to vector<16xi32>
        %mul3A_206 = arith.muli %mul3A_205, %iota3A_203 : vector<16xi32>
        %add3A_207 = arith.constant 192 : i32
        %add3A_208 = vector.broadcast %add3A_207 : i32 to vector<16xi32>
        %add3A_209 = arith.addi %add3A_208, %mul3A_206 : vector<16xi32>
        %gather3A_210 = tpu.vector_load_idx %arg4[%add3A_105, %add3A_209] : memref<40x256xf32, #tpu.memory_space<vmem>>[vector<16xi32>, vector<16xi32>], vector<16xf32>,
        %add3A_211 = arith.constant 1 : i32
        %add3A_212 = vector.broadcast %add3A_211 : i32 to vector<16xi32>
        %add3A_213 = arith.addi %add3A_209, %add3A_212 : vector<16xi32>
        %gather3A_214 = tpu.vector_load_idx %arg4[%add3A_105, %add3A_213] : memref<40x256xf32, #tpu.memory_space<vmem>>[vector<16xi32>, vector<16xi32>], vector<16xf32>,
        %pack3A_215 = tpu.pack_subelements %gather3A_210, %gather3A_214 {pack_format = #tpu.pack_format<interleaved>, positions = array<i32: 0, 1>} : vector<16xf32>, vector<16xf32> -> vector<32xbf16>
        %bitcast3A_216 = vector.bitcast %pack3A_215 : vector<32xbf16> to vector<16xi32>
        %swap3A_217 = arith.index_cast %scan3A_102 : i32 to index
        %swap3A_218 = arith.constant 96 : index
        %swap3A_219 = tpu.vector_load %arg5[%swap3A_217, %swap3A_218] {strides = array<i32>} : memref<40x128xi32, #tpu.memory_space<vmem>>, vector<16xi32>,
        tpu.vector_store %arg5[%swap3A_217, %swap3A_218], %bitcast3A_216 {strides = array<i32>} : memref<40x128xi32, #tpu.memory_space<vmem>>, vector<16xi32>,
        %iota3A_220 = tpu.iota {dimensions = array<i32: 0>} : vector<16xi32>
        %mul3A_221 = arith.constant 2 : i32
        %mul3A_222 = vector.broadcast %mul3A_221 : i32 to vector<16xi32>
        %mul3A_223 = arith.muli %mul3A_222, %iota3A_220 : vector<16xi32>
        %add3A_224 = arith.constant 224 : i32
        %add3A_225 = vector.broadcast %add3A_224 : i32 to vector<16xi32>
        %add3A_226 = arith.addi %add3A_225, %mul3A_223 : vector<16xi32>
        %gather3A_227 = tpu.vector_load_idx %arg4[%add3A_105, %add3A_226] : memref<40x256xf32, #tpu.memory_space<vmem>>[vector<16xi32>, vector<16xi32>], vector<16xf32>,
        %add3A_228 = arith.constant 1 : i32
        %add3A_229 = vector.broadcast %add3A_228 : i32 to vector<16xi32>
        %add3A_230 = arith.addi %add3A_226, %add3A_229 : vector<16xi32>
        %gather3A_231 = tpu.vector_load_idx %arg4[%add3A_105, %add3A_230] : memref<40x256xf32, #tpu.memory_space<vmem>>[vector<16xi32>, vector<16xi32>], vector<16xf32>,
        %pack3A_232 = tpu.pack_subelements %gather3A_227, %gather3A_231 {pack_format = #tpu.pack_format<interleaved>, positions = array<i32: 0, 1>} : vector<16xf32>, vector<16xf32> -> vector<32xbf16>
        %bitcast3A_233 = vector.bitcast %pack3A_232 : vector<32xbf16> to vector<16xi32>
        %swap3A_234 = arith.index_cast %scan3A_102 : i32 to index
        %swap3A_235 = arith.constant 112 : index
        %swap3A_236 = tpu.vector_load %arg5[%swap3A_234, %swap3A_235] {strides = array<i32>} : memref<40x128xi32, #tpu.memory_space<vmem>>, vector<16xi32>,
        tpu.vector_store %arg5[%swap3A_234, %swap3A_235], %bitcast3A_233 {strides = array<i32>} : memref<40x128xi32, #tpu.memory_space<vmem>>, vector<16xi32>,
      }
      %scan3A_11 = arith.constant 40 : i32
      "tpu.region"() ({
        %run_scoped3A = tpu.sem_alloc : memref<!tpu.dma_semaphore, #tpu.memory_space<semaphore_mem>>
        %dma_start3A = arith.constant 0 : i32
        %dma_start3A_102 = tpu.memref_slice %arg3[%add3A_6, %dma_start3A] : memref<10000x128xi32, #tpu.memory_space<hbm>> -> memref<40x128xi32, #tpu.memory_space<hbm>>
        %dma_start3A_103 = arith.constant 0 : i32
        %dma_start3A_104 = tpu.memref_slice %arg3[%add3A_6, %dma_start3A_103] : memref<10000x128xi32, #tpu.memory_space<hbm>> -> memref<40x128xi32, #tpu.memory_space<hbm>>
        tpu.enqueue_dma source(%arg5 : memref<40x128xi32, #tpu.memory_space<vmem>>) target(%dma_start3A_104 : memref<40x128xi32, #tpu.memory_space<hbm>>) target_semaphore(%run_scoped3A : memref<!tpu.dma_semaphore, #tpu.memory_space<semaphore_mem>>)
        %dma_wait3A = arith.constant 0 : i32
        %dma_wait3A_105 = tpu.memref_slice %arg3[%add3A_6, %dma_wait3A] : memref<10000x128xi32, #tpu.memory_space<hbm>> -> memref<40x128xi32, #tpu.memory_space<hbm>>
        %dma_wait3A_106 = arith.constant 0 : i32
        %dma_wait3A_107 = tpu.memref_slice %arg3[%add3A_6, %dma_wait3A_106] : memref<10000x128xi32, #tpu.memory_space<hbm>> -> memref<40x128xi32, #tpu.memory_space<hbm>>
        tpu.wait_dma2 semaphore(%run_scoped3A : memref<!tpu.dma_semaphore, #tpu.memory_space<semaphore_mem>>) src(%arg5 : memref<40x128xi32, #tpu.memory_space<vmem>>) dst(%dma_wait3A_107 : memref<40x128xi32, #tpu.memory_space<hbm>>)
        tpu.yield
      }) : () -> ()
      %mul3A_12 = arith.constant 400 : i32
      %mul3A_13 = arith.muli %add3A, %mul3A_12 : i32
      %add3A_14 = arith.constant 40 : i32
      %add3A_15 = arith.addi %mul3A_13, %add3A_14 : i32
      "tpu.region"() ({
        %run_scoped3A = tpu.sem_alloc : memref<!tpu.dma_semaphore, #tpu.memory_space<semaphore_mem>>
        %dma_start3A = arith.constant 0 : i32
        %dma_start3A_102 = tpu.memref_slice %arg2[%add3A_15, %dma_start3A] : memref<10000x256xf32, #tpu.memory_space<hbm>> -> memref<40x256xf32, #tpu.memory_space<hbm>>
        %dma_start3A_103 = arith.constant 0 : i32
        %dma_start3A_104 = tpu.memref_slice %arg2[%add3A_15, %dma_start3A_103] : memref<10000x256xf32, #tpu.memory_space<hbm>> -> memref<40x256xf32, #tpu.memory_space<hbm>>
        tpu.enqueue_dma source(%dma_start3A_104 : memref<40x256xf32, #tpu.memory_space<hbm>>) target(%arg4 : memref<40x256xf32, #tpu.memory_space<vmem>>) target_semaphore(%run_scoped3A : memref<!tpu.dma_semaphore, #tpu.memory_space<semaphore_mem>>)
        %dma_wait3A = arith.constant 0 : i32
        %dma_wait3A_105 = tpu.memref_slice %arg2[%add3A_15, %dma_wait3A] : memref<10000x256xf32, #tpu.memory_space<hbm>> -> memref<40x256xf32, #tpu.memory_space<hbm>>
        %dma_wait3A_106 = arith.constant 0 : i32
        %dma_wait3A_107 = tpu.memref_slice %arg2[%add3A_15, %dma_wait3A_106] : memref<10000x256xf32, #tpu.memory_space<hbm>> -> memref<40x256xf32, #tpu.memory_space<hbm>>
        tpu.wait_dma2 semaphore(%run_scoped3A : memref<!tpu.dma_semaphore, #tpu.memory_space<semaphore_mem>>) src(%dma_wait3A_107 : memref<40x256xf32, #tpu.memory_space<hbm>>) dst(%arg4 : memref<40x256xf32, #tpu.memory_space<vmem>>)
        tpu.yield
      }) : () -> ()
      %scan3A_16 = arith.constant 0 : i32
      %scan3A_17 = arith.constant 0 : i32
      %scan3A_18 = arith.constant 40 : i32
      %scan3A_19 = arith.addi %scan3A_17, %scan3A_18 : i32
      %scan3A_20 = arith.constant 1 : i32
      scf.for %scan3A_102 = %scan3A_17 to %scan3A_19 step %scan3A_20  : i32 {
        %broadcast_in_dim3A = arith.constant 0 : i32
        %broadcast_in_dim3A_103 = vector.broadcast %broadcast_in_dim3A : i32 to vector<16xi32>
        %add3A_104 = vector.broadcast %scan3A_102 : i32 to vector<16xi32>
        %add3A_105 = arith.addi %broadcast_in_dim3A_103, %add3A_104 : vector<16xi32>
        %iota3A = tpu.iota {dimensions = array<i32: 0>} : vector<16xi32>
        %mul3A_106 = arith.constant 2 : i32
        %mul3A_107 = vector.broadcast %mul3A_106 : i32 to vector<16xi32>
        %mul3A_108 = arith.muli %mul3A_107, %iota3A : vector<16xi32>
        %add3A_109 = arith.constant 0 : i32
        %add3A_110 = vector.broadcast %add3A_109 : i32 to vector<16xi32>
        %add3A_111 = arith.addi %add3A_110, %mul3A_108 : vector<16xi32>
        %gather3A = tpu.vector_load_idx %arg4[%add3A_105, %add3A_111] : memref<40x256xf32, #tpu.memory_space<vmem>>[vector<16xi32>, vector<16xi32>], vector<16xf32>,
        %add3A_112 = arith.constant 1 : i32
        %add3A_113 = vector.broadcast %add3A_112 : i32 to vector<16xi32>
        %add3A_114 = arith.addi %add3A_111, %add3A_113 : vector<16xi32>
        %gather3A_115 = tpu.vector_load_idx %arg4[%add3A_105, %add3A_114] : memref<40x256xf32, #tpu.memory_space<vmem>>[vector<16xi32>, vector<16xi32>], vector<16xf32>,
        %pack3A = tpu.pack_subelements %gather3A, %gather3A_115 {pack_format = #tpu.pack_format<interleaved>, positions = array<i32: 0, 1>} : vector<16xf32>, vector<16xf32> -> vector<32xbf16>
        %bitcast3A = vector.bitcast %pack3A : vector<32xbf16> to vector<16xi32>
        %swap3A = arith.index_cast %scan3A_102 : i32 to index
        %swap3A_116 = arith.constant 0 : index
        %swap3A_117 = tpu.vector_load %arg5[%swap3A, %swap3A_116] {strides = array<i32>} : memref<40x128xi32, #tpu.memory_space<vmem>>, vector<16xi32>,
        tpu.vector_store %arg5[%swap3A, %swap3A_116], %bitcast3A {strides = array<i32>} : memref<40x128xi32, #tpu.memory_space<vmem>>, vector<16xi32>,
        %iota3A_118 = tpu.iota {dimensions = array<i32: 0>} : vector<16xi32>
        %mul3A_119 = arith.constant 2 : i32
        %mul3A_120 = vector.broadcast %mul3A_119 : i32 to vector<16xi32>
        %mul3A_121 = arith.muli %mul3A_120, %iota3A_118 : vector<16xi32>
        %add3A_122 = arith.constant 32 : i32
        %add3A_123 = vector.broadcast %add3A_122 : i32 to vector<16xi32>
        %add3A_124 = arith.addi %add3A_123, %mul3A_121 : vector<16xi32>
        %gather3A_125 = tpu.vector_load_idx %arg4[%add3A_105, %add3A_124] : memref<40x256xf32, #tpu.memory_space<vmem>>[vector<16xi32>, vector<16xi32>], vector<16xf32>,
        %add3A_126 = arith.constant 1 : i32
        %add3A_127 = vector.broadcast %add3A_126 : i32 to vector<16xi32>
        %add3A_128 = arith.addi %add3A_124, %add3A_127 : vector<16xi32>
        %gather3A_129 = tpu.vector_load_idx %arg4[%add3A_105, %add3A_128] : memref<40x256xf32, #tpu.memory_space<vmem>>[vector<16xi32>, vector<16xi32>], vector<16xf32>,
        %pack3A_130 = tpu.pack_subelements %gather3A_125, %gather3A_129 {pack_format = #tpu.pack_format<interleaved>, positions = array<i32: 0, 1>} : vector<16xf32>, vector<16xf32> -> vector<32xbf16>
        %bitcast3A_131 = vector.bitcast %pack3A_130 : vector<32xbf16> to vector<16xi32>
        %swap3A_132 = arith.index_cast %scan3A_102 : i32 to index
        %swap3A_133 = arith.constant 16 : index
        %swap3A_134 = tpu.vector_load %arg5[%swap3A_132, %swap3A_133] {strides = array<i32>} : memref<40x128xi32, #tpu.memory_space<vmem>>, vector<16xi32>,
        tpu.vector_store %arg5[%swap3A_132, %swap3A_133], %bitcast3A_131 {strides = array<i32>} : memref<40x128xi32, #tpu.memory_space<vmem>>, vector<16xi32>,
        %iota3A_135 = tpu.iota {dimensions = array<i32: 0>} : vector<16xi32>
        %mul3A_136 = arith.constant 2 : i32
        %mul3A_137 = vector.broadcast %mul3A_136 : i32 to vector<16xi32>
        %mul3A_138 = arith.muli %mul3A_137, %iota3A_135 : vector<16xi32>
        %add3A_139 = arith.constant 64 : i32
        %add3A_140 = vector.broadcast %add3A_139 : i32 to vector<16xi32>
        %add3A_141 = arith.addi %add3A_140, %mul3A_138 : vector<16xi32>
        %gather3A_142 = tpu.vector_load_idx %arg4[%add3A_105, %add3A_141] : memref<40x256xf32, #tpu.memory_space<vmem>>[vector<16xi32>, vector<16xi32>], vector<16xf32>,
        %add3A_143 = arith.constant 1 : i32
        %add3A_144 = vector.broadcast %add3A_143 : i32 to vector<16xi32>
        %add3A_145 = arith.addi %add3A_141, %add3A_144 : vector<16xi32>
        %gather3A_146 = tpu.vector_load_idx %arg4[%add3A_105, %add3A_145] : memref<40x256xf32, #tpu.memory_space<vmem>>[vector<16xi32>, vector<16xi32>], vector<16xf32>,
        %pack3A_147 = tpu.pack_subelements %gather3A_142, %gather3A_146 {pack_format = #tpu.pack_format<interleaved>, positions = array<i32: 0, 1>} : vector<16xf32>, vector<16xf32> -> vector<32xbf16>
        %bitcast3A_148 = vector.bitcast %pack3A_147 : vector<32xbf16> to vector<16xi32>
        %swap3A_149 = arith.index_cast %scan3A_102 : i32 to index
        %swap3A_150 = arith.constant 32 : index
        %swap3A_151 = tpu.vector_load %arg5[%swap3A_149, %swap3A_150] {strides = array<i32>} : memref<40x128xi32, #tpu.memory_space<vmem>>, vector<16xi32>,
        tpu.vector_store %arg5[%swap3A_149, %swap3A_150], %bitcast3A_148 {strides = array<i32>} : memref<40x128xi32, #tpu.memory_space<vmem>>, vector<16xi32>,
        %iota3A_152 = tpu.iota {dimensions = array<i32: 0>} : vector<16xi32>
        %mul3A_153 = arith.constant 2 : i32
        %mul3A_154 = vector.broadcast %mul3A_153 : i32 to vector<16xi32>
        %mul3A_155 = arith.muli %mul3A_154, %iota3A_152 : vector<16xi32>
        %add3A_156 = arith.constant 96 : i32
        %add3A_157 = vector.broadcast %add3A_156 : i32 to vector<16xi32>
        %add3A_158 = arith.addi %add3A_157, %mul3A_155 : vector<16xi32>
        %gather3A_159 = tpu.vector_load_idx %arg4[%add3A_105, %add3A_158] : memref<40x256xf32, #tpu.memory_space<vmem>>[vector<16xi32>, vector<16xi32>], vector<16xf32>,
        %add3A_160 = arith.constant 1 : i32
        %add3A_161 = vector.broadcast %add3A_160 : i32 to vector<16xi32>
        %add3A_162 = arith.addi %add3A_158, %add3A_161 : vector<16xi32>
        %gather3A_163 = tpu.vector_load_idx %arg4[%add3A_105, %add3A_162] : memref<40x256xf32, #tpu.memory_space<vmem>>[vector<16xi32>, vector<16xi32>], vector<16xf32>,
        %pack3A_164 = tpu.pack_subelements %gather3A_159, %gather3A_163 {pack_format = #tpu.pack_format<interleaved>, positions = array<i32: 0, 1>} : vector<16xf32>, vector<16xf32> -> vector<32xbf16>
        %bitcast3A_165 = vector.bitcast %pack3A_164 : vector<32xbf16> to vector<16xi32>
        %swap3A_166 = arith.index_cast %scan3A_102 : i32 to index
        %swap3A_167 = arith.constant 48 : index
        %swap3A_168 = tpu.vector_load %arg5[%swap3A_166, %swap3A_167] {strides = array<i32>} : memref<40x128xi32, #tpu.memory_space<vmem>>, vector<16xi32>,
        tpu.vector_store %arg5[%swap3A_166, %swap3A_167], %bitcast3A_165 {strides = array<i32>} : memref<40x128xi32, #tpu.memory_space<vmem>>, vector<16xi32>,
        %iota3A_169 = tpu.iota {dimensions = array<i32: 0>} : vector<16xi32>
        %mul3A_170 = arith.constant 2 : i32
        %mul3A_171 = vector.broadcast %mul3A_170 : i32 to vector<16xi32>
        %mul3A_172 = arith.muli %mul3A_171, %iota3A_169 : vector<16xi32>
        %add3A_173 = arith.constant 128 : i32
        %add3A_174 = vector.broadcast %add3A_173 : i32 to vector<16xi32>
        %add3A_175 = arith.addi %add3A_174, %mul3A_172 : vector<16xi32>
        %gather3A_176 = tpu.vector_load_idx %arg4[%add3A_105, %add3A_175] : memref<40x256xf32, #tpu.memory_space<vmem>>[vector<16xi32>, vector<16xi32>], vector<16xf32>,
        %add3A_177 = arith.constant 1 : i32
        %add3A_178 = vector.broadcast %add3A_177 : i32 to vector<16xi32>
        %add3A_179 = arith.addi %add3A_175, %add3A_178 : vector<16xi32>
        %gather3A_180 = tpu.vector_load_idx %arg4[%add3A_105, %add3A_179] : memref<40x256xf32, #tpu.memory_space<vmem>>[vector<16xi32>, vector<16xi32>], vector<16xf32>,
        %pack3A_181 = tpu.pack_subelements %gather3A_176, %gather3A_180 {pack_format = #tpu.pack_format<interleaved>, positions = array<i32: 0, 1>} : vector<16xf32>, vector<16xf32> -> vector<32xbf16>
        %bitcast3A_182 = vector.bitcast %pack3A_181 : vector<32xbf16> to vector<16xi32>
        %swap3A_183 = arith.index_cast %scan3A_102 : i32 to index
        %swap3A_184 = arith.constant 64 : index
        %swap3A_185 = tpu.vector_load %arg5[%swap3A_183, %swap3A_184] {strides = array<i32>} : memref<40x128xi32, #tpu.memory_space<vmem>>, vector<16xi32>,
        tpu.vector_store %arg5[%swap3A_183, %swap3A_184], %bitcast3A_182 {strides = array<i32>} : memref<40x128xi32, #tpu.memory_space<vmem>>, vector<16xi32>,
        %iota3A_186 = tpu.iota {dimensions = array<i32: 0>} : vector<16xi32>
        %mul3A_187 = arith.constant 2 : i32
        %mul3A_188 = vector.broadcast %mul3A_187 : i32 to vector<16xi32>
        %mul3A_189 = arith.muli %mul3A_188, %iota3A_186 : vector<16xi32>
        %add3A_190 = arith.constant 160 : i32
        %add3A_191 = vector.broadcast %add3A_190 : i32 to vector<16xi32>
        %add3A_192 = arith.addi %add3A_191, %mul3A_189 : vector<16xi32>
        %gather3A_193 = tpu.vector_load_idx %arg4[%add3A_105, %add3A_192] : memref<40x256xf32, #tpu.memory_space<vmem>>[vector<16xi32>, vector<16xi32>], vector<16xf32>,
        %add3A_194 = arith.constant 1 : i32
        %add3A_195 = vector.broadcast %add3A_194 : i32 to vector<16xi32>
        %add3A_196 = arith.addi %add3A_192, %add3A_195 : vector<16xi32>
        %gather3A_197 = tpu.vector_load_idx %arg4[%add3A_105, %add3A_196] : memref<40x256xf32, #tpu.memory_space<vmem>>[vector<16xi32>, vector<16xi32>], vector<16xf32>,
        %pack3A_198 = tpu.pack_subelements %gather3A_193, %gather3A_197 {pack_format = #tpu.pack_format<interleaved>, positions = array<i32: 0, 1>} : vector<16xf32>, vector<16xf32> -> vector<32xbf16>
        %bitcast3A_199 = vector.bitcast %pack3A_198 : vector<32xbf16> to vector<16xi32>
        %swap3A_200 = arith.index_cast %scan3A_102 : i32 to index
        %swap3A_201 = arith.constant 80 : index
        %swap3A_202 = tpu.vector_load %arg5[%swap3A_200, %swap3A_201] {strides = array<i32>} : memref<40x128xi32, #tpu.memory_space<vmem>>, vector<16xi32>,
        tpu.vector_store %arg5[%swap3A_200, %swap3A_201], %bitcast3A_199 {strides = array<i32>} : memref<40x128xi32, #tpu.memory_space<vmem>>, vector<16xi32>,
        %iota3A_203 = tpu.iota {dimensions = array<i32: 0>} : vector<16xi32>
        %mul3A_204 = arith.constant 2 : i32
        %mul3A_205 = vector.broadcast %mul3A_204 : i32 to vector<16xi32>
        %mul3A_206 = arith.muli %mul3A_205, %iota3A_203 : vector<16xi32>
        %add3A_207 = arith.constant 192 : i32
        %add3A_208 = vector.broadcast %add3A_207 : i32 to vector<16xi32>
        %add3A_209 = arith.addi %add3A_208, %mul3A_206 : vector<16xi32>
        %gather3A_210 = tpu.vector_load_idx %arg4[%add3A_105, %add3A_209] : memref<40x256xf32, #tpu.memory_space<vmem>>[vector<16xi32>, vector<16xi32>], vector<16xf32>,
        %add3A_211 = arith.constant 1 : i32
        %add3A_212 = vector.broadcast %add3A_211 : i32 to vector<16xi32>
        %add3A_213 = arith.addi %add3A_209, %add3A_212 : vector<16xi32>
        %gather3A_214 = tpu.vector_load_idx %arg4[%add3A_105, %add3A_213] : memref<40x256xf32, #tpu.memory_space<vmem>>[vector<16xi32>, vector<16xi32>], vector<16xf32>,
        %pack3A_215 = tpu.pack_subelements %gather3A_210, %gather3A_214 {pack_format = #tpu.pack_format<interleaved>, positions = array<i32: 0, 1>} : vector<16xf32>, vector<16xf32> -> vector<32xbf16>
        %bitcast3A_216 = vector.bitcast %pack3A_215 : vector<32xbf16> to vector<16xi32>
        %swap3A_217 = arith.index_cast %scan3A_102 : i32 to index
        %swap3A_218 = arith.constant 96 : index
        %swap3A_219 = tpu.vector_load %arg5[%swap3A_217, %swap3A_218] {strides = array<i32>} : memref<40x128xi32, #tpu.memory_space<vmem>>, vector<16xi32>,
        tpu.vector_store %arg5[%swap3A_217, %swap3A_218], %bitcast3A_216 {strides = array<i32>} : memref<40x128xi32, #tpu.memory_space<vmem>>, vector<16xi32>,
        %iota3A_220 = tpu.iota {dimensions = array<i32: 0>} : vector<16xi32>
        %mul3A_221 = arith.constant 2 : i32
        %mul3A_222 = vector.broadcast %mul3A_221 : i32 to vector<16xi32>
        %mul3A_223 = arith.muli %mul3A_222, %iota3A_220 : vector<16xi32>
        %add3A_224 = arith.constant 224 : i32
        %add3A_225 = vector.broadcast %add3A_224 : i32 to vector<16xi32>
        %add3A_226 = arith.addi %add3A_225, %mul3A_223 : vector<16xi32>
        %gather3A_227 = tpu.vector_load_idx %arg4[%add3A_105, %add3A_226] : memref<40x256xf32, #tpu.memory_space<vmem>>[vector<16xi32>, vector<16xi32>], vector<16xf32>,
        %add3A_228 = arith.constant 1 : i32
        %add3A_229 = vector.broadcast %add3A_228 : i32 to vector<16xi32>
        %add3A_230 = arith.addi %add3A_226, %add3A_229 : vector<16xi32>
        %gather3A_231 = tpu.vector_load_idx %arg4[%add3A_105, %add3A_230] : memref<40x256xf32, #tpu.memory_space<vmem>>[vector<16xi32>, vector<16xi32>], vector<16xf32>,
        %pack3A_232 = tpu.pack_subelements %gather3A_227, %gather3A_231 {pack_format = #tpu.pack_format<interleaved>, positions = array<i32: 0, 1>} : vector<16xf32>, vector<16xf32> -> vector<32xbf16>
        %bitcast3A_233 = vector.bitcast %pack3A_232 : vector<32xbf16> to vector<16xi32>
        %swap3A_234 = arith.index_cast %scan3A_102 : i32 to index
        %swap3A_235 = arith.constant 112 : index
        %swap3A_236 = tpu.vector_load %arg5[%swap3A_234, %swap3A_235] {strides = array<i32>} : memref<40x128xi32, #tpu.memory_space<vmem>>, vector<16xi32>,
        tpu.vector_store %arg5[%swap3A_234, %swap3A_235], %bitcast3A_233 {strides = array<i32>} : memref<40x128xi32, #tpu.memory_space<vmem>>, vector<16xi32>,
      }
      %scan3A_21 = arith.constant 40 : i32
      "tpu.region"() ({
        %run_scoped3A = tpu.sem_alloc : memref<!tpu.dma_semaphore, #tpu.memory_space<semaphore_mem>>
        %dma_start3A = arith.constant 0 : i32
        %dma_start3A_102 = tpu.memref_slice %arg3[%add3A_15, %dma_start3A] : memref<10000x128xi32, #tpu.memory_space<hbm>> -> memref<40x128xi32, #tpu.memory_space<hbm>>
        %dma_start3A_103 = arith.constant 0 : i32
        %dma_start3A_104 = tpu.memref_slice %arg3[%add3A_15, %dma_start3A_103] : memref<10000x128xi32, #tpu.memory_space<hbm>> -> memref<40x128xi32, #tpu.memory_space<hbm>>
        tpu.enqueue_dma source(%arg5 : memref<40x128xi32, #tpu.memory_space<vmem>>) target(%dma_start3A_104 : memref<40x128xi32, #tpu.memory_space<hbm>>) target_semaphore(%run_scoped3A : memref<!tpu.dma_semaphore, #tpu.memory_space<semaphore_mem>>)
        %dma_wait3A = arith.constant 0 : i32
        %dma_wait3A_105 = tpu.memref_slice %arg3[%add3A_15, %dma_wait3A] : memref<10000x128xi32, #tpu.memory_space<hbm>> -> memref<40x128xi32, #tpu.memory_space<hbm>>
        %dma_wait3A_106 = arith.constant 0 : i32
        %dma_wait3A_107 = tpu.memref_slice %arg3[%add3A_15, %dma_wait3A_106] : memref<10000x128xi32, #tpu.memory_space<hbm>> -> memref<40x128xi32, #tpu.memory_space<hbm>>
        tpu.wait_dma2 semaphore(%run_scoped3A : memref<!tpu.dma_semaphore, #tpu.memory_space<semaphore_mem>>) src(%arg5 : memref<40x128xi32, #tpu.memory_space<vmem>>) dst(%dma_wait3A_107 : memref<40x128xi32, #tpu.memory_space<hbm>>)
        tpu.yield
      }) : () -> ()
      %mul3A_22 = arith.constant 400 : i32
      %mul3A_23 = arith.muli %add3A, %mul3A_22 : i32
      %add3A_24 = arith.constant 80 : i32
      %add3A_25 = arith.addi %mul3A_23, %add3A_24 : i32
      "tpu.region"() ({
        %run_scoped3A = tpu.sem_alloc : memref<!tpu.dma_semaphore, #tpu.memory_space<semaphore_mem>>
        %dma_start3A = arith.constant 0 : i32
        %dma_start3A_102 = tpu.memref_slice %arg2[%add3A_25, %dma_start3A] : memref<10000x256xf32, #tpu.memory_space<hbm>> -> memref<40x256xf32, #tpu.memory_space<hbm>>
        %dma_start3A_103 = arith.constant 0 : i32
        %dma_start3A_104 = tpu.memref_slice %arg2[%add3A_25, %dma_start3A_103] : memref<10000x256xf32, #tpu.memory_space<hbm>> -> memref<40x256xf32, #tpu.memory_space<hbm>>
        tpu.enqueue_dma source(%dma_start3A_104 : memref<40x256xf32, #tpu.memory_space<hbm>>) target(%arg4 : memref<40x256xf32, #tpu.memory_space<vmem>>) target_semaphore(%run_scoped3A : memref<!tpu.dma_semaphore, #tpu.memory_space<semaphore_mem>>)
        %dma_wait3A = arith.constant 0 : i32
        %dma_wait3A_105 = tpu.memref_slice %arg2[%add3A_25, %dma_wait3A] : memref<10000x256xf32, #tpu.memory_space<hbm>> -> memref<40x256xf32, #tpu.memory_space<hbm>>
        %dma_wait3A_106 = arith.constant 0 : i32
        %dma_wait3A_107 = tpu.memref_slice %arg2[%add3A_25, %dma_wait3A_106] : memref<10000x256xf32, #tpu.memory_space<hbm>> -> memref<40x256xf32, #tpu.memory_space<hbm>>
        tpu.wait_dma2 semaphore(%run_scoped3A : memref<!tpu.dma_semaphore, #tpu.memory_space<semaphore_mem>>) src(%dma_wait3A_107 : memref<40x256xf32, #tpu.memory_space<hbm>>) dst(%arg4 : memref<40x256xf32, #tpu.memory_space<vmem>>)
        tpu.yield
      }) : () -> ()
      %scan3A_26 = arith.constant 0 : i32
      %scan3A_27 = arith.constant 0 : i32
      %scan3A_28 = arith.constant 40 : i32
      %scan3A_29 = arith.addi %scan3A_27, %scan3A_28 : i32
      %scan3A_30 = arith.constant 1 : i32
      scf.for %scan3A_102 = %scan3A_27 to %scan3A_29 step %scan3A_30  : i32 {
        %broadcast_in_dim3A = arith.constant 0 : i32
        %broadcast_in_dim3A_103 = vector.broadcast %broadcast_in_dim3A : i32 to vector<16xi32>
        %add3A_104 = vector.broadcast %scan3A_102 : i32 to vector<16xi32>
        %add3A_105 = arith.addi %broadcast_in_dim3A_103, %add3A_104 : vector<16xi32>
        %iota3A = tpu.iota {dimensions = array<i32: 0>} : vector<16xi32>
        %mul3A_106 = arith.constant 2 : i32
        %mul3A_107 = vector.broadcast %mul3A_106 : i32 to vector<16xi32>
        %mul3A_108 = arith.muli %mul3A_107, %iota3A : vector<16xi32>
        %add3A_109 = arith.constant 0 : i32
        %add3A_110 = vector.broadcast %add3A_109 : i32 to vector<16xi32>
        %add3A_111 = arith.addi %add3A_110, %mul3A_108 : vector<16xi32>
        %gather3A = tpu.vector_load_idx %arg4[%add3A_105, %add3A_111] : memref<40x256xf32, #tpu.memory_space<vmem>>[vector<16xi32>, vector<16xi32>], vector<16xf32>,
        %add3A_112 = arith.constant 1 : i32
        %add3A_113 = vector.broadcast %add3A_112 : i32 to vector<16xi32>
        %add3A_114 = arith.addi %add3A_111, %add3A_113 : vector<16xi32>
        %gather3A_115 = tpu.vector_load_idx %arg4[%add3A_105, %add3A_114] : memref<40x256xf32, #tpu.memory_space<vmem>>[vector<16xi32>, vector<16xi32>], vector<16xf32>,
        %pack3A = tpu.pack_subelements %gather3A, %gather3A_115 {pack_format = #tpu.pack_format<interleaved>, positions = array<i32: 0, 1>} : vector<16xf32>, vector<16xf32> -> vector<32xbf16>
        %bitcast3A = vector.bitcast %pack3A : vector<32xbf16> to vector<16xi32>
        %swap3A = arith.index_cast %scan3A_102 : i32 to index
        %swap3A_116 = arith.constant 0 : index
        %swap3A_117 = tpu.vector_load %arg5[%swap3A, %swap3A_116] {strides = array<i32>} : memref<40x128xi32, #tpu.memory_space<vmem>>, vector<16xi32>,
        tpu.vector_store %arg5[%swap3A, %swap3A_116], %bitcast3A {strides = array<i32>} : memref<40x128xi32, #tpu.memory_space<vmem>>, vector<16xi32>,
        %iota3A_118 = tpu.iota {dimensions = array<i32: 0>} : vector<16xi32>
        %mul3A_119 = arith.constant 2 : i32
        %mul3A_120 = vector.broadcast %mul3A_119 : i32 to vector<16xi32>
        %mul3A_121 = arith.muli %mul3A_120, %iota3A_118 : vector<16xi32>
        %add3A_122 = arith.constant 32 : i32
        %add3A_123 = vector.broadcast %add3A_122 : i32 to vector<16xi32>
        %add3A_124 = arith.addi %add3A_123, %mul3A_121 : vector<16xi32>
        %gather3A_125 = tpu.vector_load_idx %arg4[%add3A_105, %add3A_124] : memref<40x256xf32, #tpu.memory_space<vmem>>[vector<16xi32>, vector<16xi32>], vector<16xf32>,
        %add3A_126 = arith.constant 1 : i32
        %add3A_127 = vector.broadcast %add3A_126 : i32 to vector<16xi32>
        %add3A_128 = arith.addi %add3A_124, %add3A_127 : vector<16xi32>
        %gather3A_129 = tpu.vector_load_idx %arg4[%add3A_105, %add3A_128] : memref<40x256xf32, #tpu.memory_space<vmem>>[vector<16xi32>, vector<16xi32>], vector<16xf32>,
        %pack3A_130 = tpu.pack_subelements %gather3A_125, %gather3A_129 {pack_format = #tpu.pack_format<interleaved>, positions = array<i32: 0, 1>} : vector<16xf32>, vector<16xf32> -> vector<32xbf16>
        %bitcast3A_131 = vector.bitcast %pack3A_130 : vector<32xbf16> to vector<16xi32>
        %swap3A_132 = arith.index_cast %scan3A_102 : i32 to index
        %swap3A_133 = arith.constant 16 : index
        %swap3A_134 = tpu.vector_load %arg5[%swap3A_132, %swap3A_133] {strides = array<i32>} : memref<40x128xi32, #tpu.memory_space<vmem>>, vector<16xi32>,
        tpu.vector_store %arg5[%swap3A_132, %swap3A_133], %bitcast3A_131 {strides = array<i32>} : memref<40x128xi32, #tpu.memory_space<vmem>>, vector<16xi32>,
        %iota3A_135 = tpu.iota {dimensions = array<i32: 0>} : vector<16xi32>
        %mul3A_136 = arith.constant 2 : i32
        %mul3A_137 = vector.broadcast %mul3A_136 : i32 to vector<16xi32>
        %mul3A_138 = arith.muli %mul3A_137, %iota3A_135 : vector<16xi32>
        %add3A_139 = arith.constant 64 : i32
        %add3A_140 = vector.broadcast %add3A_139 : i32 to vector<16xi32>
        %add3A_141 = arith.addi %add3A_140, %mul3A_138 : vector<16xi32>
        %gather3A_142 = tpu.vector_load_idx %arg4[%add3A_105, %add3A_141] : memref<40x256xf32, #tpu.memory_space<vmem>>[vector<16xi32>, vector<16xi32>], vector<16xf32>,
        %add3A_143 = arith.constant 1 : i32
        %add3A_144 = vector.broadcast %add3A_143 : i32 to vector<16xi32>
        %add3A_145 = arith.addi %add3A_141, %add3A_144 : vector<16xi32>
        %gather3A_146 = tpu.vector_load_idx %arg4[%add3A_105, %add3A_145] : memref<40x256xf32, #tpu.memory_space<vmem>>[vector<16xi32>, vector<16xi32>], vector<16xf32>,
        %pack3A_147 = tpu.pack_subelements %gather3A_142, %gather3A_146 {pack_format = #tpu.pack_format<interleaved>, positions = array<i32: 0, 1>} : vector<16xf32>, vector<16xf32> -> vector<32xbf16>
        %bitcast3A_148 = vector.bitcast %pack3A_147 : vector<32xbf16> to vector<16xi32>
        %swap3A_149 = arith.index_cast %scan3A_102 : i32 to index
        %swap3A_150 = arith.constant 32 : index
        %swap3A_151 = tpu.vector_load %arg5[%swap3A_149, %swap3A_150] {strides = array<i32>} : memref<40x128xi32, #tpu.memory_space<vmem>>, vector<16xi32>,
        tpu.vector_store %arg5[%swap3A_149, %swap3A_150], %bitcast3A_148 {strides = array<i32>} : memref<40x128xi32, #tpu.memory_space<vmem>>, vector<16xi32>,
        %iota3A_152 = tpu.iota {dimensions = array<i32: 0>} : vector<16xi32>
        %mul3A_153 = arith.constant 2 : i32
        %mul3A_154 = vector.broadcast %mul3A_153 : i32 to vector<16xi32>
        %mul3A_155 = arith.muli %mul3A_154, %iota3A_152 : vector<16xi32>
        %add3A_156 = arith.constant 96 : i32
        %add3A_157 = vector.broadcast %add3A_156 : i32 to vector<16xi32>
        %add3A_158 = arith.addi %add3A_157, %mul3A_155 : vector<16xi32>
        %gather3A_159 = tpu.vector_load_idx %arg4[%add3A_105, %add3A_158] : memref<40x256xf32, #tpu.memory_space<vmem>>[vector<16xi32>, vector<16xi32>], vector<16xf32>,
        %add3A_160 = arith.constant 1 : i32
        %add3A_161 = vector.broadcast %add3A_160 : i32 to vector<16xi32>
        %add3A_162 = arith.addi %add3A_158, %add3A_161 : vector<16xi32>
        %gather3A_163 = tpu.vector_load_idx %arg4[%add3A_105, %add3A_162] : memref<40x256xf32, #tpu.memory_space<vmem>>[vector<16xi32>, vector<16xi32>], vector<16xf32>,
        %pack3A_164 = tpu.pack_subelements %gather3A_159, %gather3A_163 {pack_format = #tpu.pack_format<interleaved>, positions = array<i32: 0, 1>} : vector<16xf32>, vector<16xf32> -> vector<32xbf16>
        %bitcast3A_165 = vector.bitcast %pack3A_164 : vector<32xbf16> to vector<16xi32>
        %swap3A_166 = arith.index_cast %scan3A_102 : i32 to index
        %swap3A_167 = arith.constant 48 : index
        %swap3A_168 = tpu.vector_load %arg5[%swap3A_166, %swap3A_167] {strides = array<i32>} : memref<40x128xi32, #tpu.memory_space<vmem>>, vector<16xi32>,
        tpu.vector_store %arg5[%swap3A_166, %swap3A_167], %bitcast3A_165 {strides = array<i32>} : memref<40x128xi32, #tpu.memory_space<vmem>>, vector<16xi32>,
        %iota3A_169 = tpu.iota {dimensions = array<i32: 0>} : vector<16xi32>
        %mul3A_170 = arith.constant 2 : i32
        %mul3A_171 = vector.broadcast %mul3A_170 : i32 to vector<16xi32>
        %mul3A_172 = arith.muli %mul3A_171, %iota3A_169 : vector<16xi32>
        %add3A_173 = arith.constant 128 : i32
        %add3A_174 = vector.broadcast %add3A_173 : i32 to vector<16xi32>
        %add3A_175 = arith.addi %add3A_174, %mul3A_172 : vector<16xi32>
        %gather3A_176 = tpu.vector_load_idx %arg4[%add3A_105, %add3A_175] : memref<40x256xf32, #tpu.memory_space<vmem>>[vector<16xi32>, vector<16xi32>], vector<16xf32>,
        %add3A_177 = arith.constant 1 : i32
        %add3A_178 = vector.broadcast %add3A_177 : i32 to vector<16xi32>
        %add3A_179 = arith.addi %add3A_175, %add3A_178 : vector<16xi32>
        %gather3A_180 = tpu.vector_load_idx %arg4[%add3A_105, %add3A_179] : memref<40x256xf32, #tpu.memory_space<vmem>>[vector<16xi32>, vector<16xi32>], vector<16xf32>,
        %pack3A_181 = tpu.pack_subelements %gather3A_176, %gather3A_180 {pack_format = #tpu.pack_format<interleaved>, positions = array<i32: 0, 1>} : vector<16xf32>, vector<16xf32> -> vector<32xbf16>
        %bitcast3A_182 = vector.bitcast %pack3A_181 : vector<32xbf16> to vector<16xi32>
        %swap3A_183 = arith.index_cast %scan3A_102 : i32 to index
        %swap3A_184 = arith.constant 64 : index
        %swap3A_185 = tpu.vector_load %arg5[%swap3A_183, %swap3A_184] {strides = array<i32>} : memref<40x128xi32, #tpu.memory_space<vmem>>, vector<16xi32>,
        tpu.vector_store %arg5[%swap3A_183, %swap3A_184], %bitcast3A_182 {strides = array<i32>} : memref<40x128xi32, #tpu.memory_space<vmem>>, vector<16xi32>,
        %iota3A_186 = tpu.iota {dimensions = array<i32: 0>} : vector<16xi32>
        %mul3A_187 = arith.constant 2 : i32
        %mul3A_188 = vector.broadcast %mul3A_187 : i32 to vector<16xi32>
        %mul3A_189 = arith.muli %mul3A_188, %iota3A_186 : vector<16xi32>
        %add3A_190 = arith.constant 160 : i32
        %add3A_191 = vector.broadcast %add3A_190 : i32 to vector<16xi32>
        %add3A_192 = arith.addi %add3A_191, %mul3A_189 : vector<16xi32>
        %gather3A_193 = tpu.vector_load_idx %arg4[%add3A_105, %add3A_192] : memref<40x256xf32, #tpu.memory_space<vmem>>[vector<16xi32>, vector<16xi32>], vector<16xf32>,
        %add3A_194 = arith.constant 1 : i32
        %add3A_195 = vector.broadcast %add3A_194 : i32 to vector<16xi32>
        %add3A_196 = arith.addi %add3A_192, %add3A_195 : vector<16xi32>
        %gather3A_197 = tpu.vector_load_idx %arg4[%add3A_105, %add3A_196] : memref<40x256xf32, #tpu.memory_space<vmem>>[vector<16xi32>, vector<16xi32>], vector<16xf32>,
        %pack3A_198 = tpu.pack_subelements %gather3A_193, %gather3A_197 {pack_format = #tpu.pack_format<interleaved>, positions = array<i32: 0, 1>} : vector<16xf32>, vector<16xf32> -> vector<32xbf16>
        %bitcast3A_199 = vector.bitcast %pack3A_198 : vector<32xbf16> to vector<16xi32>
        %swap3A_200 = arith.index_cast %scan3A_102 : i32 to index
        %swap3A_201 = arith.constant 80 : index
        %swap3A_202 = tpu.vector_load %arg5[%swap3A_200, %swap3A_201] {strides = array<i32>} : memref<40x128xi32, #tpu.memory_space<vmem>>, vector<16xi32>,
        tpu.vector_store %arg5[%swap3A_200, %swap3A_201], %bitcast3A_199 {strides = array<i32>} : memref<40x128xi32, #tpu.memory_space<vmem>>, vector<16xi32>,
        %iota3A_203 = tpu.iota {dimensions = array<i32: 0>} : vector<16xi32>
        %mul3A_204 = arith.constant 2 : i32
        %mul3A_205 = vector.broadcast %mul3A_204 : i32 to vector<16xi32>
        %mul3A_206 = arith.muli %mul3A_205, %iota3A_203 : vector<16xi32>
        %add3A_207 = arith.constant 192 : i32
        %add3A_208 = vector.broadcast %add3A_207 : i32 to vector<16xi32>
        %add3A_209 = arith.addi %add3A_208, %mul3A_206 : vector<16xi32>
        %gather3A_210 = tpu.vector_load_idx %arg4[%add3A_105, %add3A_209] : memref<40x256xf32, #tpu.memory_space<vmem>>[vector<16xi32>, vector<16xi32>], vector<16xf32>,
        %add3A_211 = arith.constant 1 : i32
        %add3A_212 = vector.broadcast %add3A_211 : i32 to vector<16xi32>
        %add3A_213 = arith.addi %add3A_209, %add3A_212 : vector<16xi32>
        %gather3A_214 = tpu.vector_load_idx %arg4[%add3A_105, %add3A_213] : memref<40x256xf32, #tpu.memory_space<vmem>>[vector<16xi32>, vector<16xi32>], vector<16xf32>,
        %pack3A_215 = tpu.pack_subelements %gather3A_210, %gather3A_214 {pack_format = #tpu.pack_format<interleaved>, positions = array<i32: 0, 1>} : vector<16xf32>, vector<16xf32> -> vector<32xbf16>
        %bitcast3A_216 = vector.bitcast %pack3A_215 : vector<32xbf16> to vector<16xi32>
        %swap3A_217 = arith.index_cast %scan3A_102 : i32 to index
        %swap3A_218 = arith.constant 96 : index
        %swap3A_219 = tpu.vector_load %arg5[%swap3A_217, %swap3A_218] {strides = array<i32>} : memref<40x128xi32, #tpu.memory_space<vmem>>, vector<16xi32>,
        tpu.vector_store %arg5[%swap3A_217, %swap3A_218], %bitcast3A_216 {strides = array<i32>} : memref<40x128xi32, #tpu.memory_space<vmem>>, vector<16xi32>,
        %iota3A_220 = tpu.iota {dimensions = array<i32: 0>} : vector<16xi32>
        %mul3A_221 = arith.constant 2 : i32
        %mul3A_222 = vector.broadcast %mul3A_221 : i32 to vector<16xi32>
        %mul3A_223 = arith.muli %mul3A_222, %iota3A_220 : vector<16xi32>
        %add3A_224 = arith.constant 224 : i32
        %add3A_225 = vector.broadcast %add3A_224 : i32 to vector<16xi32>
        %add3A_226 = arith.addi %add3A_225, %mul3A_223 : vector<16xi32>
        %gather3A_227 = tpu.vector_load_idx %arg4[%add3A_105, %add3A_226] : memref<40x256xf32, #tpu.memory_space<vmem>>[vector<16xi32>, vector<16xi32>], vector<16xf32>,
        %add3A_228 = arith.constant 1 : i32
        %add3A_229 = vector.broadcast %add3A_228 : i32 to vector<16xi32>
        %add3A_230 = arith.addi %add3A_226, %add3A_229 : vector<16xi32>
        %gather3A_231 = tpu.vector_load_idx %arg4[%add3A_105, %add3A_230] : memref<40x256xf32, #tpu.memory_space<vmem>>[vector<16xi32>, vector<16xi32>], vector<16xf32>,
        %pack3A_232 = tpu.pack_subelements %gather3A_227, %gather3A_231 {pack_format = #tpu.pack_format<interleaved>, positions = array<i32: 0, 1>} : vector<16xf32>, vector<16xf32> -> vector<32xbf16>
        %bitcast3A_233 = vector.bitcast %pack3A_232 : vector<32xbf16> to vector<16xi32>
        %swap3A_234 = arith.index_cast %scan3A_102 : i32 to index
        %swap3A_235 = arith.constant 112 : index
        %swap3A_236 = tpu.vector_load %arg5[%swap3A_234, %swap3A_235] {strides = array<i32>} : memref<40x128xi32, #tpu.memory_space<vmem>>, vector<16xi32>,
        tpu.vector_store %arg5[%swap3A_234, %swap3A_235], %bitcast3A_233 {strides = array<i32>} : memref<40x128xi32, #tpu.memory_space<vmem>>, vector<16xi32>,
      }
      %scan3A_31 = arith.constant 40 : i32
      "tpu.region"() ({
        %run_scoped3A = tpu.sem_alloc : memref<!tpu.dma_semaphore, #tpu.memory_space<semaphore_mem>>
        %dma_start3A = arith.constant 0 : i32
        %dma_start3A_102 = tpu.memref_slice %arg3[%add3A_25, %dma_start3A] : memref<10000x128xi32, #tpu.memory_space<hbm>> -> memref<40x128xi32, #tpu.memory_space<hbm>>
        %dma_start3A_103 = arith.constant 0 : i32
        %dma_start3A_104 = tpu.memref_slice %arg3[%add3A_25, %dma_start3A_103] : memref<10000x128xi32, #tpu.memory_space<hbm>> -> memref<40x128xi32, #tpu.memory_space<hbm>>
        tpu.enqueue_dma source(%arg5 : memref<40x128xi32, #tpu.memory_space<vmem>>) target(%dma_start3A_104 : memref<40x128xi32, #tpu.memory_space<hbm>>) target_semaphore(%run_scoped3A : memref<!tpu.dma_semaphore, #tpu.memory_space<semaphore_mem>>)
        %dma_wait3A = arith.constant 0 : i32
        %dma_wait3A_105 = tpu.memref_slice %arg3[%add3A_25, %dma_wait3A] : memref<10000x128xi32, #tpu.memory_space<hbm>> -> memref<40x128xi32, #tpu.memory_space<hbm>>
        %dma_wait3A_106 = arith.constant 0 : i32
        %dma_wait3A_107 = tpu.memref_slice %arg3[%add3A_25, %dma_wait3A_106] : memref<10000x128xi32, #tpu.memory_space<hbm>> -> memref<40x128xi32, #tpu.memory_space<hbm>>
        tpu.wait_dma2 semaphore(%run_scoped3A : memref<!tpu.dma_semaphore, #tpu.memory_space<semaphore_mem>>) src(%arg5 : memref<40x128xi32, #tpu.memory_space<vmem>>) dst(%dma_wait3A_107 : memref<40x128xi32, #tpu.memory_space<hbm>>)
        tpu.yield
      }) : () -> ()
      %mul3A_32 = arith.constant 400 : i32
      %mul3A_33 = arith.muli %add3A, %mul3A_32 : i32
      %add3A_34 = arith.constant 120 : i32
      %add3A_35 = arith.addi %mul3A_33, %add3A_34 : i32
      "tpu.region"() ({
        %run_scoped3A = tpu.sem_alloc : memref<!tpu.dma_semaphore, #tpu.memory_space<semaphore_mem>>
        %dma_start3A = arith.constant 0 : i32
        %dma_start3A_102 = tpu.memref_slice %arg2[%add3A_35, %dma_start3A] : memref<10000x256xf32, #tpu.memory_space<hbm>> -> memref<40x256xf32, #tpu.memory_space<hbm>>
        %dma_start3A_103 = arith.constant 0 : i32
        %dma_start3A_104 = tpu.memref_slice %arg2[%add3A_35, %dma_start3A_103] : memref<10000x256xf32, #tpu.memory_space<hbm>> -> memref<40x256xf32, #tpu.memory_space<hbm>>
        tpu.enqueue_dma source(%dma_start3A_104 : memref<40x256xf32, #tpu.memory_space<hbm>>) target(%arg4 : memref<40x256xf32, #tpu.memory_space<vmem>>) target_semaphore(%run_scoped3A : memref<!tpu.dma_semaphore, #tpu.memory_space<semaphore_mem>>)
        %dma_wait3A = arith.constant 0 : i32
        %dma_wait3A_105 = tpu.memref_slice %arg2[%add3A_35, %dma_wait3A] : memref<10000x256xf32, #tpu.memory_space<hbm>> -> memref<40x256xf32, #tpu.memory_space<hbm>>
        %dma_wait3A_106 = arith.constant 0 : i32
        %dma_wait3A_107 = tpu.memref_slice %arg2[%add3A_35, %dma_wait3A_106] : memref<10000x256xf32, #tpu.memory_space<hbm>> -> memref<40x256xf32, #tpu.memory_space<hbm>>
        tpu.wait_dma2 semaphore(%run_scoped3A : memref<!tpu.dma_semaphore, #tpu.memory_space<semaphore_mem>>) src(%dma_wait3A_107 : memref<40x256xf32, #tpu.memory_space<hbm>>) dst(%arg4 : memref<40x256xf32, #tpu.memory_space<vmem>>)
        tpu.yield
      }) : () -> ()
      %scan3A_36 = arith.constant 0 : i32
      %scan3A_37 = arith.constant 0 : i32
      %scan3A_38 = arith.constant 40 : i32
      %scan3A_39 = arith.addi %scan3A_37, %scan3A_38 : i32
      %scan3A_40 = arith.constant 1 : i32
      scf.for %scan3A_102 = %scan3A_37 to %scan3A_39 step %scan3A_40  : i32 {
        %broadcast_in_dim3A = arith.constant 0 : i32
        %broadcast_in_dim3A_103 = vector.broadcast %broadcast_in_dim3A : i32 to vector<16xi32>
        %add3A_104 = vector.broadcast %scan3A_102 : i32 to vector<16xi32>
        %add3A_105 = arith.addi %broadcast_in_dim3A_103, %add3A_104 : vector<16xi32>
        %iota3A = tpu.iota {dimensions = array<i32: 0>} : vector<16xi32>
        %mul3A_106 = arith.constant 2 : i32
        %mul3A_107 = vector.broadcast %mul3A_106 : i32 to vector<16xi32>
        %mul3A_108 = arith.muli %mul3A_107, %iota3A : vector<16xi32>
        %add3A_109 = arith.constant 0 : i32
        %add3A_110 = vector.broadcast %add3A_109 : i32 to vector<16xi32>
        %add3A_111 = arith.addi %add3A_110, %mul3A_108 : vector<16xi32>
        %gather3A = tpu.vector_load_idx %arg4[%add3A_105, %add3A_111] : memref<40x256xf32, #tpu.memory_space<vmem>>[vector<16xi32>, vector<16xi32>], vector<16xf32>,
        %add3A_112 = arith.constant 1 : i32
        %add3A_113 = vector.broadcast %add3A_112 : i32 to vector<16xi32>
        %add3A_114 = arith.addi %add3A_111, %add3A_113 : vector<16xi32>
        %gather3A_115 = tpu.vector_load_idx %arg4[%add3A_105, %add3A_114] : memref<40x256xf32, #tpu.memory_space<vmem>>[vector<16xi32>, vector<16xi32>], vector<16xf32>,
        %pack3A = tpu.pack_subelements %gather3A, %gather3A_115 {pack_format = #tpu.pack_format<interleaved>, positions = array<i32: 0, 1>} : vector<16xf32>, vector<16xf32> -> vector<32xbf16>
        %bitcast3A = vector.bitcast %pack3A : vector<32xbf16> to vector<16xi32>
        %swap3A = arith.index_cast %scan3A_102 : i32 to index
        %swap3A_116 = arith.constant 0 : index
        %swap3A_117 = tpu.vector_load %arg5[%swap3A, %swap3A_116] {strides = array<i32>} : memref<40x128xi32, #tpu.memory_space<vmem>>, vector<16xi32>,
        tpu.vector_store %arg5[%swap3A, %swap3A_116], %bitcast3A {strides = array<i32>} : memref<40x128xi32, #tpu.memory_space<vmem>>, vector<16xi32>,
        %iota3A_118 = tpu.iota {dimensions = array<i32: 0>} : vector<16xi32>
        %mul3A_119 = arith.constant 2 : i32
        %mul3A_120 = vector.broadcast %mul3A_119 : i32 to vector<16xi32>
        %mul3A_121 = arith.muli %mul3A_120, %iota3A_118 : vector<16xi32>
        %add3A_122 = arith.constant 32 : i32
        %add3A_123 = vector.broadcast %add3A_122 : i32 to vector<16xi32>
        %add3A_124 = arith.addi %add3A_123, %mul3A_121 : vector<16xi32>
        %gather3A_125 = tpu.vector_load_idx %arg4[%add3A_105, %add3A_124] : memref<40x256xf32, #tpu.memory_space<vmem>>[vector<16xi32>, vector<16xi32>], vector<16xf32>,
        %add3A_126 = arith.constant 1 : i32
        %add3A_127 = vector.broadcast %add3A_126 : i32 to vector<16xi32>
        %add3A_128 = arith.addi %add3A_124, %add3A_127 : vector<16xi32>
        %gather3A_129 = tpu.vector_load_idx %arg4[%add3A_105, %add3A_128] : memref<40x256xf32, #tpu.memory_space<vmem>>[vector<16xi32>, vector<16xi32>], vector<16xf32>,
        %pack3A_130 = tpu.pack_subelements %gather3A_125, %gather3A_129 {pack_format = #tpu.pack_format<interleaved>, positions = array<i32: 0, 1>} : vector<16xf32>, vector<16xf32> -> vector<32xbf16>
        %bitcast3A_131 = vector.bitcast %pack3A_130 : vector<32xbf16> to vector<16xi32>
        %swap3A_132 = arith.index_cast %scan3A_102 : i32 to index
        %swap3A_133 = arith.constant 16 : index
        %swap3A_134 = tpu.vector_load %arg5[%swap3A_132, %swap3A_133] {strides = array<i32>} : memref<40x128xi32, #tpu.memory_space<vmem>>, vector<16xi32>,
        tpu.vector_store %arg5[%swap3A_132, %swap3A_133], %bitcast3A_131 {strides = array<i32>} : memref<40x128xi32, #tpu.memory_space<vmem>>, vector<16xi32>,
        %iota3A_135 = tpu.iota {dimensions = array<i32: 0>} : vector<16xi32>
        %mul3A_136 = arith.constant 2 : i32
        %mul3A_137 = vector.broadcast %mul3A_136 : i32 to vector<16xi32>
        %mul3A_138 = arith.muli %mul3A_137, %iota3A_135 : vector<16xi32>
        %add3A_139 = arith.constant 64 : i32
        %add3A_140 = vector.broadcast %add3A_139 : i32 to vector<16xi32>
        %add3A_141 = arith.addi %add3A_140, %mul3A_138 : vector<16xi32>
        %gather3A_142 = tpu.vector_load_idx %arg4[%add3A_105, %add3A_141] : memref<40x256xf32, #tpu.memory_space<vmem>>[vector<16xi32>, vector<16xi32>], vector<16xf32>,
        %add3A_143 = arith.constant 1 : i32
        %add3A_144 = vector.broadcast %add3A_143 : i32 to vector<16xi32>
        %add3A_145 = arith.addi %add3A_141, %add3A_144 : vector<16xi32>
        %gather3A_146 = tpu.vector_load_idx %arg4[%add3A_105, %add3A_145] : memref<40x256xf32, #tpu.memory_space<vmem>>[vector<16xi32>, vector<16xi32>], vector<16xf32>,
        %pack3A_147 = tpu.pack_subelements %gather3A_142, %gather3A_146 {pack_format = #tpu.pack_format<interleaved>, positions = array<i32: 0, 1>} : vector<16xf32>, vector<16xf32> -> vector<32xbf16>
        %bitcast3A_148 = vector.bitcast %pack3A_147 : vector<32xbf16> to vector<16xi32>
        %swap3A_149 = arith.index_cast %scan3A_102 : i32 to index
        %swap3A_150 = arith.constant 32 : index
        %swap3A_151 = tpu.vector_load %arg5[%swap3A_149, %swap3A_150] {strides = array<i32>} : memref<40x128xi32, #tpu.memory_space<vmem>>, vector<16xi32>,
        tpu.vector_store %arg5[%swap3A_149, %swap3A_150], %bitcast3A_148 {strides = array<i32>} : memref<40x128xi32, #tpu.memory_space<vmem>>, vector<16xi32>,
        %iota3A_152 = tpu.iota {dimensions = array<i32: 0>} : vector<16xi32>
        %mul3A_153 = arith.constant 2 : i32
        %mul3A_154 = vector.broadcast %mul3A_153 : i32 to vector<16xi32>
        %mul3A_155 = arith.muli %mul3A_154, %iota3A_152 : vector<16xi32>
        %add3A_156 = arith.constant 96 : i32
        %add3A_157 = vector.broadcast %add3A_156 : i32 to vector<16xi32>
        %add3A_158 = arith.addi %add3A_157, %mul3A_155 : vector<16xi32>
        %gather3A_159 = tpu.vector_load_idx %arg4[%add3A_105, %add3A_158] : memref<40x256xf32, #tpu.memory_space<vmem>>[vector<16xi32>, vector<16xi32>], vector<16xf32>,
        %add3A_160 = arith.constant 1 : i32
        %add3A_161 = vector.broadcast %add3A_160 : i32 to vector<16xi32>
        %add3A_162 = arith.addi %add3A_158, %add3A_161 : vector<16xi32>
        %gather3A_163 = tpu.vector_load_idx %arg4[%add3A_105, %add3A_162] : memref<40x256xf32, #tpu.memory_space<vmem>>[vector<16xi32>, vector<16xi32>], vector<16xf32>,
        %pack3A_164 = tpu.pack_subelements %gather3A_159, %gather3A_163 {pack_format = #tpu.pack_format<interleaved>, positions = array<i32: 0, 1>} : vector<16xf32>, vector<16xf32> -> vector<32xbf16>
        %bitcast3A_165 = vector.bitcast %pack3A_164 : vector<32xbf16> to vector<16xi32>
        %swap3A_166 = arith.index_cast %scan3A_102 : i32 to index
        %swap3A_167 = arith.constant 48 : index
        %swap3A_168 = tpu.vector_load %arg5[%swap3A_166, %swap3A_167] {strides = array<i32>} : memref<40x128xi32, #tpu.memory_space<vmem>>, vector<16xi32>,
        tpu.vector_store %arg5[%swap3A_166, %swap3A_167], %bitcast3A_165 {strides = array<i32>} : memref<40x128xi32, #tpu.memory_space<vmem>>, vector<16xi32>,
        %iota3A_169 = tpu.iota {dimensions = array<i32: 0>} : vector<16xi32>
        %mul3A_170 = arith.constant 2 : i32
        %mul3A_171 = vector.broadcast %mul3A_170 : i32 to vector<16xi32>
        %mul3A_172 = arith.muli %mul3A_171, %iota3A_169 : vector<16xi32>
        %add3A_173 = arith.constant 128 : i32
        %add3A_174 = vector.broadcast %add3A_173 : i32 to vector<16xi32>
        %add3A_175 = arith.addi %add3A_174, %mul3A_172 : vector<16xi32>
        %gather3A_176 = tpu.vector_load_idx %arg4[%add3A_105, %add3A_175] : memref<40x256xf32, #tpu.memory_space<vmem>>[vector<16xi32>, vector<16xi32>], vector<16xf32>,
        %add3A_177 = arith.constant 1 : i32
        %add3A_178 = vector.broadcast %add3A_177 : i32 to vector<16xi32>
        %add3A_179 = arith.addi %add3A_175, %add3A_178 : vector<16xi32>
        %gather3A_180 = tpu.vector_load_idx %arg4[%add3A_105, %add3A_179] : memref<40x256xf32, #tpu.memory_space<vmem>>[vector<16xi32>, vector<16xi32>], vector<16xf32>,
        %pack3A_181 = tpu.pack_subelements %gather3A_176, %gather3A_180 {pack_format = #tpu.pack_format<interleaved>, positions = array<i32: 0, 1>} : vector<16xf32>, vector<16xf32> -> vector<32xbf16>
        %bitcast3A_182 = vector.bitcast %pack3A_181 : vector<32xbf16> to vector<16xi32>
        %swap3A_183 = arith.index_cast %scan3A_102 : i32 to index
        %swap3A_184 = arith.constant 64 : index
        %swap3A_185 = tpu.vector_load %arg5[%swap3A_183, %swap3A_184] {strides = array<i32>} : memref<40x128xi32, #tpu.memory_space<vmem>>, vector<16xi32>,
        tpu.vector_store %arg5[%swap3A_183, %swap3A_184], %bitcast3A_182 {strides = array<i32>} : memref<40x128xi32, #tpu.memory_space<vmem>>, vector<16xi32>,
        %iota3A_186 = tpu.iota {dimensions = array<i32: 0>} : vector<16xi32>
        %mul3A_187 = arith.constant 2 : i32
        %mul3A_188 = vector.broadcast %mul3A_187 : i32 to vector<16xi32>
        %mul3A_189 = arith.muli %mul3A_188, %iota3A_186 : vector<16xi32>
        %add3A_190 = arith.constant 160 : i32
        %add3A_191 = vector.broadcast %add3A_190 : i32 to vector<16xi32>
        %add3A_192 = arith.addi %add3A_191, %mul3A_189 : vector<16xi32>
        %gather3A_193 = tpu.vector_load_idx %arg4[%add3A_105, %add3A_192] : memref<40x256xf32, #tpu.memory_space<vmem>>[vector<16xi32>, vector<16xi32>], vector<16xf32>,
        %add3A_194 = arith.constant 1 : i32
        %add3A_195 = vector.broadcast %add3A_194 : i32 to vector<16xi32>
        %add3A_196 = arith.addi %add3A_192, %add3A_195 : vector<16xi32>
        %gather3A_197 = tpu.vector_load_idx %arg4[%add3A_105, %add3A_196] : memref<40x256xf32, #tpu.memory_space<vmem>>[vector<16xi32>, vector<16xi32>], vector<16xf32>,
        %pack3A_198 = tpu.pack_subelements %gather3A_193, %gather3A_197 {pack_format = #tpu.pack_format<interleaved>, positions = array<i32: 0, 1>} : vector<16xf32>, vector<16xf32> -> vector<32xbf16>
        %bitcast3A_199 = vector.bitcast %pack3A_198 : vector<32xbf16> to vector<16xi32>
        %swap3A_200 = arith.index_cast %scan3A_102 : i32 to index
        %swap3A_201 = arith.constant 80 : index
        %swap3A_202 = tpu.vector_load %arg5[%swap3A_200, %swap3A_201] {strides = array<i32>} : memref<40x128xi32, #tpu.memory_space<vmem>>, vector<16xi32>,
        tpu.vector_store %arg5[%swap3A_200, %swap3A_201], %bitcast3A_199 {strides = array<i32>} : memref<40x128xi32, #tpu.memory_space<vmem>>, vector<16xi32>,
        %iota3A_203 = tpu.iota {dimensions = array<i32: 0>} : vector<16xi32>
        %mul3A_204 = arith.constant 2 : i32
        %mul3A_205 = vector.broadcast %mul3A_204 : i32 to vector<16xi32>
        %mul3A_206 = arith.muli %mul3A_205, %iota3A_203 : vector<16xi32>
        %add3A_207 = arith.constant 192 : i32
        %add3A_208 = vector.broadcast %add3A_207 : i32 to vector<16xi32>
        %add3A_209 = arith.addi %add3A_208, %mul3A_206 : vector<16xi32>
        %gather3A_210 = tpu.vector_load_idx %arg4[%add3A_105, %add3A_209] : memref<40x256xf32, #tpu.memory_space<vmem>>[vector<16xi32>, vector<16xi32>], vector<16xf32>,
        %add3A_211 = arith.constant 1 : i32
        %add3A_212 = vector.broadcast %add3A_211 : i32 to vector<16xi32>
        %add3A_213 = arith.addi %add3A_209, %add3A_212 : vector<16xi32>
        %gather3A_214 = tpu.vector_load_idx %arg4[%add3A_105, %add3A_213] : memref<40x256xf32, #tpu.memory_space<vmem>>[vector<16xi32>, vector<16xi32>], vector<16xf32>,
        %pack3A_215 = tpu.pack_subelements %gather3A_210, %gather3A_214 {pack_format = #tpu.pack_format<interleaved>, positions = array<i32: 0, 1>} : vector<16xf32>, vector<16xf32> -> vector<32xbf16>
        %bitcast3A_216 = vector.bitcast %pack3A_215 : vector<32xbf16> to vector<16xi32>
        %swap3A_217 = arith.index_cast %scan3A_102 : i32 to index
        %swap3A_218 = arith.constant 96 : index
        %swap3A_219 = tpu.vector_load %arg5[%swap3A_217, %swap3A_218] {strides = array<i32>} : memref<40x128xi32, #tpu.memory_space<vmem>>, vector<16xi32>,
        tpu.vector_store %arg5[%swap3A_217, %swap3A_218], %bitcast3A_216 {strides = array<i32>} : memref<40x128xi32, #tpu.memory_space<vmem>>, vector<16xi32>,
        %iota3A_220 = tpu.iota {dimensions = array<i32: 0>} : vector<16xi32>
        %mul3A_221 = arith.constant 2 : i32
        %mul3A_222 = vector.broadcast %mul3A_221 : i32 to vector<16xi32>
        %mul3A_223 = arith.muli %mul3A_222, %iota3A_220 : vector<16xi32>
        %add3A_224 = arith.constant 224 : i32
        %add3A_225 = vector.broadcast %add3A_224 : i32 to vector<16xi32>
        %add3A_226 = arith.addi %add3A_225, %mul3A_223 : vector<16xi32>
        %gather3A_227 = tpu.vector_load_idx %arg4[%add3A_105, %add3A_226] : memref<40x256xf32, #tpu.memory_space<vmem>>[vector<16xi32>, vector<16xi32>], vector<16xf32>,
        %add3A_228 = arith.constant 1 : i32
        %add3A_229 = vector.broadcast %add3A_228 : i32 to vector<16xi32>
        %add3A_230 = arith.addi %add3A_226, %add3A_229 : vector<16xi32>
        %gather3A_231 = tpu.vector_load_idx %arg4[%add3A_105, %add3A_230] : memref<40x256xf32, #tpu.memory_space<vmem>>[vector<16xi32>, vector<16xi32>], vector<16xf32>,
        %pack3A_232 = tpu.pack_subelements %gather3A_227, %gather3A_231 {pack_format = #tpu.pack_format<interleaved>, positions = array<i32: 0, 1>} : vector<16xf32>, vector<16xf32> -> vector<32xbf16>
        %bitcast3A_233 = vector.bitcast %pack3A_232 : vector<32xbf16> to vector<16xi32>
        %swap3A_234 = arith.index_cast %scan3A_102 : i32 to index
        %swap3A_235 = arith.constant 112 : index
        %swap3A_236 = tpu.vector_load %arg5[%swap3A_234, %swap3A_235] {strides = array<i32>} : memref<40x128xi32, #tpu.memory_space<vmem>>, vector<16xi32>,
        tpu.vector_store %arg5[%swap3A_234, %swap3A_235], %bitcast3A_233 {strides = array<i32>} : memref<40x128xi32, #tpu.memory_space<vmem>>, vector<16xi32>,
      }
      %scan3A_41 = arith.constant 40 : i32
      "tpu.region"() ({
        %run_scoped3A = tpu.sem_alloc : memref<!tpu.dma_semaphore, #tpu.memory_space<semaphore_mem>>
        %dma_start3A = arith.constant 0 : i32
        %dma_start3A_102 = tpu.memref_slice %arg3[%add3A_35, %dma_start3A] : memref<10000x128xi32, #tpu.memory_space<hbm>> -> memref<40x128xi32, #tpu.memory_space<hbm>>
        %dma_start3A_103 = arith.constant 0 : i32
        %dma_start3A_104 = tpu.memref_slice %arg3[%add3A_35, %dma_start3A_103] : memref<10000x128xi32, #tpu.memory_space<hbm>> -> memref<40x128xi32, #tpu.memory_space<hbm>>
        tpu.enqueue_dma source(%arg5 : memref<40x128xi32, #tpu.memory_space<vmem>>) target(%dma_start3A_104 : memref<40x128xi32, #tpu.memory_space<hbm>>) target_semaphore(%run_scoped3A : memref<!tpu.dma_semaphore, #tpu.memory_space<semaphore_mem>>)
        %dma_wait3A = arith.constant 0 : i32
        %dma_wait3A_105 = tpu.memref_slice %arg3[%add3A_35, %dma_wait3A] : memref<10000x128xi32, #tpu.memory_space<hbm>> -> memref<40x128xi32, #tpu.memory_space<hbm>>
        %dma_wait3A_106 = arith.constant 0 : i32
        %dma_wait3A_107 = tpu.memref_slice %arg3[%add3A_35, %dma_wait3A_106] : memref<10000x128xi32, #tpu.memory_space<hbm>> -> memref<40x128xi32, #tpu.memory_space<hbm>>
        tpu.wait_dma2 semaphore(%run_scoped3A : memref<!tpu.dma_semaphore, #tpu.memory_space<semaphore_mem>>) src(%arg5 : memref<40x128xi32, #tpu.memory_space<vmem>>) dst(%dma_wait3A_107 : memref<40x128xi32, #tpu.memory_space<hbm>>)
        tpu.yield
      }) : () -> ()
      %mul3A_42 = arith.constant 400 : i32
      %mul3A_43 = arith.muli %add3A, %mul3A_42 : i32
      %add3A_44 = arith.constant 160 : i32
      %add3A_45 = arith.addi %mul3A_43, %add3A_44 : i32
      "tpu.region"() ({
        %run_scoped3A = tpu.sem_alloc : memref<!tpu.dma_semaphore, #tpu.memory_space<semaphore_mem>>
        %dma_start3A = arith.constant 0 : i32
        %dma_start3A_102 = tpu.memref_slice %arg2[%add3A_45, %dma_start3A] : memref<10000x256xf32, #tpu.memory_space<hbm>> -> memref<40x256xf32, #tpu.memory_space<hbm>>
        %dma_start3A_103 = arith.constant 0 : i32
        %dma_start3A_104 = tpu.memref_slice %arg2[%add3A_45, %dma_start3A_103] : memref<10000x256xf32, #tpu.memory_space<hbm>> -> memref<40x256xf32, #tpu.memory_space<hbm>>
        tpu.enqueue_dma source(%dma_start3A_104 : memref<40x256xf32, #tpu.memory_space<hbm>>) target(%arg4 : memref<40x256xf32, #tpu.memory_space<vmem>>) target_semaphore(%run_scoped3A : memref<!tpu.dma_semaphore, #tpu.memory_space<semaphore_mem>>)
        %dma_wait3A = arith.constant 0 : i32
        %dma_wait3A_105 = tpu.memref_slice %arg2[%add3A_45, %dma_wait3A] : memref<10000x256xf32, #tpu.memory_space<hbm>> -> memref<40x256xf32, #tpu.memory_space<hbm>>
        %dma_wait3A_106 = arith.constant 0 : i32
        %dma_wait3A_107 = tpu.memref_slice %arg2[%add3A_45, %dma_wait3A_106] : memref<10000x256xf32, #tpu.memory_space<hbm>> -> memref<40x256xf32, #tpu.memory_space<hbm>>
        tpu.wait_dma2 semaphore(%run_scoped3A : memref<!tpu.dma_semaphore, #tpu.memory_space<semaphore_mem>>) src(%dma_wait3A_107 : memref<40x256xf32, #tpu.memory_space<hbm>>) dst(%arg4 : memref<40x256xf32, #tpu.memory_space<vmem>>)
        tpu.yield
      }) : () -> ()
      %scan3A_46 = arith.constant 0 : i32
      %scan3A_47 = arith.constant 0 : i32
      %scan3A_48 = arith.constant 40 : i32
      %scan3A_49 = arith.addi %scan3A_47, %scan3A_48 : i32
      %scan3A_50 = arith.constant 1 : i32
      scf.for %scan3A_102 = %scan3A_47 to %scan3A_49 step %scan3A_50  : i32 {
        %broadcast_in_dim3A = arith.constant 0 : i32
        %broadcast_in_dim3A_103 = vector.broadcast %broadcast_in_dim3A : i32 to vector<16xi32>
        %add3A_104 = vector.broadcast %scan3A_102 : i32 to vector<16xi32>
        %add3A_105 = arith.addi %broadcast_in_dim3A_103, %add3A_104 : vector<16xi32>
        %iota3A = tpu.iota {dimensions = array<i32: 0>} : vector<16xi32>
        %mul3A_106 = arith.constant 2 : i32
        %mul3A_107 = vector.broadcast %mul3A_106 : i32 to vector<16xi32>
        %mul3A_108 = arith.muli %mul3A_107, %iota3A : vector<16xi32>
        %add3A_109 = arith.constant 0 : i32
        %add3A_110 = vector.broadcast %add3A_109 : i32 to vector<16xi32>
        %add3A_111 = arith.addi %add3A_110, %mul3A_108 : vector<16xi32>
        %gather3A = tpu.vector_load_idx %arg4[%add3A_105, %add3A_111] : memref<40x256xf32, #tpu.memory_space<vmem>>[vector<16xi32>, vector<16xi32>], vector<16xf32>,
        %add3A_112 = arith.constant 1 : i32
        %add3A_113 = vector.broadcast %add3A_112 : i32 to vector<16xi32>
        %add3A_114 = arith.addi %add3A_111, %add3A_113 : vector<16xi32>
        %gather3A_115 = tpu.vector_load_idx %arg4[%add3A_105, %add3A_114] : memref<40x256xf32, #tpu.memory_space<vmem>>[vector<16xi32>, vector<16xi32>], vector<16xf32>,
        %pack3A = tpu.pack_subelements %gather3A, %gather3A_115 {pack_format = #tpu.pack_format<interleaved>, positions = array<i32: 0, 1>} : vector<16xf32>, vector<16xf32> -> vector<32xbf16>
        %bitcast3A = vector.bitcast %pack3A : vector<32xbf16> to vector<16xi32>
        %swap3A = arith.index_cast %scan3A_102 : i32 to index
        %swap3A_116 = arith.constant 0 : index
        %swap3A_117 = tpu.vector_load %arg5[%swap3A, %swap3A_116] {strides = array<i32>} : memref<40x128xi32, #tpu.memory_space<vmem>>, vector<16xi32>,
        tpu.vector_store %arg5[%swap3A, %swap3A_116], %bitcast3A {strides = array<i32>} : memref<40x128xi32, #tpu.memory_space<vmem>>, vector<16xi32>,
        %iota3A_118 = tpu.iota {dimensions = array<i32: 0>} : vector<16xi32>
        %mul3A_119 = arith.constant 2 : i32
        %mul3A_120 = vector.broadcast %mul3A_119 : i32 to vector<16xi32>
        %mul3A_121 = arith.muli %mul3A_120, %iota3A_118 : vector<16xi32>
        %add3A_122 = arith.constant 32 : i32
        %add3A_123 = vector.broadcast %add3A_122 : i32 to vector<16xi32>
        %add3A_124 = arith.addi %add3A_123, %mul3A_121 : vector<16xi32>
        %gather3A_125 = tpu.vector_load_idx %arg4[%add3A_105, %add3A_124] : memref<40x256xf32, #tpu.memory_space<vmem>>[vector<16xi32>, vector<16xi32>], vector<16xf32>,
        %add3A_126 = arith.constant 1 : i32
        %add3A_127 = vector.broadcast %add3A_126 : i32 to vector<16xi32>
        %add3A_128 = arith.addi %add3A_124, %add3A_127 : vector<16xi32>
        %gather3A_129 = tpu.vector_load_idx %arg4[%add3A_105, %add3A_128] : memref<40x256xf32, #tpu.memory_space<vmem>>[vector<16xi32>, vector<16xi32>], vector<16xf32>,
        %pack3A_130 = tpu.pack_subelements %gather3A_125, %gather3A_129 {pack_format = #tpu.pack_format<interleaved>, positions = array<i32: 0, 1>} : vector<16xf32>, vector<16xf32> -> vector<32xbf16>
        %bitcast3A_131 = vector.bitcast %pack3A_130 : vector<32xbf16> to vector<16xi32>
        %swap3A_132 = arith.index_cast %scan3A_102 : i32 to index
        %swap3A_133 = arith.constant 16 : index
        %swap3A_134 = tpu.vector_load %arg5[%swap3A_132, %swap3A_133] {strides = array<i32>} : memref<40x128xi32, #tpu.memory_space<vmem>>, vector<16xi32>,
        tpu.vector_store %arg5[%swap3A_132, %swap3A_133], %bitcast3A_131 {strides = array<i32>} : memref<40x128xi32, #tpu.memory_space<vmem>>, vector<16xi32>,
        %iota3A_135 = tpu.iota {dimensions = array<i32: 0>} : vector<16xi32>
        %mul3A_136 = arith.constant 2 : i32
        %mul3A_137 = vector.broadcast %mul3A_136 : i32 to vector<16xi32>
        %mul3A_138 = arith.muli %mul3A_137, %iota3A_135 : vector<16xi32>
        %add3A_139 = arith.constant 64 : i32
        %add3A_140 = vector.broadcast %add3A_139 : i32 to vector<16xi32>
        %add3A_141 = arith.addi %add3A_140, %mul3A_138 : vector<16xi32>
        %gather3A_142 = tpu.vector_load_idx %arg4[%add3A_105, %add3A_141] : memref<40x256xf32, #tpu.memory_space<vmem>>[vector<16xi32>, vector<16xi32>], vector<16xf32>,
        %add3A_143 = arith.constant 1 : i32
        %add3A_144 = vector.broadcast %add3A_143 : i32 to vector<16xi32>
        %add3A_145 = arith.addi %add3A_141, %add3A_144 : vector<16xi32>
        %gather3A_146 = tpu.vector_load_idx %arg4[%add3A_105, %add3A_145] : memref<40x256xf32, #tpu.memory_space<vmem>>[vector<16xi32>, vector<16xi32>], vector<16xf32>,
        %pack3A_147 = tpu.pack_subelements %gather3A_142, %gather3A_146 {pack_format = #tpu.pack_format<interleaved>, positions = array<i32: 0, 1>} : vector<16xf32>, vector<16xf32> -> vector<32xbf16>
        %bitcast3A_148 = vector.bitcast %pack3A_147 : vector<32xbf16> to vector<16xi32>
        %swap3A_149 = arith.index_cast %scan3A_102 : i32 to index
        %swap3A_150 = arith.constant 32 : index
        %swap3A_151 = tpu.vector_load %arg5[%swap3A_149, %swap3A_150] {strides = array<i32>} : memref<40x128xi32, #tpu.memory_space<vmem>>, vector<16xi32>,
        tpu.vector_store %arg5[%swap3A_149, %swap3A_150], %bitcast3A_148 {strides = array<i32>} : memref<40x128xi32, #tpu.memory_space<vmem>>, vector<16xi32>,
        %iota3A_152 = tpu.iota {dimensions = array<i32: 0>} : vector<16xi32>
        %mul3A_153 = arith.constant 2 : i32
        %mul3A_154 = vector.broadcast %mul3A_153 : i32 to vector<16xi32>
        %mul3A_155 = arith.muli %mul3A_154, %iota3A_152 : vector<16xi32>
        %add3A_156 = arith.constant 96 : i32
        %add3A_157 = vector.broadcast %add3A_156 : i32 to vector<16xi32>
        %add3A_158 = arith.addi %add3A_157, %mul3A_155 : vector<16xi32>
        %gather3A_159 = tpu.vector_load_idx %arg4[%add3A_105, %add3A_158] : memref<40x256xf32, #tpu.memory_space<vmem>>[vector<16xi32>, vector<16xi32>], vector<16xf32>,
        %add3A_160 = arith.constant 1 : i32
        %add3A_161 = vector.broadcast %add3A_160 : i32 to vector<16xi32>
        %add3A_162 = arith.addi %add3A_158, %add3A_161 : vector<16xi32>
        %gather3A_163 = tpu.vector_load_idx %arg4[%add3A_105, %add3A_162] : memref<40x256xf32, #tpu.memory_space<vmem>>[vector<16xi32>, vector<16xi32>], vector<16xf32>,
        %pack3A_164 = tpu.pack_subelements %gather3A_159, %gather3A_163 {pack_format = #tpu.pack_format<interleaved>, positions = array<i32: 0, 1>} : vector<16xf32>, vector<16xf32> -> vector<32xbf16>
        %bitcast3A_165 = vector.bitcast %pack3A_164 : vector<32xbf16> to vector<16xi32>
        %swap3A_166 = arith.index_cast %scan3A_102 : i32 to index
        %swap3A_167 = arith.constant 48 : index
        %swap3A_168 = tpu.vector_load %arg5[%swap3A_166, %swap3A_167] {strides = array<i32>} : memref<40x128xi32, #tpu.memory_space<vmem>>, vector<16xi32>,
        tpu.vector_store %arg5[%swap3A_166, %swap3A_167], %bitcast3A_165 {strides = array<i32>} : memref<40x128xi32, #tpu.memory_space<vmem>>, vector<16xi32>,
        %iota3A_169 = tpu.iota {dimensions = array<i32: 0>} : vector<16xi32>
        %mul3A_170 = arith.constant 2 : i32
        %mul3A_171 = vector.broadcast %mul3A_170 : i32 to vector<16xi32>
        %mul3A_172 = arith.muli %mul3A_171, %iota3A_169 : vector<16xi32>
        %add3A_173 = arith.constant 128 : i32
        %add3A_174 = vector.broadcast %add3A_173 : i32 to vector<16xi32>
        %add3A_175 = arith.addi %add3A_174, %mul3A_172 : vector<16xi32>
        %gather3A_176 = tpu.vector_load_idx %arg4[%add3A_105, %add3A_175] : memref<40x256xf32, #tpu.memory_space<vmem>>[vector<16xi32>, vector<16xi32>], vector<16xf32>,
        %add3A_177 = arith.constant 1 : i32
        %add3A_178 = vector.broadcast %add3A_177 : i32 to vector<16xi32>
        %add3A_179 = arith.addi %add3A_175, %add3A_178 : vector<16xi32>
        %gather3A_180 = tpu.vector_load_idx %arg4[%add3A_105, %add3A_179] : memref<40x256xf32, #tpu.memory_space<vmem>>[vector<16xi32>, vector<16xi32>], vector<16xf32>,
        %pack3A_181 = tpu.pack_subelements %gather3A_176, %gather3A_180 {pack_format = #tpu.pack_format<interleaved>, positions = array<i32: 0, 1>} : vector<16xf32>, vector<16xf32> -> vector<32xbf16>
        %bitcast3A_182 = vector.bitcast %pack3A_181 : vector<32xbf16> to vector<16xi32>
        %swap3A_183 = arith.index_cast %scan3A_102 : i32 to index
        %swap3A_184 = arith.constant 64 : index
        %swap3A_185 = tpu.vector_load %arg5[%swap3A_183, %swap3A_184] {strides = array<i32>} : memref<40x128xi32, #tpu.memory_space<vmem>>, vector<16xi32>,
        tpu.vector_store %arg5[%swap3A_183, %swap3A_184], %bitcast3A_182 {strides = array<i32>} : memref<40x128xi32, #tpu.memory_space<vmem>>, vector<16xi32>,
        %iota3A_186 = tpu.iota {dimensions = array<i32: 0>} : vector<16xi32>
        %mul3A_187 = arith.constant 2 : i32
        %mul3A_188 = vector.broadcast %mul3A_187 : i32 to vector<16xi32>
        %mul3A_189 = arith.muli %mul3A_188, %iota3A_186 : vector<16xi32>
        %add3A_190 = arith.constant 160 : i32
        %add3A_191 = vector.broadcast %add3A_190 : i32 to vector<16xi32>
        %add3A_192 = arith.addi %add3A_191, %mul3A_189 : vector<16xi32>
        %gather3A_193 = tpu.vector_load_idx %arg4[%add3A_105, %add3A_192] : memref<40x256xf32, #tpu.memory_space<vmem>>[vector<16xi32>, vector<16xi32>], vector<16xf32>,
        %add3A_194 = arith.constant 1 : i32
        %add3A_195 = vector.broadcast %add3A_194 : i32 to vector<16xi32>
        %add3A_196 = arith.addi %add3A_192, %add3A_195 : vector<16xi32>
        %gather3A_197 = tpu.vector_load_idx %arg4[%add3A_105, %add3A_196] : memref<40x256xf32, #tpu.memory_space<vmem>>[vector<16xi32>, vector<16xi32>], vector<16xf32>,
        %pack3A_198 = tpu.pack_subelements %gather3A_193, %gather3A_197 {pack_format = #tpu.pack_format<interleaved>, positions = array<i32: 0, 1>} : vector<16xf32>, vector<16xf32> -> vector<32xbf16>
        %bitcast3A_199 = vector.bitcast %pack3A_198 : vector<32xbf16> to vector<16xi32>
        %swap3A_200 = arith.index_cast %scan3A_102 : i32 to index
        %swap3A_201 = arith.constant 80 : index
        %swap3A_202 = tpu.vector_load %arg5[%swap3A_200, %swap3A_201] {strides = array<i32>} : memref<40x128xi32, #tpu.memory_space<vmem>>, vector<16xi32>,
        tpu.vector_store %arg5[%swap3A_200, %swap3A_201], %bitcast3A_199 {strides = array<i32>} : memref<40x128xi32, #tpu.memory_space<vmem>>, vector<16xi32>,
        %iota3A_203 = tpu.iota {dimensions = array<i32: 0>} : vector<16xi32>
        %mul3A_204 = arith.constant 2 : i32
        %mul3A_205 = vector.broadcast %mul3A_204 : i32 to vector<16xi32>
        %mul3A_206 = arith.muli %mul3A_205, %iota3A_203 : vector<16xi32>
        %add3A_207 = arith.constant 192 : i32
        %add3A_208 = vector.broadcast %add3A_207 : i32 to vector<16xi32>
        %add3A_209 = arith.addi %add3A_208, %mul3A_206 : vector<16xi32>
        %gather3A_210 = tpu.vector_load_idx %arg4[%add3A_105, %add3A_209] : memref<40x256xf32, #tpu.memory_space<vmem>>[vector<16xi32>, vector<16xi32>], vector<16xf32>,
        %add3A_211 = arith.constant 1 : i32
        %add3A_212 = vector.broadcast %add3A_211 : i32 to vector<16xi32>
        %add3A_213 = arith.addi %add3A_209, %add3A_212 : vector<16xi32>
        %gather3A_214 = tpu.vector_load_idx %arg4[%add3A_105, %add3A_213] : memref<40x256xf32, #tpu.memory_space<vmem>>[vector<16xi32>, vector<16xi32>], vector<16xf32>,
        %pack3A_215 = tpu.pack_subelements %gather3A_210, %gather3A_214 {pack_format = #tpu.pack_format<interleaved>, positions = array<i32: 0, 1>} : vector<16xf32>, vector<16xf32> -> vector<32xbf16>
        %bitcast3A_216 = vector.bitcast %pack3A_215 : vector<32xbf16> to vector<16xi32>
        %swap3A_217 = arith.index_cast %scan3A_102 : i32 to index
        %swap3A_218 = arith.constant 96 : index
        %swap3A_219 = tpu.vector_load %arg5[%swap3A_217, %swap3A_218] {strides = array<i32>} : memref<40x128xi32, #tpu.memory_space<vmem>>, vector<16xi32>,
        tpu.vector_store %arg5[%swap3A_217, %swap3A_218], %bitcast3A_216 {strides = array<i32>} : memref<40x128xi32, #tpu.memory_space<vmem>>, vector<16xi32>,
        %iota3A_220 = tpu.iota {dimensions = array<i32: 0>} : vector<16xi32>
        %mul3A_221 = arith.constant 2 : i32
        %mul3A_222 = vector.broadcast %mul3A_221 : i32 to vector<16xi32>
        %mul3A_223 = arith.muli %mul3A_222, %iota3A_220 : vector<16xi32>
        %add3A_224 = arith.constant 224 : i32
        %add3A_225 = vector.broadcast %add3A_224 : i32 to vector<16xi32>
        %add3A_226 = arith.addi %add3A_225, %mul3A_223 : vector<16xi32>
        %gather3A_227 = tpu.vector_load_idx %arg4[%add3A_105, %add3A_226] : memref<40x256xf32, #tpu.memory_space<vmem>>[vector<16xi32>, vector<16xi32>], vector<16xf32>,
        %add3A_228 = arith.constant 1 : i32
        %add3A_229 = vector.broadcast %add3A_228 : i32 to vector<16xi32>
        %add3A_230 = arith.addi %add3A_226, %add3A_229 : vector<16xi32>
        %gather3A_231 = tpu.vector_load_idx %arg4[%add3A_105, %add3A_230] : memref<40x256xf32, #tpu.memory_space<vmem>>[vector<16xi32>, vector<16xi32>], vector<16xf32>,
        %pack3A_232 = tpu.pack_subelements %gather3A_227, %gather3A_231 {pack_format = #tpu.pack_format<interleaved>, positions = array<i32: 0, 1>} : vector<16xf32>, vector<16xf32> -> vector<32xbf16>
        %bitcast3A_233 = vector.bitcast %pack3A_232 : vector<32xbf16> to vector<16xi32>
        %swap3A_234 = arith.index_cast %scan3A_102 : i32 to index
        %swap3A_235 = arith.constant 112 : index
        %swap3A_236 = tpu.vector_load %arg5[%swap3A_234, %swap3A_235] {strides = array<i32>} : memref<40x128xi32, #tpu.memory_space<vmem>>, vector<16xi32>,
        tpu.vector_store %arg5[%swap3A_234, %swap3A_235], %bitcast3A_233 {strides = array<i32>} : memref<40x128xi32, #tpu.memory_space<vmem>>, vector<16xi32>,
      }
      %scan3A_51 = arith.constant 40 : i32
      "tpu.region"() ({
        %run_scoped3A = tpu.sem_alloc : memref<!tpu.dma_semaphore, #tpu.memory_space<semaphore_mem>>
        %dma_start3A = arith.constant 0 : i32
        %dma_start3A_102 = tpu.memref_slice %arg3[%add3A_45, %dma_start3A] : memref<10000x128xi32, #tpu.memory_space<hbm>> -> memref<40x128xi32, #tpu.memory_space<hbm>>
        %dma_start3A_103 = arith.constant 0 : i32
        %dma_start3A_104 = tpu.memref_slice %arg3[%add3A_45, %dma_start3A_103] : memref<10000x128xi32, #tpu.memory_space<hbm>> -> memref<40x128xi32, #tpu.memory_space<hbm>>
        tpu.enqueue_dma source(%arg5 : memref<40x128xi32, #tpu.memory_space<vmem>>) target(%dma_start3A_104 : memref<40x128xi32, #tpu.memory_space<hbm>>) target_semaphore(%run_scoped3A : memref<!tpu.dma_semaphore, #tpu.memory_space<semaphore_mem>>)
        %dma_wait3A = arith.constant 0 : i32
        %dma_wait3A_105 = tpu.memref_slice %arg3[%add3A_45, %dma_wait3A] : memref<10000x128xi32, #tpu.memory_space<hbm>> -> memref<40x128xi32, #tpu.memory_space<hbm>>
        %dma_wait3A_106 = arith.constant 0 : i32
        %dma_wait3A_107 = tpu.memref_slice %arg3[%add3A_45, %dma_wait3A_106] : memref<10000x128xi32, #tpu.memory_space<hbm>> -> memref<40x128xi32, #tpu.memory_space<hbm>>
        tpu.wait_dma2 semaphore(%run_scoped3A : memref<!tpu.dma_semaphore, #tpu.memory_space<semaphore_mem>>) src(%arg5 : memref<40x128xi32, #tpu.memory_space<vmem>>) dst(%dma_wait3A_107 : memref<40x128xi32, #tpu.memory_space<hbm>>)
        tpu.yield
      }) : () -> ()
      %mul3A_52 = arith.constant 400 : i32
      %mul3A_53 = arith.muli %add3A, %mul3A_52 : i32
      %add3A_54 = arith.constant 200 : i32
      %add3A_55 = arith.addi %mul3A_53, %add3A_54 : i32
      "tpu.region"() ({
        %run_scoped3A = tpu.sem_alloc : memref<!tpu.dma_semaphore, #tpu.memory_space<semaphore_mem>>
        %dma_start3A = arith.constant 0 : i32
        %dma_start3A_102 = tpu.memref_slice %arg2[%add3A_55, %dma_start3A] : memref<10000x256xf32, #tpu.memory_space<hbm>> -> memref<40x256xf32, #tpu.memory_space<hbm>>
        %dma_start3A_103 = arith.constant 0 : i32
        %dma_start3A_104 = tpu.memref_slice %arg2[%add3A_55, %dma_start3A_103] : memref<10000x256xf32, #tpu.memory_space<hbm>> -> memref<40x256xf32, #tpu.memory_space<hbm>>
        tpu.enqueue_dma source(%dma_start3A_104 : memref<40x256xf32, #tpu.memory_space<hbm>>) target(%arg4 : memref<40x256xf32, #tpu.memory_space<vmem>>) target_semaphore(%run_scoped3A : memref<!tpu.dma_semaphore, #tpu.memory_space<semaphore_mem>>)
        %dma_wait3A = arith.constant 0 : i32
        %dma_wait3A_105 = tpu.memref_slice %arg2[%add3A_55, %dma_wait3A] : memref<10000x256xf32, #tpu.memory_space<hbm>> -> memref<40x256xf32, #tpu.memory_space<hbm>>
        %dma_wait3A_106 = arith.constant 0 : i32
        %dma_wait3A_107 = tpu.memref_slice %arg2[%add3A_55, %dma_wait3A_106] : memref<10000x256xf32, #tpu.memory_space<hbm>> -> memref<40x256xf32, #tpu.memory_space<hbm>>
        tpu.wait_dma2 semaphore(%run_scoped3A : memref<!tpu.dma_semaphore, #tpu.memory_space<semaphore_mem>>) src(%dma_wait3A_107 : memref<40x256xf32, #tpu.memory_space<hbm>>) dst(%arg4 : memref<40x256xf32, #tpu.memory_space<vmem>>)
        tpu.yield
      }) : () -> ()
      %scan3A_56 = arith.constant 0 : i32
      %scan3A_57 = arith.constant 0 : i32
      %scan3A_58 = arith.constant 40 : i32
      %scan3A_59 = arith.addi %scan3A_57, %scan3A_58 : i32
      %scan3A_60 = arith.constant 1 : i32
      scf.for %scan3A_102 = %scan3A_57 to %scan3A_59 step %scan3A_60  : i32 {
        %broadcast_in_dim3A = arith.constant 0 : i32
        %broadcast_in_dim3A_103 = vector.broadcast %broadcast_in_dim3A : i32 to vector<16xi32>
        %add3A_104 = vector.broadcast %scan3A_102 : i32 to vector<16xi32>
        %add3A_105 = arith.addi %broadcast_in_dim3A_103, %add3A_104 : vector<16xi32>
        %iota3A = tpu.iota {dimensions = array<i32: 0>} : vector<16xi32>
        %mul3A_106 = arith.constant 2 : i32
        %mul3A_107 = vector.broadcast %mul3A_106 : i32 to vector<16xi32>
        %mul3A_108 = arith.muli %mul3A_107, %iota3A : vector<16xi32>
        %add3A_109 = arith.constant 0 : i32
        %add3A_110 = vector.broadcast %add3A_109 : i32 to vector<16xi32>
        %add3A_111 = arith.addi %add3A_110, %mul3A_108 : vector<16xi32>
        %gather3A = tpu.vector_load_idx %arg4[%add3A_105, %add3A_111] : memref<40x256xf32, #tpu.memory_space<vmem>>[vector<16xi32>, vector<16xi32>], vector<16xf32>,
        %add3A_112 = arith.constant 1 : i32
        %add3A_113 = vector.broadcast %add3A_112 : i32 to vector<16xi32>
        %add3A_114 = arith.addi %add3A_111, %add3A_113 : vector<16xi32>
        %gather3A_115 = tpu.vector_load_idx %arg4[%add3A_105, %add3A_114] : memref<40x256xf32, #tpu.memory_space<vmem>>[vector<16xi32>, vector<16xi32>], vector<16xf32>,
        %pack3A = tpu.pack_subelements %gather3A, %gather3A_115 {pack_format = #tpu.pack_format<interleaved>, positions = array<i32: 0, 1>} : vector<16xf32>, vector<16xf32> -> vector<32xbf16>
        %bitcast3A = vector.bitcast %pack3A : vector<32xbf16> to vector<16xi32>
        %swap3A = arith.index_cast %scan3A_102 : i32 to index
        %swap3A_116 = arith.constant 0 : index
        %swap3A_117 = tpu.vector_load %arg5[%swap3A, %swap3A_116] {strides = array<i32>} : memref<40x128xi32, #tpu.memory_space<vmem>>, vector<16xi32>,
        tpu.vector_store %arg5[%swap3A, %swap3A_116], %bitcast3A {strides = array<i32>} : memref<40x128xi32, #tpu.memory_space<vmem>>, vector<16xi32>,
        %iota3A_118 = tpu.iota {dimensions = array<i32: 0>} : vector<16xi32>
        %mul3A_119 = arith.constant 2 : i32
        %mul3A_120 = vector.broadcast %mul3A_119 : i32 to vector<16xi32>
        %mul3A_121 = arith.muli %mul3A_120, %iota3A_118 : vector<16xi32>
        %add3A_122 = arith.constant 32 : i32
        %add3A_123 = vector.broadcast %add3A_122 : i32 to vector<16xi32>
        %add3A_124 = arith.addi %add3A_123, %mul3A_121 : vector<16xi32>
        %gather3A_125 = tpu.vector_load_idx %arg4[%add3A_105, %add3A_124] : memref<40x256xf32, #tpu.memory_space<vmem>>[vector<16xi32>, vector<16xi32>], vector<16xf32>,
        %add3A_126 = arith.constant 1 : i32
        %add3A_127 = vector.broadcast %add3A_126 : i32 to vector<16xi32>
        %add3A_128 = arith.addi %add3A_124, %add3A_127 : vector<16xi32>
        %gather3A_129 = tpu.vector_load_idx %arg4[%add3A_105, %add3A_128] : memref<40x256xf32, #tpu.memory_space<vmem>>[vector<16xi32>, vector<16xi32>], vector<16xf32>,
        %pack3A_130 = tpu.pack_subelements %gather3A_125, %gather3A_129 {pack_format = #tpu.pack_format<interleaved>, positions = array<i32: 0, 1>} : vector<16xf32>, vector<16xf32> -> vector<32xbf16>
        %bitcast3A_131 = vector.bitcast %pack3A_130 : vector<32xbf16> to vector<16xi32>
        %swap3A_132 = arith.index_cast %scan3A_102 : i32 to index
        %swap3A_133 = arith.constant 16 : index
        %swap3A_134 = tpu.vector_load %arg5[%swap3A_132, %swap3A_133] {strides = array<i32>} : memref<40x128xi32, #tpu.memory_space<vmem>>, vector<16xi32>,
        tpu.vector_store %arg5[%swap3A_132, %swap3A_133], %bitcast3A_131 {strides = array<i32>} : memref<40x128xi32, #tpu.memory_space<vmem>>, vector<16xi32>,
        %iota3A_135 = tpu.iota {dimensions = array<i32: 0>} : vector<16xi32>
        %mul3A_136 = arith.constant 2 : i32
        %mul3A_137 = vector.broadcast %mul3A_136 : i32 to vector<16xi32>
        %mul3A_138 = arith.muli %mul3A_137, %iota3A_135 : vector<16xi32>
        %add3A_139 = arith.constant 64 : i32
        %add3A_140 = vector.broadcast %add3A_139 : i32 to vector<16xi32>
        %add3A_141 = arith.addi %add3A_140, %mul3A_138 : vector<16xi32>
        %gather3A_142 = tpu.vector_load_idx %arg4[%add3A_105, %add3A_141] : memref<40x256xf32, #tpu.memory_space<vmem>>[vector<16xi32>, vector<16xi32>], vector<16xf32>,
        %add3A_143 = arith.constant 1 : i32
        %add3A_144 = vector.broadcast %add3A_143 : i32 to vector<16xi32>
        %add3A_145 = arith.addi %add3A_141, %add3A_144 : vector<16xi32>
        %gather3A_146 = tpu.vector_load_idx %arg4[%add3A_105, %add3A_145] : memref<40x256xf32, #tpu.memory_space<vmem>>[vector<16xi32>, vector<16xi32>], vector<16xf32>,
        %pack3A_147 = tpu.pack_subelements %gather3A_142, %gather3A_146 {pack_format = #tpu.pack_format<interleaved>, positions = array<i32: 0, 1>} : vector<16xf32>, vector<16xf32> -> vector<32xbf16>
        %bitcast3A_148 = vector.bitcast %pack3A_147 : vector<32xbf16> to vector<16xi32>
        %swap3A_149 = arith.index_cast %scan3A_102 : i32 to index
        %swap3A_150 = arith.constant 32 : index
        %swap3A_151 = tpu.vector_load %arg5[%swap3A_149, %swap3A_150] {strides = array<i32>} : memref<40x128xi32, #tpu.memory_space<vmem>>, vector<16xi32>,
        tpu.vector_store %arg5[%swap3A_149, %swap3A_150], %bitcast3A_148 {strides = array<i32>} : memref<40x128xi32, #tpu.memory_space<vmem>>, vector<16xi32>,
        %iota3A_152 = tpu.iota {dimensions = array<i32: 0>} : vector<16xi32>
        %mul3A_153 = arith.constant 2 : i32
        %mul3A_154 = vector.broadcast %mul3A_153 : i32 to vector<16xi32>
        %mul3A_155 = arith.muli %mul3A_154, %iota3A_152 : vector<16xi32>
        %add3A_156 = arith.constant 96 : i32
        %add3A_157 = vector.broadcast %add3A_156 : i32 to vector<16xi32>
        %add3A_158 = arith.addi %add3A_157, %mul3A_155 : vector<16xi32>
        %gather3A_159 = tpu.vector_load_idx %arg4[%add3A_105, %add3A_158] : memref<40x256xf32, #tpu.memory_space<vmem>>[vector<16xi32>, vector<16xi32>], vector<16xf32>,
        %add3A_160 = arith.constant 1 : i32
        %add3A_161 = vector.broadcast %add3A_160 : i32 to vector<16xi32>
        %add3A_162 = arith.addi %add3A_158, %add3A_161 : vector<16xi32>
        %gather3A_163 = tpu.vector_load_idx %arg4[%add3A_105, %add3A_162] : memref<40x256xf32, #tpu.memory_space<vmem>>[vector<16xi32>, vector<16xi32>], vector<16xf32>,
        %pack3A_164 = tpu.pack_subelements %gather3A_159, %gather3A_163 {pack_format = #tpu.pack_format<interleaved>, positions = array<i32: 0, 1>} : vector<16xf32>, vector<16xf32> -> vector<32xbf16>
        %bitcast3A_165 = vector.bitcast %pack3A_164 : vector<32xbf16> to vector<16xi32>
        %swap3A_166 = arith.index_cast %scan3A_102 : i32 to index
        %swap3A_167 = arith.constant 48 : index
        %swap3A_168 = tpu.vector_load %arg5[%swap3A_166, %swap3A_167] {strides = array<i32>} : memref<40x128xi32, #tpu.memory_space<vmem>>, vector<16xi32>,
        tpu.vector_store %arg5[%swap3A_166, %swap3A_167], %bitcast3A_165 {strides = array<i32>} : memref<40x128xi32, #tpu.memory_space<vmem>>, vector<16xi32>,
        %iota3A_169 = tpu.iota {dimensions = array<i32: 0>} : vector<16xi32>
        %mul3A_170 = arith.constant 2 : i32
        %mul3A_171 = vector.broadcast %mul3A_170 : i32 to vector<16xi32>
        %mul3A_172 = arith.muli %mul3A_171, %iota3A_169 : vector<16xi32>
        %add3A_173 = arith.constant 128 : i32
        %add3A_174 = vector.broadcast %add3A_173 : i32 to vector<16xi32>
        %add3A_175 = arith.addi %add3A_174, %mul3A_172 : vector<16xi32>
        %gather3A_176 = tpu.vector_load_idx %arg4[%add3A_105, %add3A_175] : memref<40x256xf32, #tpu.memory_space<vmem>>[vector<16xi32>, vector<16xi32>], vector<16xf32>,
        %add3A_177 = arith.constant 1 : i32
        %add3A_178 = vector.broadcast %add3A_177 : i32 to vector<16xi32>
        %add3A_179 = arith.addi %add3A_175, %add3A_178 : vector<16xi32>
        %gather3A_180 = tpu.vector_load_idx %arg4[%add3A_105, %add3A_179] : memref<40x256xf32, #tpu.memory_space<vmem>>[vector<16xi32>, vector<16xi32>], vector<16xf32>,
        %pack3A_181 = tpu.pack_subelements %gather3A_176, %gather3A_180 {pack_format = #tpu.pack_format<interleaved>, positions = array<i32: 0, 1>} : vector<16xf32>, vector<16xf32> -> vector<32xbf16>
        %bitcast3A_182 = vector.bitcast %pack3A_181 : vector<32xbf16> to vector<16xi32>
        %swap3A_183 = arith.index_cast %scan3A_102 : i32 to index
        %swap3A_184 = arith.constant 64 : index
        %swap3A_185 = tpu.vector_load %arg5[%swap3A_183, %swap3A_184] {strides = array<i32>} : memref<40x128xi32, #tpu.memory_space<vmem>>, vector<16xi32>,
        tpu.vector_store %arg5[%swap3A_183, %swap3A_184], %bitcast3A_182 {strides = array<i32>} : memref<40x128xi32, #tpu.memory_space<vmem>>, vector<16xi32>,
        %iota3A_186 = tpu.iota {dimensions = array<i32: 0>} : vector<16xi32>
        %mul3A_187 = arith.constant 2 : i32
        %mul3A_188 = vector.broadcast %mul3A_187 : i32 to vector<16xi32>
        %mul3A_189 = arith.muli %mul3A_188, %iota3A_186 : vector<16xi32>
        %add3A_190 = arith.constant 160 : i32
        %add3A_191 = vector.broadcast %add3A_190 : i32 to vector<16xi32>
        %add3A_192 = arith.addi %add3A_191, %mul3A_189 : vector<16xi32>
        %gather3A_193 = tpu.vector_load_idx %arg4[%add3A_105, %add3A_192] : memref<40x256xf32, #tpu.memory_space<vmem>>[vector<16xi32>, vector<16xi32>], vector<16xf32>,
        %add3A_194 = arith.constant 1 : i32
        %add3A_195 = vector.broadcast %add3A_194 : i32 to vector<16xi32>
        %add3A_196 = arith.addi %add3A_192, %add3A_195 : vector<16xi32>
        %gather3A_197 = tpu.vector_load_idx %arg4[%add3A_105, %add3A_196] : memref<40x256xf32, #tpu.memory_space<vmem>>[vector<16xi32>, vector<16xi32>], vector<16xf32>,
        %pack3A_198 = tpu.pack_subelements %gather3A_193, %gather3A_197 {pack_format = #tpu.pack_format<interleaved>, positions = array<i32: 0, 1>} : vector<16xf32>, vector<16xf32> -> vector<32xbf16>
        %bitcast3A_199 = vector.bitcast %pack3A_198 : vector<32xbf16> to vector<16xi32>
        %swap3A_200 = arith.index_cast %scan3A_102 : i32 to index
        %swap3A_201 = arith.constant 80 : index
        %swap3A_202 = tpu.vector_load %arg5[%swap3A_200, %swap3A_201] {strides = array<i32>} : memref<40x128xi32, #tpu.memory_space<vmem>>, vector<16xi32>,
        tpu.vector_store %arg5[%swap3A_200, %swap3A_201], %bitcast3A_199 {strides = array<i32>} : memref<40x128xi32, #tpu.memory_space<vmem>>, vector<16xi32>,
        %iota3A_203 = tpu.iota {dimensions = array<i32: 0>} : vector<16xi32>
        %mul3A_204 = arith.constant 2 : i32
        %mul3A_205 = vector.broadcast %mul3A_204 : i32 to vector<16xi32>
        %mul3A_206 = arith.muli %mul3A_205, %iota3A_203 : vector<16xi32>
        %add3A_207 = arith.constant 192 : i32
        %add3A_208 = vector.broadcast %add3A_207 : i32 to vector<16xi32>
        %add3A_209 = arith.addi %add3A_208, %mul3A_206 : vector<16xi32>
        %gather3A_210 = tpu.vector_load_idx %arg4[%add3A_105, %add3A_209] : memref<40x256xf32, #tpu.memory_space<vmem>>[vector<16xi32>, vector<16xi32>], vector<16xf32>,
        %add3A_211 = arith.constant 1 : i32
        %add3A_212 = vector.broadcast %add3A_211 : i32 to vector<16xi32>
        %add3A_213 = arith.addi %add3A_209, %add3A_212 : vector<16xi32>
        %gather3A_214 = tpu.vector_load_idx %arg4[%add3A_105, %add3A_213] : memref<40x256xf32, #tpu.memory_space<vmem>>[vector<16xi32>, vector<16xi32>], vector<16xf32>,
        %pack3A_215 = tpu.pack_subelements %gather3A_210, %gather3A_214 {pack_format = #tpu.pack_format<interleaved>, positions = array<i32: 0, 1>} : vector<16xf32>, vector<16xf32> -> vector<32xbf16>
        %bitcast3A_216 = vector.bitcast %pack3A_215 : vector<32xbf16> to vector<16xi32>
        %swap3A_217 = arith.index_cast %scan3A_102 : i32 to index
        %swap3A_218 = arith.constant 96 : index
        %swap3A_219 = tpu.vector_load %arg5[%swap3A_217, %swap3A_218] {strides = array<i32>} : memref<40x128xi32, #tpu.memory_space<vmem>>, vector<16xi32>,
        tpu.vector_store %arg5[%swap3A_217, %swap3A_218], %bitcast3A_216 {strides = array<i32>} : memref<40x128xi32, #tpu.memory_space<vmem>>, vector<16xi32>,
        %iota3A_220 = tpu.iota {dimensions = array<i32: 0>} : vector<16xi32>
        %mul3A_221 = arith.constant 2 : i32
        %mul3A_222 = vector.broadcast %mul3A_221 : i32 to vector<16xi32>
        %mul3A_223 = arith.muli %mul3A_222, %iota3A_220 : vector<16xi32>
        %add3A_224 = arith.constant 224 : i32
        %add3A_225 = vector.broadcast %add3A_224 : i32 to vector<16xi32>
        %add3A_226 = arith.addi %add3A_225, %mul3A_223 : vector<16xi32>
        %gather3A_227 = tpu.vector_load_idx %arg4[%add3A_105, %add3A_226] : memref<40x256xf32, #tpu.memory_space<vmem>>[vector<16xi32>, vector<16xi32>], vector<16xf32>,
        %add3A_228 = arith.constant 1 : i32
        %add3A_229 = vector.broadcast %add3A_228 : i32 to vector<16xi32>
        %add3A_230 = arith.addi %add3A_226, %add3A_229 : vector<16xi32>
        %gather3A_231 = tpu.vector_load_idx %arg4[%add3A_105, %add3A_230] : memref<40x256xf32, #tpu.memory_space<vmem>>[vector<16xi32>, vector<16xi32>], vector<16xf32>,
        %pack3A_232 = tpu.pack_subelements %gather3A_227, %gather3A_231 {pack_format = #tpu.pack_format<interleaved>, positions = array<i32: 0, 1>} : vector<16xf32>, vector<16xf32> -> vector<32xbf16>
        %bitcast3A_233 = vector.bitcast %pack3A_232 : vector<32xbf16> to vector<16xi32>
        %swap3A_234 = arith.index_cast %scan3A_102 : i32 to index
        %swap3A_235 = arith.constant 112 : index
        %swap3A_236 = tpu.vector_load %arg5[%swap3A_234, %swap3A_235] {strides = array<i32>} : memref<40x128xi32, #tpu.memory_space<vmem>>, vector<16xi32>,
        tpu.vector_store %arg5[%swap3A_234, %swap3A_235], %bitcast3A_233 {strides = array<i32>} : memref<40x128xi32, #tpu.memory_space<vmem>>, vector<16xi32>,
      }
      %scan3A_61 = arith.constant 40 : i32
      "tpu.region"() ({
        %run_scoped3A = tpu.sem_alloc : memref<!tpu.dma_semaphore, #tpu.memory_space<semaphore_mem>>
        %dma_start3A = arith.constant 0 : i32
        %dma_start3A_102 = tpu.memref_slice %arg3[%add3A_55, %dma_start3A] : memref<10000x128xi32, #tpu.memory_space<hbm>> -> memref<40x128xi32, #tpu.memory_space<hbm>>
        %dma_start3A_103 = arith.constant 0 : i32
        %dma_start3A_104 = tpu.memref_slice %arg3[%add3A_55, %dma_start3A_103] : memref<10000x128xi32, #tpu.memory_space<hbm>> -> memref<40x128xi32, #tpu.memory_space<hbm>>
        tpu.enqueue_dma source(%arg5 : memref<40x128xi32, #tpu.memory_space<vmem>>) target(%dma_start3A_104 : memref<40x128xi32, #tpu.memory_space<hbm>>) target_semaphore(%run_scoped3A : memref<!tpu.dma_semaphore, #tpu.memory_space<semaphore_mem>>)
        %dma_wait3A = arith.constant 0 : i32
        %dma_wait3A_105 = tpu.memref_slice %arg3[%add3A_55, %dma_wait3A] : memref<10000x128xi32, #tpu.memory_space<hbm>> -> memref<40x128xi32, #tpu.memory_space<hbm>>
        %dma_wait3A_106 = arith.constant 0 : i32
        %dma_wait3A_107 = tpu.memref_slice %arg3[%add3A_55, %dma_wait3A_106] : memref<10000x128xi32, #tpu.memory_space<hbm>> -> memref<40x128xi32, #tpu.memory_space<hbm>>
        tpu.wait_dma2 semaphore(%run_scoped3A : memref<!tpu.dma_semaphore, #tpu.memory_space<semaphore_mem>>) src(%arg5 : memref<40x128xi32, #tpu.memory_space<vmem>>) dst(%dma_wait3A_107 : memref<40x128xi32, #tpu.memory_space<hbm>>)
        tpu.yield
      }) : () -> ()
      %mul3A_62 = arith.constant 400 : i32
      %mul3A_63 = arith.muli %add3A, %mul3A_62 : i32
      %add3A_64 = arith.constant 240 : i32
      %add3A_65 = arith.addi %mul3A_63, %add3A_64 : i32
      "tpu.region"() ({
        %run_scoped3A = tpu.sem_alloc : memref<!tpu.dma_semaphore, #tpu.memory_space<semaphore_mem>>
        %dma_start3A = arith.constant 0 : i32
        %dma_start3A_102 = tpu.memref_slice %arg2[%add3A_65, %dma_start3A] : memref<10000x256xf32, #tpu.memory_space<hbm>> -> memref<40x256xf32, #tpu.memory_space<hbm>>
        %dma_start3A_103 = arith.constant 0 : i32
        %dma_start3A_104 = tpu.memref_slice %arg2[%add3A_65, %dma_start3A_103] : memref<10000x256xf32, #tpu.memory_space<hbm>> -> memref<40x256xf32, #tpu.memory_space<hbm>>
        tpu.enqueue_dma source(%dma_start3A_104 : memref<40x256xf32, #tpu.memory_space<hbm>>) target(%arg4 : memref<40x256xf32, #tpu.memory_space<vmem>>) target_semaphore(%run_scoped3A : memref<!tpu.dma_semaphore, #tpu.memory_space<semaphore_mem>>)
        %dma_wait3A = arith.constant 0 : i32
        %dma_wait3A_105 = tpu.memref_slice %arg2[%add3A_65, %dma_wait3A] : memref<10000x256xf32, #tpu.memory_space<hbm>> -> memref<40x256xf32, #tpu.memory_space<hbm>>
        %dma_wait3A_106 = arith.constant 0 : i32
        %dma_wait3A_107 = tpu.memref_slice %arg2[%add3A_65, %dma_wait3A_106] : memref<10000x256xf32, #tpu.memory_space<hbm>> -> memref<40x256xf32, #tpu.memory_space<hbm>>
        tpu.wait_dma2 semaphore(%run_scoped3A : memref<!tpu.dma_semaphore, #tpu.memory_space<semaphore_mem>>) src(%dma_wait3A_107 : memref<40x256xf32, #tpu.memory_space<hbm>>) dst(%arg4 : memref<40x256xf32, #tpu.memory_space<vmem>>)
        tpu.yield
      }) : () -> ()
      %scan3A_66 = arith.constant 0 : i32
      %scan3A_67 = arith.constant 0 : i32
      %scan3A_68 = arith.constant 40 : i32
      %scan3A_69 = arith.addi %scan3A_67, %scan3A_68 : i32
      %scan3A_70 = arith.constant 1 : i32
      scf.for %scan3A_102 = %scan3A_67 to %scan3A_69 step %scan3A_70  : i32 {
        %broadcast_in_dim3A = arith.constant 0 : i32
        %broadcast_in_dim3A_103 = vector.broadcast %broadcast_in_dim3A : i32 to vector<16xi32>
        %add3A_104 = vector.broadcast %scan3A_102 : i32 to vector<16xi32>
        %add3A_105 = arith.addi %broadcast_in_dim3A_103, %add3A_104 : vector<16xi32>
        %iota3A = tpu.iota {dimensions = array<i32: 0>} : vector<16xi32>
        %mul3A_106 = arith.constant 2 : i32
        %mul3A_107 = vector.broadcast %mul3A_106 : i32 to vector<16xi32>
        %mul3A_108 = arith.muli %mul3A_107, %iota3A : vector<16xi32>
        %add3A_109 = arith.constant 0 : i32
        %add3A_110 = vector.broadcast %add3A_109 : i32 to vector<16xi32>
        %add3A_111 = arith.addi %add3A_110, %mul3A_108 : vector<16xi32>
        %gather3A = tpu.vector_load_idx %arg4[%add3A_105, %add3A_111] : memref<40x256xf32, #tpu.memory_space<vmem>>[vector<16xi32>, vector<16xi32>], vector<16xf32>,
        %add3A_112 = arith.constant 1 : i32
        %add3A_113 = vector.broadcast %add3A_112 : i32 to vector<16xi32>
        %add3A_114 = arith.addi %add3A_111, %add3A_113 : vector<16xi32>
        %gather3A_115 = tpu.vector_load_idx %arg4[%add3A_105, %add3A_114] : memref<40x256xf32, #tpu.memory_space<vmem>>[vector<16xi32>, vector<16xi32>], vector<16xf32>,
        %pack3A = tpu.pack_subelements %gather3A, %gather3A_115 {pack_format = #tpu.pack_format<interleaved>, positions = array<i32: 0, 1>} : vector<16xf32>, vector<16xf32> -> vector<32xbf16>
        %bitcast3A = vector.bitcast %pack3A : vector<32xbf16> to vector<16xi32>
        %swap3A = arith.index_cast %scan3A_102 : i32 to index
        %swap3A_116 = arith.constant 0 : index
        %swap3A_117 = tpu.vector_load %arg5[%swap3A, %swap3A_116] {strides = array<i32>} : memref<40x128xi32, #tpu.memory_space<vmem>>, vector<16xi32>,
        tpu.vector_store %arg5[%swap3A, %swap3A_116], %bitcast3A {strides = array<i32>} : memref<40x128xi32, #tpu.memory_space<vmem>>, vector<16xi32>,
        %iota3A_118 = tpu.iota {dimensions = array<i32: 0>} : vector<16xi32>
        %mul3A_119 = arith.constant 2 : i32
        %mul3A_120 = vector.broadcast %mul3A_119 : i32 to vector<16xi32>
        %mul3A_121 = arith.muli %mul3A_120, %iota3A_118 : vector<16xi32>
        %add3A_122 = arith.constant 32 : i32
        %add3A_123 = vector.broadcast %add3A_122 : i32 to vector<16xi32>
        %add3A_124 = arith.addi %add3A_123, %mul3A_121 : vector<16xi32>
        %gather3A_125 = tpu.vector_load_idx %arg4[%add3A_105, %add3A_124] : memref<40x256xf32, #tpu.memory_space<vmem>>[vector<16xi32>, vector<16xi32>], vector<16xf32>,
        %add3A_126 = arith.constant 1 : i32
        %add3A_127 = vector.broadcast %add3A_126 : i32 to vector<16xi32>
        %add3A_128 = arith.addi %add3A_124, %add3A_127 : vector<16xi32>
        %gather3A_129 = tpu.vector_load_idx %arg4[%add3A_105, %add3A_128] : memref<40x256xf32, #tpu.memory_space<vmem>>[vector<16xi32>, vector<16xi32>], vector<16xf32>,
        %pack3A_130 = tpu.pack_subelements %gather3A_125, %gather3A_129 {pack_format = #tpu.pack_format<interleaved>, positions = array<i32: 0, 1>} : vector<16xf32>, vector<16xf32> -> vector<32xbf16>
        %bitcast3A_131 = vector.bitcast %pack3A_130 : vector<32xbf16> to vector<16xi32>
        %swap3A_132 = arith.index_cast %scan3A_102 : i32 to index
        %swap3A_133 = arith.constant 16 : index
        %swap3A_134 = tpu.vector_load %arg5[%swap3A_132, %swap3A_133] {strides = array<i32>} : memref<40x128xi32, #tpu.memory_space<vmem>>, vector<16xi32>,
        tpu.vector_store %arg5[%swap3A_132, %swap3A_133], %bitcast3A_131 {strides = array<i32>} : memref<40x128xi32, #tpu.memory_space<vmem>>, vector<16xi32>,
        %iota3A_135 = tpu.iota {dimensions = array<i32: 0>} : vector<16xi32>
        %mul3A_136 = arith.constant 2 : i32
        %mul3A_137 = vector.broadcast %mul3A_136 : i32 to vector<16xi32>
        %mul3A_138 = arith.muli %mul3A_137, %iota3A_135 : vector<16xi32>
        %add3A_139 = arith.constant 64 : i32
        %add3A_140 = vector.broadcast %add3A_139 : i32 to vector<16xi32>
        %add3A_141 = arith.addi %add3A_140, %mul3A_138 : vector<16xi32>
        %gather3A_142 = tpu.vector_load_idx %arg4[%add3A_105, %add3A_141] : memref<40x256xf32, #tpu.memory_space<vmem>>[vector<16xi32>, vector<16xi32>], vector<16xf32>,
        %add3A_143 = arith.constant 1 : i32
        %add3A_144 = vector.broadcast %add3A_143 : i32 to vector<16xi32>
        %add3A_145 = arith.addi %add3A_141, %add3A_144 : vector<16xi32>
        %gather3A_146 = tpu.vector_load_idx %arg4[%add3A_105, %add3A_145] : memref<40x256xf32, #tpu.memory_space<vmem>>[vector<16xi32>, vector<16xi32>], vector<16xf32>,
        %pack3A_147 = tpu.pack_subelements %gather3A_142, %gather3A_146 {pack_format = #tpu.pack_format<interleaved>, positions = array<i32: 0, 1>} : vector<16xf32>, vector<16xf32> -> vector<32xbf16>
        %bitcast3A_148 = vector.bitcast %pack3A_147 : vector<32xbf16> to vector<16xi32>
        %swap3A_149 = arith.index_cast %scan3A_102 : i32 to index
        %swap3A_150 = arith.constant 32 : index
        %swap3A_151 = tpu.vector_load %arg5[%swap3A_149, %swap3A_150] {strides = array<i32>} : memref<40x128xi32, #tpu.memory_space<vmem>>, vector<16xi32>,
        tpu.vector_store %arg5[%swap3A_149, %swap3A_150], %bitcast3A_148 {strides = array<i32>} : memref<40x128xi32, #tpu.memory_space<vmem>>, vector<16xi32>,
        %iota3A_152 = tpu.iota {dimensions = array<i32: 0>} : vector<16xi32>
        %mul3A_153 = arith.constant 2 : i32
        %mul3A_154 = vector.broadcast %mul3A_153 : i32 to vector<16xi32>
        %mul3A_155 = arith.muli %mul3A_154, %iota3A_152 : vector<16xi32>
        %add3A_156 = arith.constant 96 : i32
        %add3A_157 = vector.broadcast %add3A_156 : i32 to vector<16xi32>
        %add3A_158 = arith.addi %add3A_157, %mul3A_155 : vector<16xi32>
        %gather3A_159 = tpu.vector_load_idx %arg4[%add3A_105, %add3A_158] : memref<40x256xf32, #tpu.memory_space<vmem>>[vector<16xi32>, vector<16xi32>], vector<16xf32>,
        %add3A_160 = arith.constant 1 : i32
        %add3A_161 = vector.broadcast %add3A_160 : i32 to vector<16xi32>
        %add3A_162 = arith.addi %add3A_158, %add3A_161 : vector<16xi32>
        %gather3A_163 = tpu.vector_load_idx %arg4[%add3A_105, %add3A_162] : memref<40x256xf32, #tpu.memory_space<vmem>>[vector<16xi32>, vector<16xi32>], vector<16xf32>,
        %pack3A_164 = tpu.pack_subelements %gather3A_159, %gather3A_163 {pack_format = #tpu.pack_format<interleaved>, positions = array<i32: 0, 1>} : vector<16xf32>, vector<16xf32> -> vector<32xbf16>
        %bitcast3A_165 = vector.bitcast %pack3A_164 : vector<32xbf16> to vector<16xi32>
        %swap3A_166 = arith.index_cast %scan3A_102 : i32 to index
        %swap3A_167 = arith.constant 48 : index
        %swap3A_168 = tpu.vector_load %arg5[%swap3A_166, %swap3A_167] {strides = array<i32>} : memref<40x128xi32, #tpu.memory_space<vmem>>, vector<16xi32>,
        tpu.vector_store %arg5[%swap3A_166, %swap3A_167], %bitcast3A_165 {strides = array<i32>} : memref<40x128xi32, #tpu.memory_space<vmem>>, vector<16xi32>,
        %iota3A_169 = tpu.iota {dimensions = array<i32: 0>} : vector<16xi32>
        %mul3A_170 = arith.constant 2 : i32
        %mul3A_171 = vector.broadcast %mul3A_170 : i32 to vector<16xi32>
        %mul3A_172 = arith.muli %mul3A_171, %iota3A_169 : vector<16xi32>
        %add3A_173 = arith.constant 128 : i32
        %add3A_174 = vector.broadcast %add3A_173 : i32 to vector<16xi32>
        %add3A_175 = arith.addi %add3A_174, %mul3A_172 : vector<16xi32>
        %gather3A_176 = tpu.vector_load_idx %arg4[%add3A_105, %add3A_175] : memref<40x256xf32, #tpu.memory_space<vmem>>[vector<16xi32>, vector<16xi32>], vector<16xf32>,
        %add3A_177 = arith.constant 1 : i32
        %add3A_178 = vector.broadcast %add3A_177 : i32 to vector<16xi32>
        %add3A_179 = arith.addi %add3A_175, %add3A_178 : vector<16xi32>
        %gather3A_180 = tpu.vector_load_idx %arg4[%add3A_105, %add3A_179] : memref<40x256xf32, #tpu.memory_space<vmem>>[vector<16xi32>, vector<16xi32>], vector<16xf32>,
        %pack3A_181 = tpu.pack_subelements %gather3A_176, %gather3A_180 {pack_format = #tpu.pack_format<interleaved>, positions = array<i32: 0, 1>} : vector<16xf32>, vector<16xf32> -> vector<32xbf16>
        %bitcast3A_182 = vector.bitcast %pack3A_181 : vector<32xbf16> to vector<16xi32>
        %swap3A_183 = arith.index_cast %scan3A_102 : i32 to index
        %swap3A_184 = arith.constant 64 : index
        %swap3A_185 = tpu.vector_load %arg5[%swap3A_183, %swap3A_184] {strides = array<i32>} : memref<40x128xi32, #tpu.memory_space<vmem>>, vector<16xi32>,
        tpu.vector_store %arg5[%swap3A_183, %swap3A_184], %bitcast3A_182 {strides = array<i32>} : memref<40x128xi32, #tpu.memory_space<vmem>>, vector<16xi32>,
        %iota3A_186 = tpu.iota {dimensions = array<i32: 0>} : vector<16xi32>
        %mul3A_187 = arith.constant 2 : i32
        %mul3A_188 = vector.broadcast %mul3A_187 : i32 to vector<16xi32>
        %mul3A_189 = arith.muli %mul3A_188, %iota3A_186 : vector<16xi32>
        %add3A_190 = arith.constant 160 : i32
        %add3A_191 = vector.broadcast %add3A_190 : i32 to vector<16xi32>
        %add3A_192 = arith.addi %add3A_191, %mul3A_189 : vector<16xi32>
        %gather3A_193 = tpu.vector_load_idx %arg4[%add3A_105, %add3A_192] : memref<40x256xf32, #tpu.memory_space<vmem>>[vector<16xi32>, vector<16xi32>], vector<16xf32>,
        %add3A_194 = arith.constant 1 : i32
        %add3A_195 = vector.broadcast %add3A_194 : i32 to vector<16xi32>
        %add3A_196 = arith.addi %add3A_192, %add3A_195 : vector<16xi32>
        %gather3A_197 = tpu.vector_load_idx %arg4[%add3A_105, %add3A_196] : memref<40x256xf32, #tpu.memory_space<vmem>>[vector<16xi32>, vector<16xi32>], vector<16xf32>,
        %pack3A_198 = tpu.pack_subelements %gather3A_193, %gather3A_197 {pack_format = #tpu.pack_format<interleaved>, positions = array<i32: 0, 1>} : vector<16xf32>, vector<16xf32> -> vector<32xbf16>
        %bitcast3A_199 = vector.bitcast %pack3A_198 : vector<32xbf16> to vector<16xi32>
        %swap3A_200 = arith.index_cast %scan3A_102 : i32 to index
        %swap3A_201 = arith.constant 80 : index
        %swap3A_202 = tpu.vector_load %arg5[%swap3A_200, %swap3A_201] {strides = array<i32>} : memref<40x128xi32, #tpu.memory_space<vmem>>, vector<16xi32>,
        tpu.vector_store %arg5[%swap3A_200, %swap3A_201], %bitcast3A_199 {strides = array<i32>} : memref<40x128xi32, #tpu.memory_space<vmem>>, vector<16xi32>,
        %iota3A_203 = tpu.iota {dimensions = array<i32: 0>} : vector<16xi32>
        %mul3A_204 = arith.constant 2 : i32
        %mul3A_205 = vector.broadcast %mul3A_204 : i32 to vector<16xi32>
        %mul3A_206 = arith.muli %mul3A_205, %iota3A_203 : vector<16xi32>
        %add3A_207 = arith.constant 192 : i32
        %add3A_208 = vector.broadcast %add3A_207 : i32 to vector<16xi32>
        %add3A_209 = arith.addi %add3A_208, %mul3A_206 : vector<16xi32>
        %gather3A_210 = tpu.vector_load_idx %arg4[%add3A_105, %add3A_209] : memref<40x256xf32, #tpu.memory_space<vmem>>[vector<16xi32>, vector<16xi32>], vector<16xf32>,
        %add3A_211 = arith.constant 1 : i32
        %add3A_212 = vector.broadcast %add3A_211 : i32 to vector<16xi32>
        %add3A_213 = arith.addi %add3A_209, %add3A_212 : vector<16xi32>
        %gather3A_214 = tpu.vector_load_idx %arg4[%add3A_105, %add3A_213] : memref<40x256xf32, #tpu.memory_space<vmem>>[vector<16xi32>, vector<16xi32>], vector<16xf32>,
        %pack3A_215 = tpu.pack_subelements %gather3A_210, %gather3A_214 {pack_format = #tpu.pack_format<interleaved>, positions = array<i32: 0, 1>} : vector<16xf32>, vector<16xf32> -> vector<32xbf16>
        %bitcast3A_216 = vector.bitcast %pack3A_215 : vector<32xbf16> to vector<16xi32>
        %swap3A_217 = arith.index_cast %scan3A_102 : i32 to index
        %swap3A_218 = arith.constant 96 : index
        %swap3A_219 = tpu.vector_load %arg5[%swap3A_217, %swap3A_218] {strides = array<i32>} : memref<40x128xi32, #tpu.memory_space<vmem>>, vector<16xi32>,
        tpu.vector_store %arg5[%swap3A_217, %swap3A_218], %bitcast3A_216 {strides = array<i32>} : memref<40x128xi32, #tpu.memory_space<vmem>>, vector<16xi32>,
        %iota3A_220 = tpu.iota {dimensions = array<i32: 0>} : vector<16xi32>
        %mul3A_221 = arith.constant 2 : i32
        %mul3A_222 = vector.broadcast %mul3A_221 : i32 to vector<16xi32>
        %mul3A_223 = arith.muli %mul3A_222, %iota3A_220 : vector<16xi32>
        %add3A_224 = arith.constant 224 : i32
        %add3A_225 = vector.broadcast %add3A_224 : i32 to vector<16xi32>
        %add3A_226 = arith.addi %add3A_225, %mul3A_223 : vector<16xi32>
        %gather3A_227 = tpu.vector_load_idx %arg4[%add3A_105, %add3A_226] : memref<40x256xf32, #tpu.memory_space<vmem>>[vector<16xi32>, vector<16xi32>], vector<16xf32>,
        %add3A_228 = arith.constant 1 : i32
        %add3A_229 = vector.broadcast %add3A_228 : i32 to vector<16xi32>
        %add3A_230 = arith.addi %add3A_226, %add3A_229 : vector<16xi32>
        %gather3A_231 = tpu.vector_load_idx %arg4[%add3A_105, %add3A_230] : memref<40x256xf32, #tpu.memory_space<vmem>>[vector<16xi32>, vector<16xi32>], vector<16xf32>,
        %pack3A_232 = tpu.pack_subelements %gather3A_227, %gather3A_231 {pack_format = #tpu.pack_format<interleaved>, positions = array<i32: 0, 1>} : vector<16xf32>, vector<16xf32> -> vector<32xbf16>
        %bitcast3A_233 = vector.bitcast %pack3A_232 : vector<32xbf16> to vector<16xi32>
        %swap3A_234 = arith.index_cast %scan3A_102 : i32 to index
        %swap3A_235 = arith.constant 112 : index
        %swap3A_236 = tpu.vector_load %arg5[%swap3A_234, %swap3A_235] {strides = array<i32>} : memref<40x128xi32, #tpu.memory_space<vmem>>, vector<16xi32>,
        tpu.vector_store %arg5[%swap3A_234, %swap3A_235], %bitcast3A_233 {strides = array<i32>} : memref<40x128xi32, #tpu.memory_space<vmem>>, vector<16xi32>,
      }
      %scan3A_71 = arith.constant 40 : i32
      "tpu.region"() ({
        %run_scoped3A = tpu.sem_alloc : memref<!tpu.dma_semaphore, #tpu.memory_space<semaphore_mem>>
        %dma_start3A = arith.constant 0 : i32
        %dma_start3A_102 = tpu.memref_slice %arg3[%add3A_65, %dma_start3A] : memref<10000x128xi32, #tpu.memory_space<hbm>> -> memref<40x128xi32, #tpu.memory_space<hbm>>
        %dma_start3A_103 = arith.constant 0 : i32
        %dma_start3A_104 = tpu.memref_slice %arg3[%add3A_65, %dma_start3A_103] : memref<10000x128xi32, #tpu.memory_space<hbm>> -> memref<40x128xi32, #tpu.memory_space<hbm>>
        tpu.enqueue_dma source(%arg5 : memref<40x128xi32, #tpu.memory_space<vmem>>) target(%dma_start3A_104 : memref<40x128xi32, #tpu.memory_space<hbm>>) target_semaphore(%run_scoped3A : memref<!tpu.dma_semaphore, #tpu.memory_space<semaphore_mem>>)
        %dma_wait3A = arith.constant 0 : i32
        %dma_wait3A_105 = tpu.memref_slice %arg3[%add3A_65, %dma_wait3A] : memref<10000x128xi32, #tpu.memory_space<hbm>> -> memref<40x128xi32, #tpu.memory_space<hbm>>
        %dma_wait3A_106 = arith.constant 0 : i32
        %dma_wait3A_107 = tpu.memref_slice %arg3[%add3A_65, %dma_wait3A_106] : memref<10000x128xi32, #tpu.memory_space<hbm>> -> memref<40x128xi32, #tpu.memory_space<hbm>>
        tpu.wait_dma2 semaphore(%run_scoped3A : memref<!tpu.dma_semaphore, #tpu.memory_space<semaphore_mem>>) src(%arg5 : memref<40x128xi32, #tpu.memory_space<vmem>>) dst(%dma_wait3A_107 : memref<40x128xi32, #tpu.memory_space<hbm>>)
        tpu.yield
      }) : () -> ()
      %mul3A_72 = arith.constant 400 : i32
      %mul3A_73 = arith.muli %add3A, %mul3A_72 : i32
      %add3A_74 = arith.constant 280 : i32
      %add3A_75 = arith.addi %mul3A_73, %add3A_74 : i32
      "tpu.region"() ({
        %run_scoped3A = tpu.sem_alloc : memref<!tpu.dma_semaphore, #tpu.memory_space<semaphore_mem>>
        %dma_start3A = arith.constant 0 : i32
        %dma_start3A_102 = tpu.memref_slice %arg2[%add3A_75, %dma_start3A] : memref<10000x256xf32, #tpu.memory_space<hbm>> -> memref<40x256xf32, #tpu.memory_space<hbm>>
        %dma_start3A_103 = arith.constant 0 : i32
        %dma_start3A_104 = tpu.memref_slice %arg2[%add3A_75, %dma_start3A_103] : memref<10000x256xf32, #tpu.memory_space<hbm>> -> memref<40x256xf32, #tpu.memory_space<hbm>>
        tpu.enqueue_dma source(%dma_start3A_104 : memref<40x256xf32, #tpu.memory_space<hbm>>) target(%arg4 : memref<40x256xf32, #tpu.memory_space<vmem>>) target_semaphore(%run_scoped3A : memref<!tpu.dma_semaphore, #tpu.memory_space<semaphore_mem>>)
        %dma_wait3A = arith.constant 0 : i32
        %dma_wait3A_105 = tpu.memref_slice %arg2[%add3A_75, %dma_wait3A] : memref<10000x256xf32, #tpu.memory_space<hbm>> -> memref<40x256xf32, #tpu.memory_space<hbm>>
        %dma_wait3A_106 = arith.constant 0 : i32
        %dma_wait3A_107 = tpu.memref_slice %arg2[%add3A_75, %dma_wait3A_106] : memref<10000x256xf32, #tpu.memory_space<hbm>> -> memref<40x256xf32, #tpu.memory_space<hbm>>
        tpu.wait_dma2 semaphore(%run_scoped3A : memref<!tpu.dma_semaphore, #tpu.memory_space<semaphore_mem>>) src(%dma_wait3A_107 : memref<40x256xf32, #tpu.memory_space<hbm>>) dst(%arg4 : memref<40x256xf32, #tpu.memory_space<vmem>>)
        tpu.yield
      }) : () -> ()
      %scan3A_76 = arith.constant 0 : i32
      %scan3A_77 = arith.constant 0 : i32
      %scan3A_78 = arith.constant 40 : i32
      %scan3A_79 = arith.addi %scan3A_77, %scan3A_78 : i32
      %scan3A_80 = arith.constant 1 : i32
      scf.for %scan3A_102 = %scan3A_77 to %scan3A_79 step %scan3A_80  : i32 {
        %broadcast_in_dim3A = arith.constant 0 : i32
        %broadcast_in_dim3A_103 = vector.broadcast %broadcast_in_dim3A : i32 to vector<16xi32>
        %add3A_104 = vector.broadcast %scan3A_102 : i32 to vector<16xi32>
        %add3A_105 = arith.addi %broadcast_in_dim3A_103, %add3A_104 : vector<16xi32>
        %iota3A = tpu.iota {dimensions = array<i32: 0>} : vector<16xi32>
        %mul3A_106 = arith.constant 2 : i32
        %mul3A_107 = vector.broadcast %mul3A_106 : i32 to vector<16xi32>
        %mul3A_108 = arith.muli %mul3A_107, %iota3A : vector<16xi32>
        %add3A_109 = arith.constant 0 : i32
        %add3A_110 = vector.broadcast %add3A_109 : i32 to vector<16xi32>
        %add3A_111 = arith.addi %add3A_110, %mul3A_108 : vector<16xi32>
        %gather3A = tpu.vector_load_idx %arg4[%add3A_105, %add3A_111] : memref<40x256xf32, #tpu.memory_space<vmem>>[vector<16xi32>, vector<16xi32>], vector<16xf32>,
        %add3A_112 = arith.constant 1 : i32
        %add3A_113 = vector.broadcast %add3A_112 : i32 to vector<16xi32>
        %add3A_114 = arith.addi %add3A_111, %add3A_113 : vector<16xi32>
        %gather3A_115 = tpu.vector_load_idx %arg4[%add3A_105, %add3A_114] : memref<40x256xf32, #tpu.memory_space<vmem>>[vector<16xi32>, vector<16xi32>], vector<16xf32>,
        %pack3A = tpu.pack_subelements %gather3A, %gather3A_115 {pack_format = #tpu.pack_format<interleaved>, positions = array<i32: 0, 1>} : vector<16xf32>, vector<16xf32> -> vector<32xbf16>
        %bitcast3A = vector.bitcast %pack3A : vector<32xbf16> to vector<16xi32>
        %swap3A = arith.index_cast %scan3A_102 : i32 to index
        %swap3A_116 = arith.constant 0 : index
        %swap3A_117 = tpu.vector_load %arg5[%swap3A, %swap3A_116] {strides = array<i32>} : memref<40x128xi32, #tpu.memory_space<vmem>>, vector<16xi32>,
        tpu.vector_store %arg5[%swap3A, %swap3A_116], %bitcast3A {strides = array<i32>} : memref<40x128xi32, #tpu.memory_space<vmem>>, vector<16xi32>,
        %iota3A_118 = tpu.iota {dimensions = array<i32: 0>} : vector<16xi32>
        %mul3A_119 = arith.constant 2 : i32
        %mul3A_120 = vector.broadcast %mul3A_119 : i32 to vector<16xi32>
        %mul3A_121 = arith.muli %mul3A_120, %iota3A_118 : vector<16xi32>
        %add3A_122 = arith.constant 32 : i32
        %add3A_123 = vector.broadcast %add3A_122 : i32 to vector<16xi32>
        %add3A_124 = arith.addi %add3A_123, %mul3A_121 : vector<16xi32>
        %gather3A_125 = tpu.vector_load_idx %arg4[%add3A_105, %add3A_124] : memref<40x256xf32, #tpu.memory_space<vmem>>[vector<16xi32>, vector<16xi32>], vector<16xf32>,
        %add3A_126 = arith.constant 1 : i32
        %add3A_127 = vector.broadcast %add3A_126 : i32 to vector<16xi32>
        %add3A_128 = arith.addi %add3A_124, %add3A_127 : vector<16xi32>
        %gather3A_129 = tpu.vector_load_idx %arg4[%add3A_105, %add3A_128] : memref<40x256xf32, #tpu.memory_space<vmem>>[vector<16xi32>, vector<16xi32>], vector<16xf32>,
        %pack3A_130 = tpu.pack_subelements %gather3A_125, %gather3A_129 {pack_format = #tpu.pack_format<interleaved>, positions = array<i32: 0, 1>} : vector<16xf32>, vector<16xf32> -> vector<32xbf16>
        %bitcast3A_131 = vector.bitcast %pack3A_130 : vector<32xbf16> to vector<16xi32>
        %swap3A_132 = arith.index_cast %scan3A_102 : i32 to index
        %swap3A_133 = arith.constant 16 : index
        %swap3A_134 = tpu.vector_load %arg5[%swap3A_132, %swap3A_133] {strides = array<i32>} : memref<40x128xi32, #tpu.memory_space<vmem>>, vector<16xi32>,
        tpu.vector_store %arg5[%swap3A_132, %swap3A_133], %bitcast3A_131 {strides = array<i32>} : memref<40x128xi32, #tpu.memory_space<vmem>>, vector<16xi32>,
        %iota3A_135 = tpu.iota {dimensions = array<i32: 0>} : vector<16xi32>
        %mul3A_136 = arith.constant 2 : i32
        %mul3A_137 = vector.broadcast %mul3A_136 : i32 to vector<16xi32>
        %mul3A_138 = arith.muli %mul3A_137, %iota3A_135 : vector<16xi32>
        %add3A_139 = arith.constant 64 : i32
        %add3A_140 = vector.broadcast %add3A_139 : i32 to vector<16xi32>
        %add3A_141 = arith.addi %add3A_140, %mul3A_138 : vector<16xi32>
        %gather3A_142 = tpu.vector_load_idx %arg4[%add3A_105, %add3A_141] : memref<40x256xf32, #tpu.memory_space<vmem>>[vector<16xi32>, vector<16xi32>], vector<16xf32>,
        %add3A_143 = arith.constant 1 : i32
        %add3A_144 = vector.broadcast %add3A_143 : i32 to vector<16xi32>
        %add3A_145 = arith.addi %add3A_141, %add3A_144 : vector<16xi32>
        %gather3A_146 = tpu.vector_load_idx %arg4[%add3A_105, %add3A_145] : memref<40x256xf32, #tpu.memory_space<vmem>>[vector<16xi32>, vector<16xi32>], vector<16xf32>,
        %pack3A_147 = tpu.pack_subelements %gather3A_142, %gather3A_146 {pack_format = #tpu.pack_format<interleaved>, positions = array<i32: 0, 1>} : vector<16xf32>, vector<16xf32> -> vector<32xbf16>
        %bitcast3A_148 = vector.bitcast %pack3A_147 : vector<32xbf16> to vector<16xi32>
        %swap3A_149 = arith.index_cast %scan3A_102 : i32 to index
        %swap3A_150 = arith.constant 32 : index
        %swap3A_151 = tpu.vector_load %arg5[%swap3A_149, %swap3A_150] {strides = array<i32>} : memref<40x128xi32, #tpu.memory_space<vmem>>, vector<16xi32>,
        tpu.vector_store %arg5[%swap3A_149, %swap3A_150], %bitcast3A_148 {strides = array<i32>} : memref<40x128xi32, #tpu.memory_space<vmem>>, vector<16xi32>,
        %iota3A_152 = tpu.iota {dimensions = array<i32: 0>} : vector<16xi32>
        %mul3A_153 = arith.constant 2 : i32
        %mul3A_154 = vector.broadcast %mul3A_153 : i32 to vector<16xi32>
        %mul3A_155 = arith.muli %mul3A_154, %iota3A_152 : vector<16xi32>
        %add3A_156 = arith.constant 96 : i32
        %add3A_157 = vector.broadcast %add3A_156 : i32 to vector<16xi32>
        %add3A_158 = arith.addi %add3A_157, %mul3A_155 : vector<16xi32>
        %gather3A_159 = tpu.vector_load_idx %arg4[%add3A_105, %add3A_158] : memref<40x256xf32, #tpu.memory_space<vmem>>[vector<16xi32>, vector<16xi32>], vector<16xf32>,
        %add3A_160 = arith.constant 1 : i32
        %add3A_161 = vector.broadcast %add3A_160 : i32 to vector<16xi32>
        %add3A_162 = arith.addi %add3A_158, %add3A_161 : vector<16xi32>
        %gather3A_163 = tpu.vector_load_idx %arg4[%add3A_105, %add3A_162] : memref<40x256xf32, #tpu.memory_space<vmem>>[vector<16xi32>, vector<16xi32>], vector<16xf32>,
        %pack3A_164 = tpu.pack_subelements %gather3A_159, %gather3A_163 {pack_format = #tpu.pack_format<interleaved>, positions = array<i32: 0, 1>} : vector<16xf32>, vector<16xf32> -> vector<32xbf16>
        %bitcast3A_165 = vector.bitcast %pack3A_164 : vector<32xbf16> to vector<16xi32>
        %swap3A_166 = arith.index_cast %scan3A_102 : i32 to index
        %swap3A_167 = arith.constant 48 : index
        %swap3A_168 = tpu.vector_load %arg5[%swap3A_166, %swap3A_167] {strides = array<i32>} : memref<40x128xi32, #tpu.memory_space<vmem>>, vector<16xi32>,
        tpu.vector_store %arg5[%swap3A_166, %swap3A_167], %bitcast3A_165 {strides = array<i32>} : memref<40x128xi32, #tpu.memory_space<vmem>>, vector<16xi32>,
        %iota3A_169 = tpu.iota {dimensions = array<i32: 0>} : vector<16xi32>
        %mul3A_170 = arith.constant 2 : i32
        %mul3A_171 = vector.broadcast %mul3A_170 : i32 to vector<16xi32>
        %mul3A_172 = arith.muli %mul3A_171, %iota3A_169 : vector<16xi32>
        %add3A_173 = arith.constant 128 : i32
        %add3A_174 = vector.broadcast %add3A_173 : i32 to vector<16xi32>
        %add3A_175 = arith.addi %add3A_174, %mul3A_172 : vector<16xi32>
        %gather3A_176 = tpu.vector_load_idx %arg4[%add3A_105, %add3A_175] : memref<40x256xf32, #tpu.memory_space<vmem>>[vector<16xi32>, vector<16xi32>], vector<16xf32>,
        %add3A_177 = arith.constant 1 : i32
        %add3A_178 = vector.broadcast %add3A_177 : i32 to vector<16xi32>
        %add3A_179 = arith.addi %add3A_175, %add3A_178 : vector<16xi32>
        %gather3A_180 = tpu.vector_load_idx %arg4[%add3A_105, %add3A_179] : memref<40x256xf32, #tpu.memory_space<vmem>>[vector<16xi32>, vector<16xi32>], vector<16xf32>,
        %pack3A_181 = tpu.pack_subelements %gather3A_176, %gather3A_180 {pack_format = #tpu.pack_format<interleaved>, positions = array<i32: 0, 1>} : vector<16xf32>, vector<16xf32> -> vector<32xbf16>
        %bitcast3A_182 = vector.bitcast %pack3A_181 : vector<32xbf16> to vector<16xi32>
        %swap3A_183 = arith.index_cast %scan3A_102 : i32 to index
        %swap3A_184 = arith.constant 64 : index
        %swap3A_185 = tpu.vector_load %arg5[%swap3A_183, %swap3A_184] {strides = array<i32>} : memref<40x128xi32, #tpu.memory_space<vmem>>, vector<16xi32>,
        tpu.vector_store %arg5[%swap3A_183, %swap3A_184], %bitcast3A_182 {strides = array<i32>} : memref<40x128xi32, #tpu.memory_space<vmem>>, vector<16xi32>,
        %iota3A_186 = tpu.iota {dimensions = array<i32: 0>} : vector<16xi32>
        %mul3A_187 = arith.constant 2 : i32
        %mul3A_188 = vector.broadcast %mul3A_187 : i32 to vector<16xi32>
        %mul3A_189 = arith.muli %mul3A_188, %iota3A_186 : vector<16xi32>
        %add3A_190 = arith.constant 160 : i32
        %add3A_191 = vector.broadcast %add3A_190 : i32 to vector<16xi32>
        %add3A_192 = arith.addi %add3A_191, %mul3A_189 : vector<16xi32>
        %gather3A_193 = tpu.vector_load_idx %arg4[%add3A_105, %add3A_192] : memref<40x256xf32, #tpu.memory_space<vmem>>[vector<16xi32>, vector<16xi32>], vector<16xf32>,
        %add3A_194 = arith.constant 1 : i32
        %add3A_195 = vector.broadcast %add3A_194 : i32 to vector<16xi32>
        %add3A_196 = arith.addi %add3A_192, %add3A_195 : vector<16xi32>
        %gather3A_197 = tpu.vector_load_idx %arg4[%add3A_105, %add3A_196] : memref<40x256xf32, #tpu.memory_space<vmem>>[vector<16xi32>, vector<16xi32>], vector<16xf32>,
        %pack3A_198 = tpu.pack_subelements %gather3A_193, %gather3A_197 {pack_format = #tpu.pack_format<interleaved>, positions = array<i32: 0, 1>} : vector<16xf32>, vector<16xf32> -> vector<32xbf16>
        %bitcast3A_199 = vector.bitcast %pack3A_198 : vector<32xbf16> to vector<16xi32>
        %swap3A_200 = arith.index_cast %scan3A_102 : i32 to index
        %swap3A_201 = arith.constant 80 : index
        %swap3A_202 = tpu.vector_load %arg5[%swap3A_200, %swap3A_201] {strides = array<i32>} : memref<40x128xi32, #tpu.memory_space<vmem>>, vector<16xi32>,
        tpu.vector_store %arg5[%swap3A_200, %swap3A_201], %bitcast3A_199 {strides = array<i32>} : memref<40x128xi32, #tpu.memory_space<vmem>>, vector<16xi32>,
        %iota3A_203 = tpu.iota {dimensions = array<i32: 0>} : vector<16xi32>
        %mul3A_204 = arith.constant 2 : i32
        %mul3A_205 = vector.broadcast %mul3A_204 : i32 to vector<16xi32>
        %mul3A_206 = arith.muli %mul3A_205, %iota3A_203 : vector<16xi32>
        %add3A_207 = arith.constant 192 : i32
        %add3A_208 = vector.broadcast %add3A_207 : i32 to vector<16xi32>
        %add3A_209 = arith.addi %add3A_208, %mul3A_206 : vector<16xi32>
        %gather3A_210 = tpu.vector_load_idx %arg4[%add3A_105, %add3A_209] : memref<40x256xf32, #tpu.memory_space<vmem>>[vector<16xi32>, vector<16xi32>], vector<16xf32>,
        %add3A_211 = arith.constant 1 : i32
        %add3A_212 = vector.broadcast %add3A_211 : i32 to vector<16xi32>
        %add3A_213 = arith.addi %add3A_209, %add3A_212 : vector<16xi32>
        %gather3A_214 = tpu.vector_load_idx %arg4[%add3A_105, %add3A_213] : memref<40x256xf32, #tpu.memory_space<vmem>>[vector<16xi32>, vector<16xi32>], vector<16xf32>,
        %pack3A_215 = tpu.pack_subelements %gather3A_210, %gather3A_214 {pack_format = #tpu.pack_format<interleaved>, positions = array<i32: 0, 1>} : vector<16xf32>, vector<16xf32> -> vector<32xbf16>
        %bitcast3A_216 = vector.bitcast %pack3A_215 : vector<32xbf16> to vector<16xi32>
        %swap3A_217 = arith.index_cast %scan3A_102 : i32 to index
        %swap3A_218 = arith.constant 96 : index
        %swap3A_219 = tpu.vector_load %arg5[%swap3A_217, %swap3A_218] {strides = array<i32>} : memref<40x128xi32, #tpu.memory_space<vmem>>, vector<16xi32>,
        tpu.vector_store %arg5[%swap3A_217, %swap3A_218], %bitcast3A_216 {strides = array<i32>} : memref<40x128xi32, #tpu.memory_space<vmem>>, vector<16xi32>,
        %iota3A_220 = tpu.iota {dimensions = array<i32: 0>} : vector<16xi32>
        %mul3A_221 = arith.constant 2 : i32
        %mul3A_222 = vector.broadcast %mul3A_221 : i32 to vector<16xi32>
        %mul3A_223 = arith.muli %mul3A_222, %iota3A_220 : vector<16xi32>
        %add3A_224 = arith.constant 224 : i32
        %add3A_225 = vector.broadcast %add3A_224 : i32 to vector<16xi32>
        %add3A_226 = arith.addi %add3A_225, %mul3A_223 : vector<16xi32>
        %gather3A_227 = tpu.vector_load_idx %arg4[%add3A_105, %add3A_226] : memref<40x256xf32, #tpu.memory_space<vmem>>[vector<16xi32>, vector<16xi32>], vector<16xf32>,
        %add3A_228 = arith.constant 1 : i32
        %add3A_229 = vector.broadcast %add3A_228 : i32 to vector<16xi32>
        %add3A_230 = arith.addi %add3A_226, %add3A_229 : vector<16xi32>
        %gather3A_231 = tpu.vector_load_idx %arg4[%add3A_105, %add3A_230] : memref<40x256xf32, #tpu.memory_space<vmem>>[vector<16xi32>, vector<16xi32>], vector<16xf32>,
        %pack3A_232 = tpu.pack_subelements %gather3A_227, %gather3A_231 {pack_format = #tpu.pack_format<interleaved>, positions = array<i32: 0, 1>} : vector<16xf32>, vector<16xf32> -> vector<32xbf16>
        %bitcast3A_233 = vector.bitcast %pack3A_232 : vector<32xbf16> to vector<16xi32>
        %swap3A_234 = arith.index_cast %scan3A_102 : i32 to index
        %swap3A_235 = arith.constant 112 : index
        %swap3A_236 = tpu.vector_load %arg5[%swap3A_234, %swap3A_235] {strides = array<i32>} : memref<40x128xi32, #tpu.memory_space<vmem>>, vector<16xi32>,
        tpu.vector_store %arg5[%swap3A_234, %swap3A_235], %bitcast3A_233 {strides = array<i32>} : memref<40x128xi32, #tpu.memory_space<vmem>>, vector<16xi32>,
      }
      %scan3A_81 = arith.constant 40 : i32
      "tpu.region"() ({
        %run_scoped3A = tpu.sem_alloc : memref<!tpu.dma_semaphore, #tpu.memory_space<semaphore_mem>>
        %dma_start3A = arith.constant 0 : i32
        %dma_start3A_102 = tpu.memref_slice %arg3[%add3A_75, %dma_start3A] : memref<10000x128xi32, #tpu.memory_space<hbm>> -> memref<40x128xi32, #tpu.memory_space<hbm>>
        %dma_start3A_103 = arith.constant 0 : i32
        %dma_start3A_104 = tpu.memref_slice %arg3[%add3A_75, %dma_start3A_103] : memref<10000x128xi32, #tpu.memory_space<hbm>> -> memref<40x128xi32, #tpu.memory_space<hbm>>
        tpu.enqueue_dma source(%arg5 : memref<40x128xi32, #tpu.memory_space<vmem>>) target(%dma_start3A_104 : memref<40x128xi32, #tpu.memory_space<hbm>>) target_semaphore(%run_scoped3A : memref<!tpu.dma_semaphore, #tpu.memory_space<semaphore_mem>>)
        %dma_wait3A = arith.constant 0 : i32
        %dma_wait3A_105 = tpu.memref_slice %arg3[%add3A_75, %dma_wait3A] : memref<10000x128xi32, #tpu.memory_space<hbm>> -> memref<40x128xi32, #tpu.memory_space<hbm>>
        %dma_wait3A_106 = arith.constant 0 : i32
        %dma_wait3A_107 = tpu.memref_slice %arg3[%add3A_75, %dma_wait3A_106] : memref<10000x128xi32, #tpu.memory_space<hbm>> -> memref<40x128xi32, #tpu.memory_space<hbm>>
        tpu.wait_dma2 semaphore(%run_scoped3A : memref<!tpu.dma_semaphore, #tpu.memory_space<semaphore_mem>>) src(%arg5 : memref<40x128xi32, #tpu.memory_space<vmem>>) dst(%dma_wait3A_107 : memref<40x128xi32, #tpu.memory_space<hbm>>)
        tpu.yield
      }) : () -> ()
      %mul3A_82 = arith.constant 400 : i32
      %mul3A_83 = arith.muli %add3A, %mul3A_82 : i32
      %add3A_84 = arith.constant 320 : i32
      %add3A_85 = arith.addi %mul3A_83, %add3A_84 : i32
      "tpu.region"() ({
        %run_scoped3A = tpu.sem_alloc : memref<!tpu.dma_semaphore, #tpu.memory_space<semaphore_mem>>
        %dma_start3A = arith.constant 0 : i32
        %dma_start3A_102 = tpu.memref_slice %arg2[%add3A_85, %dma_start3A] : memref<10000x256xf32, #tpu.memory_space<hbm>> -> memref<40x256xf32, #tpu.memory_space<hbm>>
        %dma_start3A_103 = arith.constant 0 : i32
        %dma_start3A_104 = tpu.memref_slice %arg2[%add3A_85, %dma_start3A_103] : memref<10000x256xf32, #tpu.memory_space<hbm>> -> memref<40x256xf32, #tpu.memory_space<hbm>>
        tpu.enqueue_dma source(%dma_start3A_104 : memref<40x256xf32, #tpu.memory_space<hbm>>) target(%arg4 : memref<40x256xf32, #tpu.memory_space<vmem>>) target_semaphore(%run_scoped3A : memref<!tpu.dma_semaphore, #tpu.memory_space<semaphore_mem>>)
        %dma_wait3A = arith.constant 0 : i32
        %dma_wait3A_105 = tpu.memref_slice %arg2[%add3A_85, %dma_wait3A] : memref<10000x256xf32, #tpu.memory_space<hbm>> -> memref<40x256xf32, #tpu.memory_space<hbm>>
        %dma_wait3A_106 = arith.constant 0 : i32
        %dma_wait3A_107 = tpu.memref_slice %arg2[%add3A_85, %dma_wait3A_106] : memref<10000x256xf32, #tpu.memory_space<hbm>> -> memref<40x256xf32, #tpu.memory_space<hbm>>
        tpu.wait_dma2 semaphore(%run_scoped3A : memref<!tpu.dma_semaphore, #tpu.memory_space<semaphore_mem>>) src(%dma_wait3A_107 : memref<40x256xf32, #tpu.memory_space<hbm>>) dst(%arg4 : memref<40x256xf32, #tpu.memory_space<vmem>>)
        tpu.yield
      }) : () -> ()
      %scan3A_86 = arith.constant 0 : i32
      %scan3A_87 = arith.constant 0 : i32
      %scan3A_88 = arith.constant 40 : i32
      %scan3A_89 = arith.addi %scan3A_87, %scan3A_88 : i32
      %scan3A_90 = arith.constant 1 : i32
      scf.for %scan3A_102 = %scan3A_87 to %scan3A_89 step %scan3A_90  : i32 {
        %broadcast_in_dim3A = arith.constant 0 : i32
        %broadcast_in_dim3A_103 = vector.broadcast %broadcast_in_dim3A : i32 to vector<16xi32>
        %add3A_104 = vector.broadcast %scan3A_102 : i32 to vector<16xi32>
        %add3A_105 = arith.addi %broadcast_in_dim3A_103, %add3A_104 : vector<16xi32>
        %iota3A = tpu.iota {dimensions = array<i32: 0>} : vector<16xi32>
        %mul3A_106 = arith.constant 2 : i32
        %mul3A_107 = vector.broadcast %mul3A_106 : i32 to vector<16xi32>
        %mul3A_108 = arith.muli %mul3A_107, %iota3A : vector<16xi32>
        %add3A_109 = arith.constant 0 : i32
        %add3A_110 = vector.broadcast %add3A_109 : i32 to vector<16xi32>
        %add3A_111 = arith.addi %add3A_110, %mul3A_108 : vector<16xi32>
        %gather3A = tpu.vector_load_idx %arg4[%add3A_105, %add3A_111] : memref<40x256xf32, #tpu.memory_space<vmem>>[vector<16xi32>, vector<16xi32>], vector<16xf32>,
        %add3A_112 = arith.constant 1 : i32
        %add3A_113 = vector.broadcast %add3A_112 : i32 to vector<16xi32>
        %add3A_114 = arith.addi %add3A_111, %add3A_113 : vector<16xi32>
        %gather3A_115 = tpu.vector_load_idx %arg4[%add3A_105, %add3A_114] : memref<40x256xf32, #tpu.memory_space<vmem>>[vector<16xi32>, vector<16xi32>], vector<16xf32>,
        %pack3A = tpu.pack_subelements %gather3A, %gather3A_115 {pack_format = #tpu.pack_format<interleaved>, positions = array<i32: 0, 1>} : vector<16xf32>, vector<16xf32> -> vector<32xbf16>
        %bitcast3A = vector.bitcast %pack3A : vector<32xbf16> to vector<16xi32>
        %swap3A = arith.index_cast %scan3A_102 : i32 to index
        %swap3A_116 = arith.constant 0 : index
        %swap3A_117 = tpu.vector_load %arg5[%swap3A, %swap3A_116] {strides = array<i32>} : memref<40x128xi32, #tpu.memory_space<vmem>>, vector<16xi32>,
        tpu.vector_store %arg5[%swap3A, %swap3A_116], %bitcast3A {strides = array<i32>} : memref<40x128xi32, #tpu.memory_space<vmem>>, vector<16xi32>,
        %iota3A_118 = tpu.iota {dimensions = array<i32: 0>} : vector<16xi32>
        %mul3A_119 = arith.constant 2 : i32
        %mul3A_120 = vector.broadcast %mul3A_119 : i32 to vector<16xi32>
        %mul3A_121 = arith.muli %mul3A_120, %iota3A_118 : vector<16xi32>
        %add3A_122 = arith.constant 32 : i32
        %add3A_123 = vector.broadcast %add3A_122 : i32 to vector<16xi32>
        %add3A_124 = arith.addi %add3A_123, %mul3A_121 : vector<16xi32>
        %gather3A_125 = tpu.vector_load_idx %arg4[%add3A_105, %add3A_124] : memref<40x256xf32, #tpu.memory_space<vmem>>[vector<16xi32>, vector<16xi32>], vector<16xf32>,
        %add3A_126 = arith.constant 1 : i32
        %add3A_127 = vector.broadcast %add3A_126 : i32 to vector<16xi32>
        %add3A_128 = arith.addi %add3A_124, %add3A_127 : vector<16xi32>
        %gather3A_129 = tpu.vector_load_idx %arg4[%add3A_105, %add3A_128] : memref<40x256xf32, #tpu.memory_space<vmem>>[vector<16xi32>, vector<16xi32>], vector<16xf32>,
        %pack3A_130 = tpu.pack_subelements %gather3A_125, %gather3A_129 {pack_format = #tpu.pack_format<interleaved>, positions = array<i32: 0, 1>} : vector<16xf32>, vector<16xf32> -> vector<32xbf16>
        %bitcast3A_131 = vector.bitcast %pack3A_130 : vector<32xbf16> to vector<16xi32>
        %swap3A_132 = arith.index_cast %scan3A_102 : i32 to index
        %swap3A_133 = arith.constant 16 : index
        %swap3A_134 = tpu.vector_load %arg5[%swap3A_132, %swap3A_133] {strides = array<i32>} : memref<40x128xi32, #tpu.memory_space<vmem>>, vector<16xi32>,
        tpu.vector_store %arg5[%swap3A_132, %swap3A_133], %bitcast3A_131 {strides = array<i32>} : memref<40x128xi32, #tpu.memory_space<vmem>>, vector<16xi32>,
        %iota3A_135 = tpu.iota {dimensions = array<i32: 0>} : vector<16xi32>
        %mul3A_136 = arith.constant 2 : i32
        %mul3A_137 = vector.broadcast %mul3A_136 : i32 to vector<16xi32>
        %mul3A_138 = arith.muli %mul3A_137, %iota3A_135 : vector<16xi32>
        %add3A_139 = arith.constant 64 : i32
        %add3A_140 = vector.broadcast %add3A_139 : i32 to vector<16xi32>
        %add3A_141 = arith.addi %add3A_140, %mul3A_138 : vector<16xi32>
        %gather3A_142 = tpu.vector_load_idx %arg4[%add3A_105, %add3A_141] : memref<40x256xf32, #tpu.memory_space<vmem>>[vector<16xi32>, vector<16xi32>], vector<16xf32>,
        %add3A_143 = arith.constant 1 : i32
        %add3A_144 = vector.broadcast %add3A_143 : i32 to vector<16xi32>
        %add3A_145 = arith.addi %add3A_141, %add3A_144 : vector<16xi32>
        %gather3A_146 = tpu.vector_load_idx %arg4[%add3A_105, %add3A_145] : memref<40x256xf32, #tpu.memory_space<vmem>>[vector<16xi32>, vector<16xi32>], vector<16xf32>,
        %pack3A_147 = tpu.pack_subelements %gather3A_142, %gather3A_146 {pack_format = #tpu.pack_format<interleaved>, positions = array<i32: 0, 1>} : vector<16xf32>, vector<16xf32> -> vector<32xbf16>
        %bitcast3A_148 = vector.bitcast %pack3A_147 : vector<32xbf16> to vector<16xi32>
        %swap3A_149 = arith.index_cast %scan3A_102 : i32 to index
        %swap3A_150 = arith.constant 32 : index
        %swap3A_151 = tpu.vector_load %arg5[%swap3A_149, %swap3A_150] {strides = array<i32>} : memref<40x128xi32, #tpu.memory_space<vmem>>, vector<16xi32>,
        tpu.vector_store %arg5[%swap3A_149, %swap3A_150], %bitcast3A_148 {strides = array<i32>} : memref<40x128xi32, #tpu.memory_space<vmem>>, vector<16xi32>,
        %iota3A_152 = tpu.iota {dimensions = array<i32: 0>} : vector<16xi32>
        %mul3A_153 = arith.constant 2 : i32
        %mul3A_154 = vector.broadcast %mul3A_153 : i32 to vector<16xi32>
        %mul3A_155 = arith.muli %mul3A_154, %iota3A_152 : vector<16xi32>
        %add3A_156 = arith.constant 96 : i32
        %add3A_157 = vector.broadcast %add3A_156 : i32 to vector<16xi32>
        %add3A_158 = arith.addi %add3A_157, %mul3A_155 : vector<16xi32>
        %gather3A_159 = tpu.vector_load_idx %arg4[%add3A_105, %add3A_158] : memref<40x256xf32, #tpu.memory_space<vmem>>[vector<16xi32>, vector<16xi32>], vector<16xf32>,
        %add3A_160 = arith.constant 1 : i32
        %add3A_161 = vector.broadcast %add3A_160 : i32 to vector<16xi32>
        %add3A_162 = arith.addi %add3A_158, %add3A_161 : vector<16xi32>
        %gather3A_163 = tpu.vector_load_idx %arg4[%add3A_105, %add3A_162] : memref<40x256xf32, #tpu.memory_space<vmem>>[vector<16xi32>, vector<16xi32>], vector<16xf32>,
        %pack3A_164 = tpu.pack_subelements %gather3A_159, %gather3A_163 {pack_format = #tpu.pack_format<interleaved>, positions = array<i32: 0, 1>} : vector<16xf32>, vector<16xf32> -> vector<32xbf16>
        %bitcast3A_165 = vector.bitcast %pack3A_164 : vector<32xbf16> to vector<16xi32>
        %swap3A_166 = arith.index_cast %scan3A_102 : i32 to index
        %swap3A_167 = arith.constant 48 : index
        %swap3A_168 = tpu.vector_load %arg5[%swap3A_166, %swap3A_167] {strides = array<i32>} : memref<40x128xi32, #tpu.memory_space<vmem>>, vector<16xi32>,
        tpu.vector_store %arg5[%swap3A_166, %swap3A_167], %bitcast3A_165 {strides = array<i32>} : memref<40x128xi32, #tpu.memory_space<vmem>>, vector<16xi32>,
        %iota3A_169 = tpu.iota {dimensions = array<i32: 0>} : vector<16xi32>
        %mul3A_170 = arith.constant 2 : i32
        %mul3A_171 = vector.broadcast %mul3A_170 : i32 to vector<16xi32>
        %mul3A_172 = arith.muli %mul3A_171, %iota3A_169 : vector<16xi32>
        %add3A_173 = arith.constant 128 : i32
        %add3A_174 = vector.broadcast %add3A_173 : i32 to vector<16xi32>
        %add3A_175 = arith.addi %add3A_174, %mul3A_172 : vector<16xi32>
        %gather3A_176 = tpu.vector_load_idx %arg4[%add3A_105, %add3A_175] : memref<40x256xf32, #tpu.memory_space<vmem>>[vector<16xi32>, vector<16xi32>], vector<16xf32>,
        %add3A_177 = arith.constant 1 : i32
        %add3A_178 = vector.broadcast %add3A_177 : i32 to vector<16xi32>
        %add3A_179 = arith.addi %add3A_175, %add3A_178 : vector<16xi32>
        %gather3A_180 = tpu.vector_load_idx %arg4[%add3A_105, %add3A_179] : memref<40x256xf32, #tpu.memory_space<vmem>>[vector<16xi32>, vector<16xi32>], vector<16xf32>,
        %pack3A_181 = tpu.pack_subelements %gather3A_176, %gather3A_180 {pack_format = #tpu.pack_format<interleaved>, positions = array<i32: 0, 1>} : vector<16xf32>, vector<16xf32> -> vector<32xbf16>
        %bitcast3A_182 = vector.bitcast %pack3A_181 : vector<32xbf16> to vector<16xi32>
        %swap3A_183 = arith.index_cast %scan3A_102 : i32 to index
        %swap3A_184 = arith.constant 64 : index
        %swap3A_185 = tpu.vector_load %arg5[%swap3A_183, %swap3A_184] {strides = array<i32>} : memref<40x128xi32, #tpu.memory_space<vmem>>, vector<16xi32>,
        tpu.vector_store %arg5[%swap3A_183, %swap3A_184], %bitcast3A_182 {strides = array<i32>} : memref<40x128xi32, #tpu.memory_space<vmem>>, vector<16xi32>,
        %iota3A_186 = tpu.iota {dimensions = array<i32: 0>} : vector<16xi32>
        %mul3A_187 = arith.constant 2 : i32
        %mul3A_188 = vector.broadcast %mul3A_187 : i32 to vector<16xi32>
        %mul3A_189 = arith.muli %mul3A_188, %iota3A_186 : vector<16xi32>
        %add3A_190 = arith.constant 160 : i32
        %add3A_191 = vector.broadcast %add3A_190 : i32 to vector<16xi32>
        %add3A_192 = arith.addi %add3A_191, %mul3A_189 : vector<16xi32>
        %gather3A_193 = tpu.vector_load_idx %arg4[%add3A_105, %add3A_192] : memref<40x256xf32, #tpu.memory_space<vmem>>[vector<16xi32>, vector<16xi32>], vector<16xf32>,
        %add3A_194 = arith.constant 1 : i32
        %add3A_195 = vector.broadcast %add3A_194 : i32 to vector<16xi32>
        %add3A_196 = arith.addi %add3A_192, %add3A_195 : vector<16xi32>
        %gather3A_197 = tpu.vector_load_idx %arg4[%add3A_105, %add3A_196] : memref<40x256xf32, #tpu.memory_space<vmem>>[vector<16xi32>, vector<16xi32>], vector<16xf32>,
        %pack3A_198 = tpu.pack_subelements %gather3A_193, %gather3A_197 {pack_format = #tpu.pack_format<interleaved>, positions = array<i32: 0, 1>} : vector<16xf32>, vector<16xf32> -> vector<32xbf16>
        %bitcast3A_199 = vector.bitcast %pack3A_198 : vector<32xbf16> to vector<16xi32>
        %swap3A_200 = arith.index_cast %scan3A_102 : i32 to index
        %swap3A_201 = arith.constant 80 : index
        %swap3A_202 = tpu.vector_load %arg5[%swap3A_200, %swap3A_201] {strides = array<i32>} : memref<40x128xi32, #tpu.memory_space<vmem>>, vector<16xi32>,
        tpu.vector_store %arg5[%swap3A_200, %swap3A_201], %bitcast3A_199 {strides = array<i32>} : memref<40x128xi32, #tpu.memory_space<vmem>>, vector<16xi32>,
        %iota3A_203 = tpu.iota {dimensions = array<i32: 0>} : vector<16xi32>
        %mul3A_204 = arith.constant 2 : i32
        %mul3A_205 = vector.broadcast %mul3A_204 : i32 to vector<16xi32>
        %mul3A_206 = arith.muli %mul3A_205, %iota3A_203 : vector<16xi32>
        %add3A_207 = arith.constant 192 : i32
        %add3A_208 = vector.broadcast %add3A_207 : i32 to vector<16xi32>
        %add3A_209 = arith.addi %add3A_208, %mul3A_206 : vector<16xi32>
        %gather3A_210 = tpu.vector_load_idx %arg4[%add3A_105, %add3A_209] : memref<40x256xf32, #tpu.memory_space<vmem>>[vector<16xi32>, vector<16xi32>], vector<16xf32>,
        %add3A_211 = arith.constant 1 : i32
        %add3A_212 = vector.broadcast %add3A_211 : i32 to vector<16xi32>
        %add3A_213 = arith.addi %add3A_209, %add3A_212 : vector<16xi32>
        %gather3A_214 = tpu.vector_load_idx %arg4[%add3A_105, %add3A_213] : memref<40x256xf32, #tpu.memory_space<vmem>>[vector<16xi32>, vector<16xi32>], vector<16xf32>,
        %pack3A_215 = tpu.pack_subelements %gather3A_210, %gather3A_214 {pack_format = #tpu.pack_format<interleaved>, positions = array<i32: 0, 1>} : vector<16xf32>, vector<16xf32> -> vector<32xbf16>
        %bitcast3A_216 = vector.bitcast %pack3A_215 : vector<32xbf16> to vector<16xi32>
        %swap3A_217 = arith.index_cast %scan3A_102 : i32 to index
        %swap3A_218 = arith.constant 96 : index
        %swap3A_219 = tpu.vector_load %arg5[%swap3A_217, %swap3A_218] {strides = array<i32>} : memref<40x128xi32, #tpu.memory_space<vmem>>, vector<16xi32>,
        tpu.vector_store %arg5[%swap3A_217, %swap3A_218], %bitcast3A_216 {strides = array<i32>} : memref<40x128xi32, #tpu.memory_space<vmem>>, vector<16xi32>,
        %iota3A_220 = tpu.iota {dimensions = array<i32: 0>} : vector<16xi32>
        %mul3A_221 = arith.constant 2 : i32
        %mul3A_222 = vector.broadcast %mul3A_221 : i32 to vector<16xi32>
        %mul3A_223 = arith.muli %mul3A_222, %iota3A_220 : vector<16xi32>
        %add3A_224 = arith.constant 224 : i32
        %add3A_225 = vector.broadcast %add3A_224 : i32 to vector<16xi32>
        %add3A_226 = arith.addi %add3A_225, %mul3A_223 : vector<16xi32>
        %gather3A_227 = tpu.vector_load_idx %arg4[%add3A_105, %add3A_226] : memref<40x256xf32, #tpu.memory_space<vmem>>[vector<16xi32>, vector<16xi32>], vector<16xf32>,
        %add3A_228 = arith.constant 1 : i32
        %add3A_229 = vector.broadcast %add3A_228 : i32 to vector<16xi32>
        %add3A_230 = arith.addi %add3A_226, %add3A_229 : vector<16xi32>
        %gather3A_231 = tpu.vector_load_idx %arg4[%add3A_105, %add3A_230] : memref<40x256xf32, #tpu.memory_space<vmem>>[vector<16xi32>, vector<16xi32>], vector<16xf32>,
        %pack3A_232 = tpu.pack_subelements %gather3A_227, %gather3A_231 {pack_format = #tpu.pack_format<interleaved>, positions = array<i32: 0, 1>} : vector<16xf32>, vector<16xf32> -> vector<32xbf16>
        %bitcast3A_233 = vector.bitcast %pack3A_232 : vector<32xbf16> to vector<16xi32>
        %swap3A_234 = arith.index_cast %scan3A_102 : i32 to index
        %swap3A_235 = arith.constant 112 : index
        %swap3A_236 = tpu.vector_load %arg5[%swap3A_234, %swap3A_235] {strides = array<i32>} : memref<40x128xi32, #tpu.memory_space<vmem>>, vector<16xi32>,
        tpu.vector_store %arg5[%swap3A_234, %swap3A_235], %bitcast3A_233 {strides = array<i32>} : memref<40x128xi32, #tpu.memory_space<vmem>>, vector<16xi32>,
      }
      %scan3A_91 = arith.constant 40 : i32
      "tpu.region"() ({
        %run_scoped3A = tpu.sem_alloc : memref<!tpu.dma_semaphore, #tpu.memory_space<semaphore_mem>>
        %dma_start3A = arith.constant 0 : i32
        %dma_start3A_102 = tpu.memref_slice %arg3[%add3A_85, %dma_start3A] : memref<10000x128xi32, #tpu.memory_space<hbm>> -> memref<40x128xi32, #tpu.memory_space<hbm>>
        %dma_start3A_103 = arith.constant 0 : i32
        %dma_start3A_104 = tpu.memref_slice %arg3[%add3A_85, %dma_start3A_103] : memref<10000x128xi32, #tpu.memory_space<hbm>> -> memref<40x128xi32, #tpu.memory_space<hbm>>
        tpu.enqueue_dma source(%arg5 : memref<40x128xi32, #tpu.memory_space<vmem>>) target(%dma_start3A_104 : memref<40x128xi32, #tpu.memory_space<hbm>>) target_semaphore(%run_scoped3A : memref<!tpu.dma_semaphore, #tpu.memory_space<semaphore_mem>>)
        %dma_wait3A = arith.constant 0 : i32
        %dma_wait3A_105 = tpu.memref_slice %arg3[%add3A_85, %dma_wait3A] : memref<10000x128xi32, #tpu.memory_space<hbm>> -> memref<40x128xi32, #tpu.memory_space<hbm>>
        %dma_wait3A_106 = arith.constant 0 : i32
        %dma_wait3A_107 = tpu.memref_slice %arg3[%add3A_85, %dma_wait3A_106] : memref<10000x128xi32, #tpu.memory_space<hbm>> -> memref<40x128xi32, #tpu.memory_space<hbm>>
        tpu.wait_dma2 semaphore(%run_scoped3A : memref<!tpu.dma_semaphore, #tpu.memory_space<semaphore_mem>>) src(%arg5 : memref<40x128xi32, #tpu.memory_space<vmem>>) dst(%dma_wait3A_107 : memref<40x128xi32, #tpu.memory_space<hbm>>)
        tpu.yield
      }) : () -> ()
      %mul3A_92 = arith.constant 400 : i32
      %mul3A_93 = arith.muli %add3A, %mul3A_92 : i32
      %add3A_94 = arith.constant 360 : i32
      %add3A_95 = arith.addi %mul3A_93, %add3A_94 : i32
      "tpu.region"() ({
        %run_scoped3A = tpu.sem_alloc : memref<!tpu.dma_semaphore, #tpu.memory_space<semaphore_mem>>
        %dma_start3A = arith.constant 0 : i32
        %dma_start3A_102 = tpu.memref_slice %arg2[%add3A_95, %dma_start3A] : memref<10000x256xf32, #tpu.memory_space<hbm>> -> memref<40x256xf32, #tpu.memory_space<hbm>>
        %dma_start3A_103 = arith.constant 0 : i32
        %dma_start3A_104 = tpu.memref_slice %arg2[%add3A_95, %dma_start3A_103] : memref<10000x256xf32, #tpu.memory_space<hbm>> -> memref<40x256xf32, #tpu.memory_space<hbm>>
        tpu.enqueue_dma source(%dma_start3A_104 : memref<40x256xf32, #tpu.memory_space<hbm>>) target(%arg4 : memref<40x256xf32, #tpu.memory_space<vmem>>) target_semaphore(%run_scoped3A : memref<!tpu.dma_semaphore, #tpu.memory_space<semaphore_mem>>)
        %dma_wait3A = arith.constant 0 : i32
        %dma_wait3A_105 = tpu.memref_slice %arg2[%add3A_95, %dma_wait3A] : memref<10000x256xf32, #tpu.memory_space<hbm>> -> memref<40x256xf32, #tpu.memory_space<hbm>>
        %dma_wait3A_106 = arith.constant 0 : i32
        %dma_wait3A_107 = tpu.memref_slice %arg2[%add3A_95, %dma_wait3A_106] : memref<10000x256xf32, #tpu.memory_space<hbm>> -> memref<40x256xf32, #tpu.memory_space<hbm>>
        tpu.wait_dma2 semaphore(%run_scoped3A : memref<!tpu.dma_semaphore, #tpu.memory_space<semaphore_mem>>) src(%dma_wait3A_107 : memref<40x256xf32, #tpu.memory_space<hbm>>) dst(%arg4 : memref<40x256xf32, #tpu.memory_space<vmem>>)
        tpu.yield
      }) : () -> ()
      %scan3A_96 = arith.constant 0 : i32
      %scan3A_97 = arith.constant 0 : i32
      %scan3A_98 = arith.constant 40 : i32
      %scan3A_99 = arith.addi %scan3A_97, %scan3A_98 : i32
      %scan3A_100 = arith.constant 1 : i32
      scf.for %scan3A_102 = %scan3A_97 to %scan3A_99 step %scan3A_100  : i32 {
        %broadcast_in_dim3A = arith.constant 0 : i32
        %broadcast_in_dim3A_103 = vector.broadcast %broadcast_in_dim3A : i32 to vector<16xi32>
        %add3A_104 = vector.broadcast %scan3A_102 : i32 to vector<16xi32>
        %add3A_105 = arith.addi %broadcast_in_dim3A_103, %add3A_104 : vector<16xi32>
        %iota3A = tpu.iota {dimensions = array<i32: 0>} : vector<16xi32>
        %mul3A_106 = arith.constant 2 : i32
        %mul3A_107 = vector.broadcast %mul3A_106 : i32 to vector<16xi32>
        %mul3A_108 = arith.muli %mul3A_107, %iota3A : vector<16xi32>
        %add3A_109 = arith.constant 0 : i32
        %add3A_110 = vector.broadcast %add3A_109 : i32 to vector<16xi32>
        %add3A_111 = arith.addi %add3A_110, %mul3A_108 : vector<16xi32>
        %gather3A = tpu.vector_load_idx %arg4[%add3A_105, %add3A_111] : memref<40x256xf32, #tpu.memory_space<vmem>>[vector<16xi32>, vector<16xi32>], vector<16xf32>,
        %add3A_112 = arith.constant 1 : i32
        %add3A_113 = vector.broadcast %add3A_112 : i32 to vector<16xi32>
        %add3A_114 = arith.addi %add3A_111, %add3A_113 : vector<16xi32>
        %gather3A_115 = tpu.vector_load_idx %arg4[%add3A_105, %add3A_114] : memref<40x256xf32, #tpu.memory_space<vmem>>[vector<16xi32>, vector<16xi32>], vector<16xf32>,
        %pack3A = tpu.pack_subelements %gather3A, %gather3A_115 {pack_format = #tpu.pack_format<interleaved>, positions = array<i32: 0, 1>} : vector<16xf32>, vector<16xf32> -> vector<32xbf16>
        %bitcast3A = vector.bitcast %pack3A : vector<32xbf16> to vector<16xi32>
        %swap3A = arith.index_cast %scan3A_102 : i32 to index
        %swap3A_116 = arith.constant 0 : index
        %swap3A_117 = tpu.vector_load %arg5[%swap3A, %swap3A_116] {strides = array<i32>} : memref<40x128xi32, #tpu.memory_space<vmem>>, vector<16xi32>,
        tpu.vector_store %arg5[%swap3A, %swap3A_116], %bitcast3A {strides = array<i32>} : memref<40x128xi32, #tpu.memory_space<vmem>>, vector<16xi32>,
        %iota3A_118 = tpu.iota {dimensions = array<i32: 0>} : vector<16xi32>
        %mul3A_119 = arith.constant 2 : i32
        %mul3A_120 = vector.broadcast %mul3A_119 : i32 to vector<16xi32>
        %mul3A_121 = arith.muli %mul3A_120, %iota3A_118 : vector<16xi32>
        %add3A_122 = arith.constant 32 : i32
        %add3A_123 = vector.broadcast %add3A_122 : i32 to vector<16xi32>
        %add3A_124 = arith.addi %add3A_123, %mul3A_121 : vector<16xi32>
        %gather3A_125 = tpu.vector_load_idx %arg4[%add3A_105, %add3A_124] : memref<40x256xf32, #tpu.memory_space<vmem>>[vector<16xi32>, vector<16xi32>], vector<16xf32>,
        %add3A_126 = arith.constant 1 : i32
        %add3A_127 = vector.broadcast %add3A_126 : i32 to vector<16xi32>
        %add3A_128 = arith.addi %add3A_124, %add3A_127 : vector<16xi32>
        %gather3A_129 = tpu.vector_load_idx %arg4[%add3A_105, %add3A_128] : memref<40x256xf32, #tpu.memory_space<vmem>>[vector<16xi32>, vector<16xi32>], vector<16xf32>,
        %pack3A_130 = tpu.pack_subelements %gather3A_125, %gather3A_129 {pack_format = #tpu.pack_format<interleaved>, positions = array<i32: 0, 1>} : vector<16xf32>, vector<16xf32> -> vector<32xbf16>
        %bitcast3A_131 = vector.bitcast %pack3A_130 : vector<32xbf16> to vector<16xi32>
        %swap3A_132 = arith.index_cast %scan3A_102 : i32 to index
        %swap3A_133 = arith.constant 16 : index
        %swap3A_134 = tpu.vector_load %arg5[%swap3A_132, %swap3A_133] {strides = array<i32>} : memref<40x128xi32, #tpu.memory_space<vmem>>, vector<16xi32>,
        tpu.vector_store %arg5[%swap3A_132, %swap3A_133], %bitcast3A_131 {strides = array<i32>} : memref<40x128xi32, #tpu.memory_space<vmem>>, vector<16xi32>,
        %iota3A_135 = tpu.iota {dimensions = array<i32: 0>} : vector<16xi32>
        %mul3A_136 = arith.constant 2 : i32
        %mul3A_137 = vector.broadcast %mul3A_136 : i32 to vector<16xi32>
        %mul3A_138 = arith.muli %mul3A_137, %iota3A_135 : vector<16xi32>
        %add3A_139 = arith.constant 64 : i32
        %add3A_140 = vector.broadcast %add3A_139 : i32 to vector<16xi32>
        %add3A_141 = arith.addi %add3A_140, %mul3A_138 : vector<16xi32>
        %gather3A_142 = tpu.vector_load_idx %arg4[%add3A_105, %add3A_141] : memref<40x256xf32, #tpu.memory_space<vmem>>[vector<16xi32>, vector<16xi32>], vector<16xf32>,
        %add3A_143 = arith.constant 1 : i32
        %add3A_144 = vector.broadcast %add3A_143 : i32 to vector<16xi32>
        %add3A_145 = arith.addi %add3A_141, %add3A_144 : vector<16xi32>
        %gather3A_146 = tpu.vector_load_idx %arg4[%add3A_105, %add3A_145] : memref<40x256xf32, #tpu.memory_space<vmem>>[vector<16xi32>, vector<16xi32>], vector<16xf32>,
        %pack3A_147 = tpu.pack_subelements %gather3A_142, %gather3A_146 {pack_format = #tpu.pack_format<interleaved>, positions = array<i32: 0, 1>} : vector<16xf32>, vector<16xf32> -> vector<32xbf16>
        %bitcast3A_148 = vector.bitcast %pack3A_147 : vector<32xbf16> to vector<16xi32>
        %swap3A_149 = arith.index_cast %scan3A_102 : i32 to index
        %swap3A_150 = arith.constant 32 : index
        %swap3A_151 = tpu.vector_load %arg5[%swap3A_149, %swap3A_150] {strides = array<i32>} : memref<40x128xi32, #tpu.memory_space<vmem>>, vector<16xi32>,
        tpu.vector_store %arg5[%swap3A_149, %swap3A_150], %bitcast3A_148 {strides = array<i32>} : memref<40x128xi32, #tpu.memory_space<vmem>>, vector<16xi32>,
        %iota3A_152 = tpu.iota {dimensions = array<i32: 0>} : vector<16xi32>
        %mul3A_153 = arith.constant 2 : i32
        %mul3A_154 = vector.broadcast %mul3A_153 : i32 to vector<16xi32>
        %mul3A_155 = arith.muli %mul3A_154, %iota3A_152 : vector<16xi32>
        %add3A_156 = arith.constant 96 : i32
        %add3A_157 = vector.broadcast %add3A_156 : i32 to vector<16xi32>
        %add3A_158 = arith.addi %add3A_157, %mul3A_155 : vector<16xi32>
        %gather3A_159 = tpu.vector_load_idx %arg4[%add3A_105, %add3A_158] : memref<40x256xf32, #tpu.memory_space<vmem>>[vector<16xi32>, vector<16xi32>], vector<16xf32>,
        %add3A_160 = arith.constant 1 : i32
        %add3A_161 = vector.broadcast %add3A_160 : i32 to vector<16xi32>
        %add3A_162 = arith.addi %add3A_158, %add3A_161 : vector<16xi32>
        %gather3A_163 = tpu.vector_load_idx %arg4[%add3A_105, %add3A_162] : memref<40x256xf32, #tpu.memory_space<vmem>>[vector<16xi32>, vector<16xi32>], vector<16xf32>,
        %pack3A_164 = tpu.pack_subelements %gather3A_159, %gather3A_163 {pack_format = #tpu.pack_format<interleaved>, positions = array<i32: 0, 1>} : vector<16xf32>, vector<16xf32> -> vector<32xbf16>
        %bitcast3A_165 = vector.bitcast %pack3A_164 : vector<32xbf16> to vector<16xi32>
        %swap3A_166 = arith.index_cast %scan3A_102 : i32 to index
        %swap3A_167 = arith.constant 48 : index
        %swap3A_168 = tpu.vector_load %arg5[%swap3A_166, %swap3A_167] {strides = array<i32>} : memref<40x128xi32, #tpu.memory_space<vmem>>, vector<16xi32>,
        tpu.vector_store %arg5[%swap3A_166, %swap3A_167], %bitcast3A_165 {strides = array<i32>} : memref<40x128xi32, #tpu.memory_space<vmem>>, vector<16xi32>,
        %iota3A_169 = tpu.iota {dimensions = array<i32: 0>} : vector<16xi32>
        %mul3A_170 = arith.constant 2 : i32
        %mul3A_171 = vector.broadcast %mul3A_170 : i32 to vector<16xi32>
        %mul3A_172 = arith.muli %mul3A_171, %iota3A_169 : vector<16xi32>
        %add3A_173 = arith.constant 128 : i32
        %add3A_174 = vector.broadcast %add3A_173 : i32 to vector<16xi32>
        %add3A_175 = arith.addi %add3A_174, %mul3A_172 : vector<16xi32>
        %gather3A_176 = tpu.vector_load_idx %arg4[%add3A_105, %add3A_175] : memref<40x256xf32, #tpu.memory_space<vmem>>[vector<16xi32>, vector<16xi32>], vector<16xf32>,
        %add3A_177 = arith.constant 1 : i32
        %add3A_178 = vector.broadcast %add3A_177 : i32 to vector<16xi32>
        %add3A_179 = arith.addi %add3A_175, %add3A_178 : vector<16xi32>
        %gather3A_180 = tpu.vector_load_idx %arg4[%add3A_105, %add3A_179] : memref<40x256xf32, #tpu.memory_space<vmem>>[vector<16xi32>, vector<16xi32>], vector<16xf32>,
        %pack3A_181 = tpu.pack_subelements %gather3A_176, %gather3A_180 {pack_format = #tpu.pack_format<interleaved>, positions = array<i32: 0, 1>} : vector<16xf32>, vector<16xf32> -> vector<32xbf16>
        %bitcast3A_182 = vector.bitcast %pack3A_181 : vector<32xbf16> to vector<16xi32>
        %swap3A_183 = arith.index_cast %scan3A_102 : i32 to index
        %swap3A_184 = arith.constant 64 : index
        %swap3A_185 = tpu.vector_load %arg5[%swap3A_183, %swap3A_184] {strides = array<i32>} : memref<40x128xi32, #tpu.memory_space<vmem>>, vector<16xi32>,
        tpu.vector_store %arg5[%swap3A_183, %swap3A_184], %bitcast3A_182 {strides = array<i32>} : memref<40x128xi32, #tpu.memory_space<vmem>>, vector<16xi32>,
        %iota3A_186 = tpu.iota {dimensions = array<i32: 0>} : vector<16xi32>
        %mul3A_187 = arith.constant 2 : i32
        %mul3A_188 = vector.broadcast %mul3A_187 : i32 to vector<16xi32>
        %mul3A_189 = arith.muli %mul3A_188, %iota3A_186 : vector<16xi32>
        %add3A_190 = arith.constant 160 : i32
        %add3A_191 = vector.broadcast %add3A_190 : i32 to vector<16xi32>
        %add3A_192 = arith.addi %add3A_191, %mul3A_189 : vector<16xi32>
        %gather3A_193 = tpu.vector_load_idx %arg4[%add3A_105, %add3A_192] : memref<40x256xf32, #tpu.memory_space<vmem>>[vector<16xi32>, vector<16xi32>], vector<16xf32>,
        %add3A_194 = arith.constant 1 : i32
        %add3A_195 = vector.broadcast %add3A_194 : i32 to vector<16xi32>
        %add3A_196 = arith.addi %add3A_192, %add3A_195 : vector<16xi32>
        %gather3A_197 = tpu.vector_load_idx %arg4[%add3A_105, %add3A_196] : memref<40x256xf32, #tpu.memory_space<vmem>>[vector<16xi32>, vector<16xi32>], vector<16xf32>,
        %pack3A_198 = tpu.pack_subelements %gather3A_193, %gather3A_197 {pack_format = #tpu.pack_format<interleaved>, positions = array<i32: 0, 1>} : vector<16xf32>, vector<16xf32> -> vector<32xbf16>
        %bitcast3A_199 = vector.bitcast %pack3A_198 : vector<32xbf16> to vector<16xi32>
        %swap3A_200 = arith.index_cast %scan3A_102 : i32 to index
        %swap3A_201 = arith.constant 80 : index
        %swap3A_202 = tpu.vector_load %arg5[%swap3A_200, %swap3A_201] {strides = array<i32>} : memref<40x128xi32, #tpu.memory_space<vmem>>, vector<16xi32>,
        tpu.vector_store %arg5[%swap3A_200, %swap3A_201], %bitcast3A_199 {strides = array<i32>} : memref<40x128xi32, #tpu.memory_space<vmem>>, vector<16xi32>,
        %iota3A_203 = tpu.iota {dimensions = array<i32: 0>} : vector<16xi32>
        %mul3A_204 = arith.constant 2 : i32
        %mul3A_205 = vector.broadcast %mul3A_204 : i32 to vector<16xi32>
        %mul3A_206 = arith.muli %mul3A_205, %iota3A_203 : vector<16xi32>
        %add3A_207 = arith.constant 192 : i32
        %add3A_208 = vector.broadcast %add3A_207 : i32 to vector<16xi32>
        %add3A_209 = arith.addi %add3A_208, %mul3A_206 : vector<16xi32>
        %gather3A_210 = tpu.vector_load_idx %arg4[%add3A_105, %add3A_209] : memref<40x256xf32, #tpu.memory_space<vmem>>[vector<16xi32>, vector<16xi32>], vector<16xf32>,
        %add3A_211 = arith.constant 1 : i32
        %add3A_212 = vector.broadcast %add3A_211 : i32 to vector<16xi32>
        %add3A_213 = arith.addi %add3A_209, %add3A_212 : vector<16xi32>
        %gather3A_214 = tpu.vector_load_idx %arg4[%add3A_105, %add3A_213] : memref<40x256xf32, #tpu.memory_space<vmem>>[vector<16xi32>, vector<16xi32>], vector<16xf32>,
        %pack3A_215 = tpu.pack_subelements %gather3A_210, %gather3A_214 {pack_format = #tpu.pack_format<interleaved>, positions = array<i32: 0, 1>} : vector<16xf32>, vector<16xf32> -> vector<32xbf16>
        %bitcast3A_216 = vector.bitcast %pack3A_215 : vector<32xbf16> to vector<16xi32>
        %swap3A_217 = arith.index_cast %scan3A_102 : i32 to index
        %swap3A_218 = arith.constant 96 : index
        %swap3A_219 = tpu.vector_load %arg5[%swap3A_217, %swap3A_218] {strides = array<i32>} : memref<40x128xi32, #tpu.memory_space<vmem>>, vector<16xi32>,
        tpu.vector_store %arg5[%swap3A_217, %swap3A_218], %bitcast3A_216 {strides = array<i32>} : memref<40x128xi32, #tpu.memory_space<vmem>>, vector<16xi32>,
        %iota3A_220 = tpu.iota {dimensions = array<i32: 0>} : vector<16xi32>
        %mul3A_221 = arith.constant 2 : i32
        %mul3A_222 = vector.broadcast %mul3A_221 : i32 to vector<16xi32>
        %mul3A_223 = arith.muli %mul3A_222, %iota3A_220 : vector<16xi32>
        %add3A_224 = arith.constant 224 : i32
        %add3A_225 = vector.broadcast %add3A_224 : i32 to vector<16xi32>
        %add3A_226 = arith.addi %add3A_225, %mul3A_223 : vector<16xi32>
        %gather3A_227 = tpu.vector_load_idx %arg4[%add3A_105, %add3A_226] : memref<40x256xf32, #tpu.memory_space<vmem>>[vector<16xi32>, vector<16xi32>], vector<16xf32>,
        %add3A_228 = arith.constant 1 : i32
        %add3A_229 = vector.broadcast %add3A_228 : i32 to vector<16xi32>
        %add3A_230 = arith.addi %add3A_226, %add3A_229 : vector<16xi32>
        %gather3A_231 = tpu.vector_load_idx %arg4[%add3A_105, %add3A_230] : memref<40x256xf32, #tpu.memory_space<vmem>>[vector<16xi32>, vector<16xi32>], vector<16xf32>,
        %pack3A_232 = tpu.pack_subelements %gather3A_227, %gather3A_231 {pack_format = #tpu.pack_format<interleaved>, positions = array<i32: 0, 1>} : vector<16xf32>, vector<16xf32> -> vector<32xbf16>
        %bitcast3A_233 = vector.bitcast %pack3A_232 : vector<32xbf16> to vector<16xi32>
        %swap3A_234 = arith.index_cast %scan3A_102 : i32 to index
        %swap3A_235 = arith.constant 112 : index
        %swap3A_236 = tpu.vector_load %arg5[%swap3A_234, %swap3A_235] {strides = array<i32>} : memref<40x128xi32, #tpu.memory_space<vmem>>, vector<16xi32>,
        tpu.vector_store %arg5[%swap3A_234, %swap3A_235], %bitcast3A_233 {strides = array<i32>} : memref<40x128xi32, #tpu.memory_space<vmem>>, vector<16xi32>,
      }
      %scan3A_101 = arith.constant 40 : i32
      "tpu.region"() ({
        %run_scoped3A = tpu.sem_alloc : memref<!tpu.dma_semaphore, #tpu.memory_space<semaphore_mem>>
        %dma_start3A = arith.constant 0 : i32
        %dma_start3A_102 = tpu.memref_slice %arg3[%add3A_95, %dma_start3A] : memref<10000x128xi32, #tpu.memory_space<hbm>> -> memref<40x128xi32, #tpu.memory_space<hbm>>
        %dma_start3A_103 = arith.constant 0 : i32
        %dma_start3A_104 = tpu.memref_slice %arg3[%add3A_95, %dma_start3A_103] : memref<10000x128xi32, #tpu.memory_space<hbm>> -> memref<40x128xi32, #tpu.memory_space<hbm>>
        tpu.enqueue_dma source(%arg5 : memref<40x128xi32, #tpu.memory_space<vmem>>) target(%dma_start3A_104 : memref<40x128xi32, #tpu.memory_space<hbm>>) target_semaphore(%run_scoped3A : memref<!tpu.dma_semaphore, #tpu.memory_space<semaphore_mem>>)
        %dma_wait3A = arith.constant 0 : i32
        %dma_wait3A_105 = tpu.memref_slice %arg3[%add3A_95, %dma_wait3A] : memref<10000x128xi32, #tpu.memory_space<hbm>> -> memref<40x128xi32, #tpu.memory_space<hbm>>
        %dma_wait3A_106 = arith.constant 0 : i32
        %dma_wait3A_107 = tpu.memref_slice %arg3[%add3A_95, %dma_wait3A_106] : memref<10000x128xi32, #tpu.memory_space<hbm>> -> memref<40x128xi32, #tpu.memory_space<hbm>>
        tpu.wait_dma2 semaphore(%run_scoped3A : memref<!tpu.dma_semaphore, #tpu.memory_space<semaphore_mem>>) src(%arg5 : memref<40x128xi32, #tpu.memory_space<vmem>>) dst(%dma_wait3A_107 : memref<40x128xi32, #tpu.memory_space<hbm>>)
        tpu.yield
      }) : () -> ()
    } else {
    }
    return
  }
}

#map = affine_map<(d0, d1) -> (0)>
#map1 = affine_map<(d0, d1) -> (0, 0)>
module attributes {stable_mosaic.version = 14 : i64} {
  func.func @body(%arg0: i32, %arg1: i32, %arg2: memref<10000xi32, #tpu.memory_space<hbm>>, %arg3: memref<160000xi32, #tpu.memory_space<hbm>>, %arg4: memref<160000xi32, #tpu.memory_space<hbm>>, %arg5: memref<160000xi32, #tpu.memory_space<hbm>>, %arg6: memref<10000x128xi32, #tpu.memory_space<hbm>>, %arg7: memref<160000x128xi32, #tpu.memory_space<hbm>>, %arg8: memref<10000xi32, #tpu.memory_space<vmem>>, %arg9: memref<5008xi32, #tpu.memory_space<vmem>>, %arg10: memref<5008xi32, #tpu.memory_space<vmem>>, %arg11: memref<5008xi32, #tpu.memory_space<vmem>>, %arg12: memref<200x128xi32, #tpu.memory_space<vmem>>, %arg13: memref<200x128xi32, #tpu.memory_space<vmem>>, %arg14: memref<!tpu.dma_semaphore, #tpu.memory_space<semaphore_mem>>, %arg15: memref<!tpu.dma_semaphore, #tpu.memory_space<semaphore_mem>>, %arg16: memref<!tpu.dma_semaphore, #tpu.memory_space<semaphore_mem>>, %arg17: memref<!tpu.dma_semaphore, #tpu.memory_space<semaphore_mem>>) attributes {dimension_semantics = [#tpu.dimension_semantics<core_parallel>, #tpu.dimension_semantics<subcore_parallel>], iteration_bounds = array<i64: 2, 16>, scalar_prefetch = 0 : i64, scratch_operands = 10 : i64, tpu.core_type = #tpu.core_type<sc_vector_subcore>, window_params = [{transform_indices = #map}, {transform_indices = #map}, {transform_indices = #map}, {transform_indices = #map}, {transform_indices = #map1}, {transform_indices = #map1}]} {
    %mul3A = arith.constant 2 : i32
    %mul3A_0 = arith.muli %arg1, %mul3A : i32
    %add3A = arith.addi %mul3A_0, %arg0 : i32
    %mul3A_1 = arith.constant 5000 : i32
    %mul3A_2 = arith.muli %add3A, %mul3A_1 : i32
    %add3A_3 = arith.constant 0 : i32
    %add3A_4 = arith.addi %add3A_3, %mul3A_2 : i32
    "tpu.region"() ({
      %run_scoped3A = tpu.sem_alloc : memref<!tpu.dma_semaphore, #tpu.memory_space<semaphore_mem>>
      tpu.enqueue_dma source(%arg2 : memref<10000xi32, #tpu.memory_space<hbm>>) target(%arg8 : memref<10000xi32, #tpu.memory_space<vmem>>) target_semaphore(%run_scoped3A : memref<!tpu.dma_semaphore, #tpu.memory_space<semaphore_mem>>)
      tpu.wait_dma2 semaphore(%run_scoped3A : memref<!tpu.dma_semaphore, #tpu.memory_space<semaphore_mem>>) src(%arg2 : memref<10000xi32, #tpu.memory_space<hbm>>) dst(%arg8 : memref<10000xi32, #tpu.memory_space<vmem>>)
      tpu.yield
    }) : () -> ()
    %broadcast_in_dim3A = arith.constant 0 : i32
    %broadcast_in_dim3A_5 = vector.broadcast %broadcast_in_dim3A : i32 to vector<16xi32>
    %swap3A = arith.constant 4992 : index
    %swap3A_6 = tpu.vector_load %arg9[%swap3A] {strides = array<i32>} : memref<5008xi32, #tpu.memory_space<vmem>>, vector<16xi32>,
    tpu.vector_store %arg9[%swap3A], %broadcast_in_dim3A_5 {strides = array<i32>} : memref<5008xi32, #tpu.memory_space<vmem>>, vector<16xi32>,
    "tpu.region"() ({
      %run_scoped3A = tpu.sem_alloc : memref<!tpu.dma_semaphore, #tpu.memory_space<semaphore_mem>>
      %dma_start3A_520 = arith.constant 0 : i32
      %dma_start3A_521 = tpu.memref_slice %arg9[%dma_start3A_520] : memref<5008xi32, #tpu.memory_space<vmem>> -> memref<5000xi32, #tpu.memory_space<vmem>>
      %dma_start3A_522 = tpu.memref_slice %arg5[%add3A_4] : memref<160000xi32, #tpu.memory_space<hbm>> -> memref<5000xi32, #tpu.memory_space<hbm>>
      %dma_start3A_523 = arith.constant 0 : i32
      %dma_start3A_524 = tpu.memref_slice %arg9[%dma_start3A_523] : memref<5008xi32, #tpu.memory_space<vmem>> -> memref<5000xi32, #tpu.memory_space<vmem>>
      %dma_start3A_525 = tpu.memref_slice %arg5[%add3A_4] : memref<160000xi32, #tpu.memory_space<hbm>> -> memref<5000xi32, #tpu.memory_space<hbm>>
      tpu.enqueue_dma source(%dma_start3A_525 : memref<5000xi32, #tpu.memory_space<hbm>>) target(%dma_start3A_524 : memref<5000xi32, #tpu.memory_space<vmem>>) target_semaphore(%run_scoped3A : memref<!tpu.dma_semaphore, #tpu.memory_space<semaphore_mem>>)
      %dma_wait3A_526 = arith.constant 0 : i32
      %dma_wait3A_527 = tpu.memref_slice %arg9[%dma_wait3A_526] : memref<5008xi32, #tpu.memory_space<vmem>> -> memref<5000xi32, #tpu.memory_space<vmem>>
      %dma_wait3A_528 = tpu.memref_slice %arg5[%add3A_4] : memref<160000xi32, #tpu.memory_space<hbm>> -> memref<5000xi32, #tpu.memory_space<hbm>>
      %dma_wait3A_529 = arith.constant 0 : i32
      %dma_wait3A_530 = tpu.memref_slice %arg9[%dma_wait3A_529] : memref<5008xi32, #tpu.memory_space<vmem>> -> memref<5000xi32, #tpu.memory_space<vmem>>
      %dma_wait3A_531 = tpu.memref_slice %arg5[%add3A_4] : memref<160000xi32, #tpu.memory_space<hbm>> -> memref<5000xi32, #tpu.memory_space<hbm>>
      tpu.wait_dma2 semaphore(%run_scoped3A : memref<!tpu.dma_semaphore, #tpu.memory_space<semaphore_mem>>) src(%dma_wait3A_531 : memref<5000xi32, #tpu.memory_space<hbm>>) dst(%dma_wait3A_530 : memref<5000xi32, #tpu.memory_space<vmem>>)
      tpu.yield
    }) : () -> ()
    %dma_start3A = arith.constant 0 : i32
    %dma_start3A_7 = tpu.memref_slice %arg3[%dma_start3A] : memref<160000xi32, #tpu.memory_space<hbm>> -> memref<160000xi32, #tpu.memory_space<hbm>>
    tpu.enqueue_indirect_dma source(%dma_start3A_7 : memref<160000xi32, #tpu.memory_space<hbm>>) target(%arg10 : memref<5008xi32, #tpu.memory_space<vmem>>) offsets(%arg9 : memref<5008xi32, #tpu.memory_space<vmem>>) semaphore(%arg14 : memref<!tpu.dma_semaphore, #tpu.memory_space<semaphore_mem>>)
    %dma_start3A_8 = arith.constant 0 : i32
    %dma_start3A_9 = tpu.memref_slice %arg4[%dma_start3A_8] : memref<160000xi32, #tpu.memory_space<hbm>> -> memref<160000xi32, #tpu.memory_space<hbm>>
    tpu.enqueue_indirect_dma source(%dma_start3A_9 : memref<160000xi32, #tpu.memory_space<hbm>>) target(%arg11 : memref<5008xi32, #tpu.memory_space<vmem>>) offsets(%arg9 : memref<5008xi32, #tpu.memory_space<vmem>>) semaphore(%arg15 : memref<!tpu.dma_semaphore, #tpu.memory_space<semaphore_mem>>)
    %dma_wait3A = arith.constant 0 : i32
    %dma_wait3A_10 = tpu.memref_slice %arg3[%dma_wait3A] : memref<160000xi32, #tpu.memory_space<hbm>> -> memref<160000xi32, #tpu.memory_space<hbm>>
    tpu.wait_indirect_dma semaphore(%arg14 : memref<!tpu.dma_semaphore, #tpu.memory_space<semaphore_mem>>) src(%dma_wait3A_10 : memref<160000xi32, #tpu.memory_space<hbm>>) dst(%arg10 : memref<5008xi32, #tpu.memory_space<vmem>>)
    %dma_wait3A_11 = arith.constant 0 : i32
    %dma_wait3A_12 = tpu.memref_slice %arg4[%dma_wait3A_11] : memref<160000xi32, #tpu.memory_space<hbm>> -> memref<160000xi32, #tpu.memory_space<hbm>>
    tpu.wait_indirect_dma semaphore(%arg15 : memref<!tpu.dma_semaphore, #tpu.memory_space<semaphore_mem>>) src(%dma_wait3A_12 : memref<160000xi32, #tpu.memory_space<hbm>>) dst(%arg11 : memref<5008xi32, #tpu.memory_space<vmem>>)
    %scan3A = arith.constant 0 : i32
    %scan3A_13 = arith.constant 0 : i32
    %scan3A_14 = arith.constant 313 : i32
    %scan3A_15 = arith.addi %scan3A_13, %scan3A_14 : i32
    %scan3A_16 = arith.constant 1 : i32
    scf.for %scan3A_520 = %scan3A_13 to %scan3A_15 step %scan3A_16  : i32 {
      %mul3A_521 = arith.constant 16 : i32
      %mul3A_522 = arith.muli %scan3A_520, %mul3A_521 : i32
      %get3A = arith.index_cast %mul3A_522 : i32 to index
      %get3A_523 = tpu.vector_load %arg10[%get3A] {strides = array<i32>} : memref<5008xi32, #tpu.memory_space<vmem>>, vector<16xi32>,
      %jit3A = arith.constant 0 : i32
      %jit3A_524 = arith.constant 9999 : i32
      %max3A = vector.broadcast %jit3A : i32 to vector<16xi32>
      %max3A_525 = arith.maxsi %max3A, %get3A_523 : vector<16xi32>
      %min3A = vector.broadcast %jit3A_524 : i32 to vector<16xi32>
      %min3A_526 = arith.minsi %min3A, %max3A_525 : vector<16xi32>
      %get3A_527 = arith.index_cast %mul3A_522 : i32 to index
      %get3A_528 = tpu.vector_load %arg11[%get3A_527] {strides = array<i32>} : memref<5008xi32, #tpu.memory_space<vmem>>, vector<16xi32>,
      %jit3A_529 = arith.constant 0 : i32
      %jit3A_530 = arith.constant 9999 : i32
      %max3A_531 = vector.broadcast %jit3A_529 : i32 to vector<16xi32>
      %max3A_532 = arith.maxsi %max3A_531, %get3A_528 : vector<16xi32>
      %min3A_533 = vector.broadcast %jit3A_530 : i32 to vector<16xi32>
      %min3A_534 = arith.minsi %min3A_533, %max3A_532 : vector<16xi32>
      %gather3A = tpu.vector_load_idx %arg8[%min3A_526] : memref<10000xi32, #tpu.memory_space<vmem>>[vector<16xi32>], vector<16xi32>,
      %gather3A_535 = tpu.vector_load_idx %arg8[%min3A_534] : memref<10000xi32, #tpu.memory_space<vmem>>[vector<16xi32>], vector<16xi32>,
      %mul3A_536 = arith.constant 100 : i32
      %mul3A_537 = vector.broadcast %mul3A_536 : i32 to vector<16xi32>
      %mul3A_538 = arith.muli %mul3A_537, %gather3A_535 : vector<16xi32>
      %add3A_539 = arith.addi %gather3A, %mul3A_538 : vector<16xi32>
      %swap3A_540 = arith.index_cast %mul3A_522 : i32 to index
      %swap3A_541 = tpu.vector_load %arg9[%swap3A_540] {strides = array<i32>} : memref<5008xi32, #tpu.memory_space<vmem>>, vector<16xi32>,
      tpu.vector_store %arg9[%swap3A_540], %add3A_539 {strides = array<i32>} : memref<5008xi32, #tpu.memory_space<vmem>>, vector<16xi32>,
    }
    %scan3A_17 = arith.constant 313 : i32
    %mul3A_18 = arith.constant 5000 : i32
    %mul3A_19 = arith.muli %add3A, %mul3A_18 : i32
    %dma_start3A_20 = arith.constant 0 : i32
    %dma_start3A_21 = tpu.memref_slice %arg9[%dma_start3A_20] : memref<5008xi32, #tpu.memory_space<vmem>> -> memref<200xi32, #tpu.memory_space<vmem>>
    %dma_start3A_22 = arith.constant 0 : i32
    %dma_start3A_23 = arith.constant 0 : i32
    %dma_start3A_24 = tpu.memref_slice %arg6[%dma_start3A_22, %dma_start3A_23] : memref<10000x128xi32, #tpu.memory_space<hbm>> -> memref<10000x128xi32, #tpu.memory_space<hbm>>
    tpu.enqueue_indirect_dma source(%dma_start3A_24 : memref<10000x128xi32, #tpu.memory_space<hbm>>) target(%arg12 : memref<200x128xi32, #tpu.memory_space<vmem>>) offsets(%dma_start3A_21 : memref<200xi32, #tpu.memory_space<vmem>>) semaphore(%arg14 : memref<!tpu.dma_semaphore, #tpu.memory_space<semaphore_mem>>)
    %dma_start3A_25 = arith.constant 200 : i32
    %dma_start3A_26 = tpu.memref_slice %arg9[%dma_start3A_25] : memref<5008xi32, #tpu.memory_space<vmem>> -> memref<200xi32, #tpu.memory_space<vmem>>
    %dma_start3A_27 = arith.constant 0 : i32
    %dma_start3A_28 = arith.constant 0 : i32
    %dma_start3A_29 = tpu.memref_slice %arg6[%dma_start3A_27, %dma_start3A_28] : memref<10000x128xi32, #tpu.memory_space<hbm>> -> memref<10000x128xi32, #tpu.memory_space<hbm>>
    tpu.enqueue_indirect_dma source(%dma_start3A_29 : memref<10000x128xi32, #tpu.memory_space<hbm>>) target(%arg13 : memref<200x128xi32, #tpu.memory_space<vmem>>) offsets(%dma_start3A_26 : memref<200xi32, #tpu.memory_space<vmem>>) semaphore(%arg15 : memref<!tpu.dma_semaphore, #tpu.memory_space<semaphore_mem>>)
    %dma_wait3A_30 = arith.constant 0 : i32
    %dma_wait3A_31 = tpu.memref_slice %arg9[%dma_wait3A_30] : memref<5008xi32, #tpu.memory_space<vmem>> -> memref<200xi32, #tpu.memory_space<vmem>>
    %dma_wait3A_32 = arith.constant 0 : i32
    %dma_wait3A_33 = arith.constant 0 : i32
    %dma_wait3A_34 = tpu.memref_slice %arg6[%dma_wait3A_32, %dma_wait3A_33] : memref<10000x128xi32, #tpu.memory_space<hbm>> -> memref<10000x128xi32, #tpu.memory_space<hbm>>
    tpu.wait_indirect_dma semaphore(%arg14 : memref<!tpu.dma_semaphore, #tpu.memory_space<semaphore_mem>>) src(%dma_wait3A_34 : memref<10000x128xi32, #tpu.memory_space<hbm>>) dst(%arg12 : memref<200x128xi32, #tpu.memory_space<vmem>>)
    %add3A_35 = arith.constant 0 : i32
    %add3A_36 = arith.addi %mul3A_19, %add3A_35 : i32
    %dma_start3A_37 = arith.constant 0 : i32
    %dma_start3A_38 = tpu.memref_slice %arg7[%add3A_36, %dma_start3A_37] : memref<160000x128xi32, #tpu.memory_space<hbm>> -> memref<200x128xi32, #tpu.memory_space<hbm>>
    %dma_start3A_39 = arith.constant 0 : i32
    %dma_start3A_40 = tpu.memref_slice %arg7[%add3A_36, %dma_start3A_39] : memref<160000x128xi32, #tpu.memory_space<hbm>> -> memref<200x128xi32, #tpu.memory_space<hbm>>
    tpu.enqueue_dma source(%arg12 : memref<200x128xi32, #tpu.memory_space<vmem>>) target(%dma_start3A_40 : memref<200x128xi32, #tpu.memory_space<hbm>>) target_semaphore(%arg16 : memref<!tpu.dma_semaphore, #tpu.memory_space<semaphore_mem>>)
    %dma_wait3A_41 = arith.constant 0 : i32
    %dma_wait3A_42 = tpu.memref_slice %arg7[%add3A_36, %dma_wait3A_41] : memref<160000x128xi32, #tpu.memory_space<hbm>> -> memref<200x128xi32, #tpu.memory_space<hbm>>
    %dma_wait3A_43 = arith.constant 0 : i32
    %dma_wait3A_44 = tpu.memref_slice %arg7[%add3A_36, %dma_wait3A_43] : memref<160000x128xi32, #tpu.memory_space<hbm>> -> memref<200x128xi32, #tpu.memory_space<hbm>>
    tpu.wait_dma2 semaphore(%arg16 : memref<!tpu.dma_semaphore, #tpu.memory_space<semaphore_mem>>) src(%arg12 : memref<200x128xi32, #tpu.memory_space<vmem>>) dst(%dma_wait3A_44 : memref<200x128xi32, #tpu.memory_space<hbm>>)
    %dma_start3A_45 = arith.constant 400 : i32
    %dma_start3A_46 = tpu.memref_slice %arg9[%dma_start3A_45] : memref<5008xi32, #tpu.memory_space<vmem>> -> memref<200xi32, #tpu.memory_space<vmem>>
    %dma_start3A_47 = arith.constant 0 : i32
    %dma_start3A_48 = arith.constant 0 : i32
    %dma_start3A_49 = tpu.memref_slice %arg6[%dma_start3A_47, %dma_start3A_48] : memref<10000x128xi32, #tpu.memory_space<hbm>> -> memref<10000x128xi32, #tpu.memory_space<hbm>>
    tpu.enqueue_indirect_dma source(%dma_start3A_49 : memref<10000x128xi32, #tpu.memory_space<hbm>>) target(%arg12 : memref<200x128xi32, #tpu.memory_space<vmem>>) offsets(%dma_start3A_46 : memref<200xi32, #tpu.memory_space<vmem>>) semaphore(%arg14 : memref<!tpu.dma_semaphore, #tpu.memory_space<semaphore_mem>>)
    %dma_wait3A_50 = arith.constant 200 : i32
    %dma_wait3A_51 = tpu.memref_slice %arg9[%dma_wait3A_50] : memref<5008xi32, #tpu.memory_space<vmem>> -> memref<200xi32, #tpu.memory_space<vmem>>
    %dma_wait3A_52 = arith.constant 0 : i32
    %dma_wait3A_53 = arith.constant 0 : i32
    %dma_wait3A_54 = tpu.memref_slice %arg6[%dma_wait3A_52, %dma_wait3A_53] : memref<10000x128xi32, #tpu.memory_space<hbm>> -> memref<10000x128xi32, #tpu.memory_space<hbm>>
    tpu.wait_indirect_dma semaphore(%arg15 : memref<!tpu.dma_semaphore, #tpu.memory_space<semaphore_mem>>) src(%dma_wait3A_54 : memref<10000x128xi32, #tpu.memory_space<hbm>>) dst(%arg13 : memref<200x128xi32, #tpu.memory_space<vmem>>)
    %add3A_55 = arith.constant 200 : i32
    %add3A_56 = arith.addi %mul3A_19, %add3A_55 : i32
    %dma_start3A_57 = arith.constant 0 : i32
    %dma_start3A_58 = tpu.memref_slice %arg7[%add3A_56, %dma_start3A_57] : memref<160000x128xi32, #tpu.memory_space<hbm>> -> memref<200x128xi32, #tpu.memory_space<hbm>>
    %dma_start3A_59 = arith.constant 0 : i32
    %dma_start3A_60 = tpu.memref_slice %arg7[%add3A_56, %dma_start3A_59] : memref<160000x128xi32, #tpu.memory_space<hbm>> -> memref<200x128xi32, #tpu.memory_space<hbm>>
    tpu.enqueue_dma source(%arg13 : memref<200x128xi32, #tpu.memory_space<vmem>>) target(%dma_start3A_60 : memref<200x128xi32, #tpu.memory_space<hbm>>) target_semaphore(%arg17 : memref<!tpu.dma_semaphore, #tpu.memory_space<semaphore_mem>>)
    %dma_wait3A_61 = arith.constant 0 : i32
    %dma_wait3A_62 = tpu.memref_slice %arg7[%add3A_56, %dma_wait3A_61] : memref<160000x128xi32, #tpu.memory_space<hbm>> -> memref<200x128xi32, #tpu.memory_space<hbm>>
    %dma_wait3A_63 = arith.constant 0 : i32
    %dma_wait3A_64 = tpu.memref_slice %arg7[%add3A_56, %dma_wait3A_63] : memref<160000x128xi32, #tpu.memory_space<hbm>> -> memref<200x128xi32, #tpu.memory_space<hbm>>
    tpu.wait_dma2 semaphore(%arg17 : memref<!tpu.dma_semaphore, #tpu.memory_space<semaphore_mem>>) src(%arg13 : memref<200x128xi32, #tpu.memory_space<vmem>>) dst(%dma_wait3A_64 : memref<200x128xi32, #tpu.memory_space<hbm>>)
    %dma_start3A_65 = arith.constant 600 : i32
    %dma_start3A_66 = tpu.memref_slice %arg9[%dma_start3A_65] : memref<5008xi32, #tpu.memory_space<vmem>> -> memref<200xi32, #tpu.memory_space<vmem>>
    %dma_start3A_67 = arith.constant 0 : i32
    %dma_start3A_68 = arith.constant 0 : i32
    %dma_start3A_69 = tpu.memref_slice %arg6[%dma_start3A_67, %dma_start3A_68] : memref<10000x128xi32, #tpu.memory_space<hbm>> -> memref<10000x128xi32, #tpu.memory_space<hbm>>
    tpu.enqueue_indirect_dma source(%dma_start3A_69 : memref<10000x128xi32, #tpu.memory_space<hbm>>) target(%arg13 : memref<200x128xi32, #tpu.memory_space<vmem>>) offsets(%dma_start3A_66 : memref<200xi32, #tpu.memory_space<vmem>>) semaphore(%arg15 : memref<!tpu.dma_semaphore, #tpu.memory_space<semaphore_mem>>)
    %dma_wait3A_70 = arith.constant 400 : i32
    %dma_wait3A_71 = tpu.memref_slice %arg9[%dma_wait3A_70] : memref<5008xi32, #tpu.memory_space<vmem>> -> memref<200xi32, #tpu.memory_space<vmem>>
    %dma_wait3A_72 = arith.constant 0 : i32
    %dma_wait3A_73 = arith.constant 0 : i32
    %dma_wait3A_74 = tpu.memref_slice %arg6[%dma_wait3A_72, %dma_wait3A_73] : memref<10000x128xi32, #tpu.memory_space<hbm>> -> memref<10000x128xi32, #tpu.memory_space<hbm>>
    tpu.wait_indirect_dma semaphore(%arg14 : memref<!tpu.dma_semaphore, #tpu.memory_space<semaphore_mem>>) src(%dma_wait3A_74 : memref<10000x128xi32, #tpu.memory_space<hbm>>) dst(%arg12 : memref<200x128xi32, #tpu.memory_space<vmem>>)
    %add3A_75 = arith.constant 400 : i32
    %add3A_76 = arith.addi %mul3A_19, %add3A_75 : i32
    %dma_start3A_77 = arith.constant 0 : i32
    %dma_start3A_78 = tpu.memref_slice %arg7[%add3A_76, %dma_start3A_77] : memref<160000x128xi32, #tpu.memory_space<hbm>> -> memref<200x128xi32, #tpu.memory_space<hbm>>
    %dma_start3A_79 = arith.constant 0 : i32
    %dma_start3A_80 = tpu.memref_slice %arg7[%add3A_76, %dma_start3A_79] : memref<160000x128xi32, #tpu.memory_space<hbm>> -> memref<200x128xi32, #tpu.memory_space<hbm>>
    tpu.enqueue_dma source(%arg12 : memref<200x128xi32, #tpu.memory_space<vmem>>) target(%dma_start3A_80 : memref<200x128xi32, #tpu.memory_space<hbm>>) target_semaphore(%arg16 : memref<!tpu.dma_semaphore, #tpu.memory_space<semaphore_mem>>)
    %dma_wait3A_81 = arith.constant 0 : i32
    %dma_wait3A_82 = tpu.memref_slice %arg7[%add3A_76, %dma_wait3A_81] : memref<160000x128xi32, #tpu.memory_space<hbm>> -> memref<200x128xi32, #tpu.memory_space<hbm>>
    %dma_wait3A_83 = arith.constant 0 : i32
    %dma_wait3A_84 = tpu.memref_slice %arg7[%add3A_76, %dma_wait3A_83] : memref<160000x128xi32, #tpu.memory_space<hbm>> -> memref<200x128xi32, #tpu.memory_space<hbm>>
    tpu.wait_dma2 semaphore(%arg16 : memref<!tpu.dma_semaphore, #tpu.memory_space<semaphore_mem>>) src(%arg12 : memref<200x128xi32, #tpu.memory_space<vmem>>) dst(%dma_wait3A_84 : memref<200x128xi32, #tpu.memory_space<hbm>>)
    %dma_start3A_85 = arith.constant 800 : i32
    %dma_start3A_86 = tpu.memref_slice %arg9[%dma_start3A_85] : memref<5008xi32, #tpu.memory_space<vmem>> -> memref<200xi32, #tpu.memory_space<vmem>>
    %dma_start3A_87 = arith.constant 0 : i32
    %dma_start3A_88 = arith.constant 0 : i32
    %dma_start3A_89 = tpu.memref_slice %arg6[%dma_start3A_87, %dma_start3A_88] : memref<10000x128xi32, #tpu.memory_space<hbm>> -> memref<10000x128xi32, #tpu.memory_space<hbm>>
    tpu.enqueue_indirect_dma source(%dma_start3A_89 : memref<10000x128xi32, #tpu.memory_space<hbm>>) target(%arg12 : memref<200x128xi32, #tpu.memory_space<vmem>>) offsets(%dma_start3A_86 : memref<200xi32, #tpu.memory_space<vmem>>) semaphore(%arg14 : memref<!tpu.dma_semaphore, #tpu.memory_space<semaphore_mem>>)
    %dma_wait3A_90 = arith.constant 600 : i32
    %dma_wait3A_91 = tpu.memref_slice %arg9[%dma_wait3A_90] : memref<5008xi32, #tpu.memory_space<vmem>> -> memref<200xi32, #tpu.memory_space<vmem>>
    %dma_wait3A_92 = arith.constant 0 : i32
    %dma_wait3A_93 = arith.constant 0 : i32
    %dma_wait3A_94 = tpu.memref_slice %arg6[%dma_wait3A_92, %dma_wait3A_93] : memref<10000x128xi32, #tpu.memory_space<hbm>> -> memref<10000x128xi32, #tpu.memory_space<hbm>>
    tpu.wait_indirect_dma semaphore(%arg15 : memref<!tpu.dma_semaphore, #tpu.memory_space<semaphore_mem>>) src(%dma_wait3A_94 : memref<10000x128xi32, #tpu.memory_space<hbm>>) dst(%arg13 : memref<200x128xi32, #tpu.memory_space<vmem>>)
    %add3A_95 = arith.constant 600 : i32
    %add3A_96 = arith.addi %mul3A_19, %add3A_95 : i32
    %dma_start3A_97 = arith.constant 0 : i32
    %dma_start3A_98 = tpu.memref_slice %arg7[%add3A_96, %dma_start3A_97] : memref<160000x128xi32, #tpu.memory_space<hbm>> -> memref<200x128xi32, #tpu.memory_space<hbm>>
    %dma_start3A_99 = arith.constant 0 : i32
    %dma_start3A_100 = tpu.memref_slice %arg7[%add3A_96, %dma_start3A_99] : memref<160000x128xi32, #tpu.memory_space<hbm>> -> memref<200x128xi32, #tpu.memory_space<hbm>>
    tpu.enqueue_dma source(%arg13 : memref<200x128xi32, #tpu.memory_space<vmem>>) target(%dma_start3A_100 : memref<200x128xi32, #tpu.memory_space<hbm>>) target_semaphore(%arg17 : memref<!tpu.dma_semaphore, #tpu.memory_space<semaphore_mem>>)
    %dma_wait3A_101 = arith.constant 0 : i32
    %dma_wait3A_102 = tpu.memref_slice %arg7[%add3A_96, %dma_wait3A_101] : memref<160000x128xi32, #tpu.memory_space<hbm>> -> memref<200x128xi32, #tpu.memory_space<hbm>>
    %dma_wait3A_103 = arith.constant 0 : i32
    %dma_wait3A_104 = tpu.memref_slice %arg7[%add3A_96, %dma_wait3A_103] : memref<160000x128xi32, #tpu.memory_space<hbm>> -> memref<200x128xi32, #tpu.memory_space<hbm>>
    tpu.wait_dma2 semaphore(%arg17 : memref<!tpu.dma_semaphore, #tpu.memory_space<semaphore_mem>>) src(%arg13 : memref<200x128xi32, #tpu.memory_space<vmem>>) dst(%dma_wait3A_104 : memref<200x128xi32, #tpu.memory_space<hbm>>)
    %dma_start3A_105 = arith.constant 1000 : i32
    %dma_start3A_106 = tpu.memref_slice %arg9[%dma_start3A_105] : memref<5008xi32, #tpu.memory_space<vmem>> -> memref<200xi32, #tpu.memory_space<vmem>>
    %dma_start3A_107 = arith.constant 0 : i32
    %dma_start3A_108 = arith.constant 0 : i32
    %dma_start3A_109 = tpu.memref_slice %arg6[%dma_start3A_107, %dma_start3A_108] : memref<10000x128xi32, #tpu.memory_space<hbm>> -> memref<10000x128xi32, #tpu.memory_space<hbm>>
    tpu.enqueue_indirect_dma source(%dma_start3A_109 : memref<10000x128xi32, #tpu.memory_space<hbm>>) target(%arg13 : memref<200x128xi32, #tpu.memory_space<vmem>>) offsets(%dma_start3A_106 : memref<200xi32, #tpu.memory_space<vmem>>) semaphore(%arg15 : memref<!tpu.dma_semaphore, #tpu.memory_space<semaphore_mem>>)
    %dma_wait3A_110 = arith.constant 800 : i32
    %dma_wait3A_111 = tpu.memref_slice %arg9[%dma_wait3A_110] : memref<5008xi32, #tpu.memory_space<vmem>> -> memref<200xi32, #tpu.memory_space<vmem>>
    %dma_wait3A_112 = arith.constant 0 : i32
    %dma_wait3A_113 = arith.constant 0 : i32
    %dma_wait3A_114 = tpu.memref_slice %arg6[%dma_wait3A_112, %dma_wait3A_113] : memref<10000x128xi32, #tpu.memory_space<hbm>> -> memref<10000x128xi32, #tpu.memory_space<hbm>>
    tpu.wait_indirect_dma semaphore(%arg14 : memref<!tpu.dma_semaphore, #tpu.memory_space<semaphore_mem>>) src(%dma_wait3A_114 : memref<10000x128xi32, #tpu.memory_space<hbm>>) dst(%arg12 : memref<200x128xi32, #tpu.memory_space<vmem>>)
    %add3A_115 = arith.constant 800 : i32
    %add3A_116 = arith.addi %mul3A_19, %add3A_115 : i32
    %dma_start3A_117 = arith.constant 0 : i32
    %dma_start3A_118 = tpu.memref_slice %arg7[%add3A_116, %dma_start3A_117] : memref<160000x128xi32, #tpu.memory_space<hbm>> -> memref<200x128xi32, #tpu.memory_space<hbm>>
    %dma_start3A_119 = arith.constant 0 : i32
    %dma_start3A_120 = tpu.memref_slice %arg7[%add3A_116, %dma_start3A_119] : memref<160000x128xi32, #tpu.memory_space<hbm>> -> memref<200x128xi32, #tpu.memory_space<hbm>>
    tpu.enqueue_dma source(%arg12 : memref<200x128xi32, #tpu.memory_space<vmem>>) target(%dma_start3A_120 : memref<200x128xi32, #tpu.memory_space<hbm>>) target_semaphore(%arg16 : memref<!tpu.dma_semaphore, #tpu.memory_space<semaphore_mem>>)
    %dma_wait3A_121 = arith.constant 0 : i32
    %dma_wait3A_122 = tpu.memref_slice %arg7[%add3A_116, %dma_wait3A_121] : memref<160000x128xi32, #tpu.memory_space<hbm>> -> memref<200x128xi32, #tpu.memory_space<hbm>>
    %dma_wait3A_123 = arith.constant 0 : i32
    %dma_wait3A_124 = tpu.memref_slice %arg7[%add3A_116, %dma_wait3A_123] : memref<160000x128xi32, #tpu.memory_space<hbm>> -> memref<200x128xi32, #tpu.memory_space<hbm>>
    tpu.wait_dma2 semaphore(%arg16 : memref<!tpu.dma_semaphore, #tpu.memory_space<semaphore_mem>>) src(%arg12 : memref<200x128xi32, #tpu.memory_space<vmem>>) dst(%dma_wait3A_124 : memref<200x128xi32, #tpu.memory_space<hbm>>)
    %dma_start3A_125 = arith.constant 1200 : i32
    %dma_start3A_126 = tpu.memref_slice %arg9[%dma_start3A_125] : memref<5008xi32, #tpu.memory_space<vmem>> -> memref<200xi32, #tpu.memory_space<vmem>>
    %dma_start3A_127 = arith.constant 0 : i32
    %dma_start3A_128 = arith.constant 0 : i32
    %dma_start3A_129 = tpu.memref_slice %arg6[%dma_start3A_127, %dma_start3A_128] : memref<10000x128xi32, #tpu.memory_space<hbm>> -> memref<10000x128xi32, #tpu.memory_space<hbm>>
    tpu.enqueue_indirect_dma source(%dma_start3A_129 : memref<10000x128xi32, #tpu.memory_space<hbm>>) target(%arg12 : memref<200x128xi32, #tpu.memory_space<vmem>>) offsets(%dma_start3A_126 : memref<200xi32, #tpu.memory_space<vmem>>) semaphore(%arg14 : memref<!tpu.dma_semaphore, #tpu.memory_space<semaphore_mem>>)
    %dma_wait3A_130 = arith.constant 1000 : i32
    %dma_wait3A_131 = tpu.memref_slice %arg9[%dma_wait3A_130] : memref<5008xi32, #tpu.memory_space<vmem>> -> memref<200xi32, #tpu.memory_space<vmem>>
    %dma_wait3A_132 = arith.constant 0 : i32
    %dma_wait3A_133 = arith.constant 0 : i32
    %dma_wait3A_134 = tpu.memref_slice %arg6[%dma_wait3A_132, %dma_wait3A_133] : memref<10000x128xi32, #tpu.memory_space<hbm>> -> memref<10000x128xi32, #tpu.memory_space<hbm>>
    tpu.wait_indirect_dma semaphore(%arg15 : memref<!tpu.dma_semaphore, #tpu.memory_space<semaphore_mem>>) src(%dma_wait3A_134 : memref<10000x128xi32, #tpu.memory_space<hbm>>) dst(%arg13 : memref<200x128xi32, #tpu.memory_space<vmem>>)
    %add3A_135 = arith.constant 1000 : i32
    %add3A_136 = arith.addi %mul3A_19, %add3A_135 : i32
    %dma_start3A_137 = arith.constant 0 : i32
    %dma_start3A_138 = tpu.memref_slice %arg7[%add3A_136, %dma_start3A_137] : memref<160000x128xi32, #tpu.memory_space<hbm>> -> memref<200x128xi32, #tpu.memory_space<hbm>>
    %dma_start3A_139 = arith.constant 0 : i32
    %dma_start3A_140 = tpu.memref_slice %arg7[%add3A_136, %dma_start3A_139] : memref<160000x128xi32, #tpu.memory_space<hbm>> -> memref<200x128xi32, #tpu.memory_space<hbm>>
    tpu.enqueue_dma source(%arg13 : memref<200x128xi32, #tpu.memory_space<vmem>>) target(%dma_start3A_140 : memref<200x128xi32, #tpu.memory_space<hbm>>) target_semaphore(%arg17 : memref<!tpu.dma_semaphore, #tpu.memory_space<semaphore_mem>>)
    %dma_wait3A_141 = arith.constant 0 : i32
    %dma_wait3A_142 = tpu.memref_slice %arg7[%add3A_136, %dma_wait3A_141] : memref<160000x128xi32, #tpu.memory_space<hbm>> -> memref<200x128xi32, #tpu.memory_space<hbm>>
    %dma_wait3A_143 = arith.constant 0 : i32
    %dma_wait3A_144 = tpu.memref_slice %arg7[%add3A_136, %dma_wait3A_143] : memref<160000x128xi32, #tpu.memory_space<hbm>> -> memref<200x128xi32, #tpu.memory_space<hbm>>
    tpu.wait_dma2 semaphore(%arg17 : memref<!tpu.dma_semaphore, #tpu.memory_space<semaphore_mem>>) src(%arg13 : memref<200x128xi32, #tpu.memory_space<vmem>>) dst(%dma_wait3A_144 : memref<200x128xi32, #tpu.memory_space<hbm>>)
    %dma_start3A_145 = arith.constant 1400 : i32
    %dma_start3A_146 = tpu.memref_slice %arg9[%dma_start3A_145] : memref<5008xi32, #tpu.memory_space<vmem>> -> memref<200xi32, #tpu.memory_space<vmem>>
    %dma_start3A_147 = arith.constant 0 : i32
    %dma_start3A_148 = arith.constant 0 : i32
    %dma_start3A_149 = tpu.memref_slice %arg6[%dma_start3A_147, %dma_start3A_148] : memref<10000x128xi32, #tpu.memory_space<hbm>> -> memref<10000x128xi32, #tpu.memory_space<hbm>>
    tpu.enqueue_indirect_dma source(%dma_start3A_149 : memref<10000x128xi32, #tpu.memory_space<hbm>>) target(%arg13 : memref<200x128xi32, #tpu.memory_space<vmem>>) offsets(%dma_start3A_146 : memref<200xi32, #tpu.memory_space<vmem>>) semaphore(%arg15 : memref<!tpu.dma_semaphore, #tpu.memory_space<semaphore_mem>>)
    %dma_wait3A_150 = arith.constant 1200 : i32
    %dma_wait3A_151 = tpu.memref_slice %arg9[%dma_wait3A_150] : memref<5008xi32, #tpu.memory_space<vmem>> -> memref<200xi32, #tpu.memory_space<vmem>>
    %dma_wait3A_152 = arith.constant 0 : i32
    %dma_wait3A_153 = arith.constant 0 : i32
    %dma_wait3A_154 = tpu.memref_slice %arg6[%dma_wait3A_152, %dma_wait3A_153] : memref<10000x128xi32, #tpu.memory_space<hbm>> -> memref<10000x128xi32, #tpu.memory_space<hbm>>
    tpu.wait_indirect_dma semaphore(%arg14 : memref<!tpu.dma_semaphore, #tpu.memory_space<semaphore_mem>>) src(%dma_wait3A_154 : memref<10000x128xi32, #tpu.memory_space<hbm>>) dst(%arg12 : memref<200x128xi32, #tpu.memory_space<vmem>>)
    %add3A_155 = arith.constant 1200 : i32
    %add3A_156 = arith.addi %mul3A_19, %add3A_155 : i32
    %dma_start3A_157 = arith.constant 0 : i32
    %dma_start3A_158 = tpu.memref_slice %arg7[%add3A_156, %dma_start3A_157] : memref<160000x128xi32, #tpu.memory_space<hbm>> -> memref<200x128xi32, #tpu.memory_space<hbm>>
    %dma_start3A_159 = arith.constant 0 : i32
    %dma_start3A_160 = tpu.memref_slice %arg7[%add3A_156, %dma_start3A_159] : memref<160000x128xi32, #tpu.memory_space<hbm>> -> memref<200x128xi32, #tpu.memory_space<hbm>>
    tpu.enqueue_dma source(%arg12 : memref<200x128xi32, #tpu.memory_space<vmem>>) target(%dma_start3A_160 : memref<200x128xi32, #tpu.memory_space<hbm>>) target_semaphore(%arg16 : memref<!tpu.dma_semaphore, #tpu.memory_space<semaphore_mem>>)
    %dma_wait3A_161 = arith.constant 0 : i32
    %dma_wait3A_162 = tpu.memref_slice %arg7[%add3A_156, %dma_wait3A_161] : memref<160000x128xi32, #tpu.memory_space<hbm>> -> memref<200x128xi32, #tpu.memory_space<hbm>>
    %dma_wait3A_163 = arith.constant 0 : i32
    %dma_wait3A_164 = tpu.memref_slice %arg7[%add3A_156, %dma_wait3A_163] : memref<160000x128xi32, #tpu.memory_space<hbm>> -> memref<200x128xi32, #tpu.memory_space<hbm>>
    tpu.wait_dma2 semaphore(%arg16 : memref<!tpu.dma_semaphore, #tpu.memory_space<semaphore_mem>>) src(%arg12 : memref<200x128xi32, #tpu.memory_space<vmem>>) dst(%dma_wait3A_164 : memref<200x128xi32, #tpu.memory_space<hbm>>)
    %dma_start3A_165 = arith.constant 1600 : i32
    %dma_start3A_166 = tpu.memref_slice %arg9[%dma_start3A_165] : memref<5008xi32, #tpu.memory_space<vmem>> -> memref<200xi32, #tpu.memory_space<vmem>>
    %dma_start3A_167 = arith.constant 0 : i32
    %dma_start3A_168 = arith.constant 0 : i32
    %dma_start3A_169 = tpu.memref_slice %arg6[%dma_start3A_167, %dma_start3A_168] : memref<10000x128xi32, #tpu.memory_space<hbm>> -> memref<10000x128xi32, #tpu.memory_space<hbm>>
    tpu.enqueue_indirect_dma source(%dma_start3A_169 : memref<10000x128xi32, #tpu.memory_space<hbm>>) target(%arg12 : memref<200x128xi32, #tpu.memory_space<vmem>>) offsets(%dma_start3A_166 : memref<200xi32, #tpu.memory_space<vmem>>) semaphore(%arg14 : memref<!tpu.dma_semaphore, #tpu.memory_space<semaphore_mem>>)
    %dma_wait3A_170 = arith.constant 1400 : i32
    %dma_wait3A_171 = tpu.memref_slice %arg9[%dma_wait3A_170] : memref<5008xi32, #tpu.memory_space<vmem>> -> memref<200xi32, #tpu.memory_space<vmem>>
    %dma_wait3A_172 = arith.constant 0 : i32
    %dma_wait3A_173 = arith.constant 0 : i32
    %dma_wait3A_174 = tpu.memref_slice %arg6[%dma_wait3A_172, %dma_wait3A_173] : memref<10000x128xi32, #tpu.memory_space<hbm>> -> memref<10000x128xi32, #tpu.memory_space<hbm>>
    tpu.wait_indirect_dma semaphore(%arg15 : memref<!tpu.dma_semaphore, #tpu.memory_space<semaphore_mem>>) src(%dma_wait3A_174 : memref<10000x128xi32, #tpu.memory_space<hbm>>) dst(%arg13 : memref<200x128xi32, #tpu.memory_space<vmem>>)
    %add3A_175 = arith.constant 1400 : i32
    %add3A_176 = arith.addi %mul3A_19, %add3A_175 : i32
    %dma_start3A_177 = arith.constant 0 : i32
    %dma_start3A_178 = tpu.memref_slice %arg7[%add3A_176, %dma_start3A_177] : memref<160000x128xi32, #tpu.memory_space<hbm>> -> memref<200x128xi32, #tpu.memory_space<hbm>>
    %dma_start3A_179 = arith.constant 0 : i32
    %dma_start3A_180 = tpu.memref_slice %arg7[%add3A_176, %dma_start3A_179] : memref<160000x128xi32, #tpu.memory_space<hbm>> -> memref<200x128xi32, #tpu.memory_space<hbm>>
    tpu.enqueue_dma source(%arg13 : memref<200x128xi32, #tpu.memory_space<vmem>>) target(%dma_start3A_180 : memref<200x128xi32, #tpu.memory_space<hbm>>) target_semaphore(%arg17 : memref<!tpu.dma_semaphore, #tpu.memory_space<semaphore_mem>>)
    %dma_wait3A_181 = arith.constant 0 : i32
    %dma_wait3A_182 = tpu.memref_slice %arg7[%add3A_176, %dma_wait3A_181] : memref<160000x128xi32, #tpu.memory_space<hbm>> -> memref<200x128xi32, #tpu.memory_space<hbm>>
    %dma_wait3A_183 = arith.constant 0 : i32
    %dma_wait3A_184 = tpu.memref_slice %arg7[%add3A_176, %dma_wait3A_183] : memref<160000x128xi32, #tpu.memory_space<hbm>> -> memref<200x128xi32, #tpu.memory_space<hbm>>
    tpu.wait_dma2 semaphore(%arg17 : memref<!tpu.dma_semaphore, #tpu.memory_space<semaphore_mem>>) src(%arg13 : memref<200x128xi32, #tpu.memory_space<vmem>>) dst(%dma_wait3A_184 : memref<200x128xi32, #tpu.memory_space<hbm>>)
    %dma_start3A_185 = arith.constant 1800 : i32
    %dma_start3A_186 = tpu.memref_slice %arg9[%dma_start3A_185] : memref<5008xi32, #tpu.memory_space<vmem>> -> memref<200xi32, #tpu.memory_space<vmem>>
    %dma_start3A_187 = arith.constant 0 : i32
    %dma_start3A_188 = arith.constant 0 : i32
    %dma_start3A_189 = tpu.memref_slice %arg6[%dma_start3A_187, %dma_start3A_188] : memref<10000x128xi32, #tpu.memory_space<hbm>> -> memref<10000x128xi32, #tpu.memory_space<hbm>>
    tpu.enqueue_indirect_dma source(%dma_start3A_189 : memref<10000x128xi32, #tpu.memory_space<hbm>>) target(%arg13 : memref<200x128xi32, #tpu.memory_space<vmem>>) offsets(%dma_start3A_186 : memref<200xi32, #tpu.memory_space<vmem>>) semaphore(%arg15 : memref<!tpu.dma_semaphore, #tpu.memory_space<semaphore_mem>>)
    %dma_wait3A_190 = arith.constant 1600 : i32
    %dma_wait3A_191 = tpu.memref_slice %arg9[%dma_wait3A_190] : memref<5008xi32, #tpu.memory_space<vmem>> -> memref<200xi32, #tpu.memory_space<vmem>>
    %dma_wait3A_192 = arith.constant 0 : i32
    %dma_wait3A_193 = arith.constant 0 : i32
    %dma_wait3A_194 = tpu.memref_slice %arg6[%dma_wait3A_192, %dma_wait3A_193] : memref<10000x128xi32, #tpu.memory_space<hbm>> -> memref<10000x128xi32, #tpu.memory_space<hbm>>
    tpu.wait_indirect_dma semaphore(%arg14 : memref<!tpu.dma_semaphore, #tpu.memory_space<semaphore_mem>>) src(%dma_wait3A_194 : memref<10000x128xi32, #tpu.memory_space<hbm>>) dst(%arg12 : memref<200x128xi32, #tpu.memory_space<vmem>>)
    %add3A_195 = arith.constant 1600 : i32
    %add3A_196 = arith.addi %mul3A_19, %add3A_195 : i32
    %dma_start3A_197 = arith.constant 0 : i32
    %dma_start3A_198 = tpu.memref_slice %arg7[%add3A_196, %dma_start3A_197] : memref<160000x128xi32, #tpu.memory_space<hbm>> -> memref<200x128xi32, #tpu.memory_space<hbm>>
    %dma_start3A_199 = arith.constant 0 : i32
    %dma_start3A_200 = tpu.memref_slice %arg7[%add3A_196, %dma_start3A_199] : memref<160000x128xi32, #tpu.memory_space<hbm>> -> memref<200x128xi32, #tpu.memory_space<hbm>>
    tpu.enqueue_dma source(%arg12 : memref<200x128xi32, #tpu.memory_space<vmem>>) target(%dma_start3A_200 : memref<200x128xi32, #tpu.memory_space<hbm>>) target_semaphore(%arg16 : memref<!tpu.dma_semaphore, #tpu.memory_space<semaphore_mem>>)
    %dma_wait3A_201 = arith.constant 0 : i32
    %dma_wait3A_202 = tpu.memref_slice %arg7[%add3A_196, %dma_wait3A_201] : memref<160000x128xi32, #tpu.memory_space<hbm>> -> memref<200x128xi32, #tpu.memory_space<hbm>>
    %dma_wait3A_203 = arith.constant 0 : i32
    %dma_wait3A_204 = tpu.memref_slice %arg7[%add3A_196, %dma_wait3A_203] : memref<160000x128xi32, #tpu.memory_space<hbm>> -> memref<200x128xi32, #tpu.memory_space<hbm>>
    tpu.wait_dma2 semaphore(%arg16 : memref<!tpu.dma_semaphore, #tpu.memory_space<semaphore_mem>>) src(%arg12 : memref<200x128xi32, #tpu.memory_space<vmem>>) dst(%dma_wait3A_204 : memref<200x128xi32, #tpu.memory_space<hbm>>)
    %dma_start3A_205 = arith.constant 2000 : i32
    %dma_start3A_206 = tpu.memref_slice %arg9[%dma_start3A_205] : memref<5008xi32, #tpu.memory_space<vmem>> -> memref<200xi32, #tpu.memory_space<vmem>>
    %dma_start3A_207 = arith.constant 0 : i32
    %dma_start3A_208 = arith.constant 0 : i32
    %dma_start3A_209 = tpu.memref_slice %arg6[%dma_start3A_207, %dma_start3A_208] : memref<10000x128xi32, #tpu.memory_space<hbm>> -> memref<10000x128xi32, #tpu.memory_space<hbm>>
    tpu.enqueue_indirect_dma source(%dma_start3A_209 : memref<10000x128xi32, #tpu.memory_space<hbm>>) target(%arg12 : memref<200x128xi32, #tpu.memory_space<vmem>>) offsets(%dma_start3A_206 : memref<200xi32, #tpu.memory_space<vmem>>) semaphore(%arg14 : memref<!tpu.dma_semaphore, #tpu.memory_space<semaphore_mem>>)
    %dma_wait3A_210 = arith.constant 1800 : i32
    %dma_wait3A_211 = tpu.memref_slice %arg9[%dma_wait3A_210] : memref<5008xi32, #tpu.memory_space<vmem>> -> memref<200xi32, #tpu.memory_space<vmem>>
    %dma_wait3A_212 = arith.constant 0 : i32
    %dma_wait3A_213 = arith.constant 0 : i32
    %dma_wait3A_214 = tpu.memref_slice %arg6[%dma_wait3A_212, %dma_wait3A_213] : memref<10000x128xi32, #tpu.memory_space<hbm>> -> memref<10000x128xi32, #tpu.memory_space<hbm>>
    tpu.wait_indirect_dma semaphore(%arg15 : memref<!tpu.dma_semaphore, #tpu.memory_space<semaphore_mem>>) src(%dma_wait3A_214 : memref<10000x128xi32, #tpu.memory_space<hbm>>) dst(%arg13 : memref<200x128xi32, #tpu.memory_space<vmem>>)
    %add3A_215 = arith.constant 1800 : i32
    %add3A_216 = arith.addi %mul3A_19, %add3A_215 : i32
    %dma_start3A_217 = arith.constant 0 : i32
    %dma_start3A_218 = tpu.memref_slice %arg7[%add3A_216, %dma_start3A_217] : memref<160000x128xi32, #tpu.memory_space<hbm>> -> memref<200x128xi32, #tpu.memory_space<hbm>>
    %dma_start3A_219 = arith.constant 0 : i32
    %dma_start3A_220 = tpu.memref_slice %arg7[%add3A_216, %dma_start3A_219] : memref<160000x128xi32, #tpu.memory_space<hbm>> -> memref<200x128xi32, #tpu.memory_space<hbm>>
    tpu.enqueue_dma source(%arg13 : memref<200x128xi32, #tpu.memory_space<vmem>>) target(%dma_start3A_220 : memref<200x128xi32, #tpu.memory_space<hbm>>) target_semaphore(%arg17 : memref<!tpu.dma_semaphore, #tpu.memory_space<semaphore_mem>>)
    %dma_wait3A_221 = arith.constant 0 : i32
    %dma_wait3A_222 = tpu.memref_slice %arg7[%add3A_216, %dma_wait3A_221] : memref<160000x128xi32, #tpu.memory_space<hbm>> -> memref<200x128xi32, #tpu.memory_space<hbm>>
    %dma_wait3A_223 = arith.constant 0 : i32
    %dma_wait3A_224 = tpu.memref_slice %arg7[%add3A_216, %dma_wait3A_223] : memref<160000x128xi32, #tpu.memory_space<hbm>> -> memref<200x128xi32, #tpu.memory_space<hbm>>
    tpu.wait_dma2 semaphore(%arg17 : memref<!tpu.dma_semaphore, #tpu.memory_space<semaphore_mem>>) src(%arg13 : memref<200x128xi32, #tpu.memory_space<vmem>>) dst(%dma_wait3A_224 : memref<200x128xi32, #tpu.memory_space<hbm>>)
    %dma_start3A_225 = arith.constant 2200 : i32
    %dma_start3A_226 = tpu.memref_slice %arg9[%dma_start3A_225] : memref<5008xi32, #tpu.memory_space<vmem>> -> memref<200xi32, #tpu.memory_space<vmem>>
    %dma_start3A_227 = arith.constant 0 : i32
    %dma_start3A_228 = arith.constant 0 : i32
    %dma_start3A_229 = tpu.memref_slice %arg6[%dma_start3A_227, %dma_start3A_228] : memref<10000x128xi32, #tpu.memory_space<hbm>> -> memref<10000x128xi32, #tpu.memory_space<hbm>>
    tpu.enqueue_indirect_dma source(%dma_start3A_229 : memref<10000x128xi32, #tpu.memory_space<hbm>>) target(%arg13 : memref<200x128xi32, #tpu.memory_space<vmem>>) offsets(%dma_start3A_226 : memref<200xi32, #tpu.memory_space<vmem>>) semaphore(%arg15 : memref<!tpu.dma_semaphore, #tpu.memory_space<semaphore_mem>>)
    %dma_wait3A_230 = arith.constant 2000 : i32
    %dma_wait3A_231 = tpu.memref_slice %arg9[%dma_wait3A_230] : memref<5008xi32, #tpu.memory_space<vmem>> -> memref<200xi32, #tpu.memory_space<vmem>>
    %dma_wait3A_232 = arith.constant 0 : i32
    %dma_wait3A_233 = arith.constant 0 : i32
    %dma_wait3A_234 = tpu.memref_slice %arg6[%dma_wait3A_232, %dma_wait3A_233] : memref<10000x128xi32, #tpu.memory_space<hbm>> -> memref<10000x128xi32, #tpu.memory_space<hbm>>
    tpu.wait_indirect_dma semaphore(%arg14 : memref<!tpu.dma_semaphore, #tpu.memory_space<semaphore_mem>>) src(%dma_wait3A_234 : memref<10000x128xi32, #tpu.memory_space<hbm>>) dst(%arg12 : memref<200x128xi32, #tpu.memory_space<vmem>>)
    %add3A_235 = arith.constant 2000 : i32
    %add3A_236 = arith.addi %mul3A_19, %add3A_235 : i32
    %dma_start3A_237 = arith.constant 0 : i32
    %dma_start3A_238 = tpu.memref_slice %arg7[%add3A_236, %dma_start3A_237] : memref<160000x128xi32, #tpu.memory_space<hbm>> -> memref<200x128xi32, #tpu.memory_space<hbm>>
    %dma_start3A_239 = arith.constant 0 : i32
    %dma_start3A_240 = tpu.memref_slice %arg7[%add3A_236, %dma_start3A_239] : memref<160000x128xi32, #tpu.memory_space<hbm>> -> memref<200x128xi32, #tpu.memory_space<hbm>>
    tpu.enqueue_dma source(%arg12 : memref<200x128xi32, #tpu.memory_space<vmem>>) target(%dma_start3A_240 : memref<200x128xi32, #tpu.memory_space<hbm>>) target_semaphore(%arg16 : memref<!tpu.dma_semaphore, #tpu.memory_space<semaphore_mem>>)
    %dma_wait3A_241 = arith.constant 0 : i32
    %dma_wait3A_242 = tpu.memref_slice %arg7[%add3A_236, %dma_wait3A_241] : memref<160000x128xi32, #tpu.memory_space<hbm>> -> memref<200x128xi32, #tpu.memory_space<hbm>>
    %dma_wait3A_243 = arith.constant 0 : i32
    %dma_wait3A_244 = tpu.memref_slice %arg7[%add3A_236, %dma_wait3A_243] : memref<160000x128xi32, #tpu.memory_space<hbm>> -> memref<200x128xi32, #tpu.memory_space<hbm>>
    tpu.wait_dma2 semaphore(%arg16 : memref<!tpu.dma_semaphore, #tpu.memory_space<semaphore_mem>>) src(%arg12 : memref<200x128xi32, #tpu.memory_space<vmem>>) dst(%dma_wait3A_244 : memref<200x128xi32, #tpu.memory_space<hbm>>)
    %dma_start3A_245 = arith.constant 2400 : i32
    %dma_start3A_246 = tpu.memref_slice %arg9[%dma_start3A_245] : memref<5008xi32, #tpu.memory_space<vmem>> -> memref<200xi32, #tpu.memory_space<vmem>>
    %dma_start3A_247 = arith.constant 0 : i32
    %dma_start3A_248 = arith.constant 0 : i32
    %dma_start3A_249 = tpu.memref_slice %arg6[%dma_start3A_247, %dma_start3A_248] : memref<10000x128xi32, #tpu.memory_space<hbm>> -> memref<10000x128xi32, #tpu.memory_space<hbm>>
    tpu.enqueue_indirect_dma source(%dma_start3A_249 : memref<10000x128xi32, #tpu.memory_space<hbm>>) target(%arg12 : memref<200x128xi32, #tpu.memory_space<vmem>>) offsets(%dma_start3A_246 : memref<200xi32, #tpu.memory_space<vmem>>) semaphore(%arg14 : memref<!tpu.dma_semaphore, #tpu.memory_space<semaphore_mem>>)
    %dma_wait3A_250 = arith.constant 2200 : i32
    %dma_wait3A_251 = tpu.memref_slice %arg9[%dma_wait3A_250] : memref<5008xi32, #tpu.memory_space<vmem>> -> memref<200xi32, #tpu.memory_space<vmem>>
    %dma_wait3A_252 = arith.constant 0 : i32
    %dma_wait3A_253 = arith.constant 0 : i32
    %dma_wait3A_254 = tpu.memref_slice %arg6[%dma_wait3A_252, %dma_wait3A_253] : memref<10000x128xi32, #tpu.memory_space<hbm>> -> memref<10000x128xi32, #tpu.memory_space<hbm>>
    tpu.wait_indirect_dma semaphore(%arg15 : memref<!tpu.dma_semaphore, #tpu.memory_space<semaphore_mem>>) src(%dma_wait3A_254 : memref<10000x128xi32, #tpu.memory_space<hbm>>) dst(%arg13 : memref<200x128xi32, #tpu.memory_space<vmem>>)
    %add3A_255 = arith.constant 2200 : i32
    %add3A_256 = arith.addi %mul3A_19, %add3A_255 : i32
    %dma_start3A_257 = arith.constant 0 : i32
    %dma_start3A_258 = tpu.memref_slice %arg7[%add3A_256, %dma_start3A_257] : memref<160000x128xi32, #tpu.memory_space<hbm>> -> memref<200x128xi32, #tpu.memory_space<hbm>>
    %dma_start3A_259 = arith.constant 0 : i32
    %dma_start3A_260 = tpu.memref_slice %arg7[%add3A_256, %dma_start3A_259] : memref<160000x128xi32, #tpu.memory_space<hbm>> -> memref<200x128xi32, #tpu.memory_space<hbm>>
    tpu.enqueue_dma source(%arg13 : memref<200x128xi32, #tpu.memory_space<vmem>>) target(%dma_start3A_260 : memref<200x128xi32, #tpu.memory_space<hbm>>) target_semaphore(%arg17 : memref<!tpu.dma_semaphore, #tpu.memory_space<semaphore_mem>>)
    %dma_wait3A_261 = arith.constant 0 : i32
    %dma_wait3A_262 = tpu.memref_slice %arg7[%add3A_256, %dma_wait3A_261] : memref<160000x128xi32, #tpu.memory_space<hbm>> -> memref<200x128xi32, #tpu.memory_space<hbm>>
    %dma_wait3A_263 = arith.constant 0 : i32
    %dma_wait3A_264 = tpu.memref_slice %arg7[%add3A_256, %dma_wait3A_263] : memref<160000x128xi32, #tpu.memory_space<hbm>> -> memref<200x128xi32, #tpu.memory_space<hbm>>
    tpu.wait_dma2 semaphore(%arg17 : memref<!tpu.dma_semaphore, #tpu.memory_space<semaphore_mem>>) src(%arg13 : memref<200x128xi32, #tpu.memory_space<vmem>>) dst(%dma_wait3A_264 : memref<200x128xi32, #tpu.memory_space<hbm>>)
    %dma_start3A_265 = arith.constant 2600 : i32
    %dma_start3A_266 = tpu.memref_slice %arg9[%dma_start3A_265] : memref<5008xi32, #tpu.memory_space<vmem>> -> memref<200xi32, #tpu.memory_space<vmem>>
    %dma_start3A_267 = arith.constant 0 : i32
    %dma_start3A_268 = arith.constant 0 : i32
    %dma_start3A_269 = tpu.memref_slice %arg6[%dma_start3A_267, %dma_start3A_268] : memref<10000x128xi32, #tpu.memory_space<hbm>> -> memref<10000x128xi32, #tpu.memory_space<hbm>>
    tpu.enqueue_indirect_dma source(%dma_start3A_269 : memref<10000x128xi32, #tpu.memory_space<hbm>>) target(%arg13 : memref<200x128xi32, #tpu.memory_space<vmem>>) offsets(%dma_start3A_266 : memref<200xi32, #tpu.memory_space<vmem>>) semaphore(%arg15 : memref<!tpu.dma_semaphore, #tpu.memory_space<semaphore_mem>>)
    %dma_wait3A_270 = arith.constant 2400 : i32
    %dma_wait3A_271 = tpu.memref_slice %arg9[%dma_wait3A_270] : memref<5008xi32, #tpu.memory_space<vmem>> -> memref<200xi32, #tpu.memory_space<vmem>>
    %dma_wait3A_272 = arith.constant 0 : i32
    %dma_wait3A_273 = arith.constant 0 : i32
    %dma_wait3A_274 = tpu.memref_slice %arg6[%dma_wait3A_272, %dma_wait3A_273] : memref<10000x128xi32, #tpu.memory_space<hbm>> -> memref<10000x128xi32, #tpu.memory_space<hbm>>
    tpu.wait_indirect_dma semaphore(%arg14 : memref<!tpu.dma_semaphore, #tpu.memory_space<semaphore_mem>>) src(%dma_wait3A_274 : memref<10000x128xi32, #tpu.memory_space<hbm>>) dst(%arg12 : memref<200x128xi32, #tpu.memory_space<vmem>>)
    %add3A_275 = arith.constant 2400 : i32
    %add3A_276 = arith.addi %mul3A_19, %add3A_275 : i32
    %dma_start3A_277 = arith.constant 0 : i32
    %dma_start3A_278 = tpu.memref_slice %arg7[%add3A_276, %dma_start3A_277] : memref<160000x128xi32, #tpu.memory_space<hbm>> -> memref<200x128xi32, #tpu.memory_space<hbm>>
    %dma_start3A_279 = arith.constant 0 : i32
    %dma_start3A_280 = tpu.memref_slice %arg7[%add3A_276, %dma_start3A_279] : memref<160000x128xi32, #tpu.memory_space<hbm>> -> memref<200x128xi32, #tpu.memory_space<hbm>>
    tpu.enqueue_dma source(%arg12 : memref<200x128xi32, #tpu.memory_space<vmem>>) target(%dma_start3A_280 : memref<200x128xi32, #tpu.memory_space<hbm>>) target_semaphore(%arg16 : memref<!tpu.dma_semaphore, #tpu.memory_space<semaphore_mem>>)
    %dma_wait3A_281 = arith.constant 0 : i32
    %dma_wait3A_282 = tpu.memref_slice %arg7[%add3A_276, %dma_wait3A_281] : memref<160000x128xi32, #tpu.memory_space<hbm>> -> memref<200x128xi32, #tpu.memory_space<hbm>>
    %dma_wait3A_283 = arith.constant 0 : i32
    %dma_wait3A_284 = tpu.memref_slice %arg7[%add3A_276, %dma_wait3A_283] : memref<160000x128xi32, #tpu.memory_space<hbm>> -> memref<200x128xi32, #tpu.memory_space<hbm>>
    tpu.wait_dma2 semaphore(%arg16 : memref<!tpu.dma_semaphore, #tpu.memory_space<semaphore_mem>>) src(%arg12 : memref<200x128xi32, #tpu.memory_space<vmem>>) dst(%dma_wait3A_284 : memref<200x128xi32, #tpu.memory_space<hbm>>)
    %dma_start3A_285 = arith.constant 2800 : i32
    %dma_start3A_286 = tpu.memref_slice %arg9[%dma_start3A_285] : memref<5008xi32, #tpu.memory_space<vmem>> -> memref<200xi32, #tpu.memory_space<vmem>>
    %dma_start3A_287 = arith.constant 0 : i32
    %dma_start3A_288 = arith.constant 0 : i32
    %dma_start3A_289 = tpu.memref_slice %arg6[%dma_start3A_287, %dma_start3A_288] : memref<10000x128xi32, #tpu.memory_space<hbm>> -> memref<10000x128xi32, #tpu.memory_space<hbm>>
    tpu.enqueue_indirect_dma source(%dma_start3A_289 : memref<10000x128xi32, #tpu.memory_space<hbm>>) target(%arg12 : memref<200x128xi32, #tpu.memory_space<vmem>>) offsets(%dma_start3A_286 : memref<200xi32, #tpu.memory_space<vmem>>) semaphore(%arg14 : memref<!tpu.dma_semaphore, #tpu.memory_space<semaphore_mem>>)
    %dma_wait3A_290 = arith.constant 2600 : i32
    %dma_wait3A_291 = tpu.memref_slice %arg9[%dma_wait3A_290] : memref<5008xi32, #tpu.memory_space<vmem>> -> memref<200xi32, #tpu.memory_space<vmem>>
    %dma_wait3A_292 = arith.constant 0 : i32
    %dma_wait3A_293 = arith.constant 0 : i32
    %dma_wait3A_294 = tpu.memref_slice %arg6[%dma_wait3A_292, %dma_wait3A_293] : memref<10000x128xi32, #tpu.memory_space<hbm>> -> memref<10000x128xi32, #tpu.memory_space<hbm>>
    tpu.wait_indirect_dma semaphore(%arg15 : memref<!tpu.dma_semaphore, #tpu.memory_space<semaphore_mem>>) src(%dma_wait3A_294 : memref<10000x128xi32, #tpu.memory_space<hbm>>) dst(%arg13 : memref<200x128xi32, #tpu.memory_space<vmem>>)
    %add3A_295 = arith.constant 2600 : i32
    %add3A_296 = arith.addi %mul3A_19, %add3A_295 : i32
    %dma_start3A_297 = arith.constant 0 : i32
    %dma_start3A_298 = tpu.memref_slice %arg7[%add3A_296, %dma_start3A_297] : memref<160000x128xi32, #tpu.memory_space<hbm>> -> memref<200x128xi32, #tpu.memory_space<hbm>>
    %dma_start3A_299 = arith.constant 0 : i32
    %dma_start3A_300 = tpu.memref_slice %arg7[%add3A_296, %dma_start3A_299] : memref<160000x128xi32, #tpu.memory_space<hbm>> -> memref<200x128xi32, #tpu.memory_space<hbm>>
    tpu.enqueue_dma source(%arg13 : memref<200x128xi32, #tpu.memory_space<vmem>>) target(%dma_start3A_300 : memref<200x128xi32, #tpu.memory_space<hbm>>) target_semaphore(%arg17 : memref<!tpu.dma_semaphore, #tpu.memory_space<semaphore_mem>>)
    %dma_wait3A_301 = arith.constant 0 : i32
    %dma_wait3A_302 = tpu.memref_slice %arg7[%add3A_296, %dma_wait3A_301] : memref<160000x128xi32, #tpu.memory_space<hbm>> -> memref<200x128xi32, #tpu.memory_space<hbm>>
    %dma_wait3A_303 = arith.constant 0 : i32
    %dma_wait3A_304 = tpu.memref_slice %arg7[%add3A_296, %dma_wait3A_303] : memref<160000x128xi32, #tpu.memory_space<hbm>> -> memref<200x128xi32, #tpu.memory_space<hbm>>
    tpu.wait_dma2 semaphore(%arg17 : memref<!tpu.dma_semaphore, #tpu.memory_space<semaphore_mem>>) src(%arg13 : memref<200x128xi32, #tpu.memory_space<vmem>>) dst(%dma_wait3A_304 : memref<200x128xi32, #tpu.memory_space<hbm>>)
    %dma_start3A_305 = arith.constant 3000 : i32
    %dma_start3A_306 = tpu.memref_slice %arg9[%dma_start3A_305] : memref<5008xi32, #tpu.memory_space<vmem>> -> memref<200xi32, #tpu.memory_space<vmem>>
    %dma_start3A_307 = arith.constant 0 : i32
    %dma_start3A_308 = arith.constant 0 : i32
    %dma_start3A_309 = tpu.memref_slice %arg6[%dma_start3A_307, %dma_start3A_308] : memref<10000x128xi32, #tpu.memory_space<hbm>> -> memref<10000x128xi32, #tpu.memory_space<hbm>>
    tpu.enqueue_indirect_dma source(%dma_start3A_309 : memref<10000x128xi32, #tpu.memory_space<hbm>>) target(%arg13 : memref<200x128xi32, #tpu.memory_space<vmem>>) offsets(%dma_start3A_306 : memref<200xi32, #tpu.memory_space<vmem>>) semaphore(%arg15 : memref<!tpu.dma_semaphore, #tpu.memory_space<semaphore_mem>>)
    %dma_wait3A_310 = arith.constant 2800 : i32
    %dma_wait3A_311 = tpu.memref_slice %arg9[%dma_wait3A_310] : memref<5008xi32, #tpu.memory_space<vmem>> -> memref<200xi32, #tpu.memory_space<vmem>>
    %dma_wait3A_312 = arith.constant 0 : i32
    %dma_wait3A_313 = arith.constant 0 : i32
    %dma_wait3A_314 = tpu.memref_slice %arg6[%dma_wait3A_312, %dma_wait3A_313] : memref<10000x128xi32, #tpu.memory_space<hbm>> -> memref<10000x128xi32, #tpu.memory_space<hbm>>
    tpu.wait_indirect_dma semaphore(%arg14 : memref<!tpu.dma_semaphore, #tpu.memory_space<semaphore_mem>>) src(%dma_wait3A_314 : memref<10000x128xi32, #tpu.memory_space<hbm>>) dst(%arg12 : memref<200x128xi32, #tpu.memory_space<vmem>>)
    %add3A_315 = arith.constant 2800 : i32
    %add3A_316 = arith.addi %mul3A_19, %add3A_315 : i32
    %dma_start3A_317 = arith.constant 0 : i32
    %dma_start3A_318 = tpu.memref_slice %arg7[%add3A_316, %dma_start3A_317] : memref<160000x128xi32, #tpu.memory_space<hbm>> -> memref<200x128xi32, #tpu.memory_space<hbm>>
    %dma_start3A_319 = arith.constant 0 : i32
    %dma_start3A_320 = tpu.memref_slice %arg7[%add3A_316, %dma_start3A_319] : memref<160000x128xi32, #tpu.memory_space<hbm>> -> memref<200x128xi32, #tpu.memory_space<hbm>>
    tpu.enqueue_dma source(%arg12 : memref<200x128xi32, #tpu.memory_space<vmem>>) target(%dma_start3A_320 : memref<200x128xi32, #tpu.memory_space<hbm>>) target_semaphore(%arg16 : memref<!tpu.dma_semaphore, #tpu.memory_space<semaphore_mem>>)
    %dma_wait3A_321 = arith.constant 0 : i32
    %dma_wait3A_322 = tpu.memref_slice %arg7[%add3A_316, %dma_wait3A_321] : memref<160000x128xi32, #tpu.memory_space<hbm>> -> memref<200x128xi32, #tpu.memory_space<hbm>>
    %dma_wait3A_323 = arith.constant 0 : i32
    %dma_wait3A_324 = tpu.memref_slice %arg7[%add3A_316, %dma_wait3A_323] : memref<160000x128xi32, #tpu.memory_space<hbm>> -> memref<200x128xi32, #tpu.memory_space<hbm>>
    tpu.wait_dma2 semaphore(%arg16 : memref<!tpu.dma_semaphore, #tpu.memory_space<semaphore_mem>>) src(%arg12 : memref<200x128xi32, #tpu.memory_space<vmem>>) dst(%dma_wait3A_324 : memref<200x128xi32, #tpu.memory_space<hbm>>)
    %dma_start3A_325 = arith.constant 3200 : i32
    %dma_start3A_326 = tpu.memref_slice %arg9[%dma_start3A_325] : memref<5008xi32, #tpu.memory_space<vmem>> -> memref<200xi32, #tpu.memory_space<vmem>>
    %dma_start3A_327 = arith.constant 0 : i32
    %dma_start3A_328 = arith.constant 0 : i32
    %dma_start3A_329 = tpu.memref_slice %arg6[%dma_start3A_327, %dma_start3A_328] : memref<10000x128xi32, #tpu.memory_space<hbm>> -> memref<10000x128xi32, #tpu.memory_space<hbm>>
    tpu.enqueue_indirect_dma source(%dma_start3A_329 : memref<10000x128xi32, #tpu.memory_space<hbm>>) target(%arg12 : memref<200x128xi32, #tpu.memory_space<vmem>>) offsets(%dma_start3A_326 : memref<200xi32, #tpu.memory_space<vmem>>) semaphore(%arg14 : memref<!tpu.dma_semaphore, #tpu.memory_space<semaphore_mem>>)
    %dma_wait3A_330 = arith.constant 3000 : i32
    %dma_wait3A_331 = tpu.memref_slice %arg9[%dma_wait3A_330] : memref<5008xi32, #tpu.memory_space<vmem>> -> memref<200xi32, #tpu.memory_space<vmem>>
    %dma_wait3A_332 = arith.constant 0 : i32
    %dma_wait3A_333 = arith.constant 0 : i32
    %dma_wait3A_334 = tpu.memref_slice %arg6[%dma_wait3A_332, %dma_wait3A_333] : memref<10000x128xi32, #tpu.memory_space<hbm>> -> memref<10000x128xi32, #tpu.memory_space<hbm>>
    tpu.wait_indirect_dma semaphore(%arg15 : memref<!tpu.dma_semaphore, #tpu.memory_space<semaphore_mem>>) src(%dma_wait3A_334 : memref<10000x128xi32, #tpu.memory_space<hbm>>) dst(%arg13 : memref<200x128xi32, #tpu.memory_space<vmem>>)
    %add3A_335 = arith.constant 3000 : i32
    %add3A_336 = arith.addi %mul3A_19, %add3A_335 : i32
    %dma_start3A_337 = arith.constant 0 : i32
    %dma_start3A_338 = tpu.memref_slice %arg7[%add3A_336, %dma_start3A_337] : memref<160000x128xi32, #tpu.memory_space<hbm>> -> memref<200x128xi32, #tpu.memory_space<hbm>>
    %dma_start3A_339 = arith.constant 0 : i32
    %dma_start3A_340 = tpu.memref_slice %arg7[%add3A_336, %dma_start3A_339] : memref<160000x128xi32, #tpu.memory_space<hbm>> -> memref<200x128xi32, #tpu.memory_space<hbm>>
    tpu.enqueue_dma source(%arg13 : memref<200x128xi32, #tpu.memory_space<vmem>>) target(%dma_start3A_340 : memref<200x128xi32, #tpu.memory_space<hbm>>) target_semaphore(%arg17 : memref<!tpu.dma_semaphore, #tpu.memory_space<semaphore_mem>>)
    %dma_wait3A_341 = arith.constant 0 : i32
    %dma_wait3A_342 = tpu.memref_slice %arg7[%add3A_336, %dma_wait3A_341] : memref<160000x128xi32, #tpu.memory_space<hbm>> -> memref<200x128xi32, #tpu.memory_space<hbm>>
    %dma_wait3A_343 = arith.constant 0 : i32
    %dma_wait3A_344 = tpu.memref_slice %arg7[%add3A_336, %dma_wait3A_343] : memref<160000x128xi32, #tpu.memory_space<hbm>> -> memref<200x128xi32, #tpu.memory_space<hbm>>
    tpu.wait_dma2 semaphore(%arg17 : memref<!tpu.dma_semaphore, #tpu.memory_space<semaphore_mem>>) src(%arg13 : memref<200x128xi32, #tpu.memory_space<vmem>>) dst(%dma_wait3A_344 : memref<200x128xi32, #tpu.memory_space<hbm>>)
    %dma_start3A_345 = arith.constant 3400 : i32
    %dma_start3A_346 = tpu.memref_slice %arg9[%dma_start3A_345] : memref<5008xi32, #tpu.memory_space<vmem>> -> memref<200xi32, #tpu.memory_space<vmem>>
    %dma_start3A_347 = arith.constant 0 : i32
    %dma_start3A_348 = arith.constant 0 : i32
    %dma_start3A_349 = tpu.memref_slice %arg6[%dma_start3A_347, %dma_start3A_348] : memref<10000x128xi32, #tpu.memory_space<hbm>> -> memref<10000x128xi32, #tpu.memory_space<hbm>>
    tpu.enqueue_indirect_dma source(%dma_start3A_349 : memref<10000x128xi32, #tpu.memory_space<hbm>>) target(%arg13 : memref<200x128xi32, #tpu.memory_space<vmem>>) offsets(%dma_start3A_346 : memref<200xi32, #tpu.memory_space<vmem>>) semaphore(%arg15 : memref<!tpu.dma_semaphore, #tpu.memory_space<semaphore_mem>>)
    %dma_wait3A_350 = arith.constant 3200 : i32
    %dma_wait3A_351 = tpu.memref_slice %arg9[%dma_wait3A_350] : memref<5008xi32, #tpu.memory_space<vmem>> -> memref<200xi32, #tpu.memory_space<vmem>>
    %dma_wait3A_352 = arith.constant 0 : i32
    %dma_wait3A_353 = arith.constant 0 : i32
    %dma_wait3A_354 = tpu.memref_slice %arg6[%dma_wait3A_352, %dma_wait3A_353] : memref<10000x128xi32, #tpu.memory_space<hbm>> -> memref<10000x128xi32, #tpu.memory_space<hbm>>
    tpu.wait_indirect_dma semaphore(%arg14 : memref<!tpu.dma_semaphore, #tpu.memory_space<semaphore_mem>>) src(%dma_wait3A_354 : memref<10000x128xi32, #tpu.memory_space<hbm>>) dst(%arg12 : memref<200x128xi32, #tpu.memory_space<vmem>>)
    %add3A_355 = arith.constant 3200 : i32
    %add3A_356 = arith.addi %mul3A_19, %add3A_355 : i32
    %dma_start3A_357 = arith.constant 0 : i32
    %dma_start3A_358 = tpu.memref_slice %arg7[%add3A_356, %dma_start3A_357] : memref<160000x128xi32, #tpu.memory_space<hbm>> -> memref<200x128xi32, #tpu.memory_space<hbm>>
    %dma_start3A_359 = arith.constant 0 : i32
    %dma_start3A_360 = tpu.memref_slice %arg7[%add3A_356, %dma_start3A_359] : memref<160000x128xi32, #tpu.memory_space<hbm>> -> memref<200x128xi32, #tpu.memory_space<hbm>>
    tpu.enqueue_dma source(%arg12 : memref<200x128xi32, #tpu.memory_space<vmem>>) target(%dma_start3A_360 : memref<200x128xi32, #tpu.memory_space<hbm>>) target_semaphore(%arg16 : memref<!tpu.dma_semaphore, #tpu.memory_space<semaphore_mem>>)
    %dma_wait3A_361 = arith.constant 0 : i32
    %dma_wait3A_362 = tpu.memref_slice %arg7[%add3A_356, %dma_wait3A_361] : memref<160000x128xi32, #tpu.memory_space<hbm>> -> memref<200x128xi32, #tpu.memory_space<hbm>>
    %dma_wait3A_363 = arith.constant 0 : i32
    %dma_wait3A_364 = tpu.memref_slice %arg7[%add3A_356, %dma_wait3A_363] : memref<160000x128xi32, #tpu.memory_space<hbm>> -> memref<200x128xi32, #tpu.memory_space<hbm>>
    tpu.wait_dma2 semaphore(%arg16 : memref<!tpu.dma_semaphore, #tpu.memory_space<semaphore_mem>>) src(%arg12 : memref<200x128xi32, #tpu.memory_space<vmem>>) dst(%dma_wait3A_364 : memref<200x128xi32, #tpu.memory_space<hbm>>)
    %dma_start3A_365 = arith.constant 3600 : i32
    %dma_start3A_366 = tpu.memref_slice %arg9[%dma_start3A_365] : memref<5008xi32, #tpu.memory_space<vmem>> -> memref<200xi32, #tpu.memory_space<vmem>>
    %dma_start3A_367 = arith.constant 0 : i32
    %dma_start3A_368 = arith.constant 0 : i32
    %dma_start3A_369 = tpu.memref_slice %arg6[%dma_start3A_367, %dma_start3A_368] : memref<10000x128xi32, #tpu.memory_space<hbm>> -> memref<10000x128xi32, #tpu.memory_space<hbm>>
    tpu.enqueue_indirect_dma source(%dma_start3A_369 : memref<10000x128xi32, #tpu.memory_space<hbm>>) target(%arg12 : memref<200x128xi32, #tpu.memory_space<vmem>>) offsets(%dma_start3A_366 : memref<200xi32, #tpu.memory_space<vmem>>) semaphore(%arg14 : memref<!tpu.dma_semaphore, #tpu.memory_space<semaphore_mem>>)
    %dma_wait3A_370 = arith.constant 3400 : i32
    %dma_wait3A_371 = tpu.memref_slice %arg9[%dma_wait3A_370] : memref<5008xi32, #tpu.memory_space<vmem>> -> memref<200xi32, #tpu.memory_space<vmem>>
    %dma_wait3A_372 = arith.constant 0 : i32
    %dma_wait3A_373 = arith.constant 0 : i32
    %dma_wait3A_374 = tpu.memref_slice %arg6[%dma_wait3A_372, %dma_wait3A_373] : memref<10000x128xi32, #tpu.memory_space<hbm>> -> memref<10000x128xi32, #tpu.memory_space<hbm>>
    tpu.wait_indirect_dma semaphore(%arg15 : memref<!tpu.dma_semaphore, #tpu.memory_space<semaphore_mem>>) src(%dma_wait3A_374 : memref<10000x128xi32, #tpu.memory_space<hbm>>) dst(%arg13 : memref<200x128xi32, #tpu.memory_space<vmem>>)
    %add3A_375 = arith.constant 3400 : i32
    %add3A_376 = arith.addi %mul3A_19, %add3A_375 : i32
    %dma_start3A_377 = arith.constant 0 : i32
    %dma_start3A_378 = tpu.memref_slice %arg7[%add3A_376, %dma_start3A_377] : memref<160000x128xi32, #tpu.memory_space<hbm>> -> memref<200x128xi32, #tpu.memory_space<hbm>>
    %dma_start3A_379 = arith.constant 0 : i32
    %dma_start3A_380 = tpu.memref_slice %arg7[%add3A_376, %dma_start3A_379] : memref<160000x128xi32, #tpu.memory_space<hbm>> -> memref<200x128xi32, #tpu.memory_space<hbm>>
    tpu.enqueue_dma source(%arg13 : memref<200x128xi32, #tpu.memory_space<vmem>>) target(%dma_start3A_380 : memref<200x128xi32, #tpu.memory_space<hbm>>) target_semaphore(%arg17 : memref<!tpu.dma_semaphore, #tpu.memory_space<semaphore_mem>>)
    %dma_wait3A_381 = arith.constant 0 : i32
    %dma_wait3A_382 = tpu.memref_slice %arg7[%add3A_376, %dma_wait3A_381] : memref<160000x128xi32, #tpu.memory_space<hbm>> -> memref<200x128xi32, #tpu.memory_space<hbm>>
    %dma_wait3A_383 = arith.constant 0 : i32
    %dma_wait3A_384 = tpu.memref_slice %arg7[%add3A_376, %dma_wait3A_383] : memref<160000x128xi32, #tpu.memory_space<hbm>> -> memref<200x128xi32, #tpu.memory_space<hbm>>
    tpu.wait_dma2 semaphore(%arg17 : memref<!tpu.dma_semaphore, #tpu.memory_space<semaphore_mem>>) src(%arg13 : memref<200x128xi32, #tpu.memory_space<vmem>>) dst(%dma_wait3A_384 : memref<200x128xi32, #tpu.memory_space<hbm>>)
    %dma_start3A_385 = arith.constant 3800 : i32
    %dma_start3A_386 = tpu.memref_slice %arg9[%dma_start3A_385] : memref<5008xi32, #tpu.memory_space<vmem>> -> memref<200xi32, #tpu.memory_space<vmem>>
    %dma_start3A_387 = arith.constant 0 : i32
    %dma_start3A_388 = arith.constant 0 : i32
    %dma_start3A_389 = tpu.memref_slice %arg6[%dma_start3A_387, %dma_start3A_388] : memref<10000x128xi32, #tpu.memory_space<hbm>> -> memref<10000x128xi32, #tpu.memory_space<hbm>>
    tpu.enqueue_indirect_dma source(%dma_start3A_389 : memref<10000x128xi32, #tpu.memory_space<hbm>>) target(%arg13 : memref<200x128xi32, #tpu.memory_space<vmem>>) offsets(%dma_start3A_386 : memref<200xi32, #tpu.memory_space<vmem>>) semaphore(%arg15 : memref<!tpu.dma_semaphore, #tpu.memory_space<semaphore_mem>>)
    %dma_wait3A_390 = arith.constant 3600 : i32
    %dma_wait3A_391 = tpu.memref_slice %arg9[%dma_wait3A_390] : memref<5008xi32, #tpu.memory_space<vmem>> -> memref<200xi32, #tpu.memory_space<vmem>>
    %dma_wait3A_392 = arith.constant 0 : i32
    %dma_wait3A_393 = arith.constant 0 : i32
    %dma_wait3A_394 = tpu.memref_slice %arg6[%dma_wait3A_392, %dma_wait3A_393] : memref<10000x128xi32, #tpu.memory_space<hbm>> -> memref<10000x128xi32, #tpu.memory_space<hbm>>
    tpu.wait_indirect_dma semaphore(%arg14 : memref<!tpu.dma_semaphore, #tpu.memory_space<semaphore_mem>>) src(%dma_wait3A_394 : memref<10000x128xi32, #tpu.memory_space<hbm>>) dst(%arg12 : memref<200x128xi32, #tpu.memory_space<vmem>>)
    %add3A_395 = arith.constant 3600 : i32
    %add3A_396 = arith.addi %mul3A_19, %add3A_395 : i32
    %dma_start3A_397 = arith.constant 0 : i32
    %dma_start3A_398 = tpu.memref_slice %arg7[%add3A_396, %dma_start3A_397] : memref<160000x128xi32, #tpu.memory_space<hbm>> -> memref<200x128xi32, #tpu.memory_space<hbm>>
    %dma_start3A_399 = arith.constant 0 : i32
    %dma_start3A_400 = tpu.memref_slice %arg7[%add3A_396, %dma_start3A_399] : memref<160000x128xi32, #tpu.memory_space<hbm>> -> memref<200x128xi32, #tpu.memory_space<hbm>>
    tpu.enqueue_dma source(%arg12 : memref<200x128xi32, #tpu.memory_space<vmem>>) target(%dma_start3A_400 : memref<200x128xi32, #tpu.memory_space<hbm>>) target_semaphore(%arg16 : memref<!tpu.dma_semaphore, #tpu.memory_space<semaphore_mem>>)
    %dma_wait3A_401 = arith.constant 0 : i32
    %dma_wait3A_402 = tpu.memref_slice %arg7[%add3A_396, %dma_wait3A_401] : memref<160000x128xi32, #tpu.memory_space<hbm>> -> memref<200x128xi32, #tpu.memory_space<hbm>>
    %dma_wait3A_403 = arith.constant 0 : i32
    %dma_wait3A_404 = tpu.memref_slice %arg7[%add3A_396, %dma_wait3A_403] : memref<160000x128xi32, #tpu.memory_space<hbm>> -> memref<200x128xi32, #tpu.memory_space<hbm>>
    tpu.wait_dma2 semaphore(%arg16 : memref<!tpu.dma_semaphore, #tpu.memory_space<semaphore_mem>>) src(%arg12 : memref<200x128xi32, #tpu.memory_space<vmem>>) dst(%dma_wait3A_404 : memref<200x128xi32, #tpu.memory_space<hbm>>)
    %dma_start3A_405 = arith.constant 4000 : i32
    %dma_start3A_406 = tpu.memref_slice %arg9[%dma_start3A_405] : memref<5008xi32, #tpu.memory_space<vmem>> -> memref<200xi32, #tpu.memory_space<vmem>>
    %dma_start3A_407 = arith.constant 0 : i32
    %dma_start3A_408 = arith.constant 0 : i32
    %dma_start3A_409 = tpu.memref_slice %arg6[%dma_start3A_407, %dma_start3A_408] : memref<10000x128xi32, #tpu.memory_space<hbm>> -> memref<10000x128xi32, #tpu.memory_space<hbm>>
    tpu.enqueue_indirect_dma source(%dma_start3A_409 : memref<10000x128xi32, #tpu.memory_space<hbm>>) target(%arg12 : memref<200x128xi32, #tpu.memory_space<vmem>>) offsets(%dma_start3A_406 : memref<200xi32, #tpu.memory_space<vmem>>) semaphore(%arg14 : memref<!tpu.dma_semaphore, #tpu.memory_space<semaphore_mem>>)
    %dma_wait3A_410 = arith.constant 3800 : i32
    %dma_wait3A_411 = tpu.memref_slice %arg9[%dma_wait3A_410] : memref<5008xi32, #tpu.memory_space<vmem>> -> memref<200xi32, #tpu.memory_space<vmem>>
    %dma_wait3A_412 = arith.constant 0 : i32
    %dma_wait3A_413 = arith.constant 0 : i32
    %dma_wait3A_414 = tpu.memref_slice %arg6[%dma_wait3A_412, %dma_wait3A_413] : memref<10000x128xi32, #tpu.memory_space<hbm>> -> memref<10000x128xi32, #tpu.memory_space<hbm>>
    tpu.wait_indirect_dma semaphore(%arg15 : memref<!tpu.dma_semaphore, #tpu.memory_space<semaphore_mem>>) src(%dma_wait3A_414 : memref<10000x128xi32, #tpu.memory_space<hbm>>) dst(%arg13 : memref<200x128xi32, #tpu.memory_space<vmem>>)
    %add3A_415 = arith.constant 3800 : i32
    %add3A_416 = arith.addi %mul3A_19, %add3A_415 : i32
    %dma_start3A_417 = arith.constant 0 : i32
    %dma_start3A_418 = tpu.memref_slice %arg7[%add3A_416, %dma_start3A_417] : memref<160000x128xi32, #tpu.memory_space<hbm>> -> memref<200x128xi32, #tpu.memory_space<hbm>>
    %dma_start3A_419 = arith.constant 0 : i32
    %dma_start3A_420 = tpu.memref_slice %arg7[%add3A_416, %dma_start3A_419] : memref<160000x128xi32, #tpu.memory_space<hbm>> -> memref<200x128xi32, #tpu.memory_space<hbm>>
    tpu.enqueue_dma source(%arg13 : memref<200x128xi32, #tpu.memory_space<vmem>>) target(%dma_start3A_420 : memref<200x128xi32, #tpu.memory_space<hbm>>) target_semaphore(%arg17 : memref<!tpu.dma_semaphore, #tpu.memory_space<semaphore_mem>>)
    %dma_wait3A_421 = arith.constant 0 : i32
    %dma_wait3A_422 = tpu.memref_slice %arg7[%add3A_416, %dma_wait3A_421] : memref<160000x128xi32, #tpu.memory_space<hbm>> -> memref<200x128xi32, #tpu.memory_space<hbm>>
    %dma_wait3A_423 = arith.constant 0 : i32
    %dma_wait3A_424 = tpu.memref_slice %arg7[%add3A_416, %dma_wait3A_423] : memref<160000x128xi32, #tpu.memory_space<hbm>> -> memref<200x128xi32, #tpu.memory_space<hbm>>
    tpu.wait_dma2 semaphore(%arg17 : memref<!tpu.dma_semaphore, #tpu.memory_space<semaphore_mem>>) src(%arg13 : memref<200x128xi32, #tpu.memory_space<vmem>>) dst(%dma_wait3A_424 : memref<200x128xi32, #tpu.memory_space<hbm>>)
    %dma_start3A_425 = arith.constant 4200 : i32
    %dma_start3A_426 = tpu.memref_slice %arg9[%dma_start3A_425] : memref<5008xi32, #tpu.memory_space<vmem>> -> memref<200xi32, #tpu.memory_space<vmem>>
    %dma_start3A_427 = arith.constant 0 : i32
    %dma_start3A_428 = arith.constant 0 : i32
    %dma_start3A_429 = tpu.memref_slice %arg6[%dma_start3A_427, %dma_start3A_428] : memref<10000x128xi32, #tpu.memory_space<hbm>> -> memref<10000x128xi32, #tpu.memory_space<hbm>>
    tpu.enqueue_indirect_dma source(%dma_start3A_429 : memref<10000x128xi32, #tpu.memory_space<hbm>>) target(%arg13 : memref<200x128xi32, #tpu.memory_space<vmem>>) offsets(%dma_start3A_426 : memref<200xi32, #tpu.memory_space<vmem>>) semaphore(%arg15 : memref<!tpu.dma_semaphore, #tpu.memory_space<semaphore_mem>>)
    %dma_wait3A_430 = arith.constant 4000 : i32
    %dma_wait3A_431 = tpu.memref_slice %arg9[%dma_wait3A_430] : memref<5008xi32, #tpu.memory_space<vmem>> -> memref<200xi32, #tpu.memory_space<vmem>>
    %dma_wait3A_432 = arith.constant 0 : i32
    %dma_wait3A_433 = arith.constant 0 : i32
    %dma_wait3A_434 = tpu.memref_slice %arg6[%dma_wait3A_432, %dma_wait3A_433] : memref<10000x128xi32, #tpu.memory_space<hbm>> -> memref<10000x128xi32, #tpu.memory_space<hbm>>
    tpu.wait_indirect_dma semaphore(%arg14 : memref<!tpu.dma_semaphore, #tpu.memory_space<semaphore_mem>>) src(%dma_wait3A_434 : memref<10000x128xi32, #tpu.memory_space<hbm>>) dst(%arg12 : memref<200x128xi32, #tpu.memory_space<vmem>>)
    %add3A_435 = arith.constant 4000 : i32
    %add3A_436 = arith.addi %mul3A_19, %add3A_435 : i32
    %dma_start3A_437 = arith.constant 0 : i32
    %dma_start3A_438 = tpu.memref_slice %arg7[%add3A_436, %dma_start3A_437] : memref<160000x128xi32, #tpu.memory_space<hbm>> -> memref<200x128xi32, #tpu.memory_space<hbm>>
    %dma_start3A_439 = arith.constant 0 : i32
    %dma_start3A_440 = tpu.memref_slice %arg7[%add3A_436, %dma_start3A_439] : memref<160000x128xi32, #tpu.memory_space<hbm>> -> memref<200x128xi32, #tpu.memory_space<hbm>>
    tpu.enqueue_dma source(%arg12 : memref<200x128xi32, #tpu.memory_space<vmem>>) target(%dma_start3A_440 : memref<200x128xi32, #tpu.memory_space<hbm>>) target_semaphore(%arg16 : memref<!tpu.dma_semaphore, #tpu.memory_space<semaphore_mem>>)
    %dma_wait3A_441 = arith.constant 0 : i32
    %dma_wait3A_442 = tpu.memref_slice %arg7[%add3A_436, %dma_wait3A_441] : memref<160000x128xi32, #tpu.memory_space<hbm>> -> memref<200x128xi32, #tpu.memory_space<hbm>>
    %dma_wait3A_443 = arith.constant 0 : i32
    %dma_wait3A_444 = tpu.memref_slice %arg7[%add3A_436, %dma_wait3A_443] : memref<160000x128xi32, #tpu.memory_space<hbm>> -> memref<200x128xi32, #tpu.memory_space<hbm>>
    tpu.wait_dma2 semaphore(%arg16 : memref<!tpu.dma_semaphore, #tpu.memory_space<semaphore_mem>>) src(%arg12 : memref<200x128xi32, #tpu.memory_space<vmem>>) dst(%dma_wait3A_444 : memref<200x128xi32, #tpu.memory_space<hbm>>)
    %dma_start3A_445 = arith.constant 4400 : i32
    %dma_start3A_446 = tpu.memref_slice %arg9[%dma_start3A_445] : memref<5008xi32, #tpu.memory_space<vmem>> -> memref<200xi32, #tpu.memory_space<vmem>>
    %dma_start3A_447 = arith.constant 0 : i32
    %dma_start3A_448 = arith.constant 0 : i32
    %dma_start3A_449 = tpu.memref_slice %arg6[%dma_start3A_447, %dma_start3A_448] : memref<10000x128xi32, #tpu.memory_space<hbm>> -> memref<10000x128xi32, #tpu.memory_space<hbm>>
    tpu.enqueue_indirect_dma source(%dma_start3A_449 : memref<10000x128xi32, #tpu.memory_space<hbm>>) target(%arg12 : memref<200x128xi32, #tpu.memory_space<vmem>>) offsets(%dma_start3A_446 : memref<200xi32, #tpu.memory_space<vmem>>) semaphore(%arg14 : memref<!tpu.dma_semaphore, #tpu.memory_space<semaphore_mem>>)
    %dma_wait3A_450 = arith.constant 4200 : i32
    %dma_wait3A_451 = tpu.memref_slice %arg9[%dma_wait3A_450] : memref<5008xi32, #tpu.memory_space<vmem>> -> memref<200xi32, #tpu.memory_space<vmem>>
    %dma_wait3A_452 = arith.constant 0 : i32
    %dma_wait3A_453 = arith.constant 0 : i32
    %dma_wait3A_454 = tpu.memref_slice %arg6[%dma_wait3A_452, %dma_wait3A_453] : memref<10000x128xi32, #tpu.memory_space<hbm>> -> memref<10000x128xi32, #tpu.memory_space<hbm>>
    tpu.wait_indirect_dma semaphore(%arg15 : memref<!tpu.dma_semaphore, #tpu.memory_space<semaphore_mem>>) src(%dma_wait3A_454 : memref<10000x128xi32, #tpu.memory_space<hbm>>) dst(%arg13 : memref<200x128xi32, #tpu.memory_space<vmem>>)
    %add3A_455 = arith.constant 4200 : i32
    %add3A_456 = arith.addi %mul3A_19, %add3A_455 : i32
    %dma_start3A_457 = arith.constant 0 : i32
    %dma_start3A_458 = tpu.memref_slice %arg7[%add3A_456, %dma_start3A_457] : memref<160000x128xi32, #tpu.memory_space<hbm>> -> memref<200x128xi32, #tpu.memory_space<hbm>>
    %dma_start3A_459 = arith.constant 0 : i32
    %dma_start3A_460 = tpu.memref_slice %arg7[%add3A_456, %dma_start3A_459] : memref<160000x128xi32, #tpu.memory_space<hbm>> -> memref<200x128xi32, #tpu.memory_space<hbm>>
    tpu.enqueue_dma source(%arg13 : memref<200x128xi32, #tpu.memory_space<vmem>>) target(%dma_start3A_460 : memref<200x128xi32, #tpu.memory_space<hbm>>) target_semaphore(%arg17 : memref<!tpu.dma_semaphore, #tpu.memory_space<semaphore_mem>>)
    %dma_wait3A_461 = arith.constant 0 : i32
    %dma_wait3A_462 = tpu.memref_slice %arg7[%add3A_456, %dma_wait3A_461] : memref<160000x128xi32, #tpu.memory_space<hbm>> -> memref<200x128xi32, #tpu.memory_space<hbm>>
    %dma_wait3A_463 = arith.constant 0 : i32
    %dma_wait3A_464 = tpu.memref_slice %arg7[%add3A_456, %dma_wait3A_463] : memref<160000x128xi32, #tpu.memory_space<hbm>> -> memref<200x128xi32, #tpu.memory_space<hbm>>
    tpu.wait_dma2 semaphore(%arg17 : memref<!tpu.dma_semaphore, #tpu.memory_space<semaphore_mem>>) src(%arg13 : memref<200x128xi32, #tpu.memory_space<vmem>>) dst(%dma_wait3A_464 : memref<200x128xi32, #tpu.memory_space<hbm>>)
    %dma_start3A_465 = arith.constant 4600 : i32
    %dma_start3A_466 = tpu.memref_slice %arg9[%dma_start3A_465] : memref<5008xi32, #tpu.memory_space<vmem>> -> memref<200xi32, #tpu.memory_space<vmem>>
    %dma_start3A_467 = arith.constant 0 : i32
    %dma_start3A_468 = arith.constant 0 : i32
    %dma_start3A_469 = tpu.memref_slice %arg6[%dma_start3A_467, %dma_start3A_468] : memref<10000x128xi32, #tpu.memory_space<hbm>> -> memref<10000x128xi32, #tpu.memory_space<hbm>>
    tpu.enqueue_indirect_dma source(%dma_start3A_469 : memref<10000x128xi32, #tpu.memory_space<hbm>>) target(%arg13 : memref<200x128xi32, #tpu.memory_space<vmem>>) offsets(%dma_start3A_466 : memref<200xi32, #tpu.memory_space<vmem>>) semaphore(%arg15 : memref<!tpu.dma_semaphore, #tpu.memory_space<semaphore_mem>>)
    %dma_wait3A_470 = arith.constant 4400 : i32
    %dma_wait3A_471 = tpu.memref_slice %arg9[%dma_wait3A_470] : memref<5008xi32, #tpu.memory_space<vmem>> -> memref<200xi32, #tpu.memory_space<vmem>>
    %dma_wait3A_472 = arith.constant 0 : i32
    %dma_wait3A_473 = arith.constant 0 : i32
    %dma_wait3A_474 = tpu.memref_slice %arg6[%dma_wait3A_472, %dma_wait3A_473] : memref<10000x128xi32, #tpu.memory_space<hbm>> -> memref<10000x128xi32, #tpu.memory_space<hbm>>
    tpu.wait_indirect_dma semaphore(%arg14 : memref<!tpu.dma_semaphore, #tpu.memory_space<semaphore_mem>>) src(%dma_wait3A_474 : memref<10000x128xi32, #tpu.memory_space<hbm>>) dst(%arg12 : memref<200x128xi32, #tpu.memory_space<vmem>>)
    %add3A_475 = arith.constant 4400 : i32
    %add3A_476 = arith.addi %mul3A_19, %add3A_475 : i32
    %dma_start3A_477 = arith.constant 0 : i32
    %dma_start3A_478 = tpu.memref_slice %arg7[%add3A_476, %dma_start3A_477] : memref<160000x128xi32, #tpu.memory_space<hbm>> -> memref<200x128xi32, #tpu.memory_space<hbm>>
    %dma_start3A_479 = arith.constant 0 : i32
    %dma_start3A_480 = tpu.memref_slice %arg7[%add3A_476, %dma_start3A_479] : memref<160000x128xi32, #tpu.memory_space<hbm>> -> memref<200x128xi32, #tpu.memory_space<hbm>>
    tpu.enqueue_dma source(%arg12 : memref<200x128xi32, #tpu.memory_space<vmem>>) target(%dma_start3A_480 : memref<200x128xi32, #tpu.memory_space<hbm>>) target_semaphore(%arg16 : memref<!tpu.dma_semaphore, #tpu.memory_space<semaphore_mem>>)
    %dma_wait3A_481 = arith.constant 0 : i32
    %dma_wait3A_482 = tpu.memref_slice %arg7[%add3A_476, %dma_wait3A_481] : memref<160000x128xi32, #tpu.memory_space<hbm>> -> memref<200x128xi32, #tpu.memory_space<hbm>>
    %dma_wait3A_483 = arith.constant 0 : i32
    %dma_wait3A_484 = tpu.memref_slice %arg7[%add3A_476, %dma_wait3A_483] : memref<160000x128xi32, #tpu.memory_space<hbm>> -> memref<200x128xi32, #tpu.memory_space<hbm>>
    tpu.wait_dma2 semaphore(%arg16 : memref<!tpu.dma_semaphore, #tpu.memory_space<semaphore_mem>>) src(%arg12 : memref<200x128xi32, #tpu.memory_space<vmem>>) dst(%dma_wait3A_484 : memref<200x128xi32, #tpu.memory_space<hbm>>)
    %dma_start3A_485 = arith.constant 4800 : i32
    %dma_start3A_486 = tpu.memref_slice %arg9[%dma_start3A_485] : memref<5008xi32, #tpu.memory_space<vmem>> -> memref<200xi32, #tpu.memory_space<vmem>>
    %dma_start3A_487 = arith.constant 0 : i32
    %dma_start3A_488 = arith.constant 0 : i32
    %dma_start3A_489 = tpu.memref_slice %arg6[%dma_start3A_487, %dma_start3A_488] : memref<10000x128xi32, #tpu.memory_space<hbm>> -> memref<10000x128xi32, #tpu.memory_space<hbm>>
    tpu.enqueue_indirect_dma source(%dma_start3A_489 : memref<10000x128xi32, #tpu.memory_space<hbm>>) target(%arg12 : memref<200x128xi32, #tpu.memory_space<vmem>>) offsets(%dma_start3A_486 : memref<200xi32, #tpu.memory_space<vmem>>) semaphore(%arg14 : memref<!tpu.dma_semaphore, #tpu.memory_space<semaphore_mem>>)
    %dma_wait3A_490 = arith.constant 4600 : i32
    %dma_wait3A_491 = tpu.memref_slice %arg9[%dma_wait3A_490] : memref<5008xi32, #tpu.memory_space<vmem>> -> memref<200xi32, #tpu.memory_space<vmem>>
    %dma_wait3A_492 = arith.constant 0 : i32
    %dma_wait3A_493 = arith.constant 0 : i32
    %dma_wait3A_494 = tpu.memref_slice %arg6[%dma_wait3A_492, %dma_wait3A_493] : memref<10000x128xi32, #tpu.memory_space<hbm>> -> memref<10000x128xi32, #tpu.memory_space<hbm>>
    tpu.wait_indirect_dma semaphore(%arg15 : memref<!tpu.dma_semaphore, #tpu.memory_space<semaphore_mem>>) src(%dma_wait3A_494 : memref<10000x128xi32, #tpu.memory_space<hbm>>) dst(%arg13 : memref<200x128xi32, #tpu.memory_space<vmem>>)
    %add3A_495 = arith.constant 4600 : i32
    %add3A_496 = arith.addi %mul3A_19, %add3A_495 : i32
    %dma_start3A_497 = arith.constant 0 : i32
    %dma_start3A_498 = tpu.memref_slice %arg7[%add3A_496, %dma_start3A_497] : memref<160000x128xi32, #tpu.memory_space<hbm>> -> memref<200x128xi32, #tpu.memory_space<hbm>>
    %dma_start3A_499 = arith.constant 0 : i32
    %dma_start3A_500 = tpu.memref_slice %arg7[%add3A_496, %dma_start3A_499] : memref<160000x128xi32, #tpu.memory_space<hbm>> -> memref<200x128xi32, #tpu.memory_space<hbm>>
    tpu.enqueue_dma source(%arg13 : memref<200x128xi32, #tpu.memory_space<vmem>>) target(%dma_start3A_500 : memref<200x128xi32, #tpu.memory_space<hbm>>) target_semaphore(%arg17 : memref<!tpu.dma_semaphore, #tpu.memory_space<semaphore_mem>>)
    %dma_wait3A_501 = arith.constant 4800 : i32
    %dma_wait3A_502 = tpu.memref_slice %arg9[%dma_wait3A_501] : memref<5008xi32, #tpu.memory_space<vmem>> -> memref<200xi32, #tpu.memory_space<vmem>>
    %dma_wait3A_503 = arith.constant 0 : i32
    %dma_wait3A_504 = arith.constant 0 : i32
    %dma_wait3A_505 = tpu.memref_slice %arg6[%dma_wait3A_503, %dma_wait3A_504] : memref<10000x128xi32, #tpu.memory_space<hbm>> -> memref<10000x128xi32, #tpu.memory_space<hbm>>
    tpu.wait_indirect_dma semaphore(%arg14 : memref<!tpu.dma_semaphore, #tpu.memory_space<semaphore_mem>>) src(%dma_wait3A_505 : memref<10000x128xi32, #tpu.memory_space<hbm>>) dst(%arg12 : memref<200x128xi32, #tpu.memory_space<vmem>>)
    %add3A_506 = arith.constant 4800 : i32
    %add3A_507 = arith.addi %mul3A_19, %add3A_506 : i32
    %dma_start3A_508 = arith.constant 0 : i32
    %dma_start3A_509 = tpu.memref_slice %arg7[%add3A_507, %dma_start3A_508] : memref<160000x128xi32, #tpu.memory_space<hbm>> -> memref<200x128xi32, #tpu.memory_space<hbm>>
    %dma_start3A_510 = arith.constant 0 : i32
    %dma_start3A_511 = tpu.memref_slice %arg7[%add3A_507, %dma_start3A_510] : memref<160000x128xi32, #tpu.memory_space<hbm>> -> memref<200x128xi32, #tpu.memory_space<hbm>>
    tpu.enqueue_dma source(%arg12 : memref<200x128xi32, #tpu.memory_space<vmem>>) target(%dma_start3A_511 : memref<200x128xi32, #tpu.memory_space<hbm>>) target_semaphore(%arg16 : memref<!tpu.dma_semaphore, #tpu.memory_space<semaphore_mem>>)
    %dma_wait3A_512 = arith.constant 0 : i32
    %dma_wait3A_513 = tpu.memref_slice %arg7[%add3A_496, %dma_wait3A_512] : memref<160000x128xi32, #tpu.memory_space<hbm>> -> memref<200x128xi32, #tpu.memory_space<hbm>>
    %dma_wait3A_514 = arith.constant 0 : i32
    %dma_wait3A_515 = tpu.memref_slice %arg7[%add3A_496, %dma_wait3A_514] : memref<160000x128xi32, #tpu.memory_space<hbm>> -> memref<200x128xi32, #tpu.memory_space<hbm>>
    tpu.wait_dma2 semaphore(%arg17 : memref<!tpu.dma_semaphore, #tpu.memory_space<semaphore_mem>>) src(%arg13 : memref<200x128xi32, #tpu.memory_space<vmem>>) dst(%dma_wait3A_515 : memref<200x128xi32, #tpu.memory_space<hbm>>)
    %dma_wait3A_516 = arith.constant 0 : i32
    %dma_wait3A_517 = tpu.memref_slice %arg7[%add3A_507, %dma_wait3A_516] : memref<160000x128xi32, #tpu.memory_space<hbm>> -> memref<200x128xi32, #tpu.memory_space<hbm>>
    %dma_wait3A_518 = arith.constant 0 : i32
    %dma_wait3A_519 = tpu.memref_slice %arg7[%add3A_507, %dma_wait3A_518] : memref<160000x128xi32, #tpu.memory_space<hbm>> -> memref<200x128xi32, #tpu.memory_space<hbm>>
    tpu.wait_dma2 semaphore(%arg16 : memref<!tpu.dma_semaphore, #tpu.memory_space<semaphore_mem>>) src(%arg12 : memref<200x128xi32, #tpu.memory_space<vmem>>) dst(%dma_wait3A_519 : memref<200x128xi32, #tpu.memory_space<hbm>>)
    return
  }
}

module attributes {stable_mosaic.version = 14 : i64} {
  func.func @_tc_body(%arg0: i32, %arg1: memref<3200x1xf32, #tpu.memory_space<vmem>>, %arg2: memref<3200x128xi32, #tpu.memory_space<vmem>>, %arg3: memref<512x256xbf16, #tpu.memory_space<vmem>>, %arg4: memref<1024x64xbf16, #tpu.memory_space<vmem>>, %arg5: memref<1x512xf32, #tpu.memory_space<vmem>>, %arg6: memref<8x512xbf16, #tpu.memory_space<vmem>>, %arg7: memref<8x1xf32, #tpu.memory_space<vmem>>, %arg8: memref<8x3200xf32, #tpu.memory_space<vmem>>) attributes {dimension_semantics = [#tpu.dimension_semantics<arbitrary>], iteration_bounds = array<i64: 50>, scalar_prefetch = 0 : i64, scratch_operands = 0 : i64, tpu.core_type = #tpu.core_type<tc>, window_params = [{transform_indices = @transform_0, window_bounds = array<i64: 3200, 1>}, {transform_indices = @transform_1, window_bounds = array<i64: 3200, 128>}, {pipeline_mode = #tpu.pipeline_mode<synchronous>, transform_indices = @transform_2, window_bounds = array<i64: 512, 256>}, {pipeline_mode = #tpu.pipeline_mode<synchronous>, transform_indices = @transform_3, window_bounds = array<i64: 1024, 64>}, {pipeline_mode = #tpu.pipeline_mode<synchronous>, transform_indices = @transform_4, window_bounds = array<i64: 1, 512>}, {pipeline_mode = #tpu.pipeline_mode<synchronous>, transform_indices = @transform_5, window_bounds = array<i64: 8, 512>}, {pipeline_mode = #tpu.pipeline_mode<synchronous>, transform_indices = @transform_6, window_bounds = array<i64: 8, 1>}, {transform_indices = @transform_7, window_bounds = array<i64: 8, 3200>}]} {
    %get3A = arith.constant 0 : index
    %get3A_0 = arith.constant 0 : index
    %get3A_1 = vector.load %arg1[%get3A, %get3A_0] : memref<3200x1xf32, #tpu.memory_space<vmem>>, vector<3200x1xf32>
    %iota3A = tpu.iota {dimensions = array<i32: 1>} : vector<3200x64xi32>
    %convert_element_type3A = arith.sitofp %iota3A : vector<3200x64xi32> to vector<3200x64xf32>
    %mul3A = arith.constant 0.244897962 : f32
    %mul3A_2 = vector.broadcast %mul3A : f32 to vector<3200x64xf32>
    %mul3A_3 = arith.mulf %convert_element_type3A, %mul3A_2 : vector<3200x64xf32>
    %sub3A = vector.broadcast %get3A_1 : vector<3200x1xf32> to vector<3200x64xf32>
    %sub3A_4 = arith.subf %sub3A, %mul3A_3 : vector<3200x64xf32>
    %mul3A_5 = arith.constant -8.33680534 : f32
    %mul3A_6 = vector.broadcast %mul3A_5 : f32 to vector<3200x64xf32>
    %mul3A_7 = arith.mulf %mul3A_6, %sub3A_4 : vector<3200x64xf32>
    %mul3A_8 = arith.mulf %mul3A_7, %sub3A_4 : vector<3200x64xf32>
    %exp3A = math.exp %mul3A_8 : vector<3200x64xf32>
    %convert_element_type3A_9 = arith.truncf %exp3A : vector<3200x64xf32> to vector<3200x64xbf16>
    %get3A_10 = arith.constant 0 : index
    %get3A_11 = arith.constant 0 : index
    %get3A_12 = vector.load %arg2[%get3A_10, %get3A_11] : memref<3200x128xi32, #tpu.memory_space<vmem>>, vector<3200x128xi32>
    %shift_left3A = arith.constant 16 : i32
    %shift_left3A_13 = vector.broadcast %shift_left3A : i32 to vector<3200x128xi32>
    %shift_left3A_14 = arith.shli %get3A_12, %shift_left3A_13 : vector<3200x128xi32>
    %bitcast_convert_type3A = tpu.bitcast %shift_left3A_14 : vector<3200x128xi32> -> vector<3200x128xf32>
    %convert_element_type3A_15 = arith.truncf %bitcast_convert_type3A : vector<3200x128xf32> to vector<3200x128xbf16>
    %and3A = arith.constant -65536 : i32
    %and3A_16 = vector.broadcast %and3A : i32 to vector<3200x128xi32>
    %and3A_17 = arith.andi %get3A_12, %and3A_16 : vector<3200x128xi32>
    %bitcast_convert_type3A_18 = tpu.bitcast %and3A_17 : vector<3200x128xi32> -> vector<3200x128xf32>
    %convert_element_type3A_19 = arith.truncf %bitcast_convert_type3A_18 : vector<3200x128xf32> to vector<3200x128xbf16>
    %concatenate3A = tpu.concatenate %convert_element_type3A_15, %convert_element_type3A_19 in 1 : vector<3200x128xbf16>, vector<3200x128xbf16> -> vector<3200x256xbf16>
    %get3A_20 = arith.constant 0 : index
    %get3A_21 = arith.constant 0 : index
    %get3A_22 = vector.load %arg3[%get3A_20, %get3A_21] : memref<512x256xbf16, #tpu.memory_space<vmem>>, vector<512x256xbf16>
    %dot_general3A = arith.constant dense<0.000000e+00> : vector<3200x512xf32>
    %dot_general3A_23 = tpu.matmul %concatenate3A, %get3A_22, %dot_general3A {dimension_numbers = #tpu.dot_dimension_numbers<[1], [1], [0], [0], [0, 0, 1, 0], [], []>, transpose_lhs_hint = false} : vector<3200x256xbf16>, vector<512x256xbf16>, vector<3200x512xf32> -> vector<3200x512xf32>
    %get3A_24 = arith.constant 0 : index
    %get3A_25 = arith.constant 0 : index
    %get3A_26 = vector.load %arg4[%get3A_24, %get3A_25] : memref<1024x64xbf16, #tpu.memory_space<vmem>>, vector<1024x64xbf16>
    %dot_general3A_27 = arith.constant dense<0.000000e+00> : vector<3200x1024xf32>
    %dot_general3A_28 = tpu.matmul %convert_element_type3A_9, %get3A_26, %dot_general3A_27 {dimension_numbers = #tpu.dot_dimension_numbers<[1], [1], [0], [0], [0, 0, 1, 0], [], []>, transpose_lhs_hint = false} : vector<3200x64xbf16>, vector<1024x64xbf16>, vector<3200x1024xf32> -> vector<3200x1024xf32>
    %slice3A = vector.extract_strided_slice %dot_general3A_28 {offsets = [0, 0], sizes = [3200, 512], strides = [1, 1]} : vector<3200x1024xf32> to vector<3200x512xf32>
    %add3A = arith.addf %dot_general3A_23, %slice3A : vector<3200x512xf32>
    %get3A_29 = arith.constant 0 : index
    %get3A_30 = arith.constant 0 : index
    %get3A_31 = vector.load %arg5[%get3A_29, %get3A_30] : memref<1x512xf32, #tpu.memory_space<vmem>>, vector<1x512xf32>
    %add3A_32 = vector.broadcast %get3A_31 : vector<1x512xf32> to vector<3200x512xf32>
    %add3A_33 = arith.addf %add3A, %add3A_32 : vector<3200x512xf32>
    %logistic3A = arith.negf %add3A_33 : vector<3200x512xf32>
    %logistic3A_34 = math.exp %logistic3A : vector<3200x512xf32>
    %logistic3A_35 = arith.constant 1.000000e+00 : f32
    %logistic3A_36 = vector.broadcast %logistic3A_35 : f32 to vector<3200x512xf32>
    %logistic3A_37 = arith.addf %logistic3A_36, %logistic3A_34 : vector<3200x512xf32>
    %logistic3A_38 = arith.divf %logistic3A_36, %logistic3A_37 : vector<3200x512xf32>
    %mul3A_39 = arith.mulf %add3A_33, %logistic3A_38 : vector<3200x512xf32>
    %slice3A_40 = vector.extract_strided_slice %dot_general3A_28 {offsets = [0, 512], sizes = [3200, 512], strides = [1, 1]} : vector<3200x1024xf32> to vector<3200x512xf32>
    %mul3A_41 = arith.mulf %mul3A_39, %slice3A_40 : vector<3200x512xf32>
    %get3A_42 = arith.constant 0 : index
    %get3A_43 = arith.constant 0 : index
    %get3A_44 = vector.load %arg6[%get3A_42, %get3A_43] : memref<8x512xbf16, #tpu.memory_space<vmem>>, vector<8x512xbf16>
    %convert_element_type3A_45 = arith.truncf %mul3A_41 : vector<3200x512xf32> to vector<3200x512xbf16>
    %dot_general3A_46 = arith.constant dense<0.000000e+00> : vector<8x3200xf32>
    %dot_general3A_47 = tpu.matmul %get3A_44, %convert_element_type3A_45, %dot_general3A_46 {dimension_numbers = #tpu.dot_dimension_numbers<[1], [1], [0], [0], [0, 0, 1, 0], [], []>, transpose_lhs_hint = false} : vector<8x512xbf16>, vector<3200x512xbf16>, vector<8x3200xf32> -> vector<8x3200xf32>
    %get3A_48 = arith.constant 0 : index
    %get3A_49 = arith.constant 0 : index
    %get3A_50 = vector.load %arg7[%get3A_48, %get3A_49] : memref<8x1xf32, #tpu.memory_space<vmem>>, vector<8x1xf32>
    %add3A_51 = vector.broadcast %get3A_50 : vector<8x1xf32> to vector<8x3200xf32>
    %add3A_52 = arith.addf %dot_general3A_47, %add3A_51 : vector<8x3200xf32>
    %swap3A = arith.constant 0 : index
    %swap3A_53 = arith.constant 0 : index
    %swap3A_54 = vector.load %arg8[%swap3A, %swap3A_53] : memref<8x3200xf32, #tpu.memory_space<vmem>>, vector<8x3200xf32>
    tpu.vector_store %arg8[%swap3A, %swap3A_53], %add3A_52 {strides = array<i32>} : memref<8x3200xf32, #tpu.memory_space<vmem>>, vector<8x3200xf32>,
    return
  }
  func.func @transform_0(%arg0: i32) -> (i32, i32) {
    %add3A = arith.constant 0 : i32
    %add3A_0 = arith.addi %add3A, %arg0 : i32
    %c0_i32 = arith.constant 0 : i32
    %c0_i32_1 = arith.constant 0 : i32
    return %add3A_0, %c0_i32 : i32, i32
  }
  func.func @transform_1(%arg0: i32) -> (i32, i32) {
    %c0_i32 = arith.constant 0 : i32
    %c0_i32_0 = arith.constant 0 : i32
    return %arg0, %c0_i32 : i32, i32
  }
  func.func @transform_2(%arg0: i32) -> (i32, i32) {
    %c0_i32 = arith.constant 0 : i32
    %c0_i32_0 = arith.constant 0 : i32
    %c0_i32_1 = arith.constant 0 : i32
    return %c0_i32, %c0_i32_0 : i32, i32
  }
  func.func @transform_3(%arg0: i32) -> (i32, i32) {
    %c0_i32 = arith.constant 0 : i32
    %c0_i32_0 = arith.constant 0 : i32
    %c0_i32_1 = arith.constant 0 : i32
    return %c0_i32, %c0_i32_0 : i32, i32
  }
  func.func @transform_4(%arg0: i32) -> (i32, i32) {
    %c0_i32 = arith.constant 0 : i32
    %c0_i32_0 = arith.constant 0 : i32
    %c0_i32_1 = arith.constant 0 : i32
    return %c0_i32, %c0_i32_0 : i32, i32
  }
  func.func @transform_5(%arg0: i32) -> (i32, i32) {
    %c0_i32 = arith.constant 0 : i32
    %c0_i32_0 = arith.constant 0 : i32
    %c0_i32_1 = arith.constant 0 : i32
    return %c0_i32, %c0_i32_0 : i32, i32
  }
  func.func @transform_6(%arg0: i32) -> (i32, i32) {
    %c0_i32 = arith.constant 0 : i32
    %c0_i32_0 = arith.constant 0 : i32
    %c0_i32_1 = arith.constant 0 : i32
    return %c0_i32, %c0_i32_0 : i32, i32
  }
  func.func @transform_7(%arg0: i32) -> (i32, i32) {
    %c0_i32 = arith.constant 0 : i32
    %c0_i32_0 = arith.constant 0 : i32
    return %c0_i32, %arg0 : i32, i32
  }
}

</mosaic_0001>

<sc_bundles>
// kernel: kernel.5.cloned.1.call-start
scs
__scs_entry_jumppad:
0x0: {  	(pc) =	sbr.rel $0x88, $3  }
0x1: {  	(tag) =	ssettag $0x0;
	lr =	simm.s32 $0x1  }
0x2: {  	[smem:$0x3F97] =	sst lr;
	_ =	strace $0xD0000000  }
0x3: {  	_ = 	snop  }
0x4: {  	_ = 	snop  }
0x5: {  	_ = 	snop  }
0x6: {  	_ = 	snop  }
0x7: {  	_ = 	snop  }
__scs_overlays_trampoline_lowered:
0x8: {  	[smem:$0x3FA6] =	sst s0  }
0x9: {  	[smem:$0x3FA7] =	sst s1  }
0xa: {  	[smem:$0x3FA8] =	sst s2  }
0xb: {  	[smem:$0x3FA9] =	sst s3  }
0xc: {  	[smem:$0x3FAA] =	sst s4  }
0xd: {  	[smem:$0x3FAB] =	sst s5  }
0xe: {  	[smem:$0x3FAC] =	sst s6  }
0xf: {  	[smem:$0x3FAD] =	sst s7  }
0x10: {  	[smem:$0x3FAE] =	sst s8  }
0x11: {  	[smem:$0x3FAF] =	sst s9;
	s0 =	simm.s32 @!p0 $0x0  }
0x12: {  	s1 =	sld [smem:$0x3F95];
	s0 =	simm.s32 @p0 $0x1  }
0x13: {  	[smem:$0x3FB0] =	sst s0;
	s0 =	simm.s32 @!p1 $0x0  }
0x14: {  	s2 =	sld [smem:$0x3F94];
	s0 =	simm.s32 @p1 $0x1  }
0x15: {  	[smem:$0x3FB1] =	sst s0;
	s0 =	simm.s32 @!p2 $0x0  }
0x16: {  	s3 =	sld [smem:$0x3FDB];
	s0 =	simm.s32 @p2 $0x1  }
0x17: {  	s4 =	simm.s32 $0x1BF5;
	[smem:$0x3FB3] =	sst s0  }
0x18: {  	s0 =	sld [smem:$0x3F96];
	_ =	swait.ge [sflag:s4], $0x0  }
0x19: {  	s7 =	sld [smem:$0x3F97]  }
0x1a: {  	s8 =	sadd.s32 $0xFFFFE003, lr  }
0x1b: {  	s9 =	sadd.s32 $0xFFFFFEF7, lr;
	s5 =	simm.s32 $0xFFFFFFFF;
	p2 =	slt.u32 s8, $0xFFFFF086  }
0x1c: {  	p1 =	slt.u32 s9, $0xF7A;
	s5 =	simm.s32 @!p2 $0x0  }
0x1d: {  	s5 =	simm.s32 @p1 $0x1;
	p0 =	seq.s32 s7, s2  }
0x1e: {  	s7 =	smul.u32 @!p0 $0xF7A, s2;
	p2 =	seq.s32 @!p0 s5, $0x0  }
0x1f: {  	s9 =	smul.u32 $0xF7A, s1;
	s8 =	simm.s32 @!p0 $0x1BF5;
	p2 =	por !p2, p0  }
0x20: {  	[sflag:s8] =	ssyncset.s32 @!p0 $0xFFFFF086;
	s6 =	sadd.s32 @!p0 s3, s7;
	s7 =	simm.s32 @!p0 $0x108  }
0x21: {  	s3 =	sadd.s32 s3, s9;
	s6 =	sadd.s32 @!p0 $0x88, s6;
	s7 =	simm.s32 @p2 $0x1082  }
0x22: {  	[simem:s7], [sflag:s8] =	dma.local @!p0 [hbm:s6], $0xF7A  }
0x23: {  	s9 =	sor.u32 $0xD0000000, s2;
	s6 =	simm.s32 $0x108;
	_ =	swait.ge @!p0 [sflag:s8], $0x0  }
0x24: {  	s3 =	sadd.s32 $0x88, s3;
	s6 =	simm.s32 @!p1 $0x1082;
	[sflag:s4] =	ssyncset.s32 $0xFFFFF086  }
0x25: {  	[simem:s6], [sflag:s4] =	dma.local [hbm:s3], $0xF7A  }
0x26: {  	[smem:$0x3F97] =	sst s1;
	(tag) =	ssettag s2;
	_ =	strace s9  }
0x27: {  	s1 =	sld [smem:$0x3FA7]  }
0x28: {  	s2 =	sld [smem:$0x3FA8]  }
0x29: {  	s4 =	sld [smem:$0x3FAA]  }
0x2a: {  	p0 =	seq.s32 s5, $0x0;
	s5 =	sld [smem:$0x3FAB]  }
0x2b: {  	s6 =	sld [smem:$0x3FAC]  }
0x2c: {  	s7 =	sld [smem:$0x3FAD]  }
0x2d: {  	s3 =	simm.s32 $0x108;
	s8 =	sld [smem:$0x3FAE]  }
0x2e: {  	s3 =	simm.s32 @!p0 $0x1082;
	s9 =	sld [smem:$0x3FAF]  }
0x2f: {  	lr =	sadd.s32 s0, s3;
	s0 =	sld [smem:$0x3FA6]  }
0x30: {  	s3 =	sld [smem:$0x3FA9]  }
0x31: {  	[smem:$0x3FB2] =	sst s10  }
0x32: {  	s10 =	sld [smem:$0x3FB0];
	_ =	sdelay $0x3  }
0x33: {  	p0 =	seq.s32 s10, $0x1;
	s10 =	sld [smem:$0x3FB2];
	_ =	sdelay $0x3  }
0x34: {  	[smem:$0x3FB2] =	sst s10  }
0x35: {  	s10 =	sld [smem:$0x3FB1];
	_ =	sdelay $0x3  }
0x36: {  	p1 =	seq.s32 s10, $0x1;
	s10 =	sld [smem:$0x3FB2];
	_ =	sdelay $0x3  }
0x37: {  	[smem:$0x3FB2] =	sst s10  }
0x38: {  	s10 =	sld [smem:$0x3FB3]  }
0x39: {  	_ = 	snop;
	(pc) =	sbr.ind lr, $3  }
0x3a: {  	_ = 	snop  }
0x3b: {  	_ = 	snop  }
0x3c: {  	p2 =	seq.s32 s10, $0x1;
	s10 =	sld [smem:$0x3FB2]  }
0x3d: {  	_ =	shalt  }
0x3e: {  	_ =	shalt  }
0x3f: {  	_ =	shalt  }
0x40: {  	_ =	shalt  }
0x41: {  	_ =	shalt  }
0x42: {  	_ =	shalt  }
0x43: {  	_ =	shalt  }
0x44: {  	_ =	shalt  }
0x45: {  	_ =	shalt  }
0x46: {  	_ =	shalt  }
0x47: {  	_ =	shalt  }
0x48: {  	_ =	shalt  }
0x49: {  	_ =	shalt  }
0x4a: {  	_ =	shalt  }
0x4b: {  	_ =	shalt  }
0x4c: {  	_ =	shalt  }
0x4d: {  	_ =	shalt  }
0x4e: {  	_ =	shalt  }
0x4f: {  	_ =	shalt  }
0x50: {  	_ =	shalt  }
0x51: {  	_ =	shalt  }
0x52: {  	_ =	shalt  }
0x53: {  	_ =	shalt  }
0x54: {  	_ =	shalt  }
0x55: {  	_ =	shalt  }
0x56: {  	_ =	shalt  }
0x57: {  	_ =	shalt  }
0x58: {  	_ =	shalt  }
0x59: {  	_ =	shalt  }
0x5a: {  	_ =	shalt  }
0x5b: {  	_ =	shalt  }
0x5c: {  	_ =	shalt  }
0x5d: {  	_ =	shalt  }
0x5e: {  	_ =	shalt  }
0x5f: {  	_ =	shalt  }
0x60: {  	_ =	shalt  }
0x61: {  	_ =	shalt  }
0x62: {  	_ =	shalt  }
0x63: {  	_ =	shalt  }
0x64: {  	_ =	shalt  }
0x65: {  	_ =	shalt  }
0x66: {  	_ =	shalt  }
0x67: {  	_ =	shalt  }
0x68: {  	_ =	shalt  }
0x69: {  	_ =	shalt  }
0x6a: {  	_ =	shalt  }
0x6b: {  	_ =	shalt  }
0x6c: {  	_ =	shalt  }
0x6d: {  	_ =	shalt  }
0x6e: {  	_ =	shalt  }
0x6f: {  	_ =	shalt  }
0x70: {  	_ =	shalt  }
0x71: {  	_ =	shalt  }
0x72: {  	_ =	shalt  }
0x73: {  	_ =	shalt  }
0x74: {  	_ =	shalt  }
0x75: {  	_ =	shalt  }
0x76: {  	_ =	shalt  }
0x77: {  	_ =	shalt  }
0x78: {  	_ =	shalt  }
0x79: {  	_ =	shalt  }
0x7a: {  	_ =	shalt  }
0x7b: {  	_ =	shalt  }
0x7c: {  	_ =	shalt  }
0x7d: {  	_ =	shalt  }
0x7e: {  	_ =	shalt  }
0x7f: {  	_ =	shalt  }
0x80: {  	_ =	shalt  }
0x81: {  	_ =	shalt  }
0x82: {  	_ =	shalt  }
0x83: {  	_ =	shalt  }
0x84: {  	_ =	shalt  }
0x85: {  	_ =	shalt  }
0x86: {  	_ =	shalt  }
0x87: {  	_ =	shalt  }
.Lfunc_end0:
.L_simem_size_0:
called_computation_lowered:
.L_overlay_start_0:
0x88: {  	s2 =	sld [smem:$0x3FD9]  }
0x89: {  	s3 =	sld [smem:$0x3FFE];
	_ =	sdelay $0x1  }
0x8a: {  	s1 =	srdreg.scid  }
0x8b: {  	s0 =	sand.u32 $0x1, s1  }
0x8c: {  	s18 =	sshll.u32 s0, $0xA;
	s2 =	sadd.s32 s3, s2  }
0x8d: {  	s2 =	sadd.s32 s2, s18  }
0x8e: {  	[smem:$0x3FBE] =	sst s2  }
0x8f: {  	_ = 	snop  }
0x90: {  	s2 =	sld [smem:$0x3FC5]  }
0x91: {  	s19 =	sld [smem:$0x3FD0];
	(tm) =	ssettm $0x1  }
0x92: {  	s4 =	sld [smem:$0x3FFB];
	_ =	sdelay $0x3  }
0x93: {  	_ =	strace s4  }
0x94: {  	s4 =	sld [smem:$0x3FFC];
	_ =	sdelay $0x3  }
0x95: {  	_ =	strace s4  }
0x96: {  	s4 =	sld [smem:$0x3FFD];
	_ =	sdelay $0x3  }
0x97: {  	_ =	strace s4  }
0x98: {  	_ =	strace $0x8FFFFFFF  }
0x99: {  	s20 =	sld [smem:$0x3FDB];
	_ =	sdelay $0x1  }
0x9a: {  	s5 =	simm.s32 $_scs_section_size  }
0x9b: {  	s6 =	simm.s32 $_size__tile_overlayer_lowered;
	s7 =	simm.s32 $_tile_overlayer_lowered  }
0x9c: {  	s23 =	simm.s32 $0x1BFF;
	s22 =	sshll.u32 s7, $0x1;
	s4 =	sadd.s32 s5, s20  }
0x9d: {  	s8 =	simm.s32 $0x0;
	s21 =	sshll.u32 s6, $0x1;
	s6 =	sadd.s32 s22, s4  }
0x9e: {  	[timem:s8], [sflag:s23] =	dma.local [hbm:s6], s21  }
0x9f: {  	_ =	swait.ge [sflag:s23], s21  }
0xa0: {  	s5 =	ssub.s32 $0x0, s21;
	[sflag:s23] =	ssyncset.done $0x0  }
0xa1: {  	[sflag:s23] =	ssyncadd.s32 s5;
	_ =	sdelay $0x1  }
0xa2: {  	s24 =	simm.s32 $0x1B8B  }
0xa3: {  	_ =	swait.ge [sflag:s24], $0x1  }
0xa4: {  	[sflag:s24] =	ssyncset.done $0x0  }
0xa5: {  	s25 =	simm.s32 $0x1B8E;
	[sflag:s24] =	ssyncadd.s32 $0xFFFFFFFF  }
0xa6: {  	s26 =	simm.s32 $execute0_lowered;
	[smem:$0x3FD2] =	sst s25  }
0xa7: {  	s5 =	sshll.u32 s26, $0x1;
	_ =	strace $0x80000046;
	[dreg:$0x1] =	wrdreg $0xFFFFFFFF  }
0xa8: {  	s28 =	simm.s32 $_size_execute0_lowered;
	s4 =	sadd.s32 s4, s5;
	[dreg:$0x0] =	wrdreg $0x0  }
0xa9: {  	s5 =	sshll.u32 s28, $0x1;
	[dreg:$0x2] =	wrdreg s4  }
0xaa: {  	[dreg:$0x3] =	wrdreg s5  }
0xab: {  	[dreg:$0x4] =	wrdreg $0xC0  }
0xac: {  	_ =	task [dreg:s8], $0x5FFFF  }
0xad: {  	[dreg:$0x1] =	wrdreg $0xFFFFFFFF  }
0xae: {  	[dreg:$0x0] =	wrdreg $0x60  }
0xaf: {  	[dreg:$0x2] =	wrdreg s2  }
0xb0: {  	[dreg:$0x3] =	wrdreg s19  }
0xb1: {  	[dreg:$0x4] =	wrdreg $0x9  }
0xb2: {  	_ =	task.clear_ibuf [dreg:s8], $0x5FFFF;
	_ =	strace $0x90000046  }
0xb3: {  	s29 =	simm.s32 $0x9;
	_ =	strace $0x80000048  }
0xb4: {  	_ =	swait.ge [sflag:s29], $0x1  }
0xb5: {  	[sflag:s29] =	ssyncadd.s32 $0xFFFFFFFF  }
0xb6: {  	_ =	strace $0x90000048  }
0xb7: {  	_ =	sfence  }
0xb8: {  	s30 =	sld [smem:$0x0];
	_ =	sdelay $0x2  }
0xb9: {  	s31 =	sshll.u32 s1, $0xD;
	s1 =	sshrl.u32 s1, $0x2  }
0xba: {  	s3 =	sand.u32 $0x4000, s31;
	s1 =	sadd.s32 s1, s30  }
0xbb: {  	s0 =	sor.u32 s3, s0;
	s1 =	sshll.u32 s1, $0x11  }
0xbc: {  	s0 =	sor.u32 s1, s0  }
0xbd: {  	s0 =	sadd.s32 $0x8F2B, s0  }
0xbe: {  	[sflag:s0] =	ssyncadd.remote.s32 $0x1  }
0xbf: {  	_ =	sfence.sel $0xFFFF  }
0xc0: {  	[dreg:$0x0] =	wrdreg $0xFFFFFFFF;
	(pc) =	sbr.abs _section_cstart, $3  }
0xc1: {  	[dreg:$0x1] =	wrdreg $0xFFFFFFFF  }
0xc2: {  	_ =	task.clear_ibuf [dreg:s8], $0x2FFFF;
	_ =	strace $0x9FFFFFFF  }
0xc3: {  	(tm) =	ssettm $0x7FFFFFFF  }
tec
execute0_lowered:
.L_overlay_start_1:
0x0: {  	(tag) =	ssettag $0x1  }
0x1: {  	s1 =	srdreg.scid;
	s0 =	stileid.u32  }
0x2: {  	s23 =	sand.u32 $0x1, s1;
	s3 =	sshll.u32 s0, $0x1  }
0x3: {  	s20 =	sor.u32 s23, s3  }
0x4: {  	p0 =	sgt.u32 s20, $0x18  }
.Ltmp0:
0x5: {  	_ = 	snop;
	(pc) =	sbr.rel @p0 .LBB2_23-.Ltmp0, $4  }
0x6: {  	s22 =	rddreg [dreg:$0x0]  }
0x7: {  	s21 =	rddreg [dreg:$0x1];
	s2 =	simm.s32 $0x0  }
0x8: {  	[smem:$0x7FF] =	sst s2  }
0x9: {  	s1 =	rddreg [dreg:$0x2];
	_ =	strace $0x80000047  }
0xa: {  	s24 =	smul.u32 $0x190, s20  }
0xb: {  	s3 =	smul.u32 $0x1900, s20  }
0xc: {  	s23 =	ssub.s32 $0x2, s23  }
0xd: {  	s26 =	sshrl.u32 s23, $0x1;
	s4 =	sadd.s32 $0x28, s24;
	s3 =	sadd.s32 s21, s3  }
0xe: {  	s28 =	sadd.s32 $0x50, s24;
	s9 =	sadd.s32 $0x78, s24;
	s10 =	sadd.s32 $0xA0, s24  }
0xf: {  	s30 =	sadd.s32 $0xC8, s24;
	s15 =	sadd.s32 $0xF0, s24;
	s17 =	sadd.s32 $0x118, s24  }
0x10: {  	s19 =	sadd.s32 $0x140, s24;
	s24 =	sadd.s32 $0x168, s24;
	s23 =	ssub.s32 s23, s26  }
0x11: {  	s26 =	simm.s32 $0x0;
	s5 =	sshll.u32 s4, $0x5;
	s6 =	sshll.u32 s4, $0x4  }
0x12: {  	s7 =	sshll.u32 s28, $0x5;
	s8 =	sshll.u32 s28, $0x4;
	s29 =	sshll.u32 s9, $0x5  }
0x13: {  	s9 =	sshll.u32 s9, $0x4;
	s11 =	sshll.u32 s10, $0x5;
	s12 =	sshll.u32 s10, $0x4  }
0x14: {  	s13 =	sshll.u32 s30, $0x5;
	s14 =	sshll.u32 s30, $0x4;
	s31 =	sshll.u32 s15, $0x5  }
0x15: {  	s15 =	sshll.u32 s15, $0x4;
	s16 =	sshll.u32 s17, $0x5;
	s17 =	sshll.u32 s17, $0x4  }
0x16: {  	s18 =	sshll.u32 s19, $0x5;
	s19 =	sshll.u32 s19, $0x4;
	s25 =	sshll.u32 s24, $0x5  }
0x17: {  	v0 =	vlaneseq.u32;
	s28 =	smul.u32 $0x3200, s20;
	s24 =	sshll.u32 s24, $0x4;
	s23 =	smax.u32 s23, $0x1  }
0x18: {  	v0 =	vmul.u32 $0x2, v0;
	s4 =	sadd.s32 s22, s5;
	s5 =	sadd.s32 s21, s6;
	s6 =	sadd.s32 s22, s7  }
0x19: {  	s7 =	sadd.s32 s21, s8;
	s8 =	sadd.s32 s22, s29;
	s9 =	sadd.s32 s21, s9  }
0x1a: {  	v1 =	vor.u32 $0x1, v0;
	v2 =	vor.u32 $0x20, v0;
	v3 =	vor.u32 $0x21, v0;
	s10 =	sadd.s32 s22, s11;
	s11 =	sadd.s32 s21, s12;
	s12 =	sadd.s32 s22, s13  }
0x1b: {  	v4 =	vor.u32 $0x40, v0;
	v5 =	vor.u32 $0x41, v0;
	v6 =	vor.u32 $0x60, v0;
	s13 =	sadd.s32 s21, s14;
	s14 =	sadd.s32 s22, s31;
	s15 =	sadd.s32 s21, s15  }
0x1c: {  	v7 =	vor.u32 $0x61, v0;
	v8 =	vor.u32 $0x400, v0;
	v9 =	vor.u32 $0x401, v0;
	s16 =	sadd.s32 s22, s16;
	s17 =	sadd.s32 s21, s17;
	s18 =	sadd.s32 s22, s18  }
0x1d: {  	v10 =	vor.u32 $0x420, v0;
	v11 =	vor.u32 $0x421, v0;
	v12 =	vor.u32 $0x440, v0;
	s19 =	sadd.s32 s21, s19;
	s20 =	sadd.s32 s22, s25;
	s21 =	sadd.s32 s21, s24  }
0x1e: {  	v13 =	vor.u32 $0x441, v0;
	v14 =	vor.u32 $0x460, v0;
	v15 =	vor.u32 $0x461, v0;
	s24 =	simm.s32 $0x1;
	s25 =	simm.s32 $0x2800;
	s22 =	sadd.s32 s22, s28  }
.LBB2_2:
0x1f: {  	s28 =	simm.s32 $0x0  }
0x20: {  	v16 =	vmov s28  }
0x21: {  	v17 =	vshll.u32 v16, $0x8;
	v16 =	vshll.u32 v16, $0x7  }
0x22: {  	v17 =	vand.u32 $0x3800, v17;
	v16 =	vand.u32 $0x380, v16  }
0x23: {  	v16 =	vor.u32 v16, v17  }
0x24: {  	v17 =	vor.u32 v0, v16  }
0x25: {  	[tilespmem:s28], [sflag:$0x1] =	stream.linear.gather [hbm4b:s22+s28], $0x2800, $0x38;
	v18 =	vor.u32 v1, v16;
	[tilespmem:$0x3C00] =	vst v63  }
0x26: {  	_ =	swait.ge [sflag:s24], $0x2800  }
0x27: {  	[sflag:s24] =	ssyncset.done $0x0  }
0x28: {  	[sflag:s24] =	ssyncadd.s32 $0xFFFFD800  }
0x29: {  	v17 =	vld.idx.msk [tilespmem:v17+s2+$0x0], $0xffff  }
0x2a: {  	v18 =	vld.idx.msk [tilespmem:v18+s2+$0x0], $0xffff;
	_ =	sdelay $0x1  }
0x2b: {  	v19 =	vor.u32 v2, v16  }
0x2c: {  	v20 =	vor.u32 v3, v16;
	_ =	sdelay $0x1  }
0x2d: {  	s28 =	simm.s32 $0x2840;
	v17 =	vpack.i.f32.bf16 v18, v17  }
0x2e: {  	[tilespmem:s28+$0xFFFFFFC0] =	vst v17  }
0x2f: {  	v17 =	vld.idx.msk [tilespmem:v19+s2+$0x0], $0xffff  }
0x30: {  	v18 =	vld.idx.msk [tilespmem:v20+s2+$0x0], $0xffff;
	_ =	sdelay $0x1  }
0x31: {  	v19 =	vor.u32 v4, v16  }
0x32: {  	v59 =	vor.u32 v5, v16;
	_ =	sdelay $0x1  }
0x33: {  	v17 =	vpack.i.f32.bf16 v18, v17  }
0x34: {  	[tilespmem:s28+$0xFFFFFFD0] =	vst v17  }
0x35: {  	v17 =	vld.idx.msk [tilespmem:v19+s2+$0x0], $0xffff  }
0x36: {  	v18 =	vld.idx.msk [tilespmem:v59+s2+$0x0], $0xffff;
	_ =	sdelay $0x1  }
0x37: {  	v19 =	vor.u32 v6, v16  }
0x38: {  	v60 =	vor.u32 v7, v16;
	_ =	sdelay $0x1  }
0x39: {  	v17 =	vpack.i.f32.bf16 v18, v17  }
0x3a: {  	[tilespmem:s28+$0xFFFFFFE0] =	vst v17  }
0x3b: {  	v17 =	vld.idx.msk [tilespmem:v19+s2+$0x0], $0xffff  }
0x3c: {  	v18 =	vld.idx.msk [tilespmem:v60+s2+$0x0], $0xffff;
	_ =	sdelay $0x1  }
0x3d: {  	v19 =	vor.u32 v8, v16  }
0x3e: {  	v61 =	vor.u32 v9, v16;
	_ =	sdelay $0x1  }
0x3f: {  	v17 =	vpack.i.f32.bf16 v18, v17  }
0x40: {  	[tilespmem:s28+$0xFFFFFFF0] =	vst v17  }
0x41: {  	v17 =	vld.idx.msk [tilespmem:v19+s2+$0x0], $0xffff  }
0x42: {  	v18 =	vld.idx.msk [tilespmem:v61+s2+$0x0], $0xffff;
	_ =	sdelay $0x1  }
0x43: {  	v19 =	vor.u32 v10, v16  }
0x44: {  	v62 =	vor.u32 v11, v16;
	_ =	sdelay $0x1  }
0x45: {  	v17 =	vpack.i.f32.bf16 v18, v17  }
0x46: {  	[tilespmem:s28+$0x0] =	vst v17  }
0x47: {  	v17 =	vld.idx.msk [tilespmem:v19+s2+$0x0], $0xffff  }
0x48: {  	v18 =	vld.idx.msk [tilespmem:v62+s2+$0x0], $0xffff;
	_ =	sdelay $0x1  }
0x49: {  	v19 =	vor.u32 v12, v16  }
0x4a: {  	v63 =	vor.u32 v13, v16;
	_ =	sdelay $0x1  }
0x4b: {  	v17 =	vpack.i.f32.bf16 v18, v17  }
0x4c: {  	[tilespmem:s28+$0x10] =	vst v17  }
0x4d: {  	v17 =	vld.idx.msk [tilespmem:v19+s2+$0x0], $0xffff  }
0x4e: {  	v18 =	vld.idx.msk [tilespmem:v63+s2+$0x0], $0xffff;
	_ =	sdelay $0x4  }
0x4f: {  	v18 =	vpack.i.f32.bf16 v18, v17;
	v17 =	vor.u32 v14, v16  }
0x50: {  	v16 =	vor.u32 v15, v16;
	_ =	sdelay $0x1  }
0x51: {  	s31 =	simm.s32 $0x1;
	s30 =	simm.s32 $0x2;
	s29 =	simm.s32 $0x2840;
	[tilespmem:s28+$0x20] =	vst v18  }
.LBB2_3:
0x52: {  	p0 =	sne.s32 s30, $0x27  }
0x53: {  	v18 =	vmov s31;
	v17 =	vld.idx.msk [tilespmem:v17+s2+$0x0], $0xffff;
	s28 =	sadd.s32 $0x80, s28;
	s31 =	smov.u32 s30;
	s30 =	sadd.s32 $0x1, s30  }
0x54: {  	v19 =	vshll.u32 v18, $0x8;
	v18 =	vshll.u32 v18, $0x7;
	v16 =	vld.idx.msk [tilespmem:v16+s2+$0x0], $0xffff  }
0x55: {  	v19 =	vand.u32 $0x3800, v19;
	v18 =	vand.u32 $0x380, v18  }
0x56: {  	v18 =	vor.u32 v18, v19  }
0x57: {  	v19 =	vor.u32 v0, v18;
	v20 =	vor.u32 v1, v18;
	_ =	sdelay $0x2  }
0x58: {  	v16 =	vpack.i.f32.bf16 v16, v17  }
0x59: {  	[tilespmem:s29+$0x30] =	vst v16;
	s29 =	smov.u32 s28  }
0x5a: {  	v16 =	vld.idx.msk [tilespmem:v19+s2+$0x0], $0xffff  }
0x5b: {  	v17 =	vld.idx.msk [tilespmem:v20+s2+$0x0], $0xffff;
	_ =	sdelay $0x2  }
0x5c: {  	v19 =	vor.u32 v2, v18;
	v20 =	vor.u32 v3, v18;
	_ =	sdelay $0x2  }
0x5d: {  	v16 =	vpack.i.f32.bf16 v17, v16  }
0x5e: {  	[tilespmem:s28+$0xFFFFFFC0] =	vst v16  }
0x5f: {  	v16 =	vld.idx.msk [tilespmem:v19+s2+$0x0], $0xffff  }
0x60: {  	v17 =	vld.idx.msk [tilespmem:v20+s2+$0x0], $0xffff;
	_ =	sdelay $0x2  }
0x61: {  	v19 =	vor.u32 v4, v18;
	v20 =	vor.u32 v5, v18;
	_ =	sdelay $0x2  }
0x62: {  	v16 =	vpack.i.f32.bf16 v17, v16  }
0x63: {  	[tilespmem:s28+$0xFFFFFFD0] =	vst v16  }
0x64: {  	v16 =	vld.idx.msk [tilespmem:v19+s2+$0x0], $0xffff  }
0x65: {  	v17 =	vld.idx.msk [tilespmem:v20+s2+$0x0], $0xffff;
	_ =	sdelay $0x2  }
0x66: {  	v19 =	vor.u32 v6, v18;
	v20 =	vor.u32 v7, v18;
	_ =	sdelay $0x2  }
0x67: {  	v16 =	vpack.i.f32.bf16 v17, v16  }
0x68: {  	[tilespmem:s28+$0xFFFFFFE0] =	vst v16  }
0x69: {  	v16 =	vld.idx.msk [tilespmem:v19+s2+$0x0], $0xffff  }
0x6a: {  	v17 =	vld.idx.msk [tilespmem:v20+s2+$0x0], $0xffff;
	_ =	sdelay $0x2  }
0x6b: {  	v19 =	vor.u32 v8, v18;
	v20 =	vor.u32 v9, v18;
	_ =	sdelay $0x2  }
0x6c: {  	v16 =	vpack.i.f32.bf16 v17, v16  }
0x6d: {  	[tilespmem:s28+$0xFFFFFFF0] =	vst v16  }
0x6e: {  	v16 =	vld.idx.msk [tilespmem:v19+s2+$0x0], $0xffff  }
0x6f: {  	v17 =	vld.idx.msk [tilespmem:v20+s2+$0x0], $0xffff;
	_ =	sdelay $0x2  }
0x70: {  	v19 =	vor.u32 v10, v18;
	v20 =	vor.u32 v11, v18;
	_ =	sdelay $0x2  }
0x71: {  	v16 =	vpack.i.f32.bf16 v17, v16  }
0x72: {  	[tilespmem:s28+$0x0] =	vst v16  }
0x73: {  	v16 =	vld.idx.msk [tilespmem:v19+s2+$0x0], $0xffff  }
0x74: {  	v17 =	vld.idx.msk [tilespmem:v20+s2+$0x0], $0xffff;
	_ =	sdelay $0x2  }
0x75: {  	v19 =	vor.u32 v12, v18;
	v20 =	vor.u32 v13, v18;
	_ =	sdelay $0x2  }
0x76: {  	v16 =	vpack.i.f32.bf16 v17, v16  }
0x77: {  	[tilespmem:s28+$0x10] =	vst v16  }
0x78: {  	v19 =	vld.idx.msk [tilespmem:v19+s2+$0x0], $0xffff  }
0x79: {  	v20 =	vld.idx.msk [tilespmem:v20+s2+$0x0], $0xffff;
	_ =	sdelay $0x2  }
.Ltmp1:
0x7a: {  	v17 =	vor.u32 v14, v18;
	v16 =	vor.u32 v15, v18;
	(pc) =	sbr.rel @p0 .LBB2_3-.Ltmp1, $3  }
0x7b: {  	_ =	sdelay $0x1  }
0x7c: {  	v18 =	vpack.i.f32.bf16 v20, v19  }
0x7d: {  	[tilespmem:s28+$0x20] =	vst v18  }
0x7e: {  	_ =	sdelay $0x2  }
0x7f: {  	v18 =	vmov s31  }
0x80: {  	v17 =	vld.idx.msk [tilespmem:v17+s2+$0x0], $0xffff;
	v19 =	vshll.u32 v18, $0x8;
	v18 =	vshll.u32 v18, $0x7  }
0x81: {  	v16 =	vld.idx.msk [tilespmem:v16+s2+$0x0], $0xffff;
	v19 =	vand.u32 $0x3800, v19;
	v18 =	vand.u32 $0x380, v18  }
0x82: {  	v18 =	vor.u32 v18, v19  }
0x83: {  	v19 =	vor.u32 v0, v18  }
0x84: {  	v20 =	vor.u32 v1, v18;
	_ =	sdelay $0x1  }
0x85: {  	v16 =	vpack.i.f32.bf16 v16, v17  }
0x86: {  	[tilespmem:s29+$0x30] =	vst v16  }
0x87: {  	v16 =	vld.idx.msk [tilespmem:v19+s2+$0x0], $0xffff  }
0x88: {  	v17 =	vld.idx.msk [tilespmem:v20+s2+$0x0], $0xffff;
	_ =	sdelay $0x1  }
0x89: {  	v19 =	vor.u32 v2, v18  }
0x8a: {  	v52 =	vor.u32 v3, v18;
	_ =	sdelay $0x1  }
0x8b: {  	s28 =	sadd.s32 $0x80, s28;
	v16 =	vpack.i.f32.bf16 v17, v16  }
0x8c: {  	[tilespmem:s28+$0xFFFFFFC0] =	vst v16  }
0x8d: {  	v16 =	vld.idx.msk [tilespmem:v19+s2+$0x0], $0xffff  }
0x8e: {  	v17 =	vld.idx.msk [tilespmem:v52+s2+$0x0], $0xffff;
	_ =	sdelay $0x1  }
0x8f: {  	v19 =	vor.u32 v4, v18  }
0x90: {  	v53 =	vor.u32 v5, v18;
	_ =	sdelay $0x1  }
0x91: {  	v16 =	vpack.i.f32.bf16 v17, v16  }
0x92: {  	[tilespmem:s28+$0xFFFFFFD0] =	vst v16  }
0x93: {  	v16 =	vld.idx.msk [tilespmem:v19+s2+$0x0], $0xffff  }
0x94: {  	v17 =	vld.idx.msk [tilespmem:v53+s2+$0x0], $0xffff;
	_ =	sdelay $0x1  }
0x95: {  	v19 =	vor.u32 v6, v18  }
0x96: {  	v54 =	vor.u32 v7, v18;
	_ =	sdelay $0x1  }
0x97: {  	v16 =	vpack.i.f32.bf16 v17, v16  }
0x98: {  	[tilespmem:s28+$0xFFFFFFE0] =	vst v16  }
0x99: {  	v16 =	vld.idx.msk [tilespmem:v19+s2+$0x0], $0xffff  }
0x9a: {  	v17 =	vld.idx.msk [tilespmem:v54+s2+$0x0], $0xffff;
	_ =	sdelay $0x1  }
0x9b: {  	v19 =	vor.u32 v8, v18  }
0x9c: {  	v55 =	vor.u32 v9, v18;
	_ =	sdelay $0x1  }
0x9d: {  	v16 =	vpack.i.f32.bf16 v17, v16  }
0x9e: {  	[tilespmem:s28+$0xFFFFFFF0] =	vst v16  }
0x9f: {  	v16 =	vld.idx.msk [tilespmem:v19+s2+$0x0], $0xffff  }
0xa0: {  	v17 =	vld.idx.msk [tilespmem:v55+s2+$0x0], $0xffff;
	_ =	sdelay $0x1  }
0xa1: {  	v19 =	vor.u32 v10, v18  }
0xa2: {  	v56 =	vor.u32 v11, v18;
	_ =	sdelay $0x1  }
0xa3: {  	v16 =	vpack.i.f32.bf16 v17, v16  }
0xa4: {  	[tilespmem:s28+$0x0] =	vst v16  }
0xa5: {  	v16 =	vld.idx.msk [tilespmem:v19+s2+$0x0], $0xffff  }
0xa6: {  	v17 =	vld.idx.msk [tilespmem:v56+s2+$0x0], $0xffff;
	_ =	sdelay $0x1  }
0xa7: {  	v19 =	vor.u32 v12, v18  }
0xa8: {  	v57 =	vor.u32 v13, v18;
	_ =	sdelay $0x1  }
0xa9: {  	v16 =	vpack.i.f32.bf16 v17, v16  }
0xaa: {  	[tilespmem:s28+$0x10] =	vst v16  }
0xab: {  	v16 =	vld.idx.msk [tilespmem:v19+s2+$0x0], $0xffff  }
0xac: {  	v17 =	vld.idx.msk [tilespmem:v57+s2+$0x0], $0xffff;
	_ =	sdelay $0x1  }
0xad: {  	v19 =	vor.u32 v14, v18  }
0xae: {  	v18 =	vor.u32 v15, v18;
	_ =	sdelay $0x1  }
0xaf: {  	v16 =	vpack.i.f32.bf16 v17, v16  }
0xb0: {  	[tilespmem:s28+$0x20] =	vst v16  }
0xb1: {  	v16 =	vld.idx.msk [tilespmem:v19+s2+$0x0], $0xffff  }
0xb2: {  	v17 =	vld.idx.msk [tilespmem:v18+s2+$0x0], $0xffff;
	_ =	sdelay $0x4  }
0xb3: {  	s29 =	simm.s32 $0x0;
	v16 =	vpack.i.f32.bf16 v17, v16  }
0xb4: {  	[tilespmem:s28+$0x30] =	vst v16;
	v16 =	vmov s29  }
0xb5: {  	[hbm4b:s3+s29] =	stream.linear.scatter [tilespmem:s25], [sflag:$0x1], $0x1400, $0x38;
	v17 =	vshll.u32 v16, $0x8;
	v16 =	vshll.u32 v16, $0x7;
	[tilespmem:$0x3C00] =	vst v63  }
0xb6: {  	_ =	swait.ge [sflag:s24], $0x1400;
	v17 =	vand.u32 $0x3800, v17;
	v16 =	vand.u32 $0x380, v16  }
0xb7: {  	[sflag:s24] =	ssyncset.done $0x0;
	v16 =	vor.u32 v16, v17  }
0xb8: {  	[sflag:s24] =	ssyncadd.s32 $0xFFFFEC00;
	v17 =	vor.u32 v0, v16  }
0xb9: {  	v18 =	vor.u32 v1, v16;
	[tilespmem:s29], [sflag:$0x1] =	stream.linear.gather [hbm4b:s4+s29], $0x2800, $0x38;
	[tilespmem:$0x3C00] =	vst v63  }
0xba: {  	_ =	swait.ge [sflag:s24], $0x2800  }
0xbb: {  	[sflag:s24] =	ssyncset.done $0x0  }
0xbc: {  	[sflag:s24] =	ssyncadd.s32 $0xFFFFD800  }
0xbd: {  	v17 =	vld.idx.msk [tilespmem:v17+s2+$0x0], $0xffff  }
0xbe: {  	v18 =	vld.idx.msk [tilespmem:v18+s2+$0x0], $0xffff;
	_ =	sdelay $0x1  }
0xbf: {  	v19 =	vor.u32 v2, v16  }
0xc0: {  	v58 =	vor.u32 v3, v16;
	_ =	sdelay $0x1  }
0xc1: {  	s28 =	simm.s32 $0x2840;
	v17 =	vpack.i.f32.bf16 v18, v17  }
0xc2: {  	[tilespmem:s28+$0xFFFFFFC0] =	vst v17  }
0xc3: {  	v17 =	vld.idx.msk [tilespmem:v19+s2+$0x0], $0xffff  }
0xc4: {  	v18 =	vld.idx.msk [tilespmem:v58+s2+$0x0], $0xffff;
	_ =	sdelay $0x1  }
0xc5: {  	v19 =	vor.u32 v4, v16  }
0xc6: {  	v59 =	vor.u32 v5, v16;
	_ =	sdelay $0x1  }
0xc7: {  	v17 =	vpack.i.f32.bf16 v18, v17  }
0xc8: {  	[tilespmem:s28+$0xFFFFFFD0] =	vst v17  }
0xc9: {  	v17 =	vld.idx.msk [tilespmem:v19+s2+$0x0], $0xffff  }
0xca: {  	v18 =	vld.idx.msk [tilespmem:v59+s2+$0x0], $0xffff;
	_ =	sdelay $0x1  }
0xcb: {  	v19 =	vor.u32 v6, v16  }
0xcc: {  	v60 =	vor.u32 v7, v16;
	_ =	sdelay $0x1  }
0xcd: {  	v17 =	vpack.i.f32.bf16 v18, v17  }
0xce: {  	[tilespmem:s28+$0xFFFFFFE0] =	vst v17  }
0xcf: {  	v17 =	vld.idx.msk [tilespmem:v19+s2+$0x0], $0xffff  }
0xd0: {  	v18 =	vld.idx.msk [tilespmem:v60+s2+$0x0], $0xffff;
	_ =	sdelay $0x1  }
0xd1: {  	v19 =	vor.u32 v8, v16  }
0xd2: {  	v61 =	vor.u32 v9, v16;
	_ =	sdelay $0x1  }
0xd3: {  	v17 =	vpack.i.f32.bf16 v18, v17  }
0xd4: {  	[tilespmem:s28+$0xFFFFFFF0] =	vst v17  }
0xd5: {  	v17 =	vld.idx.msk [tilespmem:v19+s2+$0x0], $0xffff  }
0xd6: {  	v18 =	vld.idx.msk [tilespmem:v61+s2+$0x0], $0xffff;
	_ =	sdelay $0x1  }
0xd7: {  	v19 =	vor.u32 v10, v16  }
0xd8: {  	v62 =	vor.u32 v11, v16;
	_ =	sdelay $0x1  }
0xd9: {  	v17 =	vpack.i.f32.bf16 v18, v17  }
0xda: {  	[tilespmem:s28+$0x0] =	vst v17  }
0xdb: {  	v17 =	vld.idx.msk [tilespmem:v19+s2+$0x0], $0xffff  }
0xdc: {  	v18 =	vld.idx.msk [tilespmem:v62+s2+$0x0], $0xffff;
	_ =	sdelay $0x1  }
0xdd: {  	v19 =	vor.u32 v12, v16  }
0xde: {  	v63 =	vor.u32 v13, v16;
	_ =	sdelay $0x1  }
0xdf: {  	v17 =	vpack.i.f32.bf16 v18, v17  }
0xe0: {  	[tilespmem:s28+$0x10] =	vst v17  }
0xe1: {  	v17 =	vld.idx.msk [tilespmem:v19+s2+$0x0], $0xffff  }
0xe2: {  	v18 =	vld.idx.msk [tilespmem:v63+s2+$0x0], $0xffff;
	_ =	sdelay $0x4  }
0xe3: {  	v18 =	vpack.i.f32.bf16 v18, v17;
	v17 =	vor.u32 v14, v16  }
0xe4: {  	v16 =	vor.u32 v15, v16;
	_ =	sdelay $0x1  }
0xe5: {  	s31 =	simm.s32 $0x1;
	s30 =	simm.s32 $0x2;
	s29 =	simm.s32 $0x2840;
	[tilespmem:s28+$0x20] =	vst v18  }
.LBB2_5:
0xe6: {  	p0 =	sne.s32 s30, $0x27  }
0xe7: {  	v18 =	vmov s31;
	v17 =	vld.idx.msk [tilespmem:v17+s2+$0x0], $0xffff;
	s28 =	sadd.s32 $0x80, s28;
	s31 =	smov.u32 s30;
	s30 =	sadd.s32 $0x1, s30  }
0xe8: {  	v19 =	vshll.u32 v18, $0x8;
	v18 =	vshll.u32 v18, $0x7;
	v16 =	vld.idx.msk [tilespmem:v16+s2+$0x0], $0xffff  }
0xe9: {  	v19 =	vand.u32 $0x3800, v19;
	v18 =	vand.u32 $0x380, v18  }
0xea: {  	v18 =	vor.u32 v18, v19  }
0xeb: {  	v19 =	vor.u32 v0, v18;
	v20 =	vor.u32 v1, v18;
	_ =	sdelay $0x2  }
0xec: {  	v16 =	vpack.i.f32.bf16 v16, v17  }
0xed: {  	[tilespmem:s29+$0x30] =	vst v16;
	s29 =	smov.u32 s28  }
0xee: {  	v16 =	vld.idx.msk [tilespmem:v19+s2+$0x0], $0xffff  }
0xef: {  	v17 =	vld.idx.msk [tilespmem:v20+s2+$0x0], $0xffff;
	_ =	sdelay $0x2  }
0xf0: {  	v19 =	vor.u32 v2, v18;
	v20 =	vor.u32 v3, v18;
	_ =	sdelay $0x2  }
0xf1: {  	v16 =	vpack.i.f32.bf16 v17, v16  }
0xf2: {  	[tilespmem:s28+$0xFFFFFFC0] =	vst v16  }
0xf3: {  	v16 =	vld.idx.msk [tilespmem:v19+s2+$0x0], $0xffff  }
0xf4: {  	v17 =	vld.idx.msk [tilespmem:v20+s2+$0x0], $0xffff;
	_ =	sdelay $0x2  }
0xf5: {  	v19 =	vor.u32 v4, v18;
	v20 =	vor.u32 v5, v18;
	_ =	sdelay $0x2  }
0xf6: {  	v16 =	vpack.i.f32.bf16 v17, v16  }
0xf7: {  	[tilespmem:s28+$0xFFFFFFD0] =	vst v16  }
0xf8: {  	v16 =	vld.idx.msk [tilespmem:v19+s2+$0x0], $0xffff  }
0xf9: {  	v17 =	vld.idx.msk [tilespmem:v20+s2+$0x0], $0xffff;
	_ =	sdelay $0x2  }
0xfa: {  	v19 =	vor.u32 v6, v18;
	v20 =	vor.u32 v7, v18;
	_ =	sdelay $0x2  }
0xfb: {  	v16 =	vpack.i.f32.bf16 v17, v16  }
0xfc: {  	[tilespmem:s28+$0xFFFFFFE0] =	vst v16  }
0xfd: {  	v16 =	vld.idx.msk [tilespmem:v19+s2+$0x0], $0xffff  }
0xfe: {  	v17 =	vld.idx.msk [tilespmem:v20+s2+$0x0], $0xffff;
	_ =	sdelay $0x2  }
0xff: {  	v19 =	vor.u32 v8, v18;
	v20 =	vor.u32 v9, v18;
	_ =	sdelay $0x2  }
0x100: {  	v16 =	vpack.i.f32.bf16 v17, v16  }
0x101: {  	[tilespmem:s28+$0xFFFFFFF0] =	vst v16  }
0x102: {  	v16 =	vld.idx.msk [tilespmem:v19+s2+$0x0], $0xffff  }
0x103: {  	v17 =	vld.idx.msk [tilespmem:v20+s2+$0x0], $0xffff;
	_ =	sdelay $0x2  }
0x104: {  	v19 =	vor.u32 v10, v18;
	v20 =	vor.u32 v11, v18;
	_ =	sdelay $0x2  }
0x105: {  	v16 =	vpack.i.f32.bf16 v17, v16  }
0x106: {  	[tilespmem:s28+$0x0] =	vst v16  }
0x107: {  	v16 =	vld.idx.msk [tilespmem:v19+s2+$0x0], $0xffff  }
0x108: {  	v17 =	vld.idx.msk [tilespmem:v20+s2+$0x0], $0xffff;
	_ =	sdelay $0x2  }
0x109: {  	v19 =	vor.u32 v12, v18;
	v20 =	vor.u32 v13, v18;
	_ =	sdelay $0x2  }
0x10a: {  	v16 =	vpack.i.f32.bf16 v17, v16  }
0x10b: {  	[tilespmem:s28+$0x10] =	vst v16  }
0x10c: {  	v19 =	vld.idx.msk [tilespmem:v19+s2+$0x0], $0xffff  }
0x10d: {  	v20 =	vld.idx.msk [tilespmem:v20+s2+$0x0], $0xffff;
	_ =	sdelay $0x2  }
.Ltmp2:
0x10e: {  	v17 =	vor.u32 v14, v18;
	v16 =	vor.u32 v15, v18;
	(pc) =	sbr.rel @p0 .LBB2_5-.Ltmp2, $3  }
0x10f: {  	_ =	sdelay $0x1  }
0x110: {  	v18 =	vpack.i.f32.bf16 v20, v19  }
0x111: {  	[tilespmem:s28+$0x20] =	vst v18  }
0x112: {  	_ =	sdelay $0x2  }
0x113: {  	v18 =	vmov s31  }
0x114: {  	v17 =	vld.idx.msk [tilespmem:v17+s2+$0x0], $0xffff;
	v19 =	vshll.u32 v18, $0x8;
	v18 =	vshll.u32 v18, $0x7  }
0x115: {  	v16 =	vld.idx.msk [tilespmem:v16+s2+$0x0], $0xffff;
	v19 =	vand.u32 $0x3800, v19;
	v18 =	vand.u32 $0x380, v18  }
0x116: {  	v18 =	vor.u32 v18, v19  }
0x117: {  	v19 =	vor.u32 v0, v18  }
0x118: {  	v20 =	vor.u32 v1, v18;
	_ =	sdelay $0x1  }
0x119: {  	v16 =	vpack.i.f32.bf16 v16, v17  }
0x11a: {  	[tilespmem:s29+$0x30] =	vst v16  }
0x11b: {  	v16 =	vld.idx.msk [tilespmem:v19+s2+$0x0], $0xffff  }
0x11c: {  	v17 =	vld.idx.msk [tilespmem:v20+s2+$0x0], $0xffff;
	_ =	sdelay $0x1  }
0x11d: {  	v19 =	vor.u32 v2, v18  }
0x11e: {  	v52 =	vor.u32 v3, v18;
	_ =	sdelay $0x1  }
0x11f: {  	s28 =	sadd.s32 $0x80, s28;
	v16 =	vpack.i.f32.bf16 v17, v16  }
0x120: {  	[tilespmem:s28+$0xFFFFFFC0] =	vst v16  }
0x121: {  	v16 =	vld.idx.msk [tilespmem:v19+s2+$0x0], $0xffff  }
0x122: {  	v17 =	vld.idx.msk [tilespmem:v52+s2+$0x0], $0xffff;
	_ =	sdelay $0x1  }
0x123: {  	v19 =	vor.u32 v4, v18  }
0x124: {  	v53 =	vor.u32 v5, v18;
	_ =	sdelay $0x1  }
0x125: {  	v16 =	vpack.i.f32.bf16 v17, v16  }
0x126: {  	[tilespmem:s28+$0xFFFFFFD0] =	vst v16  }
0x127: {  	v16 =	vld.idx.msk [tilespmem:v19+s2+$0x0], $0xffff  }
0x128: {  	v17 =	vld.idx.msk [tilespmem:v53+s2+$0x0], $0xffff;
	_ =	sdelay $0x1  }
0x129: {  	v19 =	vor.u32 v6, v18  }
0x12a: {  	v54 =	vor.u32 v7, v18;
	_ =	sdelay $0x1  }
0x12b: {  	v16 =	vpack.i.f32.bf16 v17, v16  }
0x12c: {  	[tilespmem:s28+$0xFFFFFFE0] =	vst v16  }
0x12d: {  	v16 =	vld.idx.msk [tilespmem:v19+s2+$0x0], $0xffff  }
0x12e: {  	v17 =	vld.idx.msk [tilespmem:v54+s2+$0x0], $0xffff;
	_ =	sdelay $0x1  }
0x12f: {  	v19 =	vor.u32 v8, v18  }
0x130: {  	v55 =	vor.u32 v9, v18;
	_ =	sdelay $0x1  }
0x131: {  	v16 =	vpack.i.f32.bf16 v17, v16  }
0x132: {  	[tilespmem:s28+$0xFFFFFFF0] =	vst v16  }
0x133: {  	v16 =	vld.idx.msk [tilespmem:v19+s2+$0x0], $0xffff  }
0x134: {  	v17 =	vld.idx.msk [tilespmem:v55+s2+$0x0], $0xffff;
	_ =	sdelay $0x1  }
0x135: {  	v19 =	vor.u32 v10, v18  }
0x136: {  	v56 =	vor.u32 v11, v18;
	_ =	sdelay $0x1  }
0x137: {  	v16 =	vpack.i.f32.bf16 v17, v16  }
0x138: {  	[tilespmem:s28+$0x0] =	vst v16  }
0x139: {  	v16 =	vld.idx.msk [tilespmem:v19+s2+$0x0], $0xffff  }
0x13a: {  	v17 =	vld.idx.msk [tilespmem:v56+s2+$0x0], $0xffff;
	_ =	sdelay $0x1  }
0x13b: {  	v19 =	vor.u32 v12, v18  }
0x13c: {  	v57 =	vor.u32 v13, v18;
	_ =	sdelay $0x1  }
0x13d: {  	v16 =	vpack.i.f32.bf16 v17, v16  }
0x13e: {  	[tilespmem:s28+$0x10] =	vst v16  }
0x13f: {  	v16 =	vld.idx.msk [tilespmem:v19+s2+$0x0], $0xffff  }
0x140: {  	v17 =	vld.idx.msk [tilespmem:v57+s2+$0x0], $0xffff;
	_ =	sdelay $0x1  }
0x141: {  	v19 =	vor.u32 v14, v18  }
0x142: {  	v18 =	vor.u32 v15, v18;
	_ =	sdelay $0x1  }
0x143: {  	v16 =	vpack.i.f32.bf16 v17, v16  }
0x144: {  	[tilespmem:s28+$0x20] =	vst v16  }
0x145: {  	v16 =	vld.idx.msk [tilespmem:v19+s2+$0x0], $0xffff  }
0x146: {  	v17 =	vld.idx.msk [tilespmem:v18+s2+$0x0], $0xffff;
	_ =	sdelay $0x4  }
0x147: {  	s29 =	simm.s32 $0x0;
	v16 =	vpack.i.f32.bf16 v17, v16  }
0x148: {  	[tilespmem:s28+$0x30] =	vst v16;
	v16 =	vmov s29  }
0x149: {  	[hbm4b:s5+s29] =	stream.linear.scatter [tilespmem:s25], [sflag:$0x1], $0x1400, $0x38;
	v17 =	vshll.u32 v16, $0x8;
	v16 =	vshll.u32 v16, $0x7;
	[tilespmem:$0x3C00] =	vst v63  }
0x14a: {  	_ =	swait.ge [sflag:s24], $0x1400;
	v17 =	vand.u32 $0x3800, v17;
	v16 =	vand.u32 $0x380, v16  }
0x14b: {  	[sflag:s24] =	ssyncset.done $0x0;
	v16 =	vor.u32 v16, v17  }
0x14c: {  	[sflag:s24] =	ssyncadd.s32 $0xFFFFEC00;
	v17 =	vor.u32 v0, v16  }
0x14d: {  	v18 =	vor.u32 v1, v16;
	[tilespmem:s29], [sflag:$0x1] =	stream.linear.gather [hbm4b:s6+s29], $0x2800, $0x38;
	[tilespmem:$0x3C00] =	vst v63  }
0x14e: {  	_ =	swait.ge [sflag:s24], $0x2800  }
0x14f: {  	[sflag:s24] =	ssyncset.done $0x0  }
0x150: {  	[sflag:s24] =	ssyncadd.s32 $0xFFFFD800  }
0x151: {  	v17 =	vld.idx.msk [tilespmem:v17+s2+$0x0], $0xffff  }
0x152: {  	v18 =	vld.idx.msk [tilespmem:v18+s2+$0x0], $0xffff;
	_ =	sdelay $0x1  }
0x153: {  	v19 =	vor.u32 v2, v16  }
0x154: {  	v58 =	vor.u32 v3, v16;
	_ =	sdelay $0x1  }
0x155: {  	s28 =	simm.s32 $0x2840;
	v17 =	vpack.i.f32.bf16 v18, v17  }
0x156: {  	[tilespmem:s28+$0xFFFFFFC0] =	vst v17  }
0x157: {  	v17 =	vld.idx.msk [tilespmem:v19+s2+$0x0], $0xffff  }
0x158: {  	v18 =	vld.idx.msk [tilespmem:v58+s2+$0x0], $0xffff;
	_ =	sdelay $0x1  }
0x159: {  	v19 =	vor.u32 v4, v16  }
0x15a: {  	v59 =	vor.u32 v5, v16;
	_ =	sdelay $0x1  }
0x15b: {  	v17 =	vpack.i.f32.bf16 v18, v17  }
0x15c: {  	[tilespmem:s28+$0xFFFFFFD0] =	vst v17  }
0x15d: {  	v17 =	vld.idx.msk [tilespmem:v19+s2+$0x0], $0xffff  }
0x15e: {  	v18 =	vld.idx.msk [tilespmem:v59+s2+$0x0], $0xffff;
	_ =	sdelay $0x1  }
0x15f: {  	v19 =	vor.u32 v6, v16  }
0x160: {  	v60 =	vor.u32 v7, v16;
	_ =	sdelay $0x1  }
0x161: {  	v17 =	vpack.i.f32.bf16 v18, v17  }
0x162: {  	[tilespmem:s28+$0xFFFFFFE0] =	vst v17  }
0x163: {  	v17 =	vld.idx.msk [tilespmem:v19+s2+$0x0], $0xffff  }
0x164: {  	v18 =	vld.idx.msk [tilespmem:v60+s2+$0x0], $0xffff;
	_ =	sdelay $0x1  }
0x165: {  	v19 =	vor.u32 v8, v16  }
0x166: {  	v61 =	vor.u32 v9, v16;
	_ =	sdelay $0x1  }
0x167: {  	v17 =	vpack.i.f32.bf16 v18, v17  }
0x168: {  	[tilespmem:s28+$0xFFFFFFF0] =	vst v17  }
0x169: {  	v17 =	vld.idx.msk [tilespmem:v19+s2+$0x0], $0xffff  }
0x16a: {  	v18 =	vld.idx.msk [tilespmem:v61+s2+$0x0], $0xffff;
	_ =	sdelay $0x1  }
0x16b: {  	v19 =	vor.u32 v10, v16  }
0x16c: {  	v62 =	vor.u32 v11, v16;
	_ =	sdelay $0x1  }
0x16d: {  	v17 =	vpack.i.f32.bf16 v18, v17  }
0x16e: {  	[tilespmem:s28+$0x0] =	vst v17  }
0x16f: {  	v17 =	vld.idx.msk [tilespmem:v19+s2+$0x0], $0xffff  }
0x170: {  	v18 =	vld.idx.msk [tilespmem:v62+s2+$0x0], $0xffff;
	_ =	sdelay $0x1  }
0x171: {  	v19 =	vor.u32 v12, v16  }
0x172: {  	v63 =	vor.u32 v13, v16;
	_ =	sdelay $0x1  }
0x173: {  	v17 =	vpack.i.f32.bf16 v18, v17  }
0x174: {  	[tilespmem:s28+$0x10] =	vst v17  }
0x175: {  	v17 =	vld.idx.msk [tilespmem:v19+s2+$0x0], $0xffff  }
0x176: {  	v18 =	vld.idx.msk [tilespmem:v63+s2+$0x0], $0xffff;
	_ =	sdelay $0x4  }
0x177: {  	v18 =	vpack.i.f32.bf16 v18, v17;
	v17 =	vor.u32 v14, v16  }
0x178: {  	v16 =	vor.u32 v15, v16;
	_ =	sdelay $0x1  }
0x179: {  	s31 =	simm.s32 $0x1;
	s30 =	simm.s32 $0x2;
	s29 =	simm.s32 $0x2840;
	[tilespmem:s28+$0x20] =	vst v18  }
.LBB2_7:
0x17a: {  	p0 =	sne.s32 s30, $0x27  }
0x17b: {  	v18 =	vmov s31;
	v17 =	vld.idx.msk [tilespmem:v17+s2+$0x0], $0xffff;
	s28 =	sadd.s32 $0x80, s28;
	s31 =	smov.u32 s30;
	s30 =	sadd.s32 $0x1, s30  }
0x17c: {  	v19 =	vshll.u32 v18, $0x8;
	v18 =	vshll.u32 v18, $0x7;
	v16 =	vld.idx.msk [tilespmem:v16+s2+$0x0], $0xffff  }
0x17d: {  	v19 =	vand.u32 $0x3800, v19;
	v18 =	vand.u32 $0x380, v18  }
0x17e: {  	v18 =	vor.u32 v18, v19  }
0x17f: {  	v19 =	vor.u32 v0, v18;
	v20 =	vor.u32 v1, v18;
	_ =	sdelay $0x2  }
0x180: {  	v16 =	vpack.i.f32.bf16 v16, v17  }
0x181: {  	[tilespmem:s29+$0x30] =	vst v16;
	s29 =	smov.u32 s28  }
0x182: {  	v16 =	vld.idx.msk [tilespmem:v19+s2+$0x0], $0xffff  }
0x183: {  	v17 =	vld.idx.msk [tilespmem:v20+s2+$0x0], $0xffff;
	_ =	sdelay $0x2  }
0x184: {  	v19 =	vor.u32 v2, v18;
	v20 =	vor.u32 v3, v18;
	_ =	sdelay $0x2  }
0x185: {  	v16 =	vpack.i.f32.bf16 v17, v16  }
0x186: {  	[tilespmem:s28+$0xFFFFFFC0] =	vst v16  }
0x187: {  	v16 =	vld.idx.msk [tilespmem:v19+s2+$0x0], $0xffff  }
0x188: {  	v17 =	vld.idx.msk [tilespmem:v20+s2+$0x0], $0xffff;
	_ =	sdelay $0x2  }
0x189: {  	v19 =	vor.u32 v4, v18;
	v20 =	vor.u32 v5, v18;
	_ =	sdelay $0x2  }
0x18a: {  	v16 =	vpack.i.f32.bf16 v17, v16  }
0x18b: {  	[tilespmem:s28+$0xFFFFFFD0] =	vst v16  }
0x18c: {  	v16 =	vld.idx.msk [tilespmem:v19+s2+$0x0], $0xffff  }
0x18d: {  	v17 =	vld.idx.msk [tilespmem:v20+s2+$0x0], $0xffff;
	_ =	sdelay $0x2  }
0x18e: {  	v19 =	vor.u32 v6, v18;
	v20 =	vor.u32 v7, v18;
	_ =	sdelay $0x2  }
0x18f: {  	v16 =	vpack.i.f32.bf16 v17, v16  }
0x190: {  	[tilespmem:s28+$0xFFFFFFE0] =	vst v16  }
0x191: {  	v16 =	vld.idx.msk [tilespmem:v19+s2+$0x0], $0xffff  }
0x192: {  	v17 =	vld.idx.msk [tilespmem:v20+s2+$0x0], $0xffff;
	_ =	sdelay $0x2  }
0x193: {  	v19 =	vor.u32 v8, v18;
	v20 =	vor.u32 v9, v18;
	_ =	sdelay $0x2  }
0x194: {  	v16 =	vpack.i.f32.bf16 v17, v16  }
0x195: {  	[tilespmem:s28+$0xFFFFFFF0] =	vst v16  }
0x196: {  	v16 =	vld.idx.msk [tilespmem:v19+s2+$0x0], $0xffff  }
0x197: {  	v17 =	vld.idx.msk [tilespmem:v20+s2+$0x0], $0xffff;
	_ =	sdelay $0x2  }
0x198: {  	v19 =	vor.u32 v10, v18;
	v20 =	vor.u32 v11, v18;
	_ =	sdelay $0x2  }
0x199: {  	v16 =	vpack.i.f32.bf16 v17, v16  }
0x19a: {  	[tilespmem:s28+$0x0] =	vst v16  }
0x19b: {  	v16 =	vld.idx.msk [tilespmem:v19+s2+$0x0], $0xffff  }
0x19c: {  	v17 =	vld.idx.msk [tilespmem:v20+s2+$0x0], $0xffff;
	_ =	sdelay $0x2  }
0x19d: {  	v19 =	vor.u32 v12, v18;
	v20 =	vor.u32 v13, v18;
	_ =	sdelay $0x2  }
0x19e: {  	v16 =	vpack.i.f32.bf16 v17, v16  }
0x19f: {  	[tilespmem:s28+$0x10] =	vst v16  }
0x1a0: {  	v19 =	vld.idx.msk [tilespmem:v19+s2+$0x0], $0xffff  }
0x1a1: {  	v20 =	vld.idx.msk [tilespmem:v20+s2+$0x0], $0xffff;
	_ =	sdelay $0x2  }
.Ltmp3:
0x1a2: {  	v17 =	vor.u32 v14, v18;
	v16 =	vor.u32 v15, v18;
	(pc) =	sbr.rel @p0 .LBB2_7-.Ltmp3, $3  }
0x1a3: {  	_ =	sdelay $0x1  }
0x1a4: {  	v18 =	vpack.i.f32.bf16 v20, v19  }
0x1a5: {  	[tilespmem:s28+$0x20] =	vst v18  }
0x1a6: {  	_ =	sdelay $0x2  }
0x1a7: {  	v18 =	vmov s31  }
0x1a8: {  	v17 =	vld.idx.msk [tilespmem:v17+s2+$0x0], $0xffff;
	v19 =	vshll.u32 v18, $0x8;
	v18 =	vshll.u32 v18, $0x7  }
0x1a9: {  	v16 =	vld.idx.msk [tilespmem:v16+s2+$0x0], $0xffff;
	v19 =	vand.u32 $0x3800, v19;
	v18 =	vand.u32 $0x380, v18  }
0x1aa: {  	v18 =	vor.u32 v18, v19  }
0x1ab: {  	v19 =	vor.u32 v0, v18  }
0x1ac: {  	v20 =	vor.u32 v1, v18;
	_ =	sdelay $0x1  }
0x1ad: {  	v16 =	vpack.i.f32.bf16 v16, v17  }
0x1ae: {  	[tilespmem:s29+$0x30] =	vst v16  }
0x1af: {  	v16 =	vld.idx.msk [tilespmem:v19+s2+$0x0], $0xffff  }
0x1b0: {  	v17 =	vld.idx.msk [tilespmem:v20+s2+$0x0], $0xffff;
	_ =	sdelay $0x1  }
0x1b1: {  	v19 =	vor.u32 v2, v18  }
0x1b2: {  	v52 =	vor.u32 v3, v18;
	_ =	sdelay $0x1  }
0x1b3: {  	s28 =	sadd.s32 $0x80, s28;
	v16 =	vpack.i.f32.bf16 v17, v16  }
0x1b4: {  	[tilespmem:s28+$0xFFFFFFC0] =	vst v16  }
0x1b5: {  	v16 =	vld.idx.msk [tilespmem:v19+s2+$0x0], $0xffff  }
0x1b6: {  	v17 =	vld.idx.msk [tilespmem:v52+s2+$0x0], $0xffff;
	_ =	sdelay $0x1  }
0x1b7: {  	v19 =	vor.u32 v4, v18  }
0x1b8: {  	v53 =	vor.u32 v5, v18;
	_ =	sdelay $0x1  }
0x1b9: {  	v16 =	vpack.i.f32.bf16 v17, v16  }
0x1ba: {  	[tilespmem:s28+$0xFFFFFFD0] =	vst v16  }
0x1bb: {  	v16 =	vld.idx.msk [tilespmem:v19+s2+$0x0], $0xffff  }
0x1bc: {  	v17 =	vld.idx.msk [tilespmem:v53+s2+$0x0], $0xffff;
	_ =	sdelay $0x1  }
0x1bd: {  	v19 =	vor.u32 v6, v18  }
0x1be: {  	v54 =	vor.u32 v7, v18;
	_ =	sdelay $0x1  }
0x1bf: {  	v16 =	vpack.i.f32.bf16 v17, v16  }
0x1c0: {  	[tilespmem:s28+$0xFFFFFFE0] =	vst v16  }
0x1c1: {  	v16 =	vld.idx.msk [tilespmem:v19+s2+$0x0], $0xffff  }
0x1c2: {  	v17 =	vld.idx.msk [tilespmem:v54+s2+$0x0], $0xffff;
	_ =	sdelay $0x1  }
0x1c3: {  	v19 =	vor.u32 v8, v18  }
0x1c4: {  	v55 =	vor.u32 v9, v18;
	_ =	sdelay $0x1  }
0x1c5: {  	v16 =	vpack.i.f32.bf16 v17, v16  }
0x1c6: {  	[tilespmem:s28+$0xFFFFFFF0] =	vst v16  }
0x1c7: {  	v16 =	vld.idx.msk [tilespmem:v19+s2+$0x0], $0xffff  }
0x1c8: {  	v17 =	vld.idx.msk [tilespmem:v55+s2+$0x0], $0xffff;
	_ =	sdelay $0x1  }
0x1c9: {  	v19 =	vor.u32 v10, v18  }
0x1ca: {  	v56 =	vor.u32 v11, v18;
	_ =	sdelay $0x1  }
0x1cb: {  	v16 =	vpack.i.f32.bf16 v17, v16  }
0x1cc: {  	[tilespmem:s28+$0x0] =	vst v16  }
0x1cd: {  	v16 =	vld.idx.msk [tilespmem:v19+s2+$0x0], $0xffff  }
0x1ce: {  	v17 =	vld.idx.msk [tilespmem:v56+s2+$0x0], $0xffff;
	_ =	sdelay $0x1  }
0x1cf: {  	v19 =	vor.u32 v12, v18  }
0x1d0: {  	v57 =	vor.u32 v13, v18;
	_ =	sdelay $0x1  }
0x1d1: {  	v16 =	vpack.i.f32.bf16 v17, v16  }
0x1d2: {  	[tilespmem:s28+$0x10] =	vst v16  }
0x1d3: {  	v16 =	vld.idx.msk [tilespmem:v19+s2+$0x0], $0xffff  }
0x1d4: {  	v17 =	vld.idx.msk [tilespmem:v57+s2+$0x0], $0xffff;
	_ =	sdelay $0x1  }
0x1d5: {  	v19 =	vor.u32 v14, v18  }
0x1d6: {  	v18 =	vor.u32 v15, v18;
	_ =	sdelay $0x1  }
0x1d7: {  	v16 =	vpack.i.f32.bf16 v17, v16  }
0x1d8: {  	[tilespmem:s28+$0x20] =	vst v16  }
0x1d9: {  	v16 =	vld.idx.msk [tilespmem:v19+s2+$0x0], $0xffff  }
0x1da: {  	v17 =	vld.idx.msk [tilespmem:v18+s2+$0x0], $0xffff;
	_ =	sdelay $0x4  }
0x1db: {  	s29 =	simm.s32 $0x0;
	v16 =	vpack.i.f32.bf16 v17, v16  }
0x1dc: {  	[tilespmem:s28+$0x30] =	vst v16;
	v16 =	vmov s29  }
0x1dd: {  	[hbm4b:s7+s29] =	stream.linear.scatter [tilespmem:s25], [sflag:$0x1], $0x1400, $0x38;
	v17 =	vshll.u32 v16, $0x8;
	v16 =	vshll.u32 v16, $0x7;
	[tilespmem:$0x3C00] =	vst v63  }
0x1de: {  	_ =	swait.ge [sflag:s24], $0x1400;
	v17 =	vand.u32 $0x3800, v17;
	v16 =	vand.u32 $0x380, v16  }
0x1df: {  	[sflag:s24] =	ssyncset.done $0x0;
	v16 =	vor.u32 v16, v17  }
0x1e0: {  	[sflag:s24] =	ssyncadd.s32 $0xFFFFEC00;
	v17 =	vor.u32 v0, v16  }
0x1e1: {  	v18 =	vor.u32 v1, v16;
	[tilespmem:s29], [sflag:$0x1] =	stream.linear.gather [hbm4b:s8+s29], $0x2800, $0x38;
	[tilespmem:$0x3C00] =	vst v63  }
0x1e2: {  	_ =	swait.ge [sflag:s24], $0x2800  }
0x1e3: {  	[sflag:s24] =	ssyncset.done $0x0  }
0x1e4: {  	[sflag:s24] =	ssyncadd.s32 $0xFFFFD800  }
0x1e5: {  	v17 =	vld.idx.msk [tilespmem:v17+s2+$0x0], $0xffff  }
0x1e6: {  	v18 =	vld.idx.msk [tilespmem:v18+s2+$0x0], $0xffff;
	_ =	sdelay $0x1  }
0x1e7: {  	v19 =	vor.u32 v2, v16  }
0x1e8: {  	v58 =	vor.u32 v3, v16;
	_ =	sdelay $0x1  }
0x1e9: {  	s28 =	simm.s32 $0x2840;
	v17 =	vpack.i.f32.bf16 v18, v17  }
0x1ea: {  	[tilespmem:s28+$0xFFFFFFC0] =	vst v17  }
0x1eb: {  	v17 =	vld.idx.msk [tilespmem:v19+s2+$0x0], $0xffff  }
0x1ec: {  	v18 =	vld.idx.msk [tilespmem:v58+s2+$0x0], $0xffff;
	_ =	sdelay $0x1  }
0x1ed: {  	v19 =	vor.u32 v4, v16  }
0x1ee: {  	v59 =	vor.u32 v5, v16;
	_ =	sdelay $0x1  }
0x1ef: {  	v17 =	vpack.i.f32.bf16 v18, v17  }
0x1f0: {  	[tilespmem:s28+$0xFFFFFFD0] =	vst v17  }
0x1f1: {  	v17 =	vld.idx.msk [tilespmem:v19+s2+$0x0], $0xffff  }
0x1f2: {  	v18 =	vld.idx.msk [tilespmem:v59+s2+$0x0], $0xffff;
	_ =	sdelay $0x1  }
0x1f3: {  	v19 =	vor.u32 v6, v16  }
0x1f4: {  	v60 =	vor.u32 v7, v16;
	_ =	sdelay $0x1  }
0x1f5: {  	v17 =	vpack.i.f32.bf16 v18, v17  }
0x1f6: {  	[tilespmem:s28+$0xFFFFFFE0] =	vst v17  }
0x1f7: {  	v17 =	vld.idx.msk [tilespmem:v19+s2+$0x0], $0xffff  }
0x1f8: {  	v18 =	vld.idx.msk [tilespmem:v60+s2+$0x0], $0xffff;
	_ =	sdelay $0x1  }
0x1f9: {  	v19 =	vor.u32 v8, v16  }
0x1fa: {  	v61 =	vor.u32 v9, v16;
	_ =	sdelay $0x1  }
0x1fb: {  	v17 =	vpack.i.f32.bf16 v18, v17  }
0x1fc: {  	[tilespmem:s28+$0xFFFFFFF0] =	vst v17  }
0x1fd: {  	v17 =	vld.idx.msk [tilespmem:v19+s2+$0x0], $0xffff  }
0x1fe: {  	v18 =	vld.idx.msk [tilespmem:v61+s2+$0x0], $0xffff;
	_ =	sdelay $0x1  }
0x1ff: {  	v19 =	vor.u32 v10, v16  }
0x200: {  	v62 =	vor.u32 v11, v16;
	_ =	sdelay $0x1  }
0x201: {  	v17 =	vpack.i.f32.bf16 v18, v17  }
0x202: {  	[tilespmem:s28+$0x0] =	vst v17  }
0x203: {  	v17 =	vld.idx.msk [tilespmem:v19+s2+$0x0], $0xffff  }
0x204: {  	v18 =	vld.idx.msk [tilespmem:v62+s2+$0x0], $0xffff;
	_ =	sdelay $0x1  }
0x205: {  	v19 =	vor.u32 v12, v16  }
0x206: {  	v63 =	vor.u32 v13, v16;
	_ =	sdelay $0x1  }
0x207: {  	v17 =	vpack.i.f32.bf16 v18, v17  }
0x208: {  	[tilespmem:s28+$0x10] =	vst v17  }
0x209: {  	v17 =	vld.idx.msk [tilespmem:v19+s2+$0x0], $0xffff  }
0x20a: {  	v18 =	vld.idx.msk [tilespmem:v63+s2+$0x0], $0xffff;
	_ =	sdelay $0x4  }
0x20b: {  	v18 =	vpack.i.f32.bf16 v18, v17;
	v17 =	vor.u32 v14, v16  }
0x20c: {  	v16 =	vor.u32 v15, v16;
	_ =	sdelay $0x1  }
0x20d: {  	s31 =	simm.s32 $0x1;
	s30 =	simm.s32 $0x2;
	s29 =	simm.s32 $0x2840;
	[tilespmem:s28+$0x20] =	vst v18  }
.LBB2_9:
0x20e: {  	p0 =	sne.s32 s30, $0x27  }
0x20f: {  	v18 =	vmov s31;
	v17 =	vld.idx.msk [tilespmem:v17+s2+$0x0], $0xffff;
	s28 =	sadd.s32 $0x80, s28;
	s31 =	smov.u32 s30;
	s30 =	sadd.s32 $0x1, s30  }
0x210: {  	v19 =	vshll.u32 v18, $0x8;
	v18 =	vshll.u32 v18, $0x7;
	v16 =	vld.idx.msk [tilespmem:v16+s2+$0x0], $0xffff  }
0x211: {  	v19 =	vand.u32 $0x3800, v19;
	v18 =	vand.u32 $0x380, v18  }
0x212: {  	v18 =	vor.u32 v18, v19  }
0x213: {  	v19 =	vor.u32 v0, v18;
	v20 =	vor.u32 v1, v18;
	_ =	sdelay $0x2  }
0x214: {  	v16 =	vpack.i.f32.bf16 v16, v17  }
0x215: {  	[tilespmem:s29+$0x30] =	vst v16;
	s29 =	smov.u32 s28  }
0x216: {  	v16 =	vld.idx.msk [tilespmem:v19+s2+$0x0], $0xffff  }
0x217: {  	v17 =	vld.idx.msk [tilespmem:v20+s2+$0x0], $0xffff;
	_ =	sdelay $0x2  }
0x218: {  	v19 =	vor.u32 v2, v18;
	v20 =	vor.u32 v3, v18;
	_ =	sdelay $0x2  }
0x219: {  	v16 =	vpack.i.f32.bf16 v17, v16  }
0x21a: {  	[tilespmem:s28+$0xFFFFFFC0] =	vst v16  }
0x21b: {  	v16 =	vld.idx.msk [tilespmem:v19+s2+$0x0], $0xffff  }
0x21c: {  	v17 =	vld.idx.msk [tilespmem:v20+s2+$0x0], $0xffff;
	_ =	sdelay $0x2  }
0x21d: {  	v19 =	vor.u32 v4, v18;
	v20 =	vor.u32 v5, v18;
	_ =	sdelay $0x2  }
0x21e: {  	v16 =	vpack.i.f32.bf16 v17, v16  }
0x21f: {  	[tilespmem:s28+$0xFFFFFFD0] =	vst v16  }
0x220: {  	v16 =	vld.idx.msk [tilespmem:v19+s2+$0x0], $0xffff  }
0x221: {  	v17 =	vld.idx.msk [tilespmem:v20+s2+$0x0], $0xffff;
	_ =	sdelay $0x2  }
0x222: {  	v19 =	vor.u32 v6, v18;
	v20 =	vor.u32 v7, v18;
	_ =	sdelay $0x2  }
0x223: {  	v16 =	vpack.i.f32.bf16 v17, v16  }
0x224: {  	[tilespmem:s28+$0xFFFFFFE0] =	vst v16  }
0x225: {  	v16 =	vld.idx.msk [tilespmem:v19+s2+$0x0], $0xffff  }
0x226: {  	v17 =	vld.idx.msk [tilespmem:v20+s2+$0x0], $0xffff;
	_ =	sdelay $0x2  }
0x227: {  	v19 =	vor.u32 v8, v18;
	v20 =	vor.u32 v9, v18;
	_ =	sdelay $0x2  }
0x228: {  	v16 =	vpack.i.f32.bf16 v17, v16  }
0x229: {  	[tilespmem:s28+$0xFFFFFFF0] =	vst v16  }
0x22a: {  	v16 =	vld.idx.msk [tilespmem:v19+s2+$0x0], $0xffff  }
0x22b: {  	v17 =	vld.idx.msk [tilespmem:v20+s2+$0x0], $0xffff;
	_ =	sdelay $0x2  }
0x22c: {  	v19 =	vor.u32 v10, v18;
	v20 =	vor.u32 v11, v18;
	_ =	sdelay $0x2  }
0x22d: {  	v16 =	vpack.i.f32.bf16 v17, v16  }
0x22e: {  	[tilespmem:s28+$0x0] =	vst v16  }
0x22f: {  	v16 =	vld.idx.msk [tilespmem:v19+s2+$0x0], $0xffff  }
0x230: {  	v17 =	vld.idx.msk [tilespmem:v20+s2+$0x0], $0xffff;
	_ =	sdelay $0x2  }
0x231: {  	v19 =	vor.u32 v12, v18;
	v20 =	vor.u32 v13, v18;
	_ =	sdelay $0x2  }
0x232: {  	v16 =	vpack.i.f32.bf16 v17, v16  }
0x233: {  	[tilespmem:s28+$0x10] =	vst v16  }
0x234: {  	v19 =	vld.idx.msk [tilespmem:v19+s2+$0x0], $0xffff  }
0x235: {  	v20 =	vld.idx.msk [tilespmem:v20+s2+$0x0], $0xffff;
	_ =	sdelay $0x2  }
.Ltmp4:
0x236: {  	v17 =	vor.u32 v14, v18;
	v16 =	vor.u32 v15, v18;
	(pc) =	sbr.rel @p0 .LBB2_9-.Ltmp4, $3  }
0x237: {  	_ =	sdelay $0x1  }
0x238: {  	v18 =	vpack.i.f32.bf16 v20, v19  }
0x239: {  	[tilespmem:s28+$0x20] =	vst v18  }
0x23a: {  	_ =	sdelay $0x2  }
0x23b: {  	v18 =	vmov s31  }
0x23c: {  	v17 =	vld.idx.msk [tilespmem:v17+s2+$0x0], $0xffff;
	v19 =	vshll.u32 v18, $0x8;
	v18 =	vshll.u32 v18, $0x7  }
0x23d: {  	v16 =	vld.idx.msk [tilespmem:v16+s2+$0x0], $0xffff;
	v19 =	vand.u32 $0x3800, v19;
	v18 =	vand.u32 $0x380, v18  }
0x23e: {  	v18 =	vor.u32 v18, v19  }
0x23f: {  	v19 =	vor.u32 v0, v18  }
0x240: {  	v20 =	vor.u32 v1, v18;
	_ =	sdelay $0x1  }
0x241: {  	v16 =	vpack.i.f32.bf16 v16, v17  }
0x242: {  	[tilespmem:s29+$0x30] =	vst v16  }
0x243: {  	v16 =	vld.idx.msk [tilespmem:v19+s2+$0x0], $0xffff  }
0x244: {  	v17 =	vld.idx.msk [tilespmem:v20+s2+$0x0], $0xffff;
	_ =	sdelay $0x1  }
0x245: {  	v19 =	vor.u32 v2, v18  }
0x246: {  	v52 =	vor.u32 v3, v18;
	_ =	sdelay $0x1  }
0x247: {  	s28 =	sadd.s32 $0x80, s28;
	v16 =	vpack.i.f32.bf16 v17, v16  }
0x248: {  	[tilespmem:s28+$0xFFFFFFC0] =	vst v16  }
0x249: {  	v16 =	vld.idx.msk [tilespmem:v19+s2+$0x0], $0xffff  }
0x24a: {  	v17 =	vld.idx.msk [tilespmem:v52+s2+$0x0], $0xffff;
	_ =	sdelay $0x1  }
0x24b: {  	v19 =	vor.u32 v4, v18  }
0x24c: {  	v53 =	vor.u32 v5, v18;
	_ =	sdelay $0x1  }
0x24d: {  	v16 =	vpack.i.f32.bf16 v17, v16  }
0x24e: {  	[tilespmem:s28+$0xFFFFFFD0] =	vst v16  }
0x24f: {  	v16 =	vld.idx.msk [tilespmem:v19+s2+$0x0], $0xffff  }
0x250: {  	v17 =	vld.idx.msk [tilespmem:v53+s2+$0x0], $0xffff;
	_ =	sdelay $0x1  }
0x251: {  	v19 =	vor.u32 v6, v18  }
0x252: {  	v54 =	vor.u32 v7, v18;
	_ =	sdelay $0x1  }
0x253: {  	v16 =	vpack.i.f32.bf16 v17, v16  }
0x254: {  	[tilespmem:s28+$0xFFFFFFE0] =	vst v16  }
0x255: {  	v16 =	vld.idx.msk [tilespmem:v19+s2+$0x0], $0xffff  }
0x256: {  	v17 =	vld.idx.msk [tilespmem:v54+s2+$0x0], $0xffff;
	_ =	sdelay $0x1  }
0x257: {  	v19 =	vor.u32 v8, v18  }
0x258: {  	v55 =	vor.u32 v9, v18;
	_ =	sdelay $0x1  }
0x259: {  	v16 =	vpack.i.f32.bf16 v17, v16  }
0x25a: {  	[tilespmem:s28+$0xFFFFFFF0] =	vst v16  }
0x25b: {  	v16 =	vld.idx.msk [tilespmem:v19+s2+$0x0], $0xffff  }
0x25c: {  	v17 =	vld.idx.msk [tilespmem:v55+s2+$0x0], $0xffff;
	_ =	sdelay $0x1  }
0x25d: {  	v19 =	vor.u32 v10, v18  }
0x25e: {  	v56 =	vor.u32 v11, v18;
	_ =	sdelay $0x1  }
0x25f: {  	v16 =	vpack.i.f32.bf16 v17, v16  }
0x260: {  	[tilespmem:s28+$0x0] =	vst v16  }
0x261: {  	v16 =	vld.idx.msk [tilespmem:v19+s2+$0x0], $0xffff  }
0x262: {  	v17 =	vld.idx.msk [tilespmem:v56+s2+$0x0], $0xffff;
	_ =	sdelay $0x1  }
0x263: {  	v19 =	vor.u32 v12, v18  }
0x264: {  	v57 =	vor.u32 v13, v18;
	_ =	sdelay $0x1  }
0x265: {  	v16 =	vpack.i.f32.bf16 v17, v16  }
0x266: {  	[tilespmem:s28+$0x10] =	vst v16  }
0x267: {  	v16 =	vld.idx.msk [tilespmem:v19+s2+$0x0], $0xffff  }
0x268: {  	v17 =	vld.idx.msk [tilespmem:v57+s2+$0x0], $0xffff;
	_ =	sdelay $0x1  }
0x269: {  	v19 =	vor.u32 v14, v18  }
0x26a: {  	v18 =	vor.u32 v15, v18;
	_ =	sdelay $0x1  }
0x26b: {  	v16 =	vpack.i.f32.bf16 v17, v16  }
0x26c: {  	[tilespmem:s28+$0x20] =	vst v16  }
0x26d: {  	v16 =	vld.idx.msk [tilespmem:v19+s2+$0x0], $0xffff  }
0x26e: {  	v17 =	vld.idx.msk [tilespmem:v18+s2+$0x0], $0xffff;
	_ =	sdelay $0x4  }
0x26f: {  	s29 =	simm.s32 $0x0;
	v16 =	vpack.i.f32.bf16 v17, v16  }
0x270: {  	[tilespmem:s28+$0x30] =	vst v16;
	v16 =	vmov s29  }
0x271: {  	[hbm4b:s9+s29] =	stream.linear.scatter [tilespmem:s25], [sflag:$0x1], $0x1400, $0x38;
	v17 =	vshll.u32 v16, $0x8;
	v16 =	vshll.u32 v16, $0x7;
	[tilespmem:$0x3C00] =	vst v63  }
0x272: {  	_ =	swait.ge [sflag:s24], $0x1400;
	v17 =	vand.u32 $0x3800, v17;
	v16 =	vand.u32 $0x380, v16  }
0x273: {  	[sflag:s24] =	ssyncset.done $0x0;
	v16 =	vor.u32 v16, v17  }
0x274: {  	[sflag:s24] =	ssyncadd.s32 $0xFFFFEC00;
	v17 =	vor.u32 v0, v16  }
0x275: {  	v18 =	vor.u32 v1, v16;
	[tilespmem:s29], [sflag:$0x1] =	stream.linear.gather [hbm4b:s10+s29], $0x2800, $0x38;
	[tilespmem:$0x3C00] =	vst v63  }
0x276: {  	_ =	swait.ge [sflag:s24], $0x2800  }
0x277: {  	[sflag:s24] =	ssyncset.done $0x0  }
0x278: {  	[sflag:s24] =	ssyncadd.s32 $0xFFFFD800  }
0x279: {  	v17 =	vld.idx.msk [tilespmem:v17+s2+$0x0], $0xffff  }
0x27a: {  	v18 =	vld.idx.msk [tilespmem:v18+s2+$0x0], $0xffff;
	_ =	sdelay $0x1  }
0x27b: {  	v19 =	vor.u32 v2, v16  }
0x27c: {  	v58 =	vor.u32 v3, v16;
	_ =	sdelay $0x1  }
0x27d: {  	s28 =	simm.s32 $0x2840;
	v17 =	vpack.i.f32.bf16 v18, v17  }
0x27e: {  	[tilespmem:s28+$0xFFFFFFC0] =	vst v17  }
0x27f: {  	v17 =	vld.idx.msk [tilespmem:v19+s2+$0x0], $0xffff  }
0x280: {  	v18 =	vld.idx.msk [tilespmem:v58+s2+$0x0], $0xffff;
	_ =	sdelay $0x1  }
0x281: {  	v19 =	vor.u32 v4, v16  }
0x282: {  	v59 =	vor.u32 v5, v16;
	_ =	sdelay $0x1  }
0x283: {  	v17 =	vpack.i.f32.bf16 v18, v17  }
0x284: {  	[tilespmem:s28+$0xFFFFFFD0] =	vst v17  }
0x285: {  	v17 =	vld.idx.msk [tilespmem:v19+s2+$0x0], $0xffff  }
0x286: {  	v18 =	vld.idx.msk [tilespmem:v59+s2+$0x0], $0xffff;
	_ =	sdelay $0x1  }
0x287: {  	v19 =	vor.u32 v6, v16  }
0x288: {  	v60 =	vor.u32 v7, v16;
	_ =	sdelay $0x1  }
0x289: {  	v17 =	vpack.i.f32.bf16 v18, v17  }
0x28a: {  	[tilespmem:s28+$0xFFFFFFE0] =	vst v17  }
0x28b: {  	v17 =	vld.idx.msk [tilespmem:v19+s2+$0x0], $0xffff  }
0x28c: {  	v18 =	vld.idx.msk [tilespmem:v60+s2+$0x0], $0xffff;
	_ =	sdelay $0x1  }
0x28d: {  	v19 =	vor.u32 v8, v16  }
0x28e: {  	v61 =	vor.u32 v9, v16;
	_ =	sdelay $0x1  }
0x28f: {  	v17 =	vpack.i.f32.bf16 v18, v17  }
0x290: {  	[tilespmem:s28+$0xFFFFFFF0] =	vst v17  }
0x291: {  	v17 =	vld.idx.msk [tilespmem:v19+s2+$0x0], $0xffff  }
0x292: {  	v18 =	vld.idx.msk [tilespmem:v61+s2+$0x0], $0xffff;
	_ =	sdelay $0x1  }
0x293: {  	v19 =	vor.u32 v10, v16  }
0x294: {  	v62 =	vor.u32 v11, v16;
	_ =	sdelay $0x1  }
0x295: {  	v17 =	vpack.i.f32.bf16 v18, v17  }
0x296: {  	[tilespmem:s28+$0x0] =	vst v17  }
0x297: {  	v17 =	vld.idx.msk [tilespmem:v19+s2+$0x0], $0xffff  }
0x298: {  	v18 =	vld.idx.msk [tilespmem:v62+s2+$0x0], $0xffff;
	_ =	sdelay $0x1  }
0x299: {  	v19 =	vor.u32 v12, v16  }
0x29a: {  	v63 =	vor.u32 v13, v16;
	_ =	sdelay $0x1  }
0x29b: {  	v17 =	vpack.i.f32.bf16 v18, v17  }
0x29c: {  	[tilespmem:s28+$0x10] =	vst v17  }
0x29d: {  	v17 =	vld.idx.msk [tilespmem:v19+s2+$0x0], $0xffff  }
0x29e: {  	v18 =	vld.idx.msk [tilespmem:v63+s2+$0x0], $0xffff;
	_ =	sdelay $0x4  }
0x29f: {  	v18 =	vpack.i.f32.bf16 v18, v17;
	v17 =	vor.u32 v14, v16  }
0x2a0: {  	v16 =	vor.u32 v15, v16;
	_ =	sdelay $0x1  }
0x2a1: {  	s31 =	simm.s32 $0x1;
	s30 =	simm.s32 $0x2;
	s29 =	simm.s32 $0x2840;
	[tilespmem:s28+$0x20] =	vst v18  }
.LBB2_11:
0x2a2: {  	p0 =	sne.s32 s30, $0x27  }
0x2a3: {  	v18 =	vmov s31;
	v17 =	vld.idx.msk [tilespmem:v17+s2+$0x0], $0xffff;
	s28 =	sadd.s32 $0x80, s28;
	s31 =	smov.u32 s30;
	s30 =	sadd.s32 $0x1, s30  }
0x2a4: {  	v19 =	vshll.u32 v18, $0x8;
	v18 =	vshll.u32 v18, $0x7;
	v16 =	vld.idx.msk [tilespmem:v16+s2+$0x0], $0xffff  }
0x2a5: {  	v19 =	vand.u32 $0x3800, v19;
	v18 =	vand.u32 $0x380, v18  }
0x2a6: {  	v18 =	vor.u32 v18, v19  }
0x2a7: {  	v19 =	vor.u32 v0, v18;
	v20 =	vor.u32 v1, v18;
	_ =	sdelay $0x2  }
0x2a8: {  	v16 =	vpack.i.f32.bf16 v16, v17  }
0x2a9: {  	[tilespmem:s29+$0x30] =	vst v16;
	s29 =	smov.u32 s28  }
0x2aa: {  	v16 =	vld.idx.msk [tilespmem:v19+s2+$0x0], $0xffff  }
0x2ab: {  	v17 =	vld.idx.msk [tilespmem:v20+s2+$0x0], $0xffff;
	_ =	sdelay $0x2  }
0x2ac: {  	v19 =	vor.u32 v2, v18;
	v20 =	vor.u32 v3, v18;
	_ =	sdelay $0x2  }
0x2ad: {  	v16 =	vpack.i.f32.bf16 v17, v16  }
0x2ae: {  	[tilespmem:s28+$0xFFFFFFC0] =	vst v16  }
0x2af: {  	v16 =	vld.idx.msk [tilespmem:v19+s2+$0x0], $0xffff  }
0x2b0: {  	v17 =	vld.idx.msk [tilespmem:v20+s2+$0x0], $0xffff;
	_ =	sdelay $0x2  }
0x2b1: {  	v19 =	vor.u32 v4, v18;
	v20 =	vor.u32 v5, v18;
	_ =	sdelay $0x2  }
0x2b2: {  	v16 =	vpack.i.f32.bf16 v17, v16  }
0x2b3: {  	[tilespmem:s28+$0xFFFFFFD0] =	vst v16  }
0x2b4: {  	v16 =	vld.idx.msk [tilespmem:v19+s2+$0x0], $0xffff  }
0x2b5: {  	v17 =	vld.idx.msk [tilespmem:v20+s2+$0x0], $0xffff;
	_ =	sdelay $0x2  }
0x2b6: {  	v19 =	vor.u32 v6, v18;
	v20 =	vor.u32 v7, v18;
	_ =	sdelay $0x2  }
0x2b7: {  	v16 =	vpack.i.f32.bf16 v17, v16  }
0x2b8: {  	[tilespmem:s28+$0xFFFFFFE0] =	vst v16  }
0x2b9: {  	v16 =	vld.idx.msk [tilespmem:v19+s2+$0x0], $0xffff  }
0x2ba: {  	v17 =	vld.idx.msk [tilespmem:v20+s2+$0x0], $0xffff;
	_ =	sdelay $0x2  }
0x2bb: {  	v19 =	vor.u32 v8, v18;
	v20 =	vor.u32 v9, v18;
	_ =	sdelay $0x2  }
0x2bc: {  	v16 =	vpack.i.f32.bf16 v17, v16  }
0x2bd: {  	[tilespmem:s28+$0xFFFFFFF0] =	vst v16  }
0x2be: {  	v16 =	vld.idx.msk [tilespmem:v19+s2+$0x0], $0xffff  }
0x2bf: {  	v17 =	vld.idx.msk [tilespmem:v20+s2+$0x0], $0xffff;
	_ =	sdelay $0x2  }
0x2c0: {  	v19 =	vor.u32 v10, v18;
	v20 =	vor.u32 v11, v18;
	_ =	sdelay $0x2  }
0x2c1: {  	v16 =	vpack.i.f32.bf16 v17, v16  }
0x2c2: {  	[tilespmem:s28+$0x0] =	vst v16  }
0x2c3: {  	v16 =	vld.idx.msk [tilespmem:v19+s2+$0x0], $0xffff  }
0x2c4: {  	v17 =	vld.idx.msk [tilespmem:v20+s2+$0x0], $0xffff;
	_ =	sdelay $0x2  }
0x2c5: {  	v19 =	vor.u32 v12, v18;
	v20 =	vor.u32 v13, v18;
	_ =	sdelay $0x2  }
0x2c6: {  	v16 =	vpack.i.f32.bf16 v17, v16  }
0x2c7: {  	[tilespmem:s28+$0x10] =	vst v16  }
0x2c8: {  	v19 =	vld.idx.msk [tilespmem:v19+s2+$0x0], $0xffff  }
0x2c9: {  	v20 =	vld.idx.msk [tilespmem:v20+s2+$0x0], $0xffff;
	_ =	sdelay $0x2  }
.Ltmp5:
0x2ca: {  	v17 =	vor.u32 v14, v18;
	v16 =	vor.u32 v15, v18;
	(pc) =	sbr.rel @p0 .LBB2_11-.Ltmp5, $3  }
0x2cb: {  	_ =	sdelay $0x1  }
0x2cc: {  	v18 =	vpack.i.f32.bf16 v20, v19  }
0x2cd: {  	[tilespmem:s28+$0x20] =	vst v18  }
0x2ce: {  	_ =	sdelay $0x2  }
0x2cf: {  	v18 =	vmov s31  }
0x2d0: {  	v17 =	vld.idx.msk [tilespmem:v17+s2+$0x0], $0xffff;
	v19 =	vshll.u32 v18, $0x8;
	v18 =	vshll.u32 v18, $0x7  }
0x2d1: {  	v16 =	vld.idx.msk [tilespmem:v16+s2+$0x0], $0xffff;
	v19 =	vand.u32 $0x3800, v19;
	v18 =	vand.u32 $0x380, v18  }
0x2d2: {  	v18 =	vor.u32 v18, v19  }
0x2d3: {  	v19 =	vor.u32 v0, v18  }
0x2d4: {  	v20 =	vor.u32 v1, v18;
	_ =	sdelay $0x1  }
0x2d5: {  	v16 =	vpack.i.f32.bf16 v16, v17  }
0x2d6: {  	[tilespmem:s29+$0x30] =	vst v16  }
0x2d7: {  	v16 =	vld.idx.msk [tilespmem:v19+s2+$0x0], $0xffff  }
0x2d8: {  	v17 =	vld.idx.msk [tilespmem:v20+s2+$0x0], $0xffff;
	_ =	sdelay $0x1  }
0x2d9: {  	v19 =	vor.u32 v2, v18  }
0x2da: {  	v52 =	vor.u32 v3, v18;
	_ =	sdelay $0x1  }
0x2db: {  	s28 =	sadd.s32 $0x80, s28;
	v16 =	vpack.i.f32.bf16 v17, v16  }
0x2dc: {  	[tilespmem:s28+$0xFFFFFFC0] =	vst v16  }
0x2dd: {  	v16 =	vld.idx.msk [tilespmem:v19+s2+$0x0], $0xffff  }
0x2de: {  	v17 =	vld.idx.msk [tilespmem:v52+s2+$0x0], $0xffff;
	_ =	sdelay $0x1  }
0x2df: {  	v19 =	vor.u32 v4, v18  }
0x2e0: {  	v53 =	vor.u32 v5, v18;
	_ =	sdelay $0x1  }
0x2e1: {  	v16 =	vpack.i.f32.bf16 v17, v16  }
0x2e2: {  	[tilespmem:s28+$0xFFFFFFD0] =	vst v16  }
0x2e3: {  	v16 =	vld.idx.msk [tilespmem:v19+s2+$0x0], $0xffff  }
0x2e4: {  	v17 =	vld.idx.msk [tilespmem:v53+s2+$0x0], $0xffff;
	_ =	sdelay $0x1  }
0x2e5: {  	v19 =	vor.u32 v6, v18  }
0x2e6: {  	v54 =	vor.u32 v7, v18;
	_ =	sdelay $0x1  }
0x2e7: {  	v16 =	vpack.i.f32.bf16 v17, v16  }
0x2e8: {  	[tilespmem:s28+$0xFFFFFFE0] =	vst v16  }
0x2e9: {  	v16 =	vld.idx.msk [tilespmem:v19+s2+$0x0], $0xffff  }
0x2ea: {  	v17 =	vld.idx.msk [tilespmem:v54+s2+$0x0], $0xffff;
	_ =	sdelay $0x1  }
0x2eb: {  	v19 =	vor.u32 v8, v18  }
0x2ec: {  	v55 =	vor.u32 v9, v18;
	_ =	sdelay $0x1  }
0x2ed: {  	v16 =	vpack.i.f32.bf16 v17, v16  }
0x2ee: {  	[tilespmem:s28+$0xFFFFFFF0] =	vst v16  }
0x2ef: {  	v16 =	vld.idx.msk [tilespmem:v19+s2+$0x0], $0xffff  }
0x2f0: {  	v17 =	vld.idx.msk [tilespmem:v55+s2+$0x0], $0xffff;
	_ =	sdelay $0x1  }
0x2f1: {  	v19 =	vor.u32 v10, v18  }
0x2f2: {  	v56 =	vor.u32 v11, v18;
	_ =	sdelay $0x1  }
0x2f3: {  	v16 =	vpack.i.f32.bf16 v17, v16  }
0x2f4: {  	[tilespmem:s28+$0x0] =	vst v16  }
0x2f5: {  	v16 =	vld.idx.msk [tilespmem:v19+s2+$0x0], $0xffff  }
0x2f6: {  	v17 =	vld.idx.msk [tilespmem:v56+s2+$0x0], $0xffff;
	_ =	sdelay $0x1  }
0x2f7: {  	v19 =	vor.u32 v12, v18  }
0x2f8: {  	v57 =	vor.u32 v13, v18;
	_ =	sdelay $0x1  }
0x2f9: {  	v16 =	vpack.i.f32.bf16 v17, v16  }
0x2fa: {  	[tilespmem:s28+$0x10] =	vst v16  }
0x2fb: {  	v16 =	vld.idx.msk [tilespmem:v19+s2+$0x0], $0xffff  }
0x2fc: {  	v17 =	vld.idx.msk [tilespmem:v57+s2+$0x0], $0xffff;
	_ =	sdelay $0x1  }
0x2fd: {  	v19 =	vor.u32 v14, v18  }
0x2fe: {  	v18 =	vor.u32 v15, v18;
	_ =	sdelay $0x1  }
0x2ff: {  	v16 =	vpack.i.f32.bf16 v17, v16  }
0x300: {  	[tilespmem:s28+$0x20] =	vst v16  }
0x301: {  	v16 =	vld.idx.msk [tilespmem:v19+s2+$0x0], $0xffff  }
0x302: {  	v17 =	vld.idx.msk [tilespmem:v18+s2+$0x0], $0xffff;
	_ =	sdelay $0x4  }
0x303: {  	s29 =	simm.s32 $0x0;
	v16 =	vpack.i.f32.bf16 v17, v16  }
0x304: {  	[tilespmem:s28+$0x30] =	vst v16;
	v16 =	vmov s29  }
0x305: {  	[hbm4b:s11+s29] =	stream.linear.scatter [tilespmem:s25], [sflag:$0x1], $0x1400, $0x38;
	v17 =	vshll.u32 v16, $0x8;
	v16 =	vshll.u32 v16, $0x7;
	[tilespmem:$0x3C00] =	vst v63  }
0x306: {  	_ =	swait.ge [sflag:s24], $0x1400;
	v17 =	vand.u32 $0x3800, v17;
	v16 =	vand.u32 $0x380, v16  }
0x307: {  	[sflag:s24] =	ssyncset.done $0x0;
	v16 =	vor.u32 v16, v17  }
0x308: {  	[sflag:s24] =	ssyncadd.s32 $0xFFFFEC00;
	v17 =	vor.u32 v0, v16  }
0x309: {  	v18 =	vor.u32 v1, v16;
	[tilespmem:s29], [sflag:$0x1] =	stream.linear.gather [hbm4b:s12+s29], $0x2800, $0x38;
	[tilespmem:$0x3C00] =	vst v63  }
0x30a: {  	_ =	swait.ge [sflag:s24], $0x2800  }
0x30b: {  	[sflag:s24] =	ssyncset.done $0x0  }
0x30c: {  	[sflag:s24] =	ssyncadd.s32 $0xFFFFD800  }
0x30d: {  	v17 =	vld.idx.msk [tilespmem:v17+s2+$0x0], $0xffff  }
0x30e: {  	v18 =	vld.idx.msk [tilespmem:v18+s2+$0x0], $0xffff;
	_ =	sdelay $0x1  }
0x30f: {  	v19 =	vor.u32 v2, v16  }
0x310: {  	v58 =	vor.u32 v3, v16;
	_ =	sdelay $0x1  }
0x311: {  	s28 =	simm.s32 $0x2840;
	v17 =	vpack.i.f32.bf16 v18, v17  }
0x312: {  	[tilespmem:s28+$0xFFFFFFC0] =	vst v17  }
0x313: {  	v17 =	vld.idx.msk [tilespmem:v19+s2+$0x0], $0xffff  }
0x314: {  	v18 =	vld.idx.msk [tilespmem:v58+s2+$0x0], $0xffff;
	_ =	sdelay $0x1  }
0x315: {  	v19 =	vor.u32 v4, v16  }
0x316: {  	v59 =	vor.u32 v5, v16;
	_ =	sdelay $0x1  }
0x317: {  	v17 =	vpack.i.f32.bf16 v18, v17  }
0x318: {  	[tilespmem:s28+$0xFFFFFFD0] =	vst v17  }
0x319: {  	v17 =	vld.idx.msk [tilespmem:v19+s2+$0x0], $0xffff  }
0x31a: {  	v18 =	vld.idx.msk [tilespmem:v59+s2+$0x0], $0xffff;
	_ =	sdelay $0x1  }
0x31b: {  	v19 =	vor.u32 v6, v16  }
0x31c: {  	v60 =	vor.u32 v7, v16;
	_ =	sdelay $0x1  }
0x31d: {  	v17 =	vpack.i.f32.bf16 v18, v17  }
0x31e: {  	[tilespmem:s28+$0xFFFFFFE0] =	vst v17  }
0x31f: {  	v17 =	vld.idx.msk [tilespmem:v19+s2+$0x0], $0xffff  }
0x320: {  	v18 =	vld.idx.msk [tilespmem:v60+s2+$0x0], $0xffff;
	_ =	sdelay $0x1  }
0x321: {  	v19 =	vor.u32 v8, v16  }
0x322: {  	v61 =	vor.u32 v9, v16;
	_ =	sdelay $0x1  }
0x323: {  	v17 =	vpack.i.f32.bf16 v18, v17  }
0x324: {  	[tilespmem:s28+$0xFFFFFFF0] =	vst v17  }
0x325: {  	v17 =	vld.idx.msk [tilespmem:v19+s2+$0x0], $0xffff  }
0x326: {  	v18 =	vld.idx.msk [tilespmem:v61+s2+$0x0], $0xffff;
	_ =	sdelay $0x1  }
0x327: {  	v19 =	vor.u32 v10, v16  }
0x328: {  	v62 =	vor.u32 v11, v16;
	_ =	sdelay $0x1  }
0x329: {  	v17 =	vpack.i.f32.bf16 v18, v17  }
0x32a: {  	[tilespmem:s28+$0x0] =	vst v17  }
0x32b: {  	v17 =	vld.idx.msk [tilespmem:v19+s2+$0x0], $0xffff  }
0x32c: {  	v18 =	vld.idx.msk [tilespmem:v62+s2+$0x0], $0xffff;
	_ =	sdelay $0x1  }
0x32d: {  	v19 =	vor.u32 v12, v16  }
0x32e: {  	v63 =	vor.u32 v13, v16;
	_ =	sdelay $0x1  }
0x32f: {  	v17 =	vpack.i.f32.bf16 v18, v17  }
0x330: {  	[tilespmem:s28+$0x10] =	vst v17  }
0x331: {  	v17 =	vld.idx.msk [tilespmem:v19+s2+$0x0], $0xffff  }
0x332: {  	v18 =	vld.idx.msk [tilespmem:v63+s2+$0x0], $0xffff;
	_ =	sdelay $0x4  }
0x333: {  	v18 =	vpack.i.f32.bf16 v18, v17;
	v17 =	vor.u32 v14, v16  }
0x334: {  	v16 =	vor.u32 v15, v16;
	_ =	sdelay $0x1  }
0x335: {  	s31 =	simm.s32 $0x1;
	s30 =	simm.s32 $0x2;
	s29 =	simm.s32 $0x2840;
	[tilespmem:s28+$0x20] =	vst v18  }
.LBB2_13:
0x336: {  	p0 =	sne.s32 s30, $0x27  }
0x337: {  	v18 =	vmov s31;
	v17 =	vld.idx.msk [tilespmem:v17+s2+$0x0], $0xffff;
	s28 =	sadd.s32 $0x80, s28;
	s31 =	smov.u32 s30;
	s30 =	sadd.s32 $0x1, s30  }
0x338: {  	v19 =	vshll.u32 v18, $0x8;
	v18 =	vshll.u32 v18, $0x7;
	v16 =	vld.idx.msk [tilespmem:v16+s2+$0x0], $0xffff  }
0x339: {  	v19 =	vand.u32 $0x3800, v19;
	v18 =	vand.u32 $0x380, v18  }
0x33a: {  	v18 =	vor.u32 v18, v19  }
0x33b: {  	v19 =	vor.u32 v0, v18;
	v20 =	vor.u32 v1, v18;
	_ =	sdelay $0x2  }
0x33c: {  	v16 =	vpack.i.f32.bf16 v16, v17  }
0x33d: {  	[tilespmem:s29+$0x30] =	vst v16;
	s29 =	smov.u32 s28  }
0x33e: {  	v16 =	vld.idx.msk [tilespmem:v19+s2+$0x0], $0xffff  }
0x33f: {  	v17 =	vld.idx.msk [tilespmem:v20+s2+$0x0], $0xffff;
	_ =	sdelay $0x2  }
0x340: {  	v19 =	vor.u32 v2, v18;
	v20 =	vor.u32 v3, v18;
	_ =	sdelay $0x2  }
0x341: {  	v16 =	vpack.i.f32.bf16 v17, v16  }
0x342: {  	[tilespmem:s28+$0xFFFFFFC0] =	vst v16  }
0x343: {  	v16 =	vld.idx.msk [tilespmem:v19+s2+$0x0], $0xffff  }
0x344: {  	v17 =	vld.idx.msk [tilespmem:v20+s2+$0x0], $0xffff;
	_ =	sdelay $0x2  }
0x345: {  	v19 =	vor.u32 v4, v18;
	v20 =	vor.u32 v5, v18;
	_ =	sdelay $0x2  }
0x346: {  	v16 =	vpack.i.f32.bf16 v17, v16  }
0x347: {  	[tilespmem:s28+$0xFFFFFFD0] =	vst v16  }
0x348: {  	v16 =	vld.idx.msk [tilespmem:v19+s2+$0x0], $0xffff  }
0x349: {  	v17 =	vld.idx.msk [tilespmem:v20+s2+$0x0], $0xffff;
	_ =	sdelay $0x2  }
0x34a: {  	v19 =	vor.u32 v6, v18;
	v20 =	vor.u32 v7, v18;
	_ =	sdelay $0x2  }
0x34b: {  	v16 =	vpack.i.f32.bf16 v17, v16  }
0x34c: {  	[tilespmem:s28+$0xFFFFFFE0] =	vst v16  }
0x34d: {  	v16 =	vld.idx.msk [tilespmem:v19+s2+$0x0], $0xffff  }
0x34e: {  	v17 =	vld.idx.msk [tilespmem:v20+s2+$0x0], $0xffff;
	_ =	sdelay $0x2  }
0x34f: {  	v19 =	vor.u32 v8, v18;
	v20 =	vor.u32 v9, v18;
	_ =	sdelay $0x2  }
0x350: {  	v16 =	vpack.i.f32.bf16 v17, v16  }
0x351: {  	[tilespmem:s28+$0xFFFFFFF0] =	vst v16  }
0x352: {  	v16 =	vld.idx.msk [tilespmem:v19+s2+$0x0], $0xffff  }
0x353: {  	v17 =	vld.idx.msk [tilespmem:v20+s2+$0x0], $0xffff;
	_ =	sdelay $0x2  }
0x354: {  	v19 =	vor.u32 v10, v18;
	v20 =	vor.u32 v11, v18;
	_ =	sdelay $0x2  }
0x355: {  	v16 =	vpack.i.f32.bf16 v17, v16  }
0x356: {  	[tilespmem:s28+$0x0] =	vst v16  }
0x357: {  	v16 =	vld.idx.msk [tilespmem:v19+s2+$0x0], $0xffff  }
0x358: {  	v17 =	vld.idx.msk [tilespmem:v20+s2+$0x0], $0xffff;
	_ =	sdelay $0x2  }
0x359: {  	v19 =	vor.u32 v12, v18;
	v20 =	vor.u32 v13, v18;
	_ =	sdelay $0x2  }
0x35a: {  	v16 =	vpack.i.f32.bf16 v17, v16  }
0x35b: {  	[tilespmem:s28+$0x10] =	vst v16  }
0x35c: {  	v19 =	vld.idx.msk [tilespmem:v19+s2+$0x0], $0xffff  }
0x35d: {  	v20 =	vld.idx.msk [tilespmem:v20+s2+$0x0], $0xffff;
	_ =	sdelay $0x2  }
.Ltmp6:
0x35e: {  	v17 =	vor.u32 v14, v18;
	v16 =	vor.u32 v15, v18;
	(pc) =	sbr.rel @p0 .LBB2_13-.Ltmp6, $3  }
0x35f: {  	_ =	sdelay $0x1  }
0x360: {  	v18 =	vpack.i.f32.bf16 v20, v19  }
0x361: {  	[tilespmem:s28+$0x20] =	vst v18  }
0x362: {  	_ =	sdelay $0x2  }
0x363: {  	v18 =	vmov s31  }
0x364: {  	v17 =	vld.idx.msk [tilespmem:v17+s2+$0x0], $0xffff;
	v19 =	vshll.u32 v18, $0x8;
	v18 =	vshll.u32 v18, $0x7  }
0x365: {  	v16 =	vld.idx.msk [tilespmem:v16+s2+$0x0], $0xffff;
	v19 =	vand.u32 $0x3800, v19;
	v18 =	vand.u32 $0x380, v18  }
0x366: {  	v18 =	vor.u32 v18, v19  }
0x367: {  	v19 =	vor.u32 v0, v18  }
0x368: {  	v20 =	vor.u32 v1, v18;
	_ =	sdelay $0x1  }
0x369: {  	v16 =	vpack.i.f32.bf16 v16, v17  }
0x36a: {  	[tilespmem:s29+$0x30] =	vst v16  }
0x36b: {  	v16 =	vld.idx.msk [tilespmem:v19+s2+$0x0], $0xffff  }
0x36c: {  	v17 =	vld.idx.msk [tilespmem:v20+s2+$0x0], $0xffff;
	_ =	sdelay $0x1  }
0x36d: {  	v19 =	vor.u32 v2, v18  }
0x36e: {  	v52 =	vor.u32 v3, v18;
	_ =	sdelay $0x1  }
0x36f: {  	s28 =	sadd.s32 $0x80, s28;
	v16 =	vpack.i.f32.bf16 v17, v16  }
0x370: {  	[tilespmem:s28+$0xFFFFFFC0] =	vst v16  }
0x371: {  	v16 =	vld.idx.msk [tilespmem:v19+s2+$0x0], $0xffff  }
0x372: {  	v17 =	vld.idx.msk [tilespmem:v52+s2+$0x0], $0xffff;
	_ =	sdelay $0x1  }
0x373: {  	v19 =	vor.u32 v4, v18  }
0x374: {  	v53 =	vor.u32 v5, v18;
	_ =	sdelay $0x1  }
0x375: {  	v16 =	vpack.i.f32.bf16 v17, v16  }
0x376: {  	[tilespmem:s28+$0xFFFFFFD0] =	vst v16  }
0x377: {  	v16 =	vld.idx.msk [tilespmem:v19+s2+$0x0], $0xffff  }
0x378: {  	v17 =	vld.idx.msk [tilespmem:v53+s2+$0x0], $0xffff;
	_ =	sdelay $0x1  }
0x379: {  	v19 =	vor.u32 v6, v18  }
0x37a: {  	v54 =	vor.u32 v7, v18;
	_ =	sdelay $0x1  }
0x37b: {  	v16 =	vpack.i.f32.bf16 v17, v16  }
0x37c: {  	[tilespmem:s28+$0xFFFFFFE0] =	vst v16  }
0x37d: {  	v16 =	vld.idx.msk [tilespmem:v19+s2+$0x0], $0xffff  }
0x37e: {  	v17 =	vld.idx.msk [tilespmem:v54+s2+$0x0], $0xffff;
	_ =	sdelay $0x1  }
0x37f: {  	v19 =	vor.u32 v8, v18  }
0x380: {  	v55 =	vor.u32 v9, v18;
	_ =	sdelay $0x1  }
0x381: {  	v16 =	vpack.i.f32.bf16 v17, v16  }
0x382: {  	[tilespmem:s28+$0xFFFFFFF0] =	vst v16  }
0x383: {  	v16 =	vld.idx.msk [tilespmem:v19+s2+$0x0], $0xffff  }
0x384: {  	v17 =	vld.idx.msk [tilespmem:v55+s2+$0x0], $0xffff;
	_ =	sdelay $0x1  }
0x385: {  	v19 =	vor.u32 v10, v18  }
0x386: {  	v56 =	vor.u32 v11, v18;
	_ =	sdelay $0x1  }
0x387: {  	v16 =	vpack.i.f32.bf16 v17, v16  }
0x388: {  	[tilespmem:s28+$0x0] =	vst v16  }
0x389: {  	v16 =	vld.idx.msk [tilespmem:v19+s2+$0x0], $0xffff  }
0x38a: {  	v17 =	vld.idx.msk [tilespmem:v56+s2+$0x0], $0xffff;
	_ =	sdelay $0x1  }
0x38b: {  	v19 =	vor.u32 v12, v18  }
0x38c: {  	v57 =	vor.u32 v13, v18;
	_ =	sdelay $0x1  }
0x38d: {  	v16 =	vpack.i.f32.bf16 v17, v16  }
0x38e: {  	[tilespmem:s28+$0x10] =	vst v16  }
0x38f: {  	v16 =	vld.idx.msk [tilespmem:v19+s2+$0x0], $0xffff  }
0x390: {  	v17 =	vld.idx.msk [tilespmem:v57+s2+$0x0], $0xffff;
	_ =	sdelay $0x1  }
0x391: {  	v19 =	vor.u32 v14, v18  }
0x392: {  	v18 =	vor.u32 v15, v18;
	_ =	sdelay $0x1  }
0x393: {  	v16 =	vpack.i.f32.bf16 v17, v16  }
0x394: {  	[tilespmem:s28+$0x20] =	vst v16  }
0x395: {  	v16 =	vld.idx.msk [tilespmem:v19+s2+$0x0], $0xffff  }
0x396: {  	v17 =	vld.idx.msk [tilespmem:v18+s2+$0x0], $0xffff;
	_ =	sdelay $0x4  }
0x397: {  	s29 =	simm.s32 $0x0;
	v16 =	vpack.i.f32.bf16 v17, v16  }
0x398: {  	[tilespmem:s28+$0x30] =	vst v16;
	v16 =	vmov s29  }
0x399: {  	[hbm4b:s13+s29] =	stream.linear.scatter [tilespmem:s25], [sflag:$0x1], $0x1400, $0x38;
	v17 =	vshll.u32 v16, $0x8;
	v16 =	vshll.u32 v16, $0x7;
	[tilespmem:$0x3C00] =	vst v63  }
0x39a: {  	_ =	swait.ge [sflag:s24], $0x1400;
	v17 =	vand.u32 $0x3800, v17;
	v16 =	vand.u32 $0x380, v16  }
0x39b: {  	[sflag:s24] =	ssyncset.done $0x0;
	v16 =	vor.u32 v16, v17  }
0x39c: {  	[sflag:s24] =	ssyncadd.s32 $0xFFFFEC00;
	v17 =	vor.u32 v0, v16  }
0x39d: {  	v18 =	vor.u32 v1, v16;
	[tilespmem:s29], [sflag:$0x1] =	stream.linear.gather [hbm4b:s14+s29], $0x2800, $0x38;
	[tilespmem:$0x3C00] =	vst v63  }
0x39e: {  	_ =	swait.ge [sflag:s24], $0x2800  }
0x39f: {  	[sflag:s24] =	ssyncset.done $0x0  }
0x3a0: {  	[sflag:s24] =	ssyncadd.s32 $0xFFFFD800  }
0x3a1: {  	v17 =	vld.idx.msk [tilespmem:v17+s2+$0x0], $0xffff  }
0x3a2: {  	v18 =	vld.idx.msk [tilespmem:v18+s2+$0x0], $0xffff;
	_ =	sdelay $0x1  }
0x3a3: {  	v19 =	vor.u32 v2, v16  }
0x3a4: {  	v58 =	vor.u32 v3, v16;
	_ =	sdelay $0x1  }
0x3a5: {  	s28 =	simm.s32 $0x2840;
	v17 =	vpack.i.f32.bf16 v18, v17  }
0x3a6: {  	[tilespmem:s28+$0xFFFFFFC0] =	vst v17  }
0x3a7: {  	v17 =	vld.idx.msk [tilespmem:v19+s2+$0x0], $0xffff  }
0x3a8: {  	v18 =	vld.idx.msk [tilespmem:v58+s2+$0x0], $0xffff;
	_ =	sdelay $0x1  }
0x3a9: {  	v19 =	vor.u32 v4, v16  }
0x3aa: {  	v59 =	vor.u32 v5, v16;
	_ =	sdelay $0x1  }
0x3ab: {  	v17 =	vpack.i.f32.bf16 v18, v17  }
0x3ac: {  	[tilespmem:s28+$0xFFFFFFD0] =	vst v17  }
0x3ad: {  	v17 =	vld.idx.msk [tilespmem:v19+s2+$0x0], $0xffff  }
0x3ae: {  	v18 =	vld.idx.msk [tilespmem:v59+s2+$0x0], $0xffff;
	_ =	sdelay $0x1  }
0x3af: {  	v19 =	vor.u32 v6, v16  }
0x3b0: {  	v60 =	vor.u32 v7, v16;
	_ =	sdelay $0x1  }
0x3b1: {  	v17 =	vpack.i.f32.bf16 v18, v17  }
0x3b2: {  	[tilespmem:s28+$0xFFFFFFE0] =	vst v17  }
0x3b3: {  	v17 =	vld.idx.msk [tilespmem:v19+s2+$0x0], $0xffff  }
0x3b4: {  	v18 =	vld.idx.msk [tilespmem:v60+s2+$0x0], $0xffff;
	_ =	sdelay $0x1  }
0x3b5: {  	v19 =	vor.u32 v8, v16  }
0x3b6: {  	v61 =	vor.u32 v9, v16;
	_ =	sdelay $0x1  }
0x3b7: {  	v17 =	vpack.i.f32.bf16 v18, v17  }
0x3b8: {  	[tilespmem:s28+$0xFFFFFFF0] =	vst v17  }
0x3b9: {  	v17 =	vld.idx.msk [tilespmem:v19+s2+$0x0], $0xffff  }
0x3ba: {  	v18 =	vld.idx.msk [tilespmem:v61+s2+$0x0], $0xffff;
	_ =	sdelay $0x1  }
0x3bb: {  	v19 =	vor.u32 v10, v16  }
0x3bc: {  	v62 =	vor.u32 v11, v16;
	_ =	sdelay $0x1  }
0x3bd: {  	v17 =	vpack.i.f32.bf16 v18, v17  }
0x3be: {  	[tilespmem:s28+$0x0] =	vst v17  }
0x3bf: {  	v17 =	vld.idx.msk [tilespmem:v19+s2+$0x0], $0xffff  }
0x3c0: {  	v18 =	vld.idx.msk [tilespmem:v62+s2+$0x0], $0xffff;
	_ =	sdelay $0x1  }
0x3c1: {  	v19 =	vor.u32 v12, v16  }
0x3c2: {  	v63 =	vor.u32 v13, v16;
	_ =	sdelay $0x1  }
0x3c3: {  	v17 =	vpack.i.f32.bf16 v18, v17  }
0x3c4: {  	[tilespmem:s28+$0x10] =	vst v17  }
0x3c5: {  	v17 =	vld.idx.msk [tilespmem:v19+s2+$0x0], $0xffff  }
0x3c6: {  	v18 =	vld.idx.msk [tilespmem:v63+s2+$0x0], $0xffff;
	_ =	sdelay $0x4  }
0x3c7: {  	v18 =	vpack.i.f32.bf16 v18, v17;
	v17 =	vor.u32 v14, v16  }
0x3c8: {  	v16 =	vor.u32 v15, v16;
	_ =	sdelay $0x1  }
0x3c9: {  	s31 =	simm.s32 $0x1;
	s30 =	simm.s32 $0x2;
	s29 =	simm.s32 $0x2840;
	[tilespmem:s28+$0x20] =	vst v18  }
.LBB2_15:
0x3ca: {  	p0 =	sne.s32 s30, $0x27  }
0x3cb: {  	v18 =	vmov s31;
	v17 =	vld.idx.msk [tilespmem:v17+s2+$0x0], $0xffff;
	s28 =	sadd.s32 $0x80, s28;
	s31 =	smov.u32 s30;
	s30 =	sadd.s32 $0x1, s30  }
0x3cc: {  	v19 =	vshll.u32 v18, $0x8;
	v18 =	vshll.u32 v18, $0x7;
	v16 =	vld.idx.msk [tilespmem:v16+s2+$0x0], $0xffff  }
0x3cd: {  	v19 =	vand.u32 $0x3800, v19;
	v18 =	vand.u32 $0x380, v18  }
0x3ce: {  	v18 =	vor.u32 v18, v19  }
0x3cf: {  	v19 =	vor.u32 v0, v18;
	v20 =	vor.u32 v1, v18;
	_ =	sdelay $0x2  }
0x3d0: {  	v16 =	vpack.i.f32.bf16 v16, v17  }
0x3d1: {  	[tilespmem:s29+$0x30] =	vst v16;
	s29 =	smov.u32 s28  }
0x3d2: {  	v16 =	vld.idx.msk [tilespmem:v19+s2+$0x0], $0xffff  }
0x3d3: {  	v17 =	vld.idx.msk [tilespmem:v20+s2+$0x0], $0xffff;
	_ =	sdelay $0x2  }
0x3d4: {  	v19 =	vor.u32 v2, v18;
	v20 =	vor.u32 v3, v18;
	_ =	sdelay $0x2  }
0x3d5: {  	v16 =	vpack.i.f32.bf16 v17, v16  }
0x3d6: {  	[tilespmem:s28+$0xFFFFFFC0] =	vst v16  }
0x3d7: {  	v16 =	vld.idx.msk [tilespmem:v19+s2+$0x0], $0xffff  }
0x3d8: {  	v17 =	vld.idx.msk [tilespmem:v20+s2+$0x0], $0xffff;
	_ =	sdelay $0x2  }
0x3d9: {  	v19 =	vor.u32 v4, v18;
	v20 =	vor.u32 v5, v18;
	_ =	sdelay $0x2  }
0x3da: {  	v16 =	vpack.i.f32.bf16 v17, v16  }
0x3db: {  	[tilespmem:s28+$0xFFFFFFD0] =	vst v16  }
0x3dc: {  	v16 =	vld.idx.msk [tilespmem:v19+s2+$0x0], $0xffff  }
0x3dd: {  	v17 =	vld.idx.msk [tilespmem:v20+s2+$0x0], $0xffff;
	_ =	sdelay $0x2  }
0x3de: {  	v19 =	vor.u32 v6, v18;
	v20 =	vor.u32 v7, v18;
	_ =	sdelay $0x2  }
0x3df: {  	v16 =	vpack.i.f32.bf16 v17, v16  }
0x3e0: {  	[tilespmem:s28+$0xFFFFFFE0] =	vst v16  }
0x3e1: {  	v16 =	vld.idx.msk [tilespmem:v19+s2+$0x0], $0xffff  }
0x3e2: {  	v17 =	vld.idx.msk [tilespmem:v20+s2+$0x0], $0xffff;
	_ =	sdelay $0x2  }
0x3e3: {  	v19 =	vor.u32 v8, v18;
	v20 =	vor.u32 v9, v18;
	_ =	sdelay $0x2  }
0x3e4: {  	v16 =	vpack.i.f32.bf16 v17, v16  }
0x3e5: {  	[tilespmem:s28+$0xFFFFFFF0] =	vst v16  }
0x3e6: {  	v16 =	vld.idx.msk [tilespmem:v19+s2+$0x0], $0xffff  }
0x3e7: {  	v17 =	vld.idx.msk [tilespmem:v20+s2+$0x0], $0xffff;
	_ =	sdelay $0x2  }
0x3e8: {  	v19 =	vor.u32 v10, v18;
	v20 =	vor.u32 v11, v18;
	_ =	sdelay $0x2  }
0x3e9: {  	v16 =	vpack.i.f32.bf16 v17, v16  }
0x3ea: {  	[tilespmem:s28+$0x0] =	vst v16  }
0x3eb: {  	v16 =	vld.idx.msk [tilespmem:v19+s2+$0x0], $0xffff  }
0x3ec: {  	v17 =	vld.idx.msk [tilespmem:v20+s2+$0x0], $0xffff;
	_ =	sdelay $0x2  }
0x3ed: {  	v19 =	vor.u32 v12, v18;
	v20 =	vor.u32 v13, v18;
	_ =	sdelay $0x2  }
0x3ee: {  	v16 =	vpack.i.f32.bf16 v17, v16  }
0x3ef: {  	[tilespmem:s28+$0x10] =	vst v16  }
0x3f0: {  	v19 =	vld.idx.msk [tilespmem:v19+s2+$0x0], $0xffff  }
0x3f1: {  	v20 =	vld.idx.msk [tilespmem:v20+s2+$0x0], $0xffff;
	_ =	sdelay $0x2  }
.Ltmp7:
0x3f2: {  	v17 =	vor.u32 v14, v18;
	v16 =	vor.u32 v15, v18;
	(pc) =	sbr.rel @p0 .LBB2_15-.Ltmp7, $3  }
0x3f3: {  	_ =	sdelay $0x1  }
0x3f4: {  	v18 =	vpack.i.f32.bf16 v20, v19  }
0x3f5: {  	[tilespmem:s28+$0x20] =	vst v18  }
0x3f6: {  	_ =	sdelay $0x2  }
0x3f7: {  	v18 =	vmov s31  }
0x3f8: {  	v17 =	vld.idx.msk [tilespmem:v17+s2+$0x0], $0xffff;
	v19 =	vshll.u32 v18, $0x8;
	v18 =	vshll.u32 v18, $0x7  }
0x3f9: {  	v16 =	vld.idx.msk [tilespmem:v16+s2+$0x0], $0xffff;
	v19 =	vand.u32 $0x3800, v19;
	v18 =	vand.u32 $0x380, v18  }
0x3fa: {  	v18 =	vor.u32 v18, v19  }
0x3fb: {  	v19 =	vor.u32 v0, v18  }
0x3fc: {  	v20 =	vor.u32 v1, v18;
	_ =	sdelay $0x1  }
0x3fd: {  	v16 =	vpack.i.f32.bf16 v16, v17  }
0x3fe: {  	[tilespmem:s29+$0x30] =	vst v16  }
0x3ff: {  	v16 =	vld.idx.msk [tilespmem:v19+s2+$0x0], $0xffff  }
0x400: {  	v17 =	vld.idx.msk [tilespmem:v20+s2+$0x0], $0xffff;
	_ =	sdelay $0x1  }
0x401: {  	v19 =	vor.u32 v2, v18  }
0x402: {  	v52 =	vor.u32 v3, v18;
	_ =	sdelay $0x1  }
0x403: {  	s28 =	sadd.s32 $0x80, s28;
	v16 =	vpack.i.f32.bf16 v17, v16  }
0x404: {  	[tilespmem:s28+$0xFFFFFFC0] =	vst v16  }
0x405: {  	v16 =	vld.idx.msk [tilespmem:v19+s2+$0x0], $0xffff  }
0x406: {  	v17 =	vld.idx.msk [tilespmem:v52+s2+$0x0], $0xffff;
	_ =	sdelay $0x1  }
0x407: {  	v19 =	vor.u32 v4, v18  }
0x408: {  	v53 =	vor.u32 v5, v18;
	_ =	sdelay $0x1  }
0x409: {  	v16 =	vpack.i.f32.bf16 v17, v16  }
0x40a: {  	[tilespmem:s28+$0xFFFFFFD0] =	vst v16  }
0x40b: {  	v16 =	vld.idx.msk [tilespmem:v19+s2+$0x0], $0xffff  }
0x40c: {  	v17 =	vld.idx.msk [tilespmem:v53+s2+$0x0], $0xffff;
	_ =	sdelay $0x1  }
0x40d: {  	v19 =	vor.u32 v6, v18  }
0x40e: {  	v54 =	vor.u32 v7, v18;
	_ =	sdelay $0x1  }
0x40f: {  	v16 =	vpack.i.f32.bf16 v17, v16  }
0x410: {  	[tilespmem:s28+$0xFFFFFFE0] =	vst v16  }
0x411: {  	v16 =	vld.idx.msk [tilespmem:v19+s2+$0x0], $0xffff  }
0x412: {  	v17 =	vld.idx.msk [tilespmem:v54+s2+$0x0], $0xffff;
	_ =	sdelay $0x1  }
0x413: {  	v19 =	vor.u32 v8, v18  }
0x414: {  	v55 =	vor.u32 v9, v18;
	_ =	sdelay $0x1  }
0x415: {  	v16 =	vpack.i.f32.bf16 v17, v16  }
0x416: {  	[tilespmem:s28+$0xFFFFFFF0] =	vst v16  }
0x417: {  	v16 =	vld.idx.msk [tilespmem:v19+s2+$0x0], $0xffff  }
0x418: {  	v17 =	vld.idx.msk [tilespmem:v55+s2+$0x0], $0xffff;
	_ =	sdelay $0x1  }
0x419: {  	v19 =	vor.u32 v10, v18  }
0x41a: {  	v56 =	vor.u32 v11, v18;
	_ =	sdelay $0x1  }
0x41b: {  	v16 =	vpack.i.f32.bf16 v17, v16  }
0x41c: {  	[tilespmem:s28+$0x0] =	vst v16  }
0x41d: {  	v16 =	vld.idx.msk [tilespmem:v19+s2+$0x0], $0xffff  }
0x41e: {  	v17 =	vld.idx.msk [tilespmem:v56+s2+$0x0], $0xffff;
	_ =	sdelay $0x1  }
0x41f: {  	v19 =	vor.u32 v12, v18  }
0x420: {  	v57 =	vor.u32 v13, v18;
	_ =	sdelay $0x1  }
0x421: {  	v16 =	vpack.i.f32.bf16 v17, v16  }
0x422: {  	[tilespmem:s28+$0x10] =	vst v16  }
0x423: {  	v16 =	vld.idx.msk [tilespmem:v19+s2+$0x0], $0xffff  }
0x424: {  	v17 =	vld.idx.msk [tilespmem:v57+s2+$0x0], $0xffff;
	_ =	sdelay $0x1  }
0x425: {  	v19 =	vor.u32 v14, v18  }
0x426: {  	v18 =	vor.u32 v15, v18;
	_ =	sdelay $0x1  }
0x427: {  	v16 =	vpack.i.f32.bf16 v17, v16  }
0x428: {  	[tilespmem:s28+$0x20] =	vst v16  }
0x429: {  	v16 =	vld.idx.msk [tilespmem:v19+s2+$0x0], $0xffff  }
0x42a: {  	v17 =	vld.idx.msk [tilespmem:v18+s2+$0x0], $0xffff;
	_ =	sdelay $0x4  }
0x42b: {  	s29 =	simm.s32 $0x0;
	v16 =	vpack.i.f32.bf16 v17, v16  }
0x42c: {  	[tilespmem:s28+$0x30] =	vst v16;
	v16 =	vmov s29  }
0x42d: {  	[hbm4b:s15+s29] =	stream.linear.scatter [tilespmem:s25], [sflag:$0x1], $0x1400, $0x38;
	v17 =	vshll.u32 v16, $0x8;
	v16 =	vshll.u32 v16, $0x7;
	[tilespmem:$0x3C00] =	vst v63  }
0x42e: {  	_ =	swait.ge [sflag:s24], $0x1400;
	v17 =	vand.u32 $0x3800, v17;
	v16 =	vand.u32 $0x380, v16  }
0x42f: {  	[sflag:s24] =	ssyncset.done $0x0;
	v16 =	vor.u32 v16, v17  }
0x430: {  	[sflag:s24] =	ssyncadd.s32 $0xFFFFEC00;
	v17 =	vor.u32 v0, v16  }
0x431: {  	v18 =	vor.u32 v1, v16;
	[tilespmem:s29], [sflag:$0x1] =	stream.linear.gather [hbm4b:s16+s29], $0x2800, $0x38;
	[tilespmem:$0x3C00] =	vst v63  }
0x432: {  	_ =	swait.ge [sflag:s24], $0x2800  }
0x433: {  	[sflag:s24] =	ssyncset.done $0x0  }
0x434: {  	[sflag:s24] =	ssyncadd.s32 $0xFFFFD800  }
0x435: {  	v17 =	vld.idx.msk [tilespmem:v17+s2+$0x0], $0xffff  }
0x436: {  	v18 =	vld.idx.msk [tilespmem:v18+s2+$0x0], $0xffff;
	_ =	sdelay $0x1  }
0x437: {  	v19 =	vor.u32 v2, v16  }
0x438: {  	v58 =	vor.u32 v3, v16;
	_ =	sdelay $0x1  }
0x439: {  	s28 =	simm.s32 $0x2840;
	v17 =	vpack.i.f32.bf16 v18, v17  }
0x43a: {  	[tilespmem:s28+$0xFFFFFFC0] =	vst v17  }
0x43b: {  	v17 =	vld.idx.msk [tilespmem:v19+s2+$0x0], $0xffff  }
0x43c: {  	v18 =	vld.idx.msk [tilespmem:v58+s2+$0x0], $0xffff;
	_ =	sdelay $0x1  }
0x43d: {  	v19 =	vor.u32 v4, v16  }
0x43e: {  	v59 =	vor.u32 v5, v16;
	_ =	sdelay $0x1  }
0x43f: {  	v17 =	vpack.i.f32.bf16 v18, v17  }
0x440: {  	[tilespmem:s28+$0xFFFFFFD0] =	vst v17  }
0x441: {  	v17 =	vld.idx.msk [tilespmem:v19+s2+$0x0], $0xffff  }
0x442: {  	v18 =	vld.idx.msk [tilespmem:v59+s2+$0x0], $0xffff;
	_ =	sdelay $0x1  }
0x443: {  	v19 =	vor.u32 v6, v16  }
0x444: {  	v60 =	vor.u32 v7, v16;
	_ =	sdelay $0x1  }
0x445: {  	v17 =	vpack.i.f32.bf16 v18, v17  }
0x446: {  	[tilespmem:s28+$0xFFFFFFE0] =	vst v17  }
0x447: {  	v17 =	vld.idx.msk [tilespmem:v19+s2+$0x0], $0xffff  }
0x448: {  	v18 =	vld.idx.msk [tilespmem:v60+s2+$0x0], $0xffff;
	_ =	sdelay $0x1  }
0x449: {  	v19 =	vor.u32 v8, v16  }
0x44a: {  	v61 =	vor.u32 v9, v16;
	_ =	sdelay $0x1  }
0x44b: {  	v17 =	vpack.i.f32.bf16 v18, v17  }
0x44c: {  	[tilespmem:s28+$0xFFFFFFF0] =	vst v17  }
0x44d: {  	v17 =	vld.idx.msk [tilespmem:v19+s2+$0x0], $0xffff  }
0x44e: {  	v18 =	vld.idx.msk [tilespmem:v61+s2+$0x0], $0xffff;
	_ =	sdelay $0x1  }
0x44f: {  	v19 =	vor.u32 v10, v16  }
0x450: {  	v62 =	vor.u32 v11, v16;
	_ =	sdelay $0x1  }
0x451: {  	v17 =	vpack.i.f32.bf16 v18, v17  }
0x452: {  	[tilespmem:s28+$0x0] =	vst v17  }
0x453: {  	v17 =	vld.idx.msk [tilespmem:v19+s2+$0x0], $0xffff  }
0x454: {  	v18 =	vld.idx.msk [tilespmem:v62+s2+$0x0], $0xffff;
	_ =	sdelay $0x1  }
0x455: {  	v19 =	vor.u32 v12, v16  }
0x456: {  	v63 =	vor.u32 v13, v16;
	_ =	sdelay $0x1  }
0x457: {  	v17 =	vpack.i.f32.bf16 v18, v17  }
0x458: {  	[tilespmem:s28+$0x10] =	vst v17  }
0x459: {  	v17 =	vld.idx.msk [tilespmem:v19+s2+$0x0], $0xffff  }
0x45a: {  	v18 =	vld.idx.msk [tilespmem:v63+s2+$0x0], $0xffff;
	_ =	sdelay $0x4  }
0x45b: {  	v18 =	vpack.i.f32.bf16 v18, v17;
	v17 =	vor.u32 v14, v16  }
0x45c: {  	v16 =	vor.u32 v15, v16;
	_ =	sdelay $0x1  }
0x45d: {  	s31 =	simm.s32 $0x1;
	s30 =	simm.s32 $0x2;
	s29 =	simm.s32 $0x2840;
	[tilespmem:s28+$0x20] =	vst v18  }
.LBB2_17:
0x45e: {  	p0 =	sne.s32 s30, $0x27  }
0x45f: {  	v18 =	vmov s31;
	v17 =	vld.idx.msk [tilespmem:v17+s2+$0x0], $0xffff;
	s28 =	sadd.s32 $0x80, s28;
	s31 =	smov.u32 s30;
	s30 =	sadd.s32 $0x1, s30  }
0x460: {  	v19 =	vshll.u32 v18, $0x8;
	v18 =	vshll.u32 v18, $0x7;
	v16 =	vld.idx.msk [tilespmem:v16+s2+$0x0], $0xffff  }
0x461: {  	v19 =	vand.u32 $0x3800, v19;
	v18 =	vand.u32 $0x380, v18  }
0x462: {  	v18 =	vor.u32 v18, v19  }
0x463: {  	v19 =	vor.u32 v0, v18;
	v20 =	vor.u32 v1, v18;
	_ =	sdelay $0x2  }
0x464: {  	v16 =	vpack.i.f32.bf16 v16, v17  }
0x465: {  	[tilespmem:s29+$0x30] =	vst v16;
	s29 =	smov.u32 s28  }
0x466: {  	v16 =	vld.idx.msk [tilespmem:v19+s2+$0x0], $0xffff  }
0x467: {  	v17 =	vld.idx.msk [tilespmem:v20+s2+$0x0], $0xffff;
	_ =	sdelay $0x2  }
0x468: {  	v19 =	vor.u32 v2, v18;
	v20 =	vor.u32 v3, v18;
	_ =	sdelay $0x2  }
0x469: {  	v16 =	vpack.i.f32.bf16 v17, v16  }
0x46a: {  	[tilespmem:s28+$0xFFFFFFC0] =	vst v16  }
0x46b: {  	v16 =	vld.idx.msk [tilespmem:v19+s2+$0x0], $0xffff  }
0x46c: {  	v17 =	vld.idx.msk [tilespmem:v20+s2+$0x0], $0xffff;
	_ =	sdelay $0x2  }
0x46d: {  	v19 =	vor.u32 v4, v18;
	v20 =	vor.u32 v5, v18;
	_ =	sdelay $0x2  }
0x46e: {  	v16 =	vpack.i.f32.bf16 v17, v16  }
0x46f: {  	[tilespmem:s28+$0xFFFFFFD0] =	vst v16  }
0x470: {  	v16 =	vld.idx.msk [tilespmem:v19+s2+$0x0], $0xffff  }
0x471: {  	v17 =	vld.idx.msk [tilespmem:v20+s2+$0x0], $0xffff;
	_ =	sdelay $0x2  }
0x472: {  	v19 =	vor.u32 v6, v18;
	v20 =	vor.u32 v7, v18;
	_ =	sdelay $0x2  }
0x473: {  	v16 =	vpack.i.f32.bf16 v17, v16  }
0x474: {  	[tilespmem:s28+$0xFFFFFFE0] =	vst v16  }
0x475: {  	v16 =	vld.idx.msk [tilespmem:v19+s2+$0x0], $0xffff  }
0x476: {  	v17 =	vld.idx.msk [tilespmem:v20+s2+$0x0], $0xffff;
	_ =	sdelay $0x2  }
0x477: {  	v19 =	vor.u32 v8, v18;
	v20 =	vor.u32 v9, v18;
	_ =	sdelay $0x2  }
0x478: {  	v16 =	vpack.i.f32.bf16 v17, v16  }
0x479: {  	[tilespmem:s28+$0xFFFFFFF0] =	vst v16  }
0x47a: {  	v16 =	vld.idx.msk [tilespmem:v19+s2+$0x0], $0xffff  }
0x47b: {  	v17 =	vld.idx.msk [tilespmem:v20+s2+$0x0], $0xffff;
	_ =	sdelay $0x2  }
0x47c: {  	v19 =	vor.u32 v10, v18;
	v20 =	vor.u32 v11, v18;
	_ =	sdelay $0x2  }
0x47d: {  	v16 =	vpack.i.f32.bf16 v17, v16  }
0x47e: {  	[tilespmem:s28+$0x0] =	vst v16  }
0x47f: {  	v16 =	vld.idx.msk [tilespmem:v19+s2+$0x0], $0xffff  }
0x480: {  	v17 =	vld.idx.msk [tilespmem:v20+s2+$0x0], $0xffff;
	_ =	sdelay $0x2  }
0x481: {  	v19 =	vor.u32 v12, v18;
	v20 =	vor.u32 v13, v18;
	_ =	sdelay $0x2  }
0x482: {  	v16 =	vpack.i.f32.bf16 v17, v16  }
0x483: {  	[tilespmem:s28+$0x10] =	vst v16  }
0x484: {  	v19 =	vld.idx.msk [tilespmem:v19+s2+$0x0], $0xffff  }
0x485: {  	v20 =	vld.idx.msk [tilespmem:v20+s2+$0x0], $0xffff;
	_ =	sdelay $0x2  }
.Ltmp8:
0x486: {  	v17 =	vor.u32 v14, v18;
	v16 =	vor.u32 v15, v18;
	(pc) =	sbr.rel @p0 .LBB2_17-.Ltmp8, $3  }
0x487: {  	_ =	sdelay $0x1  }
0x488: {  	v18 =	vpack.i.f32.bf16 v20, v19  }
0x489: {  	[tilespmem:s28+$0x20] =	vst v18  }
0x48a: {  	_ =	sdelay $0x2  }
0x48b: {  	v18 =	vmov s31  }
0x48c: {  	v17 =	vld.idx.msk [tilespmem:v17+s2+$0x0], $0xffff;
	v19 =	vshll.u32 v18, $0x8;
	v18 =	vshll.u32 v18, $0x7  }
0x48d: {  	v16 =	vld.idx.msk [tilespmem:v16+s2+$0x0], $0xffff;
	v19 =	vand.u32 $0x3800, v19;
	v18 =	vand.u32 $0x380, v18  }
0x48e: {  	v18 =	vor.u32 v18, v19  }
0x48f: {  	v19 =	vor.u32 v0, v18  }
0x490: {  	v20 =	vor.u32 v1, v18;
	_ =	sdelay $0x1  }
0x491: {  	v16 =	vpack.i.f32.bf16 v16, v17  }
0x492: {  	[tilespmem:s29+$0x30] =	vst v16  }
0x493: {  	v16 =	vld.idx.msk [tilespmem:v19+s2+$0x0], $0xffff  }
0x494: {  	v17 =	vld.idx.msk [tilespmem:v20+s2+$0x0], $0xffff;
	_ =	sdelay $0x1  }
0x495: {  	v19 =	vor.u32 v2, v18  }
0x496: {  	v52 =	vor.u32 v3, v18;
	_ =	sdelay $0x1  }
0x497: {  	s28 =	sadd.s32 $0x80, s28;
	v16 =	vpack.i.f32.bf16 v17, v16  }
0x498: {  	[tilespmem:s28+$0xFFFFFFC0] =	vst v16  }
0x499: {  	v16 =	vld.idx.msk [tilespmem:v19+s2+$0x0], $0xffff  }
0x49a: {  	v17 =	vld.idx.msk [tilespmem:v52+s2+$0x0], $0xffff;
	_ =	sdelay $0x1  }
0x49b: {  	v19 =	vor.u32 v4, v18  }
0x49c: {  	v53 =	vor.u32 v5, v18;
	_ =	sdelay $0x1  }
0x49d: {  	v16 =	vpack.i.f32.bf16 v17, v16  }
0x49e: {  	[tilespmem:s28+$0xFFFFFFD0] =	vst v16  }
0x49f: {  	v16 =	vld.idx.msk [tilespmem:v19+s2+$0x0], $0xffff  }
0x4a0: {  	v17 =	vld.idx.msk [tilespmem:v53+s2+$0x0], $0xffff;
	_ =	sdelay $0x1  }
0x4a1: {  	v19 =	vor.u32 v6, v18  }
0x4a2: {  	v54 =	vor.u32 v7, v18;
	_ =	sdelay $0x1  }
0x4a3: {  	v16 =	vpack.i.f32.bf16 v17, v16  }
0x4a4: {  	[tilespmem:s28+$0xFFFFFFE0] =	vst v16  }
0x4a5: {  	v16 =	vld.idx.msk [tilespmem:v19+s2+$0x0], $0xffff  }
0x4a6: {  	v17 =	vld.idx.msk [tilespmem:v54+s2+$0x0], $0xffff;
	_ =	sdelay $0x1  }
0x4a7: {  	v19 =	vor.u32 v8, v18  }
0x4a8: {  	v55 =	vor.u32 v9, v18;
	_ =	sdelay $0x1  }
0x4a9: {  	v16 =	vpack.i.f32.bf16 v17, v16  }
0x4aa: {  	[tilespmem:s28+$0xFFFFFFF0] =	vst v16  }
0x4ab: {  	v16 =	vld.idx.msk [tilespmem:v19+s2+$0x0], $0xffff  }
0x4ac: {  	v17 =	vld.idx.msk [tilespmem:v55+s2+$0x0], $0xffff;
	_ =	sdelay $0x1  }
0x4ad: {  	v19 =	vor.u32 v10, v18  }
0x4ae: {  	v56 =	vor.u32 v11, v18;
	_ =	sdelay $0x1  }
0x4af: {  	v16 =	vpack.i.f32.bf16 v17, v16  }
0x4b0: {  	[tilespmem:s28+$0x0] =	vst v16  }
0x4b1: {  	v16 =	vld.idx.msk [tilespmem:v19+s2+$0x0], $0xffff  }
0x4b2: {  	v17 =	vld.idx.msk [tilespmem:v56+s2+$0x0], $0xffff;
	_ =	sdelay $0x1  }
0x4b3: {  	v19 =	vor.u32 v12, v18  }
0x4b4: {  	v57 =	vor.u32 v13, v18;
	_ =	sdelay $0x1  }
0x4b5: {  	v16 =	vpack.i.f32.bf16 v17, v16  }
0x4b6: {  	[tilespmem:s28+$0x10] =	vst v16  }
0x4b7: {  	v16 =	vld.idx.msk [tilespmem:v19+s2+$0x0], $0xffff  }
0x4b8: {  	v17 =	vld.idx.msk [tilespmem:v57+s2+$0x0], $0xffff;
	_ =	sdelay $0x1  }
0x4b9: {  	v19 =	vor.u32 v14, v18  }
0x4ba: {  	v18 =	vor.u32 v15, v18;
	_ =	sdelay $0x1  }
0x4bb: {  	v16 =	vpack.i.f32.bf16 v17, v16  }
0x4bc: {  	[tilespmem:s28+$0x20] =	vst v16  }
0x4bd: {  	v16 =	vld.idx.msk [tilespmem:v19+s2+$0x0], $0xffff  }
0x4be: {  	v17 =	vld.idx.msk [tilespmem:v18+s2+$0x0], $0xffff;
	_ =	sdelay $0x4  }
0x4bf: {  	s29 =	simm.s32 $0x0;
	v16 =	vpack.i.f32.bf16 v17, v16  }
0x4c0: {  	[tilespmem:s28+$0x30] =	vst v16;
	v16 =	vmov s29  }
0x4c1: {  	[hbm4b:s17+s29] =	stream.linear.scatter [tilespmem:s25], [sflag:$0x1], $0x1400, $0x38;
	v17 =	vshll.u32 v16, $0x8;
	v16 =	vshll.u32 v16, $0x7;
	[tilespmem:$0x3C00] =	vst v63  }
0x4c2: {  	_ =	swait.ge [sflag:s24], $0x1400;
	v17 =	vand.u32 $0x3800, v17;
	v16 =	vand.u32 $0x380, v16  }
0x4c3: {  	[sflag:s24] =	ssyncset.done $0x0;
	v16 =	vor.u32 v16, v17  }
0x4c4: {  	[sflag:s24] =	ssyncadd.s32 $0xFFFFEC00;
	v17 =	vor.u32 v0, v16  }
0x4c5: {  	v18 =	vor.u32 v1, v16;
	[tilespmem:s29], [sflag:$0x1] =	stream.linear.gather [hbm4b:s18+s29], $0x2800, $0x38;
	[tilespmem:$0x3C00] =	vst v63  }
0x4c6: {  	_ =	swait.ge [sflag:s24], $0x2800  }
0x4c7: {  	[sflag:s24] =	ssyncset.done $0x0  }
0x4c8: {  	[sflag:s24] =	ssyncadd.s32 $0xFFFFD800  }
0x4c9: {  	v17 =	vld.idx.msk [tilespmem:v17+s2+$0x0], $0xffff  }
0x4ca: {  	v18 =	vld.idx.msk [tilespmem:v18+s2+$0x0], $0xffff;
	_ =	sdelay $0x1  }
0x4cb: {  	v19 =	vor.u32 v2, v16  }
0x4cc: {  	v58 =	vor.u32 v3, v16;
	_ =	sdelay $0x1  }
0x4cd: {  	s28 =	simm.s32 $0x2840;
	v17 =	vpack.i.f32.bf16 v18, v17  }
0x4ce: {  	[tilespmem:s28+$0xFFFFFFC0] =	vst v17  }
0x4cf: {  	v17 =	vld.idx.msk [tilespmem:v19+s2+$0x0], $0xffff  }
0x4d0: {  	v18 =	vld.idx.msk [tilespmem:v58+s2+$0x0], $0xffff;
	_ =	sdelay $0x1  }
0x4d1: {  	v19 =	vor.u32 v4, v16  }
0x4d2: {  	v59 =	vor.u32 v5, v16;
	_ =	sdelay $0x1  }
0x4d3: {  	v17 =	vpack.i.f32.bf16 v18, v17  }
0x4d4: {  	[tilespmem:s28+$0xFFFFFFD0] =	vst v17  }
0x4d5: {  	v17 =	vld.idx.msk [tilespmem:v19+s2+$0x0], $0xffff  }
0x4d6: {  	v18 =	vld.idx.msk [tilespmem:v59+s2+$0x0], $0xffff;
	_ =	sdelay $0x1  }
0x4d7: {  	v19 =	vor.u32 v6, v16  }
0x4d8: {  	v60 =	vor.u32 v7, v16;
	_ =	sdelay $0x1  }
0x4d9: {  	v17 =	vpack.i.f32.bf16 v18, v17  }
0x4da: {  	[tilespmem:s28+$0xFFFFFFE0] =	vst v17  }
0x4db: {  	v17 =	vld.idx.msk [tilespmem:v19+s2+$0x0], $0xffff  }
0x4dc: {  	v18 =	vld.idx.msk [tilespmem:v60+s2+$0x0], $0xffff;
	_ =	sdelay $0x1  }
0x4dd: {  	v19 =	vor.u32 v8, v16  }
0x4de: {  	v61 =	vor.u32 v9, v16;
	_ =	sdelay $0x1  }
0x4df: {  	v17 =	vpack.i.f32.bf16 v18, v17  }
0x4e0: {  	[tilespmem:s28+$0xFFFFFFF0] =	vst v17  }
0x4e1: {  	v17 =	vld.idx.msk [tilespmem:v19+s2+$0x0], $0xffff  }
0x4e2: {  	v18 =	vld.idx.msk [tilespmem:v61+s2+$0x0], $0xffff;
	_ =	sdelay $0x1  }
0x4e3: {  	v19 =	vor.u32 v10, v16  }
0x4e4: {  	v62 =	vor.u32 v11, v16;
	_ =	sdelay $0x1  }
0x4e5: {  	v17 =	vpack.i.f32.bf16 v18, v17  }
0x4e6: {  	[tilespmem:s28+$0x0] =	vst v17  }
0x4e7: {  	v17 =	vld.idx.msk [tilespmem:v19+s2+$0x0], $0xffff  }
0x4e8: {  	v18 =	vld.idx.msk [tilespmem:v62+s2+$0x0], $0xffff;
	_ =	sdelay $0x1  }
0x4e9: {  	v19 =	vor.u32 v12, v16  }
0x4ea: {  	v63 =	vor.u32 v13, v16;
	_ =	sdelay $0x1  }
0x4eb: {  	v17 =	vpack.i.f32.bf16 v18, v17  }
0x4ec: {  	[tilespmem:s28+$0x10] =	vst v17  }
0x4ed: {  	v17 =	vld.idx.msk [tilespmem:v19+s2+$0x0], $0xffff  }
0x4ee: {  	v18 =	vld.idx.msk [tilespmem:v63+s2+$0x0], $0xffff;
	_ =	sdelay $0x4  }
0x4ef: {  	v18 =	vpack.i.f32.bf16 v18, v17;
	v17 =	vor.u32 v14, v16  }
0x4f0: {  	v16 =	vor.u32 v15, v16;
	_ =	sdelay $0x1  }
0x4f1: {  	s31 =	simm.s32 $0x1;
	s30 =	simm.s32 $0x2;
	s29 =	simm.s32 $0x2840;
	[tilespmem:s28+$0x20] =	vst v18  }
.LBB2_19:
0x4f2: {  	p0 =	sne.s32 s30, $0x27  }
0x4f3: {  	v18 =	vmov s31;
	v17 =	vld.idx.msk [tilespmem:v17+s2+$0x0], $0xffff;
	s28 =	sadd.s32 $0x80, s28;
	s31 =	smov.u32 s30;
	s30 =	sadd.s32 $0x1, s30  }
0x4f4: {  	v19 =	vshll.u32 v18, $0x8;
	v18 =	vshll.u32 v18, $0x7;
	v16 =	vld.idx.msk [tilespmem:v16+s2+$0x0], $0xffff  }
0x4f5: {  	v19 =	vand.u32 $0x3800, v19;
	v18 =	vand.u32 $0x380, v18  }
0x4f6: {  	v18 =	vor.u32 v18, v19  }
0x4f7: {  	v19 =	vor.u32 v0, v18;
	v20 =	vor.u32 v1, v18;
	_ =	sdelay $0x2  }
0x4f8: {  	v16 =	vpack.i.f32.bf16 v16, v17  }
0x4f9: {  	[tilespmem:s29+$0x30] =	vst v16;
	s29 =	smov.u32 s28  }
0x4fa: {  	v16 =	vld.idx.msk [tilespmem:v19+s2+$0x0], $0xffff  }
0x4fb: {  	v17 =	vld.idx.msk [tilespmem:v20+s2+$0x0], $0xffff;
	_ =	sdelay $0x2  }
0x4fc: {  	v19 =	vor.u32 v2, v18;
	v20 =	vor.u32 v3, v18;
	_ =	sdelay $0x2  }
0x4fd: {  	v16 =	vpack.i.f32.bf16 v17, v16  }
0x4fe: {  	[tilespmem:s28+$0xFFFFFFC0] =	vst v16  }
0x4ff: {  	v16 =	vld.idx.msk [tilespmem:v19+s2+$0x0], $0xffff  }
0x500: {  	v17 =	vld.idx.msk [tilespmem:v20+s2+$0x0], $0xffff;
	_ =	sdelay $0x2  }
0x501: {  	v19 =	vor.u32 v4, v18;
	v20 =	vor.u32 v5, v18;
	_ =	sdelay $0x2  }
0x502: {  	v16 =	vpack.i.f32.bf16 v17, v16  }
0x503: {  	[tilespmem:s28+$0xFFFFFFD0] =	vst v16  }
0x504: {  	v16 =	vld.idx.msk [tilespmem:v19+s2+$0x0], $0xffff  }
0x505: {  	v17 =	vld.idx.msk [tilespmem:v20+s2+$0x0], $0xffff;
	_ =	sdelay $0x2  }
0x506: {  	v19 =	vor.u32 v6, v18;
	v20 =	vor.u32 v7, v18;
	_ =	sdelay $0x2  }
0x507: {  	v16 =	vpack.i.f32.bf16 v17, v16  }
0x508: {  	[tilespmem:s28+$0xFFFFFFE0] =	vst v16  }
0x509: {  	v16 =	vld.idx.msk [tilespmem:v19+s2+$0x0], $0xffff  }
0x50a: {  	v17 =	vld.idx.msk [tilespmem:v20+s2+$0x0], $0xffff;
	_ =	sdelay $0x2  }
0x50b: {  	v19 =	vor.u32 v8, v18;
	v20 =	vor.u32 v9, v18;
	_ =	sdelay $0x2  }
0x50c: {  	v16 =	vpack.i.f32.bf16 v17, v16  }
0x50d: {  	[tilespmem:s28+$0xFFFFFFF0] =	vst v16  }
0x50e: {  	v16 =	vld.idx.msk [tilespmem:v19+s2+$0x0], $0xffff  }
0x50f: {  	v17 =	vld.idx.msk [tilespmem:v20+s2+$0x0], $0xffff;
	_ =	sdelay $0x2  }
0x510: {  	v19 =	vor.u32 v10, v18;
	v20 =	vor.u32 v11, v18;
	_ =	sdelay $0x2  }
0x511: {  	v16 =	vpack.i.f32.bf16 v17, v16  }
0x512: {  	[tilespmem:s28+$0x0] =	vst v16  }
0x513: {  	v16 =	vld.idx.msk [tilespmem:v19+s2+$0x0], $0xffff  }
0x514: {  	v17 =	vld.idx.msk [tilespmem:v20+s2+$0x0], $0xffff;
	_ =	sdelay $0x2  }
0x515: {  	v19 =	vor.u32 v12, v18;
	v20 =	vor.u32 v13, v18;
	_ =	sdelay $0x2  }
0x516: {  	v16 =	vpack.i.f32.bf16 v17, v16  }
0x517: {  	[tilespmem:s28+$0x10] =	vst v16  }
0x518: {  	v19 =	vld.idx.msk [tilespmem:v19+s2+$0x0], $0xffff  }
0x519: {  	v20 =	vld.idx.msk [tilespmem:v20+s2+$0x0], $0xffff;
	_ =	sdelay $0x2  }
.Ltmp9:
0x51a: {  	v17 =	vor.u32 v14, v18;
	v16 =	vor.u32 v15, v18;
	(pc) =	sbr.rel @p0 .LBB2_19-.Ltmp9, $3  }
0x51b: {  	_ =	sdelay $0x1  }
0x51c: {  	v18 =	vpack.i.f32.bf16 v20, v19  }
0x51d: {  	[tilespmem:s28+$0x20] =	vst v18  }
0x51e: {  	_ =	sdelay $0x2  }
0x51f: {  	v18 =	vmov s31  }
0x520: {  	v17 =	vld.idx.msk [tilespmem:v17+s2+$0x0], $0xffff;
	v19 =	vshll.u32 v18, $0x8;
	v18 =	vshll.u32 v18, $0x7  }
0x521: {  	v16 =	vld.idx.msk [tilespmem:v16+s2+$0x0], $0xffff;
	v19 =	vand.u32 $0x3800, v19;
	v18 =	vand.u32 $0x380, v18  }
0x522: {  	v18 =	vor.u32 v18, v19  }
0x523: {  	v19 =	vor.u32 v0, v18  }
0x524: {  	v20 =	vor.u32 v1, v18;
	_ =	sdelay $0x1  }
0x525: {  	v16 =	vpack.i.f32.bf16 v16, v17  }
0x526: {  	[tilespmem:s29+$0x30] =	vst v16  }
0x527: {  	v16 =	vld.idx.msk [tilespmem:v19+s2+$0x0], $0xffff  }
0x528: {  	v17 =	vld.idx.msk [tilespmem:v20+s2+$0x0], $0xffff;
	_ =	sdelay $0x1  }
0x529: {  	v19 =	vor.u32 v2, v18  }
0x52a: {  	v52 =	vor.u32 v3, v18;
	_ =	sdelay $0x1  }
0x52b: {  	s28 =	sadd.s32 $0x80, s28;
	v16 =	vpack.i.f32.bf16 v17, v16  }
0x52c: {  	[tilespmem:s28+$0xFFFFFFC0] =	vst v16  }
0x52d: {  	v16 =	vld.idx.msk [tilespmem:v19+s2+$0x0], $0xffff  }
0x52e: {  	v17 =	vld.idx.msk [tilespmem:v52+s2+$0x0], $0xffff;
	_ =	sdelay $0x1  }
0x52f: {  	v19 =	vor.u32 v4, v18  }
0x530: {  	v53 =	vor.u32 v5, v18;
	_ =	sdelay $0x1  }
0x531: {  	v16 =	vpack.i.f32.bf16 v17, v16  }
0x532: {  	[tilespmem:s28+$0xFFFFFFD0] =	vst v16  }
0x533: {  	v16 =	vld.idx.msk [tilespmem:v19+s2+$0x0], $0xffff  }
0x534: {  	v17 =	vld.idx.msk [tilespmem:v53+s2+$0x0], $0xffff;
	_ =	sdelay $0x1  }
0x535: {  	v19 =	vor.u32 v6, v18  }
0x536: {  	v54 =	vor.u32 v7, v18;
	_ =	sdelay $0x1  }
0x537: {  	v16 =	vpack.i.f32.bf16 v17, v16  }
0x538: {  	[tilespmem:s28+$0xFFFFFFE0] =	vst v16  }
0x539: {  	v16 =	vld.idx.msk [tilespmem:v19+s2+$0x0], $0xffff  }
0x53a: {  	v17 =	vld.idx.msk [tilespmem:v54+s2+$0x0], $0xffff;
	_ =	sdelay $0x1  }
0x53b: {  	v19 =	vor.u32 v8, v18  }
0x53c: {  	v55 =	vor.u32 v9, v18;
	_ =	sdelay $0x1  }
0x53d: {  	v16 =	vpack.i.f32.bf16 v17, v16  }
0x53e: {  	[tilespmem:s28+$0xFFFFFFF0] =	vst v16  }
0x53f: {  	v16 =	vld.idx.msk [tilespmem:v19+s2+$0x0], $0xffff  }
0x540: {  	v17 =	vld.idx.msk [tilespmem:v55+s2+$0x0], $0xffff;
	_ =	sdelay $0x1  }
0x541: {  	v19 =	vor.u32 v10, v18  }
0x542: {  	v56 =	vor.u32 v11, v18;
	_ =	sdelay $0x1  }
0x543: {  	v16 =	vpack.i.f32.bf16 v17, v16  }
0x544: {  	[tilespmem:s28+$0x0] =	vst v16  }
0x545: {  	v16 =	vld.idx.msk [tilespmem:v19+s2+$0x0], $0xffff  }
0x546: {  	v17 =	vld.idx.msk [tilespmem:v56+s2+$0x0], $0xffff;
	_ =	sdelay $0x1  }
0x547: {  	v19 =	vor.u32 v12, v18  }
0x548: {  	v57 =	vor.u32 v13, v18;
	_ =	sdelay $0x1  }
0x549: {  	v16 =	vpack.i.f32.bf16 v17, v16  }
0x54a: {  	[tilespmem:s28+$0x10] =	vst v16  }
0x54b: {  	v16 =	vld.idx.msk [tilespmem:v19+s2+$0x0], $0xffff  }
0x54c: {  	v17 =	vld.idx.msk [tilespmem:v57+s2+$0x0], $0xffff;
	_ =	sdelay $0x1  }
0x54d: {  	v19 =	vor.u32 v14, v18  }
0x54e: {  	v18 =	vor.u32 v15, v18;
	_ =	sdelay $0x1  }
0x54f: {  	v16 =	vpack.i.f32.bf16 v17, v16  }
0x550: {  	[tilespmem:s28+$0x20] =	vst v16  }
0x551: {  	v16 =	vld.idx.msk [tilespmem:v19+s2+$0x0], $0xffff  }
0x552: {  	v17 =	vld.idx.msk [tilespmem:v18+s2+$0x0], $0xffff;
	_ =	sdelay $0x4  }
0x553: {  	s29 =	simm.s32 $0x0;
	v16 =	vpack.i.f32.bf16 v17, v16  }
0x554: {  	[tilespmem:s28+$0x30] =	vst v16;
	v16 =	vmov s29  }
0x555: {  	[hbm4b:s19+s29] =	stream.linear.scatter [tilespmem:s25], [sflag:$0x1], $0x1400, $0x38;
	v17 =	vshll.u32 v16, $0x8;
	v16 =	vshll.u32 v16, $0x7;
	[tilespmem:$0x3C00] =	vst v63  }
0x556: {  	_ =	swait.ge [sflag:s24], $0x1400;
	v17 =	vand.u32 $0x3800, v17;
	v16 =	vand.u32 $0x380, v16  }
0x557: {  	[sflag:s24] =	ssyncset.done $0x0;
	v16 =	vor.u32 v16, v17  }
0x558: {  	[sflag:s24] =	ssyncadd.s32 $0xFFFFEC00;
	v17 =	vor.u32 v0, v16  }
0x559: {  	v18 =	vor.u32 v1, v16;
	[tilespmem:s29], [sflag:$0x1] =	stream.linear.gather [hbm4b:s20+s29], $0x2800, $0x38;
	[tilespmem:$0x3C00] =	vst v63  }
0x55a: {  	_ =	swait.ge [sflag:s24], $0x2800  }
0x55b: {  	[sflag:s24] =	ssyncset.done $0x0  }
0x55c: {  	[sflag:s24] =	ssyncadd.s32 $0xFFFFD800  }
0x55d: {  	v17 =	vld.idx.msk [tilespmem:v17+s2+$0x0], $0xffff  }
0x55e: {  	v18 =	vld.idx.msk [tilespmem:v18+s2+$0x0], $0xffff;
	_ =	sdelay $0x1  }
0x55f: {  	v19 =	vor.u32 v2, v16  }
0x560: {  	v58 =	vor.u32 v3, v16;
	_ =	sdelay $0x1  }
0x561: {  	s28 =	simm.s32 $0x2840;
	v17 =	vpack.i.f32.bf16 v18, v17  }
0x562: {  	[tilespmem:s28+$0xFFFFFFC0] =	vst v17  }
0x563: {  	v17 =	vld.idx.msk [tilespmem:v19+s2+$0x0], $0xffff  }
0x564: {  	v18 =	vld.idx.msk [tilespmem:v58+s2+$0x0], $0xffff;
	_ =	sdelay $0x1  }
0x565: {  	v19 =	vor.u32 v4, v16  }
0x566: {  	v59 =	vor.u32 v5, v16;
	_ =	sdelay $0x1  }
0x567: {  	v17 =	vpack.i.f32.bf16 v18, v17  }
0x568: {  	[tilespmem:s28+$0xFFFFFFD0] =	vst v17  }
0x569: {  	v17 =	vld.idx.msk [tilespmem:v19+s2+$0x0], $0xffff  }
0x56a: {  	v18 =	vld.idx.msk [tilespmem:v59+s2+$0x0], $0xffff;
	_ =	sdelay $0x1  }
0x56b: {  	v19 =	vor.u32 v6, v16  }
0x56c: {  	v60 =	vor.u32 v7, v16;
	_ =	sdelay $0x1  }
0x56d: {  	v17 =	vpack.i.f32.bf16 v18, v17  }
0x56e: {  	[tilespmem:s28+$0xFFFFFFE0] =	vst v17  }
0x56f: {  	v17 =	vld.idx.msk [tilespmem:v19+s2+$0x0], $0xffff  }
0x570: {  	v18 =	vld.idx.msk [tilespmem:v60+s2+$0x0], $0xffff;
	_ =	sdelay $0x1  }
0x571: {  	v19 =	vor.u32 v8, v16  }
0x572: {  	v61 =	vor.u32 v9, v16;
	_ =	sdelay $0x1  }
0x573: {  	v17 =	vpack.i.f32.bf16 v18, v17  }
0x574: {  	[tilespmem:s28+$0xFFFFFFF0] =	vst v17  }
0x575: {  	v17 =	vld.idx.msk [tilespmem:v19+s2+$0x0], $0xffff  }
0x576: {  	v18 =	vld.idx.msk [tilespmem:v61+s2+$0x0], $0xffff;
	_ =	sdelay $0x1  }
0x577: {  	v19 =	vor.u32 v10, v16  }
0x578: {  	v62 =	vor.u32 v11, v16;
	_ =	sdelay $0x1  }
0x579: {  	v17 =	vpack.i.f32.bf16 v18, v17  }
0x57a: {  	[tilespmem:s28+$0x0] =	vst v17  }
0x57b: {  	v17 =	vld.idx.msk [tilespmem:v19+s2+$0x0], $0xffff  }
0x57c: {  	v18 =	vld.idx.msk [tilespmem:v62+s2+$0x0], $0xffff;
	_ =	sdelay $0x1  }
0x57d: {  	v19 =	vor.u32 v12, v16  }
0x57e: {  	v63 =	vor.u32 v13, v16;
	_ =	sdelay $0x1  }
0x57f: {  	v17 =	vpack.i.f32.bf16 v18, v17  }
0x580: {  	[tilespmem:s28+$0x10] =	vst v17  }
0x581: {  	v17 =	vld.idx.msk [tilespmem:v19+s2+$0x0], $0xffff  }
0x582: {  	v18 =	vld.idx.msk [tilespmem:v63+s2+$0x0], $0xffff;
	_ =	sdelay $0x4  }
0x583: {  	v18 =	vpack.i.f32.bf16 v18, v17;
	v17 =	vor.u32 v14, v16  }
0x584: {  	v16 =	vor.u32 v15, v16;
	_ =	sdelay $0x1  }
0x585: {  	s31 =	simm.s32 $0x1;
	s30 =	simm.s32 $0x2;
	s29 =	simm.s32 $0x2840;
	[tilespmem:s28+$0x20] =	vst v18  }
.LBB2_21:
0x586: {  	p0 =	sne.s32 s30, $0x27  }
0x587: {  	v18 =	vmov s31;
	v17 =	vld.idx.msk [tilespmem:v17+s2+$0x0], $0xffff;
	s28 =	sadd.s32 $0x80, s28;
	s31 =	smov.u32 s30;
	s30 =	sadd.s32 $0x1, s30  }
0x588: {  	v19 =	vshll.u32 v18, $0x8;
	v18 =	vshll.u32 v18, $0x7;
	v16 =	vld.idx.msk [tilespmem:v16+s2+$0x0], $0xffff  }
0x589: {  	v19 =	vand.u32 $0x3800, v19;
	v18 =	vand.u32 $0x380, v18  }
0x58a: {  	v18 =	vor.u32 v18, v19  }
0x58b: {  	v19 =	vor.u32 v0, v18;
	v20 =	vor.u32 v1, v18;
	_ =	sdelay $0x2  }
0x58c: {  	v16 =	vpack.i.f32.bf16 v16, v17  }
0x58d: {  	[tilespmem:s29+$0x30] =	vst v16;
	s29 =	smov.u32 s28  }
0x58e: {  	v16 =	vld.idx.msk [tilespmem:v19+s2+$0x0], $0xffff  }
0x58f: {  	v17 =	vld.idx.msk [tilespmem:v20+s2+$0x0], $0xffff;
	_ =	sdelay $0x2  }
0x590: {  	v19 =	vor.u32 v2, v18;
	v20 =	vor.u32 v3, v18;
	_ =	sdelay $0x2  }
0x591: {  	v16 =	vpack.i.f32.bf16 v17, v16  }
0x592: {  	[tilespmem:s28+$0xFFFFFFC0] =	vst v16  }
0x593: {  	v16 =	vld.idx.msk [tilespmem:v19+s2+$0x0], $0xffff  }
0x594: {  	v17 =	vld.idx.msk [tilespmem:v20+s2+$0x0], $0xffff;
	_ =	sdelay $0x2  }
0x595: {  	v19 =	vor.u32 v4, v18;
	v20 =	vor.u32 v5, v18;
	_ =	sdelay $0x2  }
0x596: {  	v16 =	vpack.i.f32.bf16 v17, v16  }
0x597: {  	[tilespmem:s28+$0xFFFFFFD0] =	vst v16  }
0x598: {  	v16 =	vld.idx.msk [tilespmem:v19+s2+$0x0], $0xffff  }
0x599: {  	v17 =	vld.idx.msk [tilespmem:v20+s2+$0x0], $0xffff;
	_ =	sdelay $0x2  }
0x59a: {  	v19 =	vor.u32 v6, v18;
	v20 =	vor.u32 v7, v18;
	_ =	sdelay $0x2  }
0x59b: {  	v16 =	vpack.i.f32.bf16 v17, v16  }
0x59c: {  	[tilespmem:s28+$0xFFFFFFE0] =	vst v16  }
0x59d: {  	v16 =	vld.idx.msk [tilespmem:v19+s2+$0x0], $0xffff  }
0x59e: {  	v17 =	vld.idx.msk [tilespmem:v20+s2+$0x0], $0xffff;
	_ =	sdelay $0x2  }
0x59f: {  	v19 =	vor.u32 v8, v18;
	v20 =	vor.u32 v9, v18;
	_ =	sdelay $0x2  }
0x5a0: {  	v16 =	vpack.i.f32.bf16 v17, v16  }
0x5a1: {  	[tilespmem:s28+$0xFFFFFFF0] =	vst v16  }
0x5a2: {  	v16 =	vld.idx.msk [tilespmem:v19+s2+$0x0], $0xffff  }
0x5a3: {  	v17 =	vld.idx.msk [tilespmem:v20+s2+$0x0], $0xffff;
	_ =	sdelay $0x2  }
0x5a4: {  	v19 =	vor.u32 v10, v18;
	v20 =	vor.u32 v11, v18;
	_ =	sdelay $0x2  }
0x5a5: {  	v16 =	vpack.i.f32.bf16 v17, v16  }
0x5a6: {  	[tilespmem:s28+$0x0] =	vst v16  }
0x5a7: {  	v16 =	vld.idx.msk [tilespmem:v19+s2+$0x0], $0xffff  }
0x5a8: {  	v17 =	vld.idx.msk [tilespmem:v20+s2+$0x0], $0xffff;
	_ =	sdelay $0x2  }
0x5a9: {  	v19 =	vor.u32 v12, v18;
	v20 =	vor.u32 v13, v18;
	_ =	sdelay $0x2  }
0x5aa: {  	v16 =	vpack.i.f32.bf16 v17, v16  }
0x5ab: {  	[tilespmem:s28+$0x10] =	vst v16  }
0x5ac: {  	v19 =	vld.idx.msk [tilespmem:v19+s2+$0x0], $0xffff  }
0x5ad: {  	v20 =	vld.idx.msk [tilespmem:v20+s2+$0x0], $0xffff;
	_ =	sdelay $0x2  }
.Ltmp10:
0x5ae: {  	v17 =	vor.u32 v14, v18;
	v16 =	vor.u32 v15, v18;
	(pc) =	sbr.rel @p0 .LBB2_21-.Ltmp10, $3  }
0x5af: {  	_ =	sdelay $0x1  }
0x5b0: {  	v18 =	vpack.i.f32.bf16 v20, v19  }
0x5b1: {  	[tilespmem:s28+$0x20] =	vst v18  }
0x5b2: {  	_ =	sdelay $0x2  }
0x5b3: {  	v18 =	vmov s31  }
0x5b4: {  	v17 =	vld.idx.msk [tilespmem:v17+s2+$0x0], $0xffff;
	v19 =	vshll.u32 v18, $0x8;
	v18 =	vshll.u32 v18, $0x7  }
0x5b5: {  	v16 =	vld.idx.msk [tilespmem:v16+s2+$0x0], $0xffff;
	v19 =	vand.u32 $0x3800, v19;
	v18 =	vand.u32 $0x380, v18  }
0x5b6: {  	v18 =	vor.u32 v18, v19  }
0x5b7: {  	v19 =	vor.u32 v0, v18  }
0x5b8: {  	v20 =	vor.u32 v1, v18;
	_ =	sdelay $0x1  }
0x5b9: {  	v16 =	vpack.i.f32.bf16 v16, v17  }
0x5ba: {  	[tilespmem:s29+$0x30] =	vst v16  }
0x5bb: {  	v16 =	vld.idx.msk [tilespmem:v19+s2+$0x0], $0xffff  }
0x5bc: {  	v17 =	vld.idx.msk [tilespmem:v20+s2+$0x0], $0xffff;
	_ =	sdelay $0x1  }
0x5bd: {  	v51 =	vor.u32 v2, v18  }
0x5be: {  	v52 =	vor.u32 v3, v18;
	_ =	sdelay $0x1  }
0x5bf: {  	s28 =	sadd.s32 $0x80, s28;
	v16 =	vpack.i.f32.bf16 v17, v16  }
0x5c0: {  	[tilespmem:s28+$0xFFFFFFC0] =	vst v16  }
0x5c1: {  	v16 =	vld.idx.msk [tilespmem:v51+s2+$0x0], $0xffff  }
0x5c2: {  	v17 =	vld.idx.msk [tilespmem:v52+s2+$0x0], $0xffff;
	_ =	sdelay $0x1  }
0x5c3: {  	v53 =	vor.u32 v4, v18  }
0x5c4: {  	v54 =	vor.u32 v5, v18;
	_ =	sdelay $0x1  }
0x5c5: {  	v16 =	vpack.i.f32.bf16 v17, v16  }
0x5c6: {  	[tilespmem:s28+$0xFFFFFFD0] =	vst v16  }
0x5c7: {  	v16 =	vld.idx.msk [tilespmem:v53+s2+$0x0], $0xffff  }
0x5c8: {  	v17 =	vld.idx.msk [tilespmem:v54+s2+$0x0], $0xffff;
	_ =	sdelay $0x1  }
0x5c9: {  	v55 =	vor.u32 v6, v18  }
0x5ca: {  	v56 =	vor.u32 v7, v18;
	_ =	sdelay $0x1  }
0x5cb: {  	v16 =	vpack.i.f32.bf16 v17, v16  }
0x5cc: {  	[tilespmem:s28+$0xFFFFFFE0] =	vst v16  }
0x5cd: {  	v16 =	vld.idx.msk [tilespmem:v55+s2+$0x0], $0xffff  }
0x5ce: {  	v17 =	vld.idx.msk [tilespmem:v56+s2+$0x0], $0xffff;
	_ =	sdelay $0x1  }
0x5cf: {  	v57 =	vor.u32 v8, v18  }
0x5d0: {  	v58 =	vor.u32 v9, v18;
	_ =	sdelay $0x1  }
0x5d1: {  	v16 =	vpack.i.f32.bf16 v17, v16  }
0x5d2: {  	[tilespmem:s28+$0xFFFFFFF0] =	vst v16  }
0x5d3: {  	v16 =	vld.idx.msk [tilespmem:v57+s2+$0x0], $0xffff  }
0x5d4: {  	v17 =	vld.idx.msk [tilespmem:v58+s2+$0x0], $0xffff;
	_ =	sdelay $0x1  }
0x5d5: {  	v59 =	vor.u32 v10, v18  }
0x5d6: {  	v60 =	vor.u32 v11, v18;
	_ =	sdelay $0x1  }
0x5d7: {  	v16 =	vpack.i.f32.bf16 v17, v16  }
0x5d8: {  	[tilespmem:s28+$0x0] =	vst v16  }
0x5d9: {  	v16 =	vld.idx.msk [tilespmem:v59+s2+$0x0], $0xffff  }
0x5da: {  	v17 =	vld.idx.msk [tilespmem:v60+s2+$0x0], $0xffff;
	_ =	sdelay $0x1  }
0x5db: {  	v61 =	vor.u32 v12, v18  }
0x5dc: {  	v62 =	vor.u32 v13, v18;
	_ =	sdelay $0x1  }
0x5dd: {  	v16 =	vpack.i.f32.bf16 v17, v16  }
0x5de: {  	[tilespmem:s28+$0x10] =	vst v16  }
0x5df: {  	v16 =	vld.idx.msk [tilespmem:v61+s2+$0x0], $0xffff  }
0x5e0: {  	v17 =	vld.idx.msk [tilespmem:v62+s2+$0x0], $0xffff;
	_ =	sdelay $0x1  }
0x5e1: {  	v63 =	vor.u32 v14, v18  }
0x5e2: {  	v18 =	vor.u32 v15, v18;
	_ =	sdelay $0x1  }
0x5e3: {  	v16 =	vpack.i.f32.bf16 v17, v16  }
0x5e4: {  	[tilespmem:s28+$0x20] =	vst v16  }
0x5e5: {  	v16 =	vld.idx.msk [tilespmem:v63+s2+$0x0], $0xffff  }
0x5e6: {  	v17 =	vld.idx.msk [tilespmem:v18+s2+$0x0], $0xffff;
	_ =	sdelay $0x3  }
0x5e7: {  	s26 =	sadd.s32 $0x1, s26  }
0x5e8: {  	p0 =	sne.s32 s26, s23;
	v16 =	vpack.i.f32.bf16 v17, v16  }
.Ltmp11:
0x5e9: {  	[tilespmem:s28+$0x30] =	vst v16;
	(pc) =	sbr.rel @p0 .LBB2_2-.Ltmp11, $4  }
0x5ea: {  	[hbm4b:s21+s2] =	stream.linear.scatter [tilespmem:s25], [sflag:$0x1], $0x1400, $0x38;
	[tilespmem:$0x3C00] =	vst v63  }
0x5eb: {  	_ =	swait.ge [sflag:s24], $0x1400  }
0x5ec: {  	[sflag:s24] =	ssyncset.done $0x0  }
0x5ed: {  	[sflag:s24] =	ssyncadd.s32 $0xFFFFEC00  }
.LBB2_23:
0x5ee: {  	_ =	sfence.sel $0x180000  }
0x5ef: {  	[bflag:$0x0] =	sbarrier.arrive $0xFFFF  }
0x5f0: {  	p0 =	sne.s32 s0, $0x0;
	_ =	strace $0x90000047  }
0x5f1: {  	s0 =	sadd.s32 @!p0 $0x100000, s1;
	[bflag:$0x2] =	sbarrier.arrive $0xFFFF  }
0x5f2: {  	[sflag:s0] =	ssyncadd.tile.s32 @!p0 $0x1;
	_ =	shalt  }
.Lfunc_end2:
_tile_overlayer_lowered:
.L_overlay_start_2:
0x5f3: {  	(tag) =	ssettag $0x2  }
0x5f4: {  	s0 =	rddreg [dreg:$0x0];
	s2 =	stileid.u32  }
0x5f5: {  	s1 =	rddreg [dreg:$0x1];
	p0 =	sne.s32 s2, $0x0  }
0x5f6: {  	s3 =	rddreg [dreg:$0x2];
	[bflag:$0x3] =	sbarrier.arrive $0xFFFF;
	s2 =	simm.s32 @!p0 $0x1C01  }
0x5f7: {  	[timem:s3], [sflag:s2] =	dma.local @!p0 [hbm:s0], s1  }
0x5f8: {  	s0 =	simm.s32 @!p0 $0x1  }
0x5f9: {  	_ =	swait.ge @!p0 [sflag:s0], s1  }
0x5fa: {  	s1 =	ssub.s32 @!p0 $0x0, s1;
	[sflag:s0] =	ssyncset.done @!p0 $0x0  }
0x5fb: {  	[sflag:s0] =	ssyncadd.s32 @!p0 s1  }
0x5fc: {  	[bflag:$0x3] =	sbarrier.arrive $0xFFFF  }
0x5fd: {  	_ =	shalt  }

// kernel: kernel.8.cloned.1.call-start
scs
__scs_entry_jumppad:
0x0: {  	(pc) =	sbr.rel $0x88, $3  }
0x1: {  	(tag) =	ssettag $0x0;
	lr =	simm.s32 $0x1  }
0x2: {  	[smem:$0x3F97] =	sst lr;
	_ =	strace $0xD0000000  }
0x3: {  	_ = 	snop  }
0x4: {  	_ = 	snop  }
0x5: {  	_ = 	snop  }
0x6: {  	_ = 	snop  }
0x7: {  	_ = 	snop  }
__scs_overlays_trampoline_lowered:
0x8: {  	[smem:$0x3FA6] =	sst s0  }
0x9: {  	[smem:$0x3FA7] =	sst s1  }
0xa: {  	[smem:$0x3FA8] =	sst s2  }
0xb: {  	[smem:$0x3FA9] =	sst s3  }
0xc: {  	[smem:$0x3FAA] =	sst s4  }
0xd: {  	[smem:$0x3FAB] =	sst s5  }
0xe: {  	[smem:$0x3FAC] =	sst s6  }
0xf: {  	[smem:$0x3FAD] =	sst s7  }
0x10: {  	[smem:$0x3FAE] =	sst s8  }
0x11: {  	[smem:$0x3FAF] =	sst s9;
	s0 =	simm.s32 @!p0 $0x0  }
0x12: {  	s1 =	sld [smem:$0x3F95];
	s0 =	simm.s32 @p0 $0x1  }
0x13: {  	[smem:$0x3FB0] =	sst s0;
	s0 =	simm.s32 @!p1 $0x0  }
0x14: {  	s2 =	sld [smem:$0x3F94];
	s0 =	simm.s32 @p1 $0x1  }
0x15: {  	[smem:$0x3FB1] =	sst s0;
	s0 =	simm.s32 @!p2 $0x0  }
0x16: {  	s3 =	sld [smem:$0x3FDB];
	s0 =	simm.s32 @p2 $0x1  }
0x17: {  	s4 =	simm.s32 $0x1BF5;
	[smem:$0x3FB3] =	sst s0  }
0x18: {  	s0 =	sld [smem:$0x3F96];
	_ =	swait.ge [sflag:s4], $0x0  }
0x19: {  	s7 =	sld [smem:$0x3F97]  }
0x1a: {  	s8 =	sadd.s32 $0xFFFFE003, lr  }
0x1b: {  	s9 =	sadd.s32 $0xFFFFFEF7, lr;
	s5 =	simm.s32 $0xFFFFFFFF;
	p2 =	slt.u32 s8, $0xFFFFF086  }
0x1c: {  	p1 =	slt.u32 s9, $0xF7A;
	s5 =	simm.s32 @!p2 $0x0  }
0x1d: {  	s5 =	simm.s32 @p1 $0x1;
	p0 =	seq.s32 s7, s2  }
0x1e: {  	s7 =	smul.u32 @!p0 $0xF7A, s2;
	p2 =	seq.s32 @!p0 s5, $0x0  }
0x1f: {  	s9 =	smul.u32 $0xF7A, s1;
	s8 =	simm.s32 @!p0 $0x1BF5;
	p2 =	por !p2, p0  }
0x20: {  	[sflag:s8] =	ssyncset.s32 @!p0 $0xFFFFF086;
	s6 =	sadd.s32 @!p0 s3, s7;
	s7 =	simm.s32 @!p0 $0x108  }
0x21: {  	s3 =	sadd.s32 s3, s9;
	s6 =	sadd.s32 @!p0 $0x88, s6;
	s7 =	simm.s32 @p2 $0x1082  }
0x22: {  	[simem:s7], [sflag:s8] =	dma.local @!p0 [hbm:s6], $0xF7A  }
0x23: {  	s9 =	sor.u32 $0xD0000000, s2;
	s6 =	simm.s32 $0x108;
	_ =	swait.ge @!p0 [sflag:s8], $0x0  }
0x24: {  	s3 =	sadd.s32 $0x88, s3;
	s6 =	simm.s32 @!p1 $0x1082;
	[sflag:s4] =	ssyncset.s32 $0xFFFFF086  }
0x25: {  	[simem:s6], [sflag:s4] =	dma.local [hbm:s3], $0xF7A  }
0x26: {  	[smem:$0x3F97] =	sst s1;
	(tag) =	ssettag s2;
	_ =	strace s9  }
0x27: {  	s1 =	sld [smem:$0x3FA7]  }
0x28: {  	s2 =	sld [smem:$0x3FA8]  }
0x29: {  	s4 =	sld [smem:$0x3FAA]  }
0x2a: {  	p0 =	seq.s32 s5, $0x0;
	s5 =	sld [smem:$0x3FAB]  }
0x2b: {  	s6 =	sld [smem:$0x3FAC]  }
0x2c: {  	s7 =	sld [smem:$0x3FAD]  }
0x2d: {  	s3 =	simm.s32 $0x108;
	s8 =	sld [smem:$0x3FAE]  }
0x2e: {  	s3 =	simm.s32 @!p0 $0x1082;
	s9 =	sld [smem:$0x3FAF]  }
0x2f: {  	lr =	sadd.s32 s0, s3;
	s0 =	sld [smem:$0x3FA6]  }
0x30: {  	s3 =	sld [smem:$0x3FA9]  }
0x31: {  	[smem:$0x3FB2] =	sst s10  }
0x32: {  	s10 =	sld [smem:$0x3FB0];
	_ =	sdelay $0x3  }
0x33: {  	p0 =	seq.s32 s10, $0x1;
	s10 =	sld [smem:$0x3FB2];
	_ =	sdelay $0x3  }
0x34: {  	[smem:$0x3FB2] =	sst s10  }
0x35: {  	s10 =	sld [smem:$0x3FB1];
	_ =	sdelay $0x3  }
0x36: {  	p1 =	seq.s32 s10, $0x1;
	s10 =	sld [smem:$0x3FB2];
	_ =	sdelay $0x3  }
0x37: {  	[smem:$0x3FB2] =	sst s10  }
0x38: {  	s10 =	sld [smem:$0x3FB3]  }
0x39: {  	_ = 	snop;
	(pc) =	sbr.ind lr, $3  }
0x3a: {  	_ = 	snop  }
0x3b: {  	_ = 	snop  }
0x3c: {  	p2 =	seq.s32 s10, $0x1;
	s10 =	sld [smem:$0x3FB2]  }
0x3d: {  	_ =	shalt  }
0x3e: {  	_ =	shalt  }
0x3f: {  	_ =	shalt  }
0x40: {  	_ =	shalt  }
0x41: {  	_ =	shalt  }
0x42: {  	_ =	shalt  }
0x43: {  	_ =	shalt  }
0x44: {  	_ =	shalt  }
0x45: {  	_ =	shalt  }
0x46: {  	_ =	shalt  }
0x47: {  	_ =	shalt  }
0x48: {  	_ =	shalt  }
0x49: {  	_ =	shalt  }
0x4a: {  	_ =	shalt  }
0x4b: {  	_ =	shalt  }
0x4c: {  	_ =	shalt  }
0x4d: {  	_ =	shalt  }
0x4e: {  	_ =	shalt  }
0x4f: {  	_ =	shalt  }
0x50: {  	_ =	shalt  }
0x51: {  	_ =	shalt  }
0x52: {  	_ =	shalt  }
0x53: {  	_ =	shalt  }
0x54: {  	_ =	shalt  }
0x55: {  	_ =	shalt  }
0x56: {  	_ =	shalt  }
0x57: {  	_ =	shalt  }
0x58: {  	_ =	shalt  }
0x59: {  	_ =	shalt  }
0x5a: {  	_ =	shalt  }
0x5b: {  	_ =	shalt  }
0x5c: {  	_ =	shalt  }
0x5d: {  	_ =	shalt  }
0x5e: {  	_ =	shalt  }
0x5f: {  	_ =	shalt  }
0x60: {  	_ =	shalt  }
0x61: {  	_ =	shalt  }
0x62: {  	_ =	shalt  }
0x63: {  	_ =	shalt  }
0x64: {  	_ =	shalt  }
0x65: {  	_ =	shalt  }
0x66: {  	_ =	shalt  }
0x67: {  	_ =	shalt  }
0x68: {  	_ =	shalt  }
0x69: {  	_ =	shalt  }
0x6a: {  	_ =	shalt  }
0x6b: {  	_ =	shalt  }
0x6c: {  	_ =	shalt  }
0x6d: {  	_ =	shalt  }
0x6e: {  	_ =	shalt  }
0x6f: {  	_ =	shalt  }
0x70: {  	_ =	shalt  }
0x71: {  	_ =	shalt  }
0x72: {  	_ =	shalt  }
0x73: {  	_ =	shalt  }
0x74: {  	_ =	shalt  }
0x75: {  	_ =	shalt  }
0x76: {  	_ =	shalt  }
0x77: {  	_ =	shalt  }
0x78: {  	_ =	shalt  }
0x79: {  	_ =	shalt  }
0x7a: {  	_ =	shalt  }
0x7b: {  	_ =	shalt  }
0x7c: {  	_ =	shalt  }
0x7d: {  	_ =	shalt  }
0x7e: {  	_ =	shalt  }
0x7f: {  	_ =	shalt  }
0x80: {  	_ =	shalt  }
0x81: {  	_ =	shalt  }
0x82: {  	_ =	shalt  }
0x83: {  	_ =	shalt  }
0x84: {  	_ =	shalt  }
0x85: {  	_ =	shalt  }
0x86: {  	_ =	shalt  }
0x87: {  	_ =	shalt  }
.Lfunc_end0:
.L_simem_size_0:
called_computation.1_lowered:
.L_overlay_start_0:
0x88: {  	s2 =	sld [smem:$0x3FD9]  }
0x89: {  	s3 =	sld [smem:$0x3FFE];
	_ =	sdelay $0x1  }
0x8a: {  	s1 =	srdreg.scid  }
0x8b: {  	s0 =	sand.u32 $0x1, s1  }
0x8c: {  	s17 =	sshll.u32 s0, $0xA;
	s2 =	sadd.s32 s3, s2  }
0x8d: {  	s2 =	sadd.s32 s2, s17  }
0x8e: {  	[smem:$0x3FBE] =	sst s2  }
0x8f: {  	_ = 	snop  }
0x90: {  	s2 =	sld [smem:$0x3FC9]  }
0x91: {  	s18 =	sld [smem:$0x3FC7]  }
0x92: {  	s4 =	sld [smem:$0x3FD0];
	(tm) =	ssettm $0x1  }
0x93: {  	s5 =	sld [smem:$0x3FFB];
	_ =	sdelay $0x3  }
0x94: {  	_ =	strace s5  }
0x95: {  	s5 =	sld [smem:$0x3FFC];
	_ =	sdelay $0x3  }
0x96: {  	_ =	strace s5  }
0x97: {  	s5 =	sld [smem:$0x3FFD];
	_ =	sdelay $0x3  }
0x98: {  	_ =	strace s5  }
0x99: {  	_ =	strace $0x8FFFFFFF  }
0x9a: {  	s19 =	sld [smem:$0x3FDB];
	_ =	sdelay $0x1  }
0x9b: {  	s6 =	simm.s32 $_scs_section_size  }
0x9c: {  	s7 =	simm.s32 $_size__tile_overlayer_lowered;
	s8 =	simm.s32 $_tile_overlayer_lowered  }
0x9d: {  	s22 =	simm.s32 $0x1BFF;
	s21 =	sshll.u32 s8, $0x1;
	s5 =	sadd.s32 s6, s19  }
0x9e: {  	s9 =	simm.s32 $0x0;
	s20 =	sshll.u32 s7, $0x1;
	s7 =	sadd.s32 s21, s5  }
0x9f: {  	[timem:s9], [sflag:s22] =	dma.local [hbm:s7], s20  }
0xa0: {  	_ =	swait.ge [sflag:s22], s20  }
0xa1: {  	s6 =	ssub.s32 $0x0, s20;
	[sflag:s22] =	ssyncset.done $0x0  }
0xa2: {  	[sflag:s22] =	ssyncadd.s32 s6;
	_ =	sdelay $0x1  }
0xa3: {  	s23 =	simm.s32 $0x1B8B  }
0xa4: {  	_ =	swait.ge [sflag:s23], $0x1  }
0xa5: {  	[sflag:s23] =	ssyncset.done $0x0  }
0xa6: {  	s25 =	simm.s32 $0x1B8E;
	s24 =	sld [smem:$0x3FFE];
	[sflag:s23] =	ssyncadd.s32 $0xFFFFFFFF  }
0xa7: {  	s26 =	simm.s32 $execute0_lowered;
	[smem:$0x3FD2] =	sst s25  }
0xa8: {  	s7 =	sshll.u32 s26, $0x1;
	_ =	strace $0x80000049;
	[dreg:$0x1] =	wrdreg $0xFFFFFFFF  }
0xa9: {  	s28 =	simm.s32 $_size_execute0_lowered;
	s5 =	sadd.s32 s5, s7;
	[dreg:$0x0] =	wrdreg $0x0  }
0xaa: {  	s7 =	sshll.u32 s28, $0x1;
	[dreg:$0x2] =	wrdreg s5  }
0xab: {  	[dreg:$0x3] =	wrdreg s7  }
0xac: {  	[dreg:$0x4] =	wrdreg $0xC0  }
0xad: {  	_ =	task [dreg:s9], $0x5FFFF  }
0xae: {  	[dreg:$0x1] =	wrdreg $0xFFFFFFFF  }
0xaf: {  	[dreg:$0x0] =	wrdreg $0x60  }
0xb0: {  	[dreg:$0x2] =	wrdreg s2  }
0xb1: {  	[dreg:$0x3] =	wrdreg s24  }
0xb2: {  	[dreg:$0x4] =	wrdreg s18  }
0xb3: {  	[dreg:$0x5] =	wrdreg s4  }
0xb4: {  	[dreg:$0x6] =	wrdreg $0x9  }
0xb5: {  	_ =	task.clear_ibuf [dreg:s9], $0x7FFFF;
	_ =	strace $0x90000049  }
0xb6: {  	s29 =	simm.s32 $0x9;
	_ =	strace $0x8000004B  }
0xb7: {  	_ =	swait.ge [sflag:s29], $0x1  }
0xb8: {  	[sflag:s29] =	ssyncadd.s32 $0xFFFFFFFF  }
0xb9: {  	_ =	strace $0x9000004B  }
0xba: {  	_ =	sfence  }
0xbb: {  	s30 =	sld [smem:$0x0];
	_ =	sdelay $0x2  }
0xbc: {  	s31 =	sshll.u32 s1, $0xD;
	s1 =	sshrl.u32 s1, $0x2  }
0xbd: {  	s3 =	sand.u32 $0x4000, s31;
	s1 =	sadd.s32 s1, s30  }
0xbe: {  	s0 =	sor.u32 s3, s0;
	s1 =	sshll.u32 s1, $0x11  }
0xbf: {  	s0 =	sor.u32 s1, s0  }
0xc0: {  	s0 =	sadd.s32 $0x8F2B, s0  }
0xc1: {  	[sflag:s0] =	ssyncadd.remote.s32 $0x1  }
0xc2: {  	_ =	sfence.sel $0xFFFF  }
0xc3: {  	[dreg:$0x0] =	wrdreg $0xFFFFFFFF;
	(pc) =	sbr.abs _section_cstart, $3  }
0xc4: {  	[dreg:$0x1] =	wrdreg $0xFFFFFFFF  }
0xc5: {  	_ =	task.clear_ibuf [dreg:s9], $0x2FFFF;
	_ =	strace $0x9FFFFFFF  }
0xc6: {  	(tm) =	ssettm $0x7FFFFFFF  }
0xc7: {  	_ =	shalt  }
tec
execute0_lowered:
.L_overlay_start_1:
0x0: {  	(tag) =	ssettag $0x1  }
0x1: {  	s0 =	rddreg [dreg:$0x1]  }
0x2: {  	s1 =	rddreg [dreg:$0x2]  }
0x3: {  	s3 =	rddreg [dreg:$0x3]  }
0x4: {  	s4 =	simm.s32 $0x0;
	s2 =	srdreg.scid;
	s5 =	stileid.u32  }
0x5: {  	s9 =	simm.s32 $0x2;
	s10 =	simm.s32 $0xC8;
	s11 =	simm.s32 $0x6380  }
0x6: {  	s12 =	simm.s32 $0xC780;
	[smem:$0x7FF] =	sst s4;
	s2 =	sand.u32 $0x1, s2  }
0x7: {  	s5 =	sshll.u32 s5, $0x1;
	s6 =	sadd.s32 $0x5E00, s0;
	s13 =	sadd.s32 $0xE00, s0  }
0x8: {  	s0 =	sadd.s32 $0xAE00, s0;
	_ =	strace $0x8000004A;
	s5 =	sor.u32 s2, s5  }
0x9: {  	[dreg:$0x5] =	wrdreg s6;
	s2 =	ssub.s32 $0x2, s2;
	s14 =	smul.u32 $0x9C400, s5  }
0xa: {  	[dreg:$0x6] =	wrdreg s13;
	s7 =	smul.u32 $0x271, s5;
	s8 =	sshrl.u32 s2, $0x1  }
0xb: {  	s13 =	simm.s32 $0x3;
	s5 =	smul.u32 $0x13880, s5;
	s8 =	ssub.s32 s2, s8  }
0xc: {  	s6 =	sshrl.u32 s14, $0x3;
	s1 =	sadd.s32 s1, s7;
	s7 =	simm.s32 $0x1390  }
0xd: {  	[dreg:$0x7] =	wrdreg s1;
	s15 =	sadd.s32 s0, s6;
	s0 =	sadd.s32 s0, s5  }
0xe: {  	s14 =	simm.s32 $0x4;
	[dreg:$0x8] =	wrdreg s0;
	s16 =	sadd.s32 $0xC80, s15  }
0xf: {  	s1 =	smax.u32 s8, $0x1;
	s17 =	sadd.s32 $0x1900, s15;
	[dreg:$0x9] =	wrdreg s16  }
0x10: {  	s5 =	simm.s32 $0x5;
	s18 =	sadd.s32 $0x2580, s15;
	[dreg:$0xa] =	wrdreg s17  }
0x11: {  	s6 =	simm.s32 $0x2780;
	s19 =	sadd.s32 $0x3200, s15;
	[dreg:$0xb] =	wrdreg s18  }
0x12: {  	s8 =	simm.s32 $0x1;
	s20 =	sadd.s32 $0x3E80, s15;
	[dreg:$0xc] =	wrdreg s19  }
0x13: {  	s21 =	sadd.s32 $0x4B00, s15;
	s22 =	sadd.s32 $0x5780, s15;
	[dreg:$0xd] =	wrdreg s20  }
0x14: {  	s23 =	sadd.s32 $0x6400, s15;
	s24 =	sadd.s32 $0x7080, s15;
	[dreg:$0xe] =	wrdreg s21  }
0x15: {  	s25 =	sadd.s32 $0x7D00, s15;
	s26 =	sadd.s32 $0x8980, s15;
	[dreg:$0xf] =	wrdreg s22  }
0x16: {  	s28 =	sadd.s32 $0xED80, s15;
	s29 =	sadd.s32 $0xFA00, s15;
	[dreg:$0x10] =	wrdreg s23  }
0x17: {  	s30 =	sadd.s32 $0x10680, s15;
	s31 =	sadd.s32 $0x11300, s15;
	[dreg:$0x11] =	wrdreg s24  }
0x18: {  	s0 =	sadd.s32 $0x11F80, s15;
	s2 =	sadd.s32 $0x12C00, s15;
	[dreg:$0x12] =	wrdreg s25  }
0x19: {  	[dreg:$0x13] =	wrdreg s26;
	s20 =	sadd.s32 $0x9600, s15;
	s21 =	sadd.s32 $0xA280, s15  }
0x1a: {  	s22 =	sadd.s32 $0xAF00, s15;
	s23 =	sadd.s32 $0xBB80, s15;
	s24 =	sadd.s32 $0xC800, s15  }
0x1b: {  	v0 =	vimm.s32 $0x0;
	s25 =	sadd.s32 $0xD480, s15;
	s26 =	sadd.s32 $0xE100, s15;
	s15 =	simm.s32 $0x0  }
.LBB2_1:
0x1c: {  	s16 =	rddreg [dreg:$0x0]  }
0x1d: {  	[tilespmem:s4], [sflag:$0x5] =	stream.linear.gather [hbm4b:s16+s4], $0x2780, $0x38;
	[tilespmem:$0x12B80] =	vst v63  }
0x1e: {  	_ =	swait.ge [sflag:s5], $0x2780  }
0x1f: {  	[sflag:s5] =	ssyncset.done $0x0  }
0x20: {  	[sflag:s5] =	ssyncadd.s32 $0xFFFFD880  }
0x21: {  	s18 =	rddreg [dreg:$0x7];
	[tilespmem:$0x3B00] =	vst v0  }
0x22: {  	[tilespmem:s6], [sflag:$0x5] =	stream.linear.gather [hbm4b:s18+s4], $0x1388, $0x38;
	[tilespmem:$0x12B80] =	vst v63  }
0x23: {  	_ =	swait.ge [sflag:s5], $0x1388  }
0x24: {  	[sflag:s5] =	ssyncset.done $0x0  }
0x25: {  	s17 =	simm.s32 $0x3B80;
	s19 =	rddreg [dreg:$0x5];
	[sflag:s5] =	ssyncadd.s32 $0xFFFFEC78  }
0x26: {  	[tilespmem:s17], [sflag:$0x1] =	stream.indirect.gather [hbm4b:s19+s7], $0x1, s6, s7, $0xb8;
	[tilespmem:$0x12B80] =	vst v63  }
0x27: {  	s18 =	rddreg [dreg:$0x6];
	s19 =	simm.s32 $0x4F80  }
0x28: {  	[tilespmem:s19], [sflag:$0x2] =	stream.indirect.gather [hbm4b:s18+s7], $0x1, s6, s7, $0xb8;
	[tilespmem:$0x12B80] =	vst v63  }
0x29: {  	_ =	swait.ge [sflag:s8], $0x1390  }
0x2a: {  	[sflag:s8] =	ssyncset.done $0x0  }
0x2b: {  	[sflag:s8] =	ssyncadd.s32 $0xFFFFEC70  }
0x2c: {  	_ =	swait.ge [sflag:s9], $0x1390  }
0x2d: {  	[sflag:s9] =	ssyncset.done $0x0  }
0x2e: {  	s17 =	simm.s32 $0x0;
	[sflag:s9] =	ssyncadd.s32 $0xFFFFEC70  }
0x2f: {  	v1 =	vld [tilespmem:s17+$0x4F80];
	_ =	sdelay $0x1  }
0x30: {  	v2 =	vld [tilespmem:s17+$0x3B80];
	_ =	sdelay $0x2  }
0x31: {  	vm0 =	vgt.s32 v1, $0x0  }
0x32: {  	v1 =	vnsel vm0, $0x0, v1  }
0x33: {  	vm14 =	vgt.s32 v2, $0x0;
	v1 =	vmin.u32 v1, $0x270F  }
0x34: {  	s16 =	simm.s32 $0x10;
	v2 =	vnsel vm14, $0x0, v2  }
0x35: {  	v3 =	vld [tilespmem:s16+$0x4F80];
	v2 =	vmin.u32 v2, $0x270F;
	_ =	sdelay $0x1  }
0x36: {  	v4 =	vld [tilespmem:s16+$0x3B80]  }
0x37: {  	v5 =	vld.idx.msk [tilespmem:v1+s4+$0x0], $0xffff;
	_ =	sdelay $0x1  }
0x38: {  	vm15 =	vgt.s32 v3, $0x0;
	v2 =	vld.idx.msk [tilespmem:v2+s4+$0x0], $0xffff  }
0x39: {  	v1 =	vnsel vm15, $0x0, v3  }
0x3a: {  	vm1 =	vgt.s32 v4, $0x0;
	v1 =	vmin.u32 v1, $0x270F  }
0x3b: {  	v3 =	vnsel vm1, $0x0, v4;
	v4 =	vmul.u32 $0x64, v5  }
0x3c: {  	s18 =	simm.s32 $0x20;
	s19 =	simm.s32 $0xC0;
	v3 =	vmin.u32 v3, $0x270F  }
.LBB2_2:
0x3d: {  	p0 =	sne.s32 s19, $0x4E00;
	v5 =	vld [tilespmem:s18+$0x4F80];
	v2 =	vadd.s32 v2, v4  }
0x3e: {  	v4 =	vld [tilespmem:s18+$0x3B80];
	[tilespmem:s17+$0x2780] =	vst v2;
	s17 =	smov.u32 s16;
	s16 =	smov.u32 s18  }
0x3f: {  	v6 =	vld.idx.msk [tilespmem:v1+s4+$0x0], $0xffff;
	_ =	sdelay $0x1  }
0x40: {  	v2 =	vld.idx.msk [tilespmem:v3+s4+$0x0], $0xffff  }
.Ltmp0:
0x41: {  	vm0 =	vgt.s32 v5, $0x0;
	(pc) =	sbr.rel @p0 .LBB2_2-.Ltmp0, $4  }
0x42: {  	v1 =	vnsel vm0, $0x0, v5  }
0x43: {  	vm0 =	vgt.s32 v4, $0x0;
	v1 =	vmin.u32 v1, $0x270F  }
0x44: {  	v3 =	vnsel vm0, $0x0, v4;
	v4 =	vmul.u32 $0x64, v6  }
0x45: {  	s18 =	sshra.s32 s19, $0x2;
	s19 =	sadd.s32 $0x40, s19;
	v3 =	vmin.u32 v3, $0x270F  }
0x46: {  	_ = 	snop  }
0x47: {  	v5 =	vld [tilespmem:s18+$0x4F80]  }
0x48: {  	v2 =	vadd.s32 v2, v4  }
0x49: {  	v63 =	vld [tilespmem:s18+$0x3B80];
	[tilespmem:s17+$0x2780] =	vst v2  }
0x4a: {  	v1 =	vld.idx.msk [tilespmem:v1+s4+$0x0], $0xffff;
	_ =	sdelay $0x1  }
0x4b: {  	v2 =	vld.idx.msk [tilespmem:v3+s4+$0x0], $0xffff;
	vm0 =	vgt.s32 v5, $0x0  }
0x4c: {  	v3 =	vnsel vm0, $0x0, v5  }
0x4d: {  	vm15 =	vgt.s32 v63, $0x0;
	v3 =	vmin.u32 v3, $0x270F  }
0x4e: {  	v4 =	vnsel vm15, $0x0, v63;
	v1 =	vmul.u32 $0x64, v1  }
0x4f: {  	v4 =	vmin.u32 v4, $0x270F  }
0x50: {  	v1 =	vadd.s32 v2, v1  }
0x51: {  	[tilespmem:s16+$0x2780] =	vst v1  }
0x52: {  	v1 =	vld.idx.msk [tilespmem:v3+s4+$0x0], $0xffff;
	_ =	sdelay $0x1  }
0x53: {  	v2 =	vld.idx.msk [tilespmem:v4+s4+$0x0], $0xffff;
	_ =	sdelay $0x2  }
0x54: {  	v1 =	vmul.u32 $0x64, v1;
	_ =	sdelay $0x1  }
0x55: {  	v1 =	vadd.s32 v2, v1  }
0x56: {  	[tilespmem:s18+$0x2780] =	vst v1  }
0x57: {  	[tilespmem:s11], [sflag:$0x1] =	stream.indirect.gather [hbm4b:s3+s10], $0x80, s6, s10, $0xb8;
	[tilespmem:$0x12B80] =	vst v63  }
0x58: {  	s17 =	simm.s32 $0x2848  }
0x59: {  	[tilespmem:s12], [sflag:$0x2] =	stream.indirect.gather [hbm4b:s3+s10], $0x80, s17, s10, $0xb8;
	[tilespmem:$0x12B80] =	vst v63  }
0x5a: {  	_ =	swait.ge [sflag:s8], $0x6400  }
0x5b: {  	[sflag:s8] =	ssyncset.done $0x0  }
0x5c: {  	s18 =	rddreg [dreg:$0x8];
	[sflag:s8] =	ssyncadd.s32 $0xFFFF9C00  }
0x5d: {  	[hbm4b:s18+s4] =	stream.linear.scatter [tilespmem:s11], [sflag:$0x3], $0x6400, $0x38;
	[tilespmem:$0x12B80] =	vst v63  }
0x5e: {  	_ =	swait.ge [sflag:s13], $0x6400  }
0x5f: {  	[sflag:s13] =	ssyncset.done $0x0  }
0x60: {  	s19 =	simm.s32 $0x2910;
	[sflag:s13] =	ssyncadd.s32 $0xFFFF9C00  }
0x61: {  	[tilespmem:s11], [sflag:$0x1] =	stream.indirect.gather [hbm4b:s3+s10], $0x80, s19, s10, $0xb8;
	[tilespmem:$0x12B80] =	vst v63  }
0x62: {  	_ =	swait.ge [sflag:s9], $0x6400  }
0x63: {  	[sflag:s9] =	ssyncset.done $0x0  }
0x64: {  	s17 =	rddreg [dreg:$0x9];
	[sflag:s9] =	ssyncadd.s32 $0xFFFF9C00  }
0x65: {  	[hbm4b:s17+s4] =	stream.linear.scatter [tilespmem:s12], [sflag:$0x4], $0x6400, $0x38;
	[tilespmem:$0x12B80] =	vst v63  }
0x66: {  	_ =	swait.ge [sflag:s14], $0x6400  }
0x67: {  	[sflag:s14] =	ssyncset.done $0x0  }
0x68: {  	s18 =	simm.s32 $0x29D8;
	[sflag:s14] =	ssyncadd.s32 $0xFFFF9C00  }
0x69: {  	[tilespmem:s12], [sflag:$0x2] =	stream.indirect.gather [hbm4b:s3+s10], $0x80, s18, s10, $0xb8;
	[tilespmem:$0x12B80] =	vst v63  }
0x6a: {  	_ =	swait.ge [sflag:s8], $0x6400  }
0x6b: {  	[sflag:s8] =	ssyncset.done $0x0  }
0x6c: {  	s19 =	rddreg [dreg:$0xa];
	[sflag:s8] =	ssyncadd.s32 $0xFFFF9C00  }
0x6d: {  	[hbm4b:s19+s4] =	stream.linear.scatter [tilespmem:s11], [sflag:$0x3], $0x6400, $0x38;
	[tilespmem:$0x12B80] =	vst v63  }
0x6e: {  	_ =	swait.ge [sflag:s13], $0x6400  }
0x6f: {  	[sflag:s13] =	ssyncset.done $0x0  }
0x70: {  	s17 =	simm.s32 $0x2AA0;
	[sflag:s13] =	ssyncadd.s32 $0xFFFF9C00  }
0x71: {  	[tilespmem:s11], [sflag:$0x1] =	stream.indirect.gather [hbm4b:s3+s10], $0x80, s17, s10, $0xb8;
	[tilespmem:$0x12B80] =	vst v63  }
0x72: {  	_ =	swait.ge [sflag:s9], $0x6400  }
0x73: {  	[sflag:s9] =	ssyncset.done $0x0  }
0x74: {  	s18 =	rddreg [dreg:$0xb];
	[sflag:s9] =	ssyncadd.s32 $0xFFFF9C00  }
0x75: {  	[hbm4b:s18+s4] =	stream.linear.scatter [tilespmem:s12], [sflag:$0x4], $0x6400, $0x38;
	[tilespmem:$0x12B80] =	vst v63  }
0x76: {  	_ =	swait.ge [sflag:s14], $0x6400  }
0x77: {  	[sflag:s14] =	ssyncset.done $0x0  }
0x78: {  	s19 =	simm.s32 $0x2B68;
	[sflag:s14] =	ssyncadd.s32 $0xFFFF9C00  }
0x79: {  	[tilespmem:s12], [sflag:$0x2] =	stream.indirect.gather [hbm4b:s3+s10], $0x80, s19, s10, $0xb8;
	[tilespmem:$0x12B80] =	vst v63  }
0x7a: {  	_ =	swait.ge [sflag:s8], $0x6400  }
0x7b: {  	[sflag:s8] =	ssyncset.done $0x0  }
0x7c: {  	s17 =	rddreg [dreg:$0xc];
	[sflag:s8] =	ssyncadd.s32 $0xFFFF9C00  }
0x7d: {  	[hbm4b:s17+s4] =	stream.linear.scatter [tilespmem:s11], [sflag:$0x3], $0x6400, $0x38;
	[tilespmem:$0x12B80] =	vst v63  }
0x7e: {  	_ =	swait.ge [sflag:s13], $0x6400  }
0x7f: {  	[sflag:s13] =	ssyncset.done $0x0  }
0x80: {  	s18 =	simm.s32 $0x2C30;
	[sflag:s13] =	ssyncadd.s32 $0xFFFF9C00  }
0x81: {  	[tilespmem:s11], [sflag:$0x1] =	stream.indirect.gather [hbm4b:s3+s10], $0x80, s18, s10, $0xb8;
	[tilespmem:$0x12B80] =	vst v63  }
0x82: {  	_ =	swait.ge [sflag:s9], $0x6400  }
0x83: {  	[sflag:s9] =	ssyncset.done $0x0  }
0x84: {  	s19 =	rddreg [dreg:$0xd];
	[sflag:s9] =	ssyncadd.s32 $0xFFFF9C00  }
0x85: {  	[hbm4b:s19+s4] =	stream.linear.scatter [tilespmem:s12], [sflag:$0x4], $0x6400, $0x38;
	[tilespmem:$0x12B80] =	vst v63  }
0x86: {  	_ =	swait.ge [sflag:s14], $0x6400  }
0x87: {  	[sflag:s14] =	ssyncset.done $0x0  }
0x88: {  	s17 =	simm.s32 $0x2CF8;
	[sflag:s14] =	ssyncadd.s32 $0xFFFF9C00  }
0x89: {  	[tilespmem:s12], [sflag:$0x2] =	stream.indirect.gather [hbm4b:s3+s10], $0x80, s17, s10, $0xb8;
	[tilespmem:$0x12B80] =	vst v63  }
0x8a: {  	_ =	swait.ge [sflag:s8], $0x6400  }
0x8b: {  	[sflag:s8] =	ssyncset.done $0x0  }
0x8c: {  	s18 =	rddreg [dreg:$0xe];
	[sflag:s8] =	ssyncadd.s32 $0xFFFF9C00  }
0x8d: {  	[hbm4b:s18+s4] =	stream.linear.scatter [tilespmem:s11], [sflag:$0x3], $0x6400, $0x38;
	[tilespmem:$0x12B80] =	vst v63  }
0x8e: {  	_ =	swait.ge [sflag:s13], $0x6400  }
0x8f: {  	[sflag:s13] =	ssyncset.done $0x0  }
0x90: {  	s19 =	simm.s32 $0x2DC0;
	[sflag:s13] =	ssyncadd.s32 $0xFFFF9C00  }
0x91: {  	[tilespmem:s11], [sflag:$0x1] =	stream.indirect.gather [hbm4b:s3+s10], $0x80, s19, s10, $0xb8;
	[tilespmem:$0x12B80] =	vst v63  }
0x92: {  	_ =	swait.ge [sflag:s9], $0x6400  }
0x93: {  	[sflag:s9] =	ssyncset.done $0x0  }
0x94: {  	s17 =	rddreg [dreg:$0xf];
	[sflag:s9] =	ssyncadd.s32 $0xFFFF9C00  }
0x95: {  	[hbm4b:s17+s4] =	stream.linear.scatter [tilespmem:s12], [sflag:$0x4], $0x6400, $0x38;
	[tilespmem:$0x12B80] =	vst v63  }
0x96: {  	_ =	swait.ge [sflag:s14], $0x6400  }
0x97: {  	[sflag:s14] =	ssyncset.done $0x0  }
0x98: {  	s18 =	simm.s32 $0x2E88;
	[sflag:s14] =	ssyncadd.s32 $0xFFFF9C00  }
0x99: {  	[tilespmem:s12], [sflag:$0x2] =	stream.indirect.gather [hbm4b:s3+s10], $0x80, s18, s10, $0xb8;
	[tilespmem:$0x12B80] =	vst v63  }
0x9a: {  	_ =	swait.ge [sflag:s8], $0x6400  }
0x9b: {  	[sflag:s8] =	ssyncset.done $0x0  }
0x9c: {  	s19 =	rddreg [dreg:$0x10];
	[sflag:s8] =	ssyncadd.s32 $0xFFFF9C00  }
0x9d: {  	[hbm4b:s19+s4] =	stream.linear.scatter [tilespmem:s11], [sflag:$0x3], $0x6400, $0x38;
	[tilespmem:$0x12B80] =	vst v63  }
0x9e: {  	_ =	swait.ge [sflag:s13], $0x6400  }
0x9f: {  	[sflag:s13] =	ssyncset.done $0x0  }
0xa0: {  	s17 =	simm.s32 $0x2F50;
	[sflag:s13] =	ssyncadd.s32 $0xFFFF9C00  }
0xa1: {  	[tilespmem:s11], [sflag:$0x1] =	stream.indirect.gather [hbm4b:s3+s10], $0x80, s17, s10, $0xb8;
	[tilespmem:$0x12B80] =	vst v63  }
0xa2: {  	_ =	swait.ge [sflag:s9], $0x6400  }
0xa3: {  	[sflag:s9] =	ssyncset.done $0x0  }
0xa4: {  	s18 =	rddreg [dreg:$0x11];
	[sflag:s9] =	ssyncadd.s32 $0xFFFF9C00  }
0xa5: {  	[hbm4b:s18+s4] =	stream.linear.scatter [tilespmem:s12], [sflag:$0x4], $0x6400, $0x38;
	[tilespmem:$0x12B80] =	vst v63  }
0xa6: {  	_ =	swait.ge [sflag:s14], $0x6400  }
0xa7: {  	[sflag:s14] =	ssyncset.done $0x0  }
0xa8: {  	s19 =	simm.s32 $0x3018;
	[sflag:s14] =	ssyncadd.s32 $0xFFFF9C00  }
0xa9: {  	[tilespmem:s12], [sflag:$0x2] =	stream.indirect.gather [hbm4b:s3+s10], $0x80, s19, s10, $0xb8;
	[tilespmem:$0x12B80] =	vst v63  }
0xaa: {  	_ =	swait.ge [sflag:s8], $0x6400  }
0xab: {  	[sflag:s8] =	ssyncset.done $0x0  }
0xac: {  	s17 =	rddreg [dreg:$0x12];
	[sflag:s8] =	ssyncadd.s32 $0xFFFF9C00  }
0xad: {  	[hbm4b:s17+s4] =	stream.linear.scatter [tilespmem:s11], [sflag:$0x3], $0x6400, $0x38;
	[tilespmem:$0x12B80] =	vst v63  }
0xae: {  	_ =	swait.ge [sflag:s13], $0x6400  }
0xaf: {  	[sflag:s13] =	ssyncset.done $0x0  }
0xb0: {  	s18 =	simm.s32 $0x30E0;
	[sflag:s13] =	ssyncadd.s32 $0xFFFF9C00  }
0xb1: {  	[tilespmem:s11], [sflag:$0x1] =	stream.indirect.gather [hbm4b:s3+s10], $0x80, s18, s10, $0xb8;
	[tilespmem:$0x12B80] =	vst v63  }
0xb2: {  	_ =	swait.ge [sflag:s9], $0x6400  }
0xb3: {  	[sflag:s9] =	ssyncset.done $0x0  }
0xb4: {  	s19 =	rddreg [dreg:$0x13];
	[sflag:s9] =	ssyncadd.s32 $0xFFFF9C00  }
0xb5: {  	[hbm4b:s19+s4] =	stream.linear.scatter [tilespmem:s12], [sflag:$0x4], $0x6400, $0x38;
	[tilespmem:$0x12B80] =	vst v63  }
0xb6: {  	_ =	swait.ge [sflag:s14], $0x6400  }
0xb7: {  	[sflag:s14] =	ssyncset.done $0x0  }
0xb8: {  	s17 =	simm.s32 $0x31A8;
	[sflag:s14] =	ssyncadd.s32 $0xFFFF9C00  }
0xb9: {  	[tilespmem:s12], [sflag:$0x2] =	stream.indirect.gather [hbm4b:s3+s10], $0x80, s17, s10, $0xb8;
	[tilespmem:$0x12B80] =	vst v63  }
0xba: {  	_ =	swait.ge [sflag:s8], $0x6400  }
0xbb: {  	[sflag:s8] =	ssyncset.done $0x0  }
0xbc: {  	[sflag:s8] =	ssyncadd.s32 $0xFFFF9C00  }
0xbd: {  	[hbm4b:s20+s4] =	stream.linear.scatter [tilespmem:s11], [sflag:$0x3], $0x6400, $0x38;
	[tilespmem:$0x12B80] =	vst v63  }
0xbe: {  	_ =	swait.ge [sflag:s13], $0x6400  }
0xbf: {  	[sflag:s13] =	ssyncset.done $0x0  }
0xc0: {  	s18 =	simm.s32 $0x3270;
	[sflag:s13] =	ssyncadd.s32 $0xFFFF9C00  }
0xc1: {  	[tilespmem:s11], [sflag:$0x1] =	stream.indirect.gather [hbm4b:s3+s10], $0x80, s18, s10, $0xb8;
	[tilespmem:$0x12B80] =	vst v63  }
0xc2: {  	_ =	swait.ge [sflag:s9], $0x6400  }
0xc3: {  	[sflag:s9] =	ssyncset.done $0x0  }
0xc4: {  	[sflag:s9] =	ssyncadd.s32 $0xFFFF9C00  }
0xc5: {  	[hbm4b:s21+s4] =	stream.linear.scatter [tilespmem:s12], [sflag:$0x4], $0x6400, $0x38;
	[tilespmem:$0x12B80] =	vst v63  }
0xc6: {  	_ =	swait.ge [sflag:s14], $0x6400  }
0xc7: {  	[sflag:s14] =	ssyncset.done $0x0  }
0xc8: {  	s19 =	simm.s32 $0x3338;
	[sflag:s14] =	ssyncadd.s32 $0xFFFF9C00  }
0xc9: {  	[tilespmem:s12], [sflag:$0x2] =	stream.indirect.gather [hbm4b:s3+s10], $0x80, s19, s10, $0xb8;
	[tilespmem:$0x12B80] =	vst v63  }
0xca: {  	_ =	swait.ge [sflag:s8], $0x6400  }
0xcb: {  	[sflag:s8] =	ssyncset.done $0x0  }
0xcc: {  	[sflag:s8] =	ssyncadd.s32 $0xFFFF9C00  }
0xcd: {  	[hbm4b:s22+s4] =	stream.linear.scatter [tilespmem:s11], [sflag:$0x3], $0x6400, $0x38;
	[tilespmem:$0x12B80] =	vst v63  }
0xce: {  	_ =	swait.ge [sflag:s13], $0x6400  }
0xcf: {  	[sflag:s13] =	ssyncset.done $0x0  }
0xd0: {  	s17 =	simm.s32 $0x3400;
	[sflag:s13] =	ssyncadd.s32 $0xFFFF9C00  }
0xd1: {  	[tilespmem:s11], [sflag:$0x1] =	stream.indirect.gather [hbm4b:s3+s10], $0x80, s17, s10, $0xb8;
	[tilespmem:$0x12B80] =	vst v63  }
0xd2: {  	_ =	swait.ge [sflag:s9], $0x6400  }
0xd3: {  	[sflag:s9] =	ssyncset.done $0x0  }
0xd4: {  	[sflag:s9] =	ssyncadd.s32 $0xFFFF9C00  }
0xd5: {  	[hbm4b:s23+s4] =	stream.linear.scatter [tilespmem:s12], [sflag:$0x4], $0x6400, $0x38;
	[tilespmem:$0x12B80] =	vst v63  }
0xd6: {  	_ =	swait.ge [sflag:s14], $0x6400  }
0xd7: {  	[sflag:s14] =	ssyncset.done $0x0  }
0xd8: {  	s18 =	simm.s32 $0x34C8;
	[sflag:s14] =	ssyncadd.s32 $0xFFFF9C00  }
0xd9: {  	[tilespmem:s12], [sflag:$0x2] =	stream.indirect.gather [hbm4b:s3+s10], $0x80, s18, s10, $0xb8;
	[tilespmem:$0x12B80] =	vst v63  }
0xda: {  	_ =	swait.ge [sflag:s8], $0x6400  }
0xdb: {  	[sflag:s8] =	ssyncset.done $0x0  }
0xdc: {  	[sflag:s8] =	ssyncadd.s32 $0xFFFF9C00  }
0xdd: {  	[hbm4b:s24+s4] =	stream.linear.scatter [tilespmem:s11], [sflag:$0x3], $0x6400, $0x38;
	[tilespmem:$0x12B80] =	vst v63  }
0xde: {  	_ =	swait.ge [sflag:s13], $0x6400  }
0xdf: {  	[sflag:s13] =	ssyncset.done $0x0  }
0xe0: {  	s19 =	simm.s32 $0x3590;
	[sflag:s13] =	ssyncadd.s32 $0xFFFF9C00  }
0xe1: {  	[tilespmem:s11], [sflag:$0x1] =	stream.indirect.gather [hbm4b:s3+s10], $0x80, s19, s10, $0xb8;
	[tilespmem:$0x12B80] =	vst v63  }
0xe2: {  	_ =	swait.ge [sflag:s9], $0x6400  }
0xe3: {  	[sflag:s9] =	ssyncset.done $0x0  }
0xe4: {  	[sflag:s9] =	ssyncadd.s32 $0xFFFF9C00  }
0xe5: {  	[hbm4b:s25+s4] =	stream.linear.scatter [tilespmem:s12], [sflag:$0x4], $0x6400, $0x38;
	[tilespmem:$0x12B80] =	vst v63  }
0xe6: {  	_ =	swait.ge [sflag:s14], $0x6400  }
0xe7: {  	[sflag:s14] =	ssyncset.done $0x0  }
0xe8: {  	s17 =	simm.s32 $0x3658;
	[sflag:s14] =	ssyncadd.s32 $0xFFFF9C00  }
0xe9: {  	[tilespmem:s12], [sflag:$0x2] =	stream.indirect.gather [hbm4b:s3+s10], $0x80, s17, s10, $0xb8;
	[tilespmem:$0x12B80] =	vst v63  }
0xea: {  	_ =	swait.ge [sflag:s8], $0x6400  }
0xeb: {  	[sflag:s8] =	ssyncset.done $0x0  }
0xec: {  	[sflag:s8] =	ssyncadd.s32 $0xFFFF9C00  }
0xed: {  	[hbm4b:s26+s4] =	stream.linear.scatter [tilespmem:s11], [sflag:$0x3], $0x6400, $0x38;
	[tilespmem:$0x12B80] =	vst v63  }
0xee: {  	_ =	swait.ge [sflag:s13], $0x6400  }
0xef: {  	[sflag:s13] =	ssyncset.done $0x0  }
0xf0: {  	s18 =	simm.s32 $0x3720;
	[sflag:s13] =	ssyncadd.s32 $0xFFFF9C00  }
0xf1: {  	[tilespmem:s11], [sflag:$0x1] =	stream.indirect.gather [hbm4b:s3+s10], $0x80, s18, s10, $0xb8;
	[tilespmem:$0x12B80] =	vst v63  }
0xf2: {  	_ =	swait.ge [sflag:s9], $0x6400  }
0xf3: {  	[sflag:s9] =	ssyncset.done $0x0  }
0xf4: {  	[sflag:s9] =	ssyncadd.s32 $0xFFFF9C00  }
0xf5: {  	[hbm4b:s28+s4] =	stream.linear.scatter [tilespmem:s12], [sflag:$0x4], $0x6400, $0x38;
	[tilespmem:$0x12B80] =	vst v63  }
0xf6: {  	_ =	swait.ge [sflag:s14], $0x6400  }
0xf7: {  	[sflag:s14] =	ssyncset.done $0x0  }
0xf8: {  	s19 =	simm.s32 $0x37E8;
	[sflag:s14] =	ssyncadd.s32 $0xFFFF9C00  }
0xf9: {  	[tilespmem:s12], [sflag:$0x2] =	stream.indirect.gather [hbm4b:s3+s10], $0x80, s19, s10, $0xb8;
	[tilespmem:$0x12B80] =	vst v63  }
0xfa: {  	_ =	swait.ge [sflag:s8], $0x6400  }
0xfb: {  	[sflag:s8] =	ssyncset.done $0x0  }
0xfc: {  	[sflag:s8] =	ssyncadd.s32 $0xFFFF9C00  }
0xfd: {  	[hbm4b:s29+s4] =	stream.linear.scatter [tilespmem:s11], [sflag:$0x3], $0x6400, $0x38;
	[tilespmem:$0x12B80] =	vst v63  }
0xfe: {  	_ =	swait.ge [sflag:s13], $0x6400  }
0xff: {  	[sflag:s13] =	ssyncset.done $0x0  }
0x100: {  	s17 =	simm.s32 $0x38B0;
	[sflag:s13] =	ssyncadd.s32 $0xFFFF9C00  }
0x101: {  	[tilespmem:s11], [sflag:$0x1] =	stream.indirect.gather [hbm4b:s3+s10], $0x80, s17, s10, $0xb8;
	[tilespmem:$0x12B80] =	vst v63  }
0x102: {  	_ =	swait.ge [sflag:s9], $0x6400  }
0x103: {  	[sflag:s9] =	ssyncset.done $0x0  }
0x104: {  	[sflag:s9] =	ssyncadd.s32 $0xFFFF9C00  }
0x105: {  	[hbm4b:s30+s4] =	stream.linear.scatter [tilespmem:s12], [sflag:$0x4], $0x6400, $0x38;
	[tilespmem:$0x12B80] =	vst v63  }
0x106: {  	_ =	swait.ge [sflag:s14], $0x6400  }
0x107: {  	[sflag:s14] =	ssyncset.done $0x0  }
0x108: {  	s18 =	simm.s32 $0x3978;
	[sflag:s14] =	ssyncadd.s32 $0xFFFF9C00  }
0x109: {  	[tilespmem:s12], [sflag:$0x2] =	stream.indirect.gather [hbm4b:s3+s10], $0x80, s18, s10, $0xb8;
	[tilespmem:$0x12B80] =	vst v63  }
0x10a: {  	_ =	swait.ge [sflag:s8], $0x6400  }
0x10b: {  	[sflag:s8] =	ssyncset.done $0x0  }
0x10c: {  	[sflag:s8] =	ssyncadd.s32 $0xFFFF9C00  }
0x10d: {  	[hbm4b:s31+s4] =	stream.linear.scatter [tilespmem:s11], [sflag:$0x3], $0x6400, $0x38;
	[tilespmem:$0x12B80] =	vst v63  }
0x10e: {  	_ =	swait.ge [sflag:s13], $0x6400  }
0x10f: {  	[sflag:s13] =	ssyncset.done $0x0  }
0x110: {  	s19 =	simm.s32 $0x3A40;
	[sflag:s13] =	ssyncadd.s32 $0xFFFF9C00  }
0x111: {  	[tilespmem:s11], [sflag:$0x1] =	stream.indirect.gather [hbm4b:s3+s10], $0x80, s19, s10, $0xb8;
	[tilespmem:$0x12B80] =	vst v63  }
0x112: {  	_ =	swait.ge [sflag:s9], $0x6400  }
0x113: {  	[sflag:s9] =	ssyncset.done $0x0  }
0x114: {  	[sflag:s9] =	ssyncadd.s32 $0xFFFF9C00  }
0x115: {  	[hbm4b:s0+s4] =	stream.linear.scatter [tilespmem:s12], [sflag:$0x4], $0x6400, $0x38;
	[tilespmem:$0x12B80] =	vst v63  }
0x116: {  	_ =	swait.ge [sflag:s8], $0x6400  }
0x117: {  	[sflag:s8] =	ssyncset.done $0x0  }
0x118: {  	s15 =	sadd.s32 $0x1, s15;
	[sflag:s8] =	ssyncadd.s32 $0xFFFF9C00  }
0x119: {  	[hbm4b:s2+s4] =	stream.linear.scatter [tilespmem:s11], [sflag:$0x3], $0x6400, $0x38;
	[tilespmem:$0x12B80] =	vst v63  }
0x11a: {  	p0 =	sne.s32 s15, s1;
	_ =	swait.ge [sflag:s14], $0x6400  }
.Ltmp1:
0x11b: {  	[sflag:s14] =	ssyncset.done $0x0;
	(pc) =	sbr.rel @p0 .LBB2_1-.Ltmp1, $4  }
0x11c: {  	[sflag:s14] =	ssyncadd.s32 $0xFFFF9C00  }
0x11d: {  	_ =	swait.ge [sflag:s13], $0x6400  }
0x11e: {  	[sflag:s13] =	ssyncset.done $0x0  }
0x11f: {  	[sflag:s13] =	ssyncadd.s32 $0xFFFF9C00  }
0x120: {  	_ =	sfence.sel $0x180000  }
0x121: {  	[bflag:$0x0] =	sbarrier.arrive $0xFFFF  }
0x122: {  	_ =	strace $0x9000004A  }
0x123: {  	s0 =	stileid.u32;
	[bflag:$0x2] =	sbarrier.arrive $0xFFFF  }
0x124: {  	p0 =	sne.s32 s0, $0x0;
	s0 =	rddreg [dreg:$0x4]  }
0x125: {  	s0 =	sadd.s32 @!p0 $0x100000, s0  }
0x126: {  	[sflag:s0] =	ssyncadd.tile.s32 @!p0 $0x1;
	_ =	shalt  }
.Lfunc_end2:
_tile_overlayer_lowered:
.L_overlay_start_2:
0x127: {  	(tag) =	ssettag $0x2  }
0x128: {  	s0 =	rddreg [dreg:$0x0];
	s2 =	stileid.u32  }
0x129: {  	s1 =	rddreg [dreg:$0x1];
	p0 =	sne.s32 s2, $0x0  }
0x12a: {  	s3 =	rddreg [dreg:$0x2];
	[bflag:$0x3] =	sbarrier.arrive $0xFFFF;
	s2 =	simm.s32 @!p0 $0x1C05  }
0x12b: {  	[timem:s3], [sflag:s2] =	dma.local @!p0 [hbm:s0], s1  }
0x12c: {  	s0 =	simm.s32 @!p0 $0x5  }
0x12d: {  	_ =	swait.ge @!p0 [sflag:s0], s1  }
0x12e: {  	s1 =	ssub.s32 @!p0 $0x0, s1;
	[sflag:s0] =	ssyncset.done @!p0 $0x0  }
0x12f: {  	[sflag:s0] =	ssyncadd.s32 @!p0 s1  }
0x130: {  	[bflag:$0x3] =	sbarrier.arrive $0xFFFF  }
0x131: {  	_ =	shalt  }

</sc_bundles>
